<compile_context>
chip_gen: v7x
topology: tpu7x:2x2x1
jax: 0.10.2.dev20260603
libtpu: 0.0.44.dev20260713+nightly
codegen_flags: <defaults>
</compile_context>

<pallas_src>
import functools

import jax
import jax.numpy as jnp
from jax import lax
from jax.experimental import pallas as pl
from jax.experimental.pallas import tpu as pltpu
from jax.experimental.pallas import tpu_sc as plsc

N_NODES = 10000
N_EDGES = 320000
HD = 128
BD = 16

NC = 2
NS = 16
NW = NC * NS

E_CHUNK = 40
N_CHUNKS = N_EDGES // E_CHUNK
CHUNKS_PER_W = N_CHUNKS // NW
PAIRS = CHUNKS_PER_W // 2

ZROWS = 80
N_ZCHUNKS = N_NODES // ZROWS
ZCHUNKS_PER_SUB = -(-N_ZCHUNKS // NS)

D_ROWS = 640



import numpy as np

_PERM = np.empty((HD,), dtype=np.int32)
for _k in range(HD // 32):
    for _l in range(16):
        _PERM[32 * _k + 2 * _l] = 32 * _k + _l
        _PERM[32 * _k + 2 * _l + 1] = 32 * _k + 16 + _l


def _abc_body(bond_ref, wc_ref, b1_ref, h_ref, wab_ref, c_ref, a_ref, b_ref):
    c_ref[...] = (
        jnp.dot(bond_ref[...], wc_ref[...], preferred_element_type=jnp.float32)
        + b1_ref[...]
    )

    @pl.when(pl.program_id(0) < 5)
    def _():
        hb = h_ref[...]
        a_ref[...] = jnp.dot(
            hb, wab_ref[0:HD, :], preferred_element_type=jnp.float32)
        b_ref[...] = jnp.dot(
            hb, wab_ref[HD:2 * HD, :], preferred_element_type=jnp.float32)


def _fin_body(s_ref, deg_ref, w_ref, b2_ref, o_ref):
    s = s_ref[0] + s_ref[1]
    deg = jnp.sum(deg_ref[...], axis=1)
    o_ref[...] = (
        jnp.dot(s, w_ref[...], preferred_element_type=jnp.float32)
        + deg[:, None] * b2_ref[...]
    )



def _sc_body(a_hbm, b_hbm, c_hbm, ei_hbm, s_out, d_out,
             s_sh, idxP, idx_s0, idx_s1,
             a0, b0, c0, a1, b1, c1, urows, dloc,
             sem_a0, sem_b0, sem_c0, sem_a1, sem_b1, sem_c1,
             sem_s0, sem_s1):
    cid = lax.axis_index("c")
    sid = lax.axis_index("s")
    wid = sid * NC + cid

    zero16 = jnp.zeros((16,), jnp.float32)
    lanes = lax.broadcasted_iota(jnp.int32, (16,), 0)

    def zrow(i, carry):
        for g in range(HD // 16):
            urows[i, pl.ds(g * 16, 16)] = zero16
        return carry

    lax.fori_loop(0, E_CHUNK, zrow, 0)

    def drow(i, carry):
        dloc[i, pl.ds(0, 16)] = zero16
        return carry

    lax.fori_loop(0, D_ROWS, drow, 0)

    for j in range(ZCHUNKS_PER_SUB):
        zc = sid + j * NS

        @pl.when(zc < N_ZCHUNKS)
        def _():
            for h in range(ZROWS // E_CHUNK):
                pltpu.sync_copy(
                    urows,
                    s_sh.at[pl.ds(zc * ZROWS + h * E_CHUNK, E_CHUNK)])

    plsc.subcore_barrier()

    wbase = wid * CHUNKS_PER_W * E_CHUNK

    def load_pair_idx(jp):
        pltpu.sync_copy(
            ei_hbm.at[:, pl.ds(wbase + 2 * jp * E_CHUNK, 2 * E_CHUNK)], idxP)

    def start_gathers(m, half, abuf, bbuf, cbuf, s_a, s_b, s_c):
        base = wbase + m * E_CHUNK
        isl = idxP.at[0, pl.ds(half * E_CHUNK, E_CHUNK)]
        csl = idxP.at[1, pl.ds(half * E_CHUNK, E_CHUNK)]
        pltpu.async_copy(a_hbm.at[isl], abuf, s_a)
        pltpu.async_copy(b_hbm.at[csl], bbuf, s_b)
        pltpu.async_copy(c_hbm.at[pl.ds(base, E_CHUNK)], cbuf, s_c)

    def wait_gathers(half, abuf, bbuf, cbuf, s_a, s_b, s_c):
        isl = idxP.at[0, pl.ds(half * E_CHUNK, E_CHUNK)]
        csl = idxP.at[1, pl.ds(half * E_CHUNK, E_CHUNK)]
        pltpu.make_async_copy(a_hbm.at[isl], abuf, s_a).wait()
        pltpu.make_async_copy(b_hbm.at[csl], bbuf, s_b).wait()
        pltpu.make_async_copy(c_hbm.at[pl.ds(0, E_CHUNK)], cbuf, s_c).wait()

    def deg_hist(half):
        for off, lo in ((0, 0), (16, 0), (24, 8)):
            iv = idxP[0, pl.ds(half * E_CHUNK + off, 16)]
            for l in range(lo, 16):
                s = iv[l]
                iq = lax.shift_right_logical(s, 4)
                m = s & 15
                hot = jnp.where(lanes == m, jnp.float32(1.0), jnp.float32(0.0))
                dloc[iq, pl.ds(0, 16)] = dloc[iq, pl.ds(0, 16)] + hot

    def silu_rows(abuf, bbuf, cbuf):
        def erow(i, c2):
            for g in range(HD // 16):
                sl = pl.ds(g * 16, 16)
                t = abuf[i, sl] + bbuf[i, sl] + cbuf[i, sl]
                urows[i, sl] = t / (jnp.float32(1.0) + jnp.exp(-t))
            return c2

        lax.fori_loop(0, E_CHUNK, erow, 0)

    def copy_scatter_idx(half, i_s):
        for off in (0, 16, 24):
            i_s[pl.ds(off, 16)] = idxP[0, pl.ds(half * E_CHUNK + off, 16)]

    def start_scatter(i_s, s_s):
        pltpu.async_copy(urows, s_sh.at[i_s], s_s, add=True)

    def wait_scatter(i_s, s_s):
        pltpu.make_async_copy(urows, s_sh.at[i_s], s_s).wait()

    load_pair_idx(0)
    start_gathers(0, 0, a0, b0, c0, sem_a0, sem_b0, sem_c0)

    def pair_body(j, carry):
        m0 = 2 * j

        @pl.when(j > 0)
        def _():
            wait_scatter(idx_s1, sem_s1)

        start_gathers(m0 + 1, 1, a1, b1, c1, sem_a1, sem_b1, sem_c1)
        deg_hist(0)
        deg_hist(1)
        copy_scatter_idx(0, idx_s0)
        copy_scatter_idx(1, idx_s1)
        wait_gathers(0, a0, b0, c0, sem_a0, sem_b0, sem_c0)
        silu_rows(a0, b0, c0)
        start_scatter(idx_s0, sem_s0)
        wait_gathers(1, a1, b1, c1, sem_a1, sem_b1, sem_c1)

        @pl.when(j < PAIRS - 1)
        def _():
            load_pair_idx(j + 1)
            start_gathers(m0 + 2, 0, a0, b0, c0,
                          sem_a0, sem_b0, sem_c0)

        wait_scatter(idx_s0, sem_s0)
        silu_rows(a1, b1, c1)
        start_scatter(idx_s1, sem_s1)

        return carry

    lax.fori_loop(0, PAIRS, pair_body, 0)
    wait_scatter(idx_s1, sem_s1)

    pltpu.sync_copy(dloc, d_out.at[wid])

    plsc.subcore_barrier()

    for j in range(-(-(N_NODES // E_CHUNK) // NS)):
        zc = sid + j * NS

        @pl.when(zc < N_NODES // E_CHUNK)
        def _():
            pltpu.sync_copy(s_sh.at[pl.ds(zc * E_CHUNK, E_CHUNK)], urows)
            pltpu.sync_copy(
                urows, s_out.at[cid].at[pl.ds(zc * E_CHUNK, E_CHUNK)])


@functools.lru_cache(maxsize=None)
def _make_sc_edges():
  return pl.kernel(
    _sc_body,
    out_type=(
        jax.ShapeDtypeStruct((NC, N_NODES, HD), jnp.float32),
        jax.ShapeDtypeStruct((NW, D_ROWS, 16), jnp.float32),
    ),
    mesh=plsc.VectorSubcoreMesh(
        core_axis_name="c", subcore_axis_name="s",
        num_cores=NC, num_subcores=NS),
    compiler_params=pltpu.CompilerParams(
        use_tc_tiling_on_sc=False, needs_layout_passes=False),
    scratch_types=(
        [pltpu.VMEM_SHARED((N_NODES, HD), jnp.float32)]
        + [pltpu.VMEM((2, 2 * E_CHUNK), jnp.int32)]
        + [pltpu.VMEM((E_CHUNK,), jnp.int32)] * 2
        + [pltpu.VMEM((E_CHUNK, HD), jnp.float32)] * 7
        + [pltpu.VMEM((D_ROWS, 16), jnp.float32)]
        + [pltpu.SemaphoreType.DMA] * 8
    ),
  )


def _clip4(i):
    return (jnp.minimum(i, 4), 0)


_abc_call = pl.pallas_call(
    _abc_body,
    grid=(100,),
    in_specs=[
        pl.BlockSpec((3200, BD), lambda i: (i, 0)),
        pl.BlockSpec((BD, HD), lambda i: (0, 0)),
        pl.BlockSpec((1, HD), lambda i: (0, 0)),
        pl.BlockSpec((2000, HD), _clip4),
        pl.BlockSpec((2 * HD, HD), lambda i: (0, 0)),
    ],
    out_specs=[
        pl.BlockSpec((3200, HD), lambda i: (i, 0)),
        pl.BlockSpec((2000, HD), _clip4),
        pl.BlockSpec((2000, HD), _clip4),
    ],
    out_shape=[
        jax.ShapeDtypeStruct((N_EDGES, HD), jnp.float32),
        jax.ShapeDtypeStruct((N_NODES, HD), jnp.float32),
        jax.ShapeDtypeStruct((N_NODES, HD), jnp.float32),
    ],
)

_fin_call = pl.pallas_call(
    _fin_body,
    grid=(5,),
    in_specs=[
        pl.BlockSpec((NC, 2000, HD), lambda i: (0, i, 0)),
        pl.BlockSpec((2000, NW), lambda i: (i, 0)),
        pl.BlockSpec((HD, HD), lambda i: (0, 0)),
        pl.BlockSpec((1, HD), lambda i: (0, 0)),
    ],
    out_specs=pl.BlockSpec((2000, HD), lambda i: (i, 0)),
    out_shape=jax.ShapeDtypeStruct((N_NODES, HD), jnp.float32),
)


@jax.jit
def kernel(h, edge_index, bond_features, W1, b1, W2, b2):
    ei32 = edge_index.astype(jnp.int32)

    C, A, B = _abc_call(
        bond_features, W1[2 * HD:], b1.reshape(1, HD), h, W1[: 2 * HD])

    S, D = _make_sc_edges()(A, B, C, ei32)

    deg = D.reshape(NW, D_ROWS * 16)[:, :N_NODES].T

    return _fin_call(S, deg, W2, b2.reshape(1, HD))

# --- scband reference (transcript-rebuilt; emitter-appended) ---
"""Pipeline reference for scband-chemical-conv-with-bonds-9131100472088 (READ-ONLY COPY).

The authoritative reference and input builder live on the scoring server;
editing this copy changes nothing except your own understanding.
"""

import jax, jax.numpy as jnp
import numpy as np

HIDDEN_DIM = 128
BOND_DIM = 16
N_NODES = 10000
N_EDGES = 320000


def setup_inputs(seed: int = 0) -> dict:
    key = jax.random.key(seed)
    k1, k2, k3, k4, k5, k6, k7 = jax.random.split(key, 7)
    h = jax.random.normal(k1, (N_NODES, HIDDEN_DIM), dtype=jnp.float32)
    edge_index = jax.random.randint(k2, (2, N_EDGES), 0, N_NODES, dtype=jnp.int64)
    bond_features = jax.random.normal(k3, (N_EDGES, BOND_DIM), dtype=jnp.float32)
    in_dim = HIDDEN_DIM * 2 + BOND_DIM
    lim1 = 1.0 / np.sqrt(in_dim)
    W1 = jax.random.uniform(k4, (in_dim, HIDDEN_DIM), minval=-lim1, maxval=lim1, dtype=jnp.float32)
    b1 = jax.random.uniform(k5, (HIDDEN_DIM,), minval=-lim1, maxval=lim1, dtype=jnp.float32)
    lim2 = 1.0 / np.sqrt(HIDDEN_DIM)
    W2 = jax.random.uniform(k6, (HIDDEN_DIM, HIDDEN_DIM), minval=-lim2, maxval=lim2, dtype=jnp.float32)
    b2 = jax.random.uniform(k7, (HIDDEN_DIM,), minval=-lim2, maxval=lim2, dtype=jnp.float32)
    return {"h": h, "edge_index": edge_index, "bond_features": bond_features,
            "W1": W1, "b1": b1, "W2": W2, "b2": b2}


def reference(h, edge_index, bond_features, W1, b1, W2, b2):
    row = edge_index[0]
    col = edge_index[1]
    messages = jnp.concatenate([h[row], h[col], bond_features], axis=-1)
    m = jnp.dot(messages, W1) + b1
    m = jax.nn.silu(m)
    m = jnp.dot(m, W2) + b2
    h_out = jnp.zeros_like(h).at[row].add(m)
    return h_out

if __name__ == "__main__":
    import jax
    _d = setup_inputs()
    print(jax.jit(kernel)(*tuple(_d.values())))

</pallas_src>

<mosaic_0001>
#map = affine_map<(d0, d1) -> (0, 0)>
#map1 = affine_map<(d0, d1) -> (0, 0, 0)>
module attributes {stable_mosaic.version = 14 : i64} {
  func.func @_sc_body(%arg0: i32, %arg1: i32, %arg2: memref<10000x128xf32, #tpu.memory_space<hbm>>, %arg3: memref<10000x128xf32, #tpu.memory_space<hbm>>, %arg4: memref<320000x128xf32, #tpu.memory_space<hbm>>, %arg5: memref<2x320000xi32, #tpu.memory_space<hbm>>, %arg6: memref<2x10000x128xf32, #tpu.memory_space<hbm>>, %arg7: memref<32x640x16xf32, #tpu.memory_space<hbm>>, %arg8: memref<10000x128xf32, #tpu.memory_space<vmem_shared>>, %arg9: memref<2x80xi32, #tpu.memory_space<vmem>>, %arg10: memref<40xi32, #tpu.memory_space<vmem>>, %arg11: memref<40xi32, #tpu.memory_space<vmem>>, %arg12: memref<40x128xf32, #tpu.memory_space<vmem>>, %arg13: memref<40x128xf32, #tpu.memory_space<vmem>>, %arg14: memref<40x128xf32, #tpu.memory_space<vmem>>, %arg15: memref<40x128xf32, #tpu.memory_space<vmem>>, %arg16: memref<40x128xf32, #tpu.memory_space<vmem>>, %arg17: memref<40x128xf32, #tpu.memory_space<vmem>>, %arg18: memref<40x128xf32, #tpu.memory_space<vmem>>, %arg19: memref<640x16xf32, #tpu.memory_space<vmem>>, %arg20: memref<!tpu.dma_semaphore, #tpu.memory_space<semaphore_mem>>, %arg21: memref<!tpu.dma_semaphore, #tpu.memory_space<semaphore_mem>>, %arg22: memref<!tpu.dma_semaphore, #tpu.memory_space<semaphore_mem>>, %arg23: memref<!tpu.dma_semaphore, #tpu.memory_space<semaphore_mem>>, %arg24: memref<!tpu.dma_semaphore, #tpu.memory_space<semaphore_mem>>, %arg25: memref<!tpu.dma_semaphore, #tpu.memory_space<semaphore_mem>>, %arg26: memref<!tpu.dma_semaphore, #tpu.memory_space<semaphore_mem>>, %arg27: memref<!tpu.dma_semaphore, #tpu.memory_space<semaphore_mem>>) attributes {dimension_semantics = [#tpu.dimension_semantics<core_parallel>, #tpu.dimension_semantics<subcore_parallel>], iteration_bounds = array<i64: 2, 16>, scalar_prefetch = 0 : i64, scratch_operands = 20 : i64, tpu.core_type = #tpu.core_type<sc_vector_subcore>, window_params = [{transform_indices = #map}, {transform_indices = #map}, {transform_indices = #map}, {transform_indices = #map}, {transform_indices = #map1}, {transform_indices = #map1}]} {
    %mul3A = arith.constant 2 : i32
    %mul3A_0 = arith.muli %arg1, %mul3A : i32
    %add3A = arith.addi %mul3A_0, %arg0 : i32
    %broadcast_in_dim3A = arith.constant 0.000000e+00 : f32
    %broadcast_in_dim3A_1 = vector.broadcast %broadcast_in_dim3A : f32 to vector<16xf32>
    %iota3A = tpu.iota {dimensions = array<i32: 0>} : vector<16xi32>
    %scan3A = arith.constant 0 : i32
    %scan3A_2 = arith.constant 0 : i32
    %scan3A_3 = arith.constant 40 : i32
    %scan3A_4 = arith.addi %scan3A_2, %scan3A_3 : i32
    %scan3A_5 = arith.constant 1 : i32
    scf.for %scan3A_212 = %scan3A_2 to %scan3A_4 step %scan3A_5  : i32 {
      %swap3A = arith.index_cast %scan3A_212 : i32 to index
      %swap3A_213 = arith.constant 0 : index
      %swap3A_214 = tpu.vector_load %arg18[%swap3A, %swap3A_213] {strides = array<i32>} : memref<40x128xf32, #tpu.memory_space<vmem>>, vector<16xf32>,
      tpu.vector_store %arg18[%swap3A, %swap3A_213], %broadcast_in_dim3A_1 {strides = array<i32>} : memref<40x128xf32, #tpu.memory_space<vmem>>, vector<16xf32>,
      %swap3A_215 = arith.index_cast %scan3A_212 : i32 to index
      %swap3A_216 = arith.constant 16 : index
      %swap3A_217 = tpu.vector_load %arg18[%swap3A_215, %swap3A_216] {strides = array<i32>} : memref<40x128xf32, #tpu.memory_space<vmem>>, vector<16xf32>,
      tpu.vector_store %arg18[%swap3A_215, %swap3A_216], %broadcast_in_dim3A_1 {strides = array<i32>} : memref<40x128xf32, #tpu.memory_space<vmem>>, vector<16xf32>,
      %swap3A_218 = arith.index_cast %scan3A_212 : i32 to index
      %swap3A_219 = arith.constant 32 : index
      %swap3A_220 = tpu.vector_load %arg18[%swap3A_218, %swap3A_219] {strides = array<i32>} : memref<40x128xf32, #tpu.memory_space<vmem>>, vector<16xf32>,
      tpu.vector_store %arg18[%swap3A_218, %swap3A_219], %broadcast_in_dim3A_1 {strides = array<i32>} : memref<40x128xf32, #tpu.memory_space<vmem>>, vector<16xf32>,
      %swap3A_221 = arith.index_cast %scan3A_212 : i32 to index
      %swap3A_222 = arith.constant 48 : index
      %swap3A_223 = tpu.vector_load %arg18[%swap3A_221, %swap3A_222] {strides = array<i32>} : memref<40x128xf32, #tpu.memory_space<vmem>>, vector<16xf32>,
      tpu.vector_store %arg18[%swap3A_221, %swap3A_222], %broadcast_in_dim3A_1 {strides = array<i32>} : memref<40x128xf32, #tpu.memory_space<vmem>>, vector<16xf32>,
      %swap3A_224 = arith.index_cast %scan3A_212 : i32 to index
      %swap3A_225 = arith.constant 64 : index
      %swap3A_226 = tpu.vector_load %arg18[%swap3A_224, %swap3A_225] {strides = array<i32>} : memref<40x128xf32, #tpu.memory_space<vmem>>, vector<16xf32>,
      tpu.vector_store %arg18[%swap3A_224, %swap3A_225], %broadcast_in_dim3A_1 {strides = array<i32>} : memref<40x128xf32, #tpu.memory_space<vmem>>, vector<16xf32>,
      %swap3A_227 = arith.index_cast %scan3A_212 : i32 to index
      %swap3A_228 = arith.constant 80 : index
      %swap3A_229 = tpu.vector_load %arg18[%swap3A_227, %swap3A_228] {strides = array<i32>} : memref<40x128xf32, #tpu.memory_space<vmem>>, vector<16xf32>,
      tpu.vector_store %arg18[%swap3A_227, %swap3A_228], %broadcast_in_dim3A_1 {strides = array<i32>} : memref<40x128xf32, #tpu.memory_space<vmem>>, vector<16xf32>,
      %swap3A_230 = arith.index_cast %scan3A_212 : i32 to index
      %swap3A_231 = arith.constant 96 : index
      %swap3A_232 = tpu.vector_load %arg18[%swap3A_230, %swap3A_231] {strides = array<i32>} : memref<40x128xf32, #tpu.memory_space<vmem>>, vector<16xf32>,
      tpu.vector_store %arg18[%swap3A_230, %swap3A_231], %broadcast_in_dim3A_1 {strides = array<i32>} : memref<40x128xf32, #tpu.memory_space<vmem>>, vector<16xf32>,
      %swap3A_233 = arith.index_cast %scan3A_212 : i32 to index
      %swap3A_234 = arith.constant 112 : index
      %swap3A_235 = tpu.vector_load %arg18[%swap3A_233, %swap3A_234] {strides = array<i32>} : memref<40x128xf32, #tpu.memory_space<vmem>>, vector<16xf32>,
      tpu.vector_store %arg18[%swap3A_233, %swap3A_234], %broadcast_in_dim3A_1 {strides = array<i32>} : memref<40x128xf32, #tpu.memory_space<vmem>>, vector<16xf32>,
    }
    %scan3A_6 = arith.constant 40 : i32
    %scan3A_7 = arith.constant 0 : i32
    %scan3A_8 = arith.constant 0 : i32
    %scan3A_9 = arith.constant 640 : i32
    %scan3A_10 = arith.addi %scan3A_8, %scan3A_9 : i32
    %scan3A_11 = arith.constant 1 : i32
    scf.for %scan3A_212 = %scan3A_8 to %scan3A_10 step %scan3A_11  : i32 {
      %swap3A = arith.index_cast %scan3A_212 : i32 to index
      %swap3A_213 = arith.constant 0 : index
      %swap3A_214 = tpu.vector_load %arg19[%swap3A, %swap3A_213] {strides = array<i32>} : memref<640x16xf32, #tpu.memory_space<vmem>>, vector<16xf32>,
      tpu.vector_store %arg19[%swap3A, %swap3A_213], %broadcast_in_dim3A_1 {strides = array<i32>} : memref<640x16xf32, #tpu.memory_space<vmem>>, vector<16xf32>,
    }
    %scan3A_12 = arith.constant 640 : i32
    %add3A_13 = arith.constant 0 : i32
    %add3A_14 = arith.addi %arg1, %add3A_13 : i32
    %lt3A = arith.constant 125 : i32
    %lt3A_15 = arith.cmpi slt, %add3A_14, %lt3A : i32
    %convert_element_type3A = arith.extui %lt3A_15 : i1 to i32
    %cond3A = arith.constant 0 : i32
    %cond3A_16 = arith.cmpi ne, %convert_element_type3A, %cond3A : i32
    scf.if %cond3A_16 {
      %mul3A_212 = arith.constant 80 : i32
      %mul3A_213 = arith.muli %add3A_14, %mul3A_212 : i32
      %add3A_214 = arith.constant 0 : i32
      %add3A_215 = arith.addi %mul3A_213, %add3A_214 : i32
      "tpu.region"() ({
        %run_scoped3A = tpu.sem_alloc : memref<!tpu.dma_semaphore, #tpu.memory_space<semaphore_mem>>
        %dma_start3A_220 = arith.constant 0 : i32
        %dma_start3A_221 = tpu.memref_slice %arg8[%add3A_215, %dma_start3A_220] : memref<10000x128xf32, #tpu.memory_space<vmem_shared>> -> memref<40x128xf32, #tpu.memory_space<vmem_shared>>
        %dma_start3A_222 = arith.constant 0 : i32
        %dma_start3A_223 = tpu.memref_slice %arg8[%add3A_215, %dma_start3A_222] : memref<10000x128xf32, #tpu.memory_space<vmem_shared>> -> memref<40x128xf32, #tpu.memory_space<vmem_shared>>
        tpu.enqueue_dma source(%arg18 : memref<40x128xf32, #tpu.memory_space<vmem>>) target(%dma_start3A_223 : memref<40x128xf32, #tpu.memory_space<vmem_shared>>) target_semaphore(%run_scoped3A : memref<!tpu.dma_semaphore, #tpu.memory_space<semaphore_mem>>)
        %dma_wait3A_224 = arith.constant 0 : i32
        %dma_wait3A_225 = tpu.memref_slice %arg8[%add3A_215, %dma_wait3A_224] : memref<10000x128xf32, #tpu.memory_space<vmem_shared>> -> memref<40x128xf32, #tpu.memory_space<vmem_shared>>
        %dma_wait3A_226 = arith.constant 0 : i32
        %dma_wait3A_227 = tpu.memref_slice %arg8[%add3A_215, %dma_wait3A_226] : memref<10000x128xf32, #tpu.memory_space<vmem_shared>> -> memref<40x128xf32, #tpu.memory_space<vmem_shared>>
        tpu.wait_dma2 semaphore(%run_scoped3A : memref<!tpu.dma_semaphore, #tpu.memory_space<semaphore_mem>>) src(%arg18 : memref<40x128xf32, #tpu.memory_space<vmem>>) dst(%dma_wait3A_227 : memref<40x128xf32, #tpu.memory_space<vmem_shared>>)
        tpu.yield
      }) : () -> ()
      %mul3A_216 = arith.constant 80 : i32
      %mul3A_217 = arith.muli %add3A_14, %mul3A_216 : i32
      %add3A_218 = arith.constant 40 : i32
      %add3A_219 = arith.addi %mul3A_217, %add3A_218 : i32
      "tpu.region"() ({
        %run_scoped3A = tpu.sem_alloc : memref<!tpu.dma_semaphore, #tpu.memory_space<semaphore_mem>>
        %dma_start3A_220 = arith.constant 0 : i32
        %dma_start3A_221 = tpu.memref_slice %arg8[%add3A_219, %dma_start3A_220] : memref<10000x128xf32, #tpu.memory_space<vmem_shared>> -> memref<40x128xf32, #tpu.memory_space<vmem_shared>>
        %dma_start3A_222 = arith.constant 0 : i32
        %dma_start3A_223 = tpu.memref_slice %arg8[%add3A_219, %dma_start3A_222] : memref<10000x128xf32, #tpu.memory_space<vmem_shared>> -> memref<40x128xf32, #tpu.memory_space<vmem_shared>>
        tpu.enqueue_dma source(%arg18 : memref<40x128xf32, #tpu.memory_space<vmem>>) target(%dma_start3A_223 : memref<40x128xf32, #tpu.memory_space<vmem_shared>>) target_semaphore(%run_scoped3A : memref<!tpu.dma_semaphore, #tpu.memory_space<semaphore_mem>>)
        %dma_wait3A_224 = arith.constant 0 : i32
        %dma_wait3A_225 = tpu.memref_slice %arg8[%add3A_219, %dma_wait3A_224] : memref<10000x128xf32, #tpu.memory_space<vmem_shared>> -> memref<40x128xf32, #tpu.memory_space<vmem_shared>>
        %dma_wait3A_226 = arith.constant 0 : i32
        %dma_wait3A_227 = tpu.memref_slice %arg8[%add3A_219, %dma_wait3A_226] : memref<10000x128xf32, #tpu.memory_space<vmem_shared>> -> memref<40x128xf32, #tpu.memory_space<vmem_shared>>
        tpu.wait_dma2 semaphore(%run_scoped3A : memref<!tpu.dma_semaphore, #tpu.memory_space<semaphore_mem>>) src(%arg18 : memref<40x128xf32, #tpu.memory_space<vmem>>) dst(%dma_wait3A_227 : memref<40x128xf32, #tpu.memory_space<vmem_shared>>)
        tpu.yield
      }) : () -> ()
    } else {
    }
    %add3A_17 = arith.constant 16 : i32
    %add3A_18 = arith.addi %arg1, %add3A_17 : i32
    %lt3A_19 = arith.constant 125 : i32
    %lt3A_20 = arith.cmpi slt, %add3A_18, %lt3A_19 : i32
    %convert_element_type3A_21 = arith.extui %lt3A_20 : i1 to i32
    %cond3A_22 = arith.constant 0 : i32
    %cond3A_23 = arith.cmpi ne, %convert_element_type3A_21, %cond3A_22 : i32
    scf.if %cond3A_23 {
      %mul3A_212 = arith.constant 80 : i32
      %mul3A_213 = arith.muli %add3A_18, %mul3A_212 : i32
      %add3A_214 = arith.constant 0 : i32
      %add3A_215 = arith.addi %mul3A_213, %add3A_214 : i32
      "tpu.region"() ({
        %run_scoped3A = tpu.sem_alloc : memref<!tpu.dma_semaphore, #tpu.memory_space<semaphore_mem>>
        %dma_start3A_220 = arith.constant 0 : i32
        %dma_start3A_221 = tpu.memref_slice %arg8[%add3A_215, %dma_start3A_220] : memref<10000x128xf32, #tpu.memory_space<vmem_shared>> -> memref<40x128xf32, #tpu.memory_space<vmem_shared>>
        %dma_start3A_222 = arith.constant 0 : i32
        %dma_start3A_223 = tpu.memref_slice %arg8[%add3A_215, %dma_start3A_222] : memref<10000x128xf32, #tpu.memory_space<vmem_shared>> -> memref<40x128xf32, #tpu.memory_space<vmem_shared>>
        tpu.enqueue_dma source(%arg18 : memref<40x128xf32, #tpu.memory_space<vmem>>) target(%dma_start3A_223 : memref<40x128xf32, #tpu.memory_space<vmem_shared>>) target_semaphore(%run_scoped3A : memref<!tpu.dma_semaphore, #tpu.memory_space<semaphore_mem>>)
        %dma_wait3A_224 = arith.constant 0 : i32
        %dma_wait3A_225 = tpu.memref_slice %arg8[%add3A_215, %dma_wait3A_224] : memref<10000x128xf32, #tpu.memory_space<vmem_shared>> -> memref<40x128xf32, #tpu.memory_space<vmem_shared>>
        %dma_wait3A_226 = arith.constant 0 : i32
        %dma_wait3A_227 = tpu.memref_slice %arg8[%add3A_215, %dma_wait3A_226] : memref<10000x128xf32, #tpu.memory_space<vmem_shared>> -> memref<40x128xf32, #tpu.memory_space<vmem_shared>>
        tpu.wait_dma2 semaphore(%run_scoped3A : memref<!tpu.dma_semaphore, #tpu.memory_space<semaphore_mem>>) src(%arg18 : memref<40x128xf32, #tpu.memory_space<vmem>>) dst(%dma_wait3A_227 : memref<40x128xf32, #tpu.memory_space<vmem_shared>>)
        tpu.yield
      }) : () -> ()
      %mul3A_216 = arith.constant 80 : i32
      %mul3A_217 = arith.muli %add3A_18, %mul3A_216 : i32
      %add3A_218 = arith.constant 40 : i32
      %add3A_219 = arith.addi %mul3A_217, %add3A_218 : i32
      "tpu.region"() ({
        %run_scoped3A = tpu.sem_alloc : memref<!tpu.dma_semaphore, #tpu.memory_space<semaphore_mem>>
        %dma_start3A_220 = arith.constant 0 : i32
        %dma_start3A_221 = tpu.memref_slice %arg8[%add3A_219, %dma_start3A_220] : memref<10000x128xf32, #tpu.memory_space<vmem_shared>> -> memref<40x128xf32, #tpu.memory_space<vmem_shared>>
        %dma_start3A_222 = arith.constant 0 : i32
        %dma_start3A_223 = tpu.memref_slice %arg8[%add3A_219, %dma_start3A_222] : memref<10000x128xf32, #tpu.memory_space<vmem_shared>> -> memref<40x128xf32, #tpu.memory_space<vmem_shared>>
        tpu.enqueue_dma source(%arg18 : memref<40x128xf32, #tpu.memory_space<vmem>>) target(%dma_start3A_223 : memref<40x128xf32, #tpu.memory_space<vmem_shared>>) target_semaphore(%run_scoped3A : memref<!tpu.dma_semaphore, #tpu.memory_space<semaphore_mem>>)
        %dma_wait3A_224 = arith.constant 0 : i32
        %dma_wait3A_225 = tpu.memref_slice %arg8[%add3A_219, %dma_wait3A_224] : memref<10000x128xf32, #tpu.memory_space<vmem_shared>> -> memref<40x128xf32, #tpu.memory_space<vmem_shared>>
        %dma_wait3A_226 = arith.constant 0 : i32
        %dma_wait3A_227 = tpu.memref_slice %arg8[%add3A_219, %dma_wait3A_226] : memref<10000x128xf32, #tpu.memory_space<vmem_shared>> -> memref<40x128xf32, #tpu.memory_space<vmem_shared>>
        tpu.wait_dma2 semaphore(%run_scoped3A : memref<!tpu.dma_semaphore, #tpu.memory_space<semaphore_mem>>) src(%arg18 : memref<40x128xf32, #tpu.memory_space<vmem>>) dst(%dma_wait3A_227 : memref<40x128xf32, #tpu.memory_space<vmem_shared>>)
        tpu.yield
      }) : () -> ()
    } else {
    }
    %add3A_24 = arith.constant 32 : i32
    %add3A_25 = arith.addi %arg1, %add3A_24 : i32
    %lt3A_26 = arith.constant 125 : i32
    %lt3A_27 = arith.cmpi slt, %add3A_25, %lt3A_26 : i32
    %convert_element_type3A_28 = arith.extui %lt3A_27 : i1 to i32
    %cond3A_29 = arith.constant 0 : i32
    %cond3A_30 = arith.cmpi ne, %convert_element_type3A_28, %cond3A_29 : i32
    scf.if %cond3A_30 {
      %mul3A_212 = arith.constant 80 : i32
      %mul3A_213 = arith.muli %add3A_25, %mul3A_212 : i32
      %add3A_214 = arith.constant 0 : i32
      %add3A_215 = arith.addi %mul3A_213, %add3A_214 : i32
      "tpu.region"() ({
        %run_scoped3A = tpu.sem_alloc : memref<!tpu.dma_semaphore, #tpu.memory_space<semaphore_mem>>
        %dma_start3A_220 = arith.constant 0 : i32
        %dma_start3A_221 = tpu.memref_slice %arg8[%add3A_215, %dma_start3A_220] : memref<10000x128xf32, #tpu.memory_space<vmem_shared>> -> memref<40x128xf32, #tpu.memory_space<vmem_shared>>
        %dma_start3A_222 = arith.constant 0 : i32
        %dma_start3A_223 = tpu.memref_slice %arg8[%add3A_215, %dma_start3A_222] : memref<10000x128xf32, #tpu.memory_space<vmem_shared>> -> memref<40x128xf32, #tpu.memory_space<vmem_shared>>
        tpu.enqueue_dma source(%arg18 : memref<40x128xf32, #tpu.memory_space<vmem>>) target(%dma_start3A_223 : memref<40x128xf32, #tpu.memory_space<vmem_shared>>) target_semaphore(%run_scoped3A : memref<!tpu.dma_semaphore, #tpu.memory_space<semaphore_mem>>)
        %dma_wait3A_224 = arith.constant 0 : i32
        %dma_wait3A_225 = tpu.memref_slice %arg8[%add3A_215, %dma_wait3A_224] : memref<10000x128xf32, #tpu.memory_space<vmem_shared>> -> memref<40x128xf32, #tpu.memory_space<vmem_shared>>
        %dma_wait3A_226 = arith.constant 0 : i32
        %dma_wait3A_227 = tpu.memref_slice %arg8[%add3A_215, %dma_wait3A_226] : memref<10000x128xf32, #tpu.memory_space<vmem_shared>> -> memref<40x128xf32, #tpu.memory_space<vmem_shared>>
        tpu.wait_dma2 semaphore(%run_scoped3A : memref<!tpu.dma_semaphore, #tpu.memory_space<semaphore_mem>>) src(%arg18 : memref<40x128xf32, #tpu.memory_space<vmem>>) dst(%dma_wait3A_227 : memref<40x128xf32, #tpu.memory_space<vmem_shared>>)
        tpu.yield
      }) : () -> ()
      %mul3A_216 = arith.constant 80 : i32
      %mul3A_217 = arith.muli %add3A_25, %mul3A_216 : i32
      %add3A_218 = arith.constant 40 : i32
      %add3A_219 = arith.addi %mul3A_217, %add3A_218 : i32
      "tpu.region"() ({
        %run_scoped3A = tpu.sem_alloc : memref<!tpu.dma_semaphore, #tpu.memory_space<semaphore_mem>>
        %dma_start3A_220 = arith.constant 0 : i32
        %dma_start3A_221 = tpu.memref_slice %arg8[%add3A_219, %dma_start3A_220] : memref<10000x128xf32, #tpu.memory_space<vmem_shared>> -> memref<40x128xf32, #tpu.memory_space<vmem_shared>>
        %dma_start3A_222 = arith.constant 0 : i32
        %dma_start3A_223 = tpu.memref_slice %arg8[%add3A_219, %dma_start3A_222] : memref<10000x128xf32, #tpu.memory_space<vmem_shared>> -> memref<40x128xf32, #tpu.memory_space<vmem_shared>>
        tpu.enqueue_dma source(%arg18 : memref<40x128xf32, #tpu.memory_space<vmem>>) target(%dma_start3A_223 : memref<40x128xf32, #tpu.memory_space<vmem_shared>>) target_semaphore(%run_scoped3A : memref<!tpu.dma_semaphore, #tpu.memory_space<semaphore_mem>>)
        %dma_wait3A_224 = arith.constant 0 : i32
        %dma_wait3A_225 = tpu.memref_slice %arg8[%add3A_219, %dma_wait3A_224] : memref<10000x128xf32, #tpu.memory_space<vmem_shared>> -> memref<40x128xf32, #tpu.memory_space<vmem_shared>>
        %dma_wait3A_226 = arith.constant 0 : i32
        %dma_wait3A_227 = tpu.memref_slice %arg8[%add3A_219, %dma_wait3A_226] : memref<10000x128xf32, #tpu.memory_space<vmem_shared>> -> memref<40x128xf32, #tpu.memory_space<vmem_shared>>
        tpu.wait_dma2 semaphore(%run_scoped3A : memref<!tpu.dma_semaphore, #tpu.memory_space<semaphore_mem>>) src(%arg18 : memref<40x128xf32, #tpu.memory_space<vmem>>) dst(%dma_wait3A_227 : memref<40x128xf32, #tpu.memory_space<vmem_shared>>)
        tpu.yield
      }) : () -> ()
    } else {
    }
    %add3A_31 = arith.constant 48 : i32
    %add3A_32 = arith.addi %arg1, %add3A_31 : i32
    %lt3A_33 = arith.constant 125 : i32
    %lt3A_34 = arith.cmpi slt, %add3A_32, %lt3A_33 : i32
    %convert_element_type3A_35 = arith.extui %lt3A_34 : i1 to i32
    %cond3A_36 = arith.constant 0 : i32
    %cond3A_37 = arith.cmpi ne, %convert_element_type3A_35, %cond3A_36 : i32
    scf.if %cond3A_37 {
      %mul3A_212 = arith.constant 80 : i32
      %mul3A_213 = arith.muli %add3A_32, %mul3A_212 : i32
      %add3A_214 = arith.constant 0 : i32
      %add3A_215 = arith.addi %mul3A_213, %add3A_214 : i32
      "tpu.region"() ({
        %run_scoped3A = tpu.sem_alloc : memref<!tpu.dma_semaphore, #tpu.memory_space<semaphore_mem>>
        %dma_start3A_220 = arith.constant 0 : i32
        %dma_start3A_221 = tpu.memref_slice %arg8[%add3A_215, %dma_start3A_220] : memref<10000x128xf32, #tpu.memory_space<vmem_shared>> -> memref<40x128xf32, #tpu.memory_space<vmem_shared>>
        %dma_start3A_222 = arith.constant 0 : i32
        %dma_start3A_223 = tpu.memref_slice %arg8[%add3A_215, %dma_start3A_222] : memref<10000x128xf32, #tpu.memory_space<vmem_shared>> -> memref<40x128xf32, #tpu.memory_space<vmem_shared>>
        tpu.enqueue_dma source(%arg18 : memref<40x128xf32, #tpu.memory_space<vmem>>) target(%dma_start3A_223 : memref<40x128xf32, #tpu.memory_space<vmem_shared>>) target_semaphore(%run_scoped3A : memref<!tpu.dma_semaphore, #tpu.memory_space<semaphore_mem>>)
        %dma_wait3A_224 = arith.constant 0 : i32
        %dma_wait3A_225 = tpu.memref_slice %arg8[%add3A_215, %dma_wait3A_224] : memref<10000x128xf32, #tpu.memory_space<vmem_shared>> -> memref<40x128xf32, #tpu.memory_space<vmem_shared>>
        %dma_wait3A_226 = arith.constant 0 : i32
        %dma_wait3A_227 = tpu.memref_slice %arg8[%add3A_215, %dma_wait3A_226] : memref<10000x128xf32, #tpu.memory_space<vmem_shared>> -> memref<40x128xf32, #tpu.memory_space<vmem_shared>>
        tpu.wait_dma2 semaphore(%run_scoped3A : memref<!tpu.dma_semaphore, #tpu.memory_space<semaphore_mem>>) src(%arg18 : memref<40x128xf32, #tpu.memory_space<vmem>>) dst(%dma_wait3A_227 : memref<40x128xf32, #tpu.memory_space<vmem_shared>>)
        tpu.yield
      }) : () -> ()
      %mul3A_216 = arith.constant 80 : i32
      %mul3A_217 = arith.muli %add3A_32, %mul3A_216 : i32
      %add3A_218 = arith.constant 40 : i32
      %add3A_219 = arith.addi %mul3A_217, %add3A_218 : i32
      "tpu.region"() ({
        %run_scoped3A = tpu.sem_alloc : memref<!tpu.dma_semaphore, #tpu.memory_space<semaphore_mem>>
        %dma_start3A_220 = arith.constant 0 : i32
        %dma_start3A_221 = tpu.memref_slice %arg8[%add3A_219, %dma_start3A_220] : memref<10000x128xf32, #tpu.memory_space<vmem_shared>> -> memref<40x128xf32, #tpu.memory_space<vmem_shared>>
        %dma_start3A_222 = arith.constant 0 : i32
        %dma_start3A_223 = tpu.memref_slice %arg8[%add3A_219, %dma_start3A_222] : memref<10000x128xf32, #tpu.memory_space<vmem_shared>> -> memref<40x128xf32, #tpu.memory_space<vmem_shared>>
        tpu.enqueue_dma source(%arg18 : memref<40x128xf32, #tpu.memory_space<vmem>>) target(%dma_start3A_223 : memref<40x128xf32, #tpu.memory_space<vmem_shared>>) target_semaphore(%run_scoped3A : memref<!tpu.dma_semaphore, #tpu.memory_space<semaphore_mem>>)
        %dma_wait3A_224 = arith.constant 0 : i32
        %dma_wait3A_225 = tpu.memref_slice %arg8[%add3A_219, %dma_wait3A_224] : memref<10000x128xf32, #tpu.memory_space<vmem_shared>> -> memref<40x128xf32, #tpu.memory_space<vmem_shared>>
        %dma_wait3A_226 = arith.constant 0 : i32
        %dma_wait3A_227 = tpu.memref_slice %arg8[%add3A_219, %dma_wait3A_226] : memref<10000x128xf32, #tpu.memory_space<vmem_shared>> -> memref<40x128xf32, #tpu.memory_space<vmem_shared>>
        tpu.wait_dma2 semaphore(%run_scoped3A : memref<!tpu.dma_semaphore, #tpu.memory_space<semaphore_mem>>) src(%arg18 : memref<40x128xf32, #tpu.memory_space<vmem>>) dst(%dma_wait3A_227 : memref<40x128xf32, #tpu.memory_space<vmem_shared>>)
        tpu.yield
      }) : () -> ()
    } else {
    }
    %add3A_38 = arith.constant 64 : i32
    %add3A_39 = arith.addi %arg1, %add3A_38 : i32
    %lt3A_40 = arith.constant 125 : i32
    %lt3A_41 = arith.cmpi slt, %add3A_39, %lt3A_40 : i32
    %convert_element_type3A_42 = arith.extui %lt3A_41 : i1 to i32
    %cond3A_43 = arith.constant 0 : i32
    %cond3A_44 = arith.cmpi ne, %convert_element_type3A_42, %cond3A_43 : i32
    scf.if %cond3A_44 {
      %mul3A_212 = arith.constant 80 : i32
      %mul3A_213 = arith.muli %add3A_39, %mul3A_212 : i32
      %add3A_214 = arith.constant 0 : i32
      %add3A_215 = arith.addi %mul3A_213, %add3A_214 : i32
      "tpu.region"() ({
        %run_scoped3A = tpu.sem_alloc : memref<!tpu.dma_semaphore, #tpu.memory_space<semaphore_mem>>
        %dma_start3A_220 = arith.constant 0 : i32
        %dma_start3A_221 = tpu.memref_slice %arg8[%add3A_215, %dma_start3A_220] : memref<10000x128xf32, #tpu.memory_space<vmem_shared>> -> memref<40x128xf32, #tpu.memory_space<vmem_shared>>
        %dma_start3A_222 = arith.constant 0 : i32
        %dma_start3A_223 = tpu.memref_slice %arg8[%add3A_215, %dma_start3A_222] : memref<10000x128xf32, #tpu.memory_space<vmem_shared>> -> memref<40x128xf32, #tpu.memory_space<vmem_shared>>
        tpu.enqueue_dma source(%arg18 : memref<40x128xf32, #tpu.memory_space<vmem>>) target(%dma_start3A_223 : memref<40x128xf32, #tpu.memory_space<vmem_shared>>) target_semaphore(%run_scoped3A : memref<!tpu.dma_semaphore, #tpu.memory_space<semaphore_mem>>)
        %dma_wait3A_224 = arith.constant 0 : i32
        %dma_wait3A_225 = tpu.memref_slice %arg8[%add3A_215, %dma_wait3A_224] : memref<10000x128xf32, #tpu.memory_space<vmem_shared>> -> memref<40x128xf32, #tpu.memory_space<vmem_shared>>
        %dma_wait3A_226 = arith.constant 0 : i32
        %dma_wait3A_227 = tpu.memref_slice %arg8[%add3A_215, %dma_wait3A_226] : memref<10000x128xf32, #tpu.memory_space<vmem_shared>> -> memref<40x128xf32, #tpu.memory_space<vmem_shared>>
        tpu.wait_dma2 semaphore(%run_scoped3A : memref<!tpu.dma_semaphore, #tpu.memory_space<semaphore_mem>>) src(%arg18 : memref<40x128xf32, #tpu.memory_space<vmem>>) dst(%dma_wait3A_227 : memref<40x128xf32, #tpu.memory_space<vmem_shared>>)
        tpu.yield
      }) : () -> ()
      %mul3A_216 = arith.constant 80 : i32
      %mul3A_217 = arith.muli %add3A_39, %mul3A_216 : i32
      %add3A_218 = arith.constant 40 : i32
      %add3A_219 = arith.addi %mul3A_217, %add3A_218 : i32
      "tpu.region"() ({
        %run_scoped3A = tpu.sem_alloc : memref<!tpu.dma_semaphore, #tpu.memory_space<semaphore_mem>>
        %dma_start3A_220 = arith.constant 0 : i32
        %dma_start3A_221 = tpu.memref_slice %arg8[%add3A_219, %dma_start3A_220] : memref<10000x128xf32, #tpu.memory_space<vmem_shared>> -> memref<40x128xf32, #tpu.memory_space<vmem_shared>>
        %dma_start3A_222 = arith.constant 0 : i32
        %dma_start3A_223 = tpu.memref_slice %arg8[%add3A_219, %dma_start3A_222] : memref<10000x128xf32, #tpu.memory_space<vmem_shared>> -> memref<40x128xf32, #tpu.memory_space<vmem_shared>>
        tpu.enqueue_dma source(%arg18 : memref<40x128xf32, #tpu.memory_space<vmem>>) target(%dma_start3A_223 : memref<40x128xf32, #tpu.memory_space<vmem_shared>>) target_semaphore(%run_scoped3A : memref<!tpu.dma_semaphore, #tpu.memory_space<semaphore_mem>>)
        %dma_wait3A_224 = arith.constant 0 : i32
        %dma_wait3A_225 = tpu.memref_slice %arg8[%add3A_219, %dma_wait3A_224] : memref<10000x128xf32, #tpu.memory_space<vmem_shared>> -> memref<40x128xf32, #tpu.memory_space<vmem_shared>>
        %dma_wait3A_226 = arith.constant 0 : i32
        %dma_wait3A_227 = tpu.memref_slice %arg8[%add3A_219, %dma_wait3A_226] : memref<10000x128xf32, #tpu.memory_space<vmem_shared>> -> memref<40x128xf32, #tpu.memory_space<vmem_shared>>
        tpu.wait_dma2 semaphore(%run_scoped3A : memref<!tpu.dma_semaphore, #tpu.memory_space<semaphore_mem>>) src(%arg18 : memref<40x128xf32, #tpu.memory_space<vmem>>) dst(%dma_wait3A_227 : memref<40x128xf32, #tpu.memory_space<vmem_shared>>)
        tpu.yield
      }) : () -> ()
    } else {
    }
    %add3A_45 = arith.constant 80 : i32
    %add3A_46 = arith.addi %arg1, %add3A_45 : i32
    %lt3A_47 = arith.constant 125 : i32
    %lt3A_48 = arith.cmpi slt, %add3A_46, %lt3A_47 : i32
    %convert_element_type3A_49 = arith.extui %lt3A_48 : i1 to i32
    %cond3A_50 = arith.constant 0 : i32
    %cond3A_51 = arith.cmpi ne, %convert_element_type3A_49, %cond3A_50 : i32
    scf.if %cond3A_51 {
      %mul3A_212 = arith.constant 80 : i32
      %mul3A_213 = arith.muli %add3A_46, %mul3A_212 : i32
      %add3A_214 = arith.constant 0 : i32
      %add3A_215 = arith.addi %mul3A_213, %add3A_214 : i32
      "tpu.region"() ({
        %run_scoped3A = tpu.sem_alloc : memref<!tpu.dma_semaphore, #tpu.memory_space<semaphore_mem>>
        %dma_start3A_220 = arith.constant 0 : i32
        %dma_start3A_221 = tpu.memref_slice %arg8[%add3A_215, %dma_start3A_220] : memref<10000x128xf32, #tpu.memory_space<vmem_shared>> -> memref<40x128xf32, #tpu.memory_space<vmem_shared>>
        %dma_start3A_222 = arith.constant 0 : i32
        %dma_start3A_223 = tpu.memref_slice %arg8[%add3A_215, %dma_start3A_222] : memref<10000x128xf32, #tpu.memory_space<vmem_shared>> -> memref<40x128xf32, #tpu.memory_space<vmem_shared>>
        tpu.enqueue_dma source(%arg18 : memref<40x128xf32, #tpu.memory_space<vmem>>) target(%dma_start3A_223 : memref<40x128xf32, #tpu.memory_space<vmem_shared>>) target_semaphore(%run_scoped3A : memref<!tpu.dma_semaphore, #tpu.memory_space<semaphore_mem>>)
        %dma_wait3A_224 = arith.constant 0 : i32
        %dma_wait3A_225 = tpu.memref_slice %arg8[%add3A_215, %dma_wait3A_224] : memref<10000x128xf32, #tpu.memory_space<vmem_shared>> -> memref<40x128xf32, #tpu.memory_space<vmem_shared>>
        %dma_wait3A_226 = arith.constant 0 : i32
        %dma_wait3A_227 = tpu.memref_slice %arg8[%add3A_215, %dma_wait3A_226] : memref<10000x128xf32, #tpu.memory_space<vmem_shared>> -> memref<40x128xf32, #tpu.memory_space<vmem_shared>>
        tpu.wait_dma2 semaphore(%run_scoped3A : memref<!tpu.dma_semaphore, #tpu.memory_space<semaphore_mem>>) src(%arg18 : memref<40x128xf32, #tpu.memory_space<vmem>>) dst(%dma_wait3A_227 : memref<40x128xf32, #tpu.memory_space<vmem_shared>>)
        tpu.yield
      }) : () -> ()
      %mul3A_216 = arith.constant 80 : i32
      %mul3A_217 = arith.muli %add3A_46, %mul3A_216 : i32
      %add3A_218 = arith.constant 40 : i32
      %add3A_219 = arith.addi %mul3A_217, %add3A_218 : i32
      "tpu.region"() ({
        %run_scoped3A = tpu.sem_alloc : memref<!tpu.dma_semaphore, #tpu.memory_space<semaphore_mem>>
        %dma_start3A_220 = arith.constant 0 : i32
        %dma_start3A_221 = tpu.memref_slice %arg8[%add3A_219, %dma_start3A_220] : memref<10000x128xf32, #tpu.memory_space<vmem_shared>> -> memref<40x128xf32, #tpu.memory_space<vmem_shared>>
        %dma_start3A_222 = arith.constant 0 : i32
        %dma_start3A_223 = tpu.memref_slice %arg8[%add3A_219, %dma_start3A_222] : memref<10000x128xf32, #tpu.memory_space<vmem_shared>> -> memref<40x128xf32, #tpu.memory_space<vmem_shared>>
        tpu.enqueue_dma source(%arg18 : memref<40x128xf32, #tpu.memory_space<vmem>>) target(%dma_start3A_223 : memref<40x128xf32, #tpu.memory_space<vmem_shared>>) target_semaphore(%run_scoped3A : memref<!tpu.dma_semaphore, #tpu.memory_space<semaphore_mem>>)
        %dma_wait3A_224 = arith.constant 0 : i32
        %dma_wait3A_225 = tpu.memref_slice %arg8[%add3A_219, %dma_wait3A_224] : memref<10000x128xf32, #tpu.memory_space<vmem_shared>> -> memref<40x128xf32, #tpu.memory_space<vmem_shared>>
        %dma_wait3A_226 = arith.constant 0 : i32
        %dma_wait3A_227 = tpu.memref_slice %arg8[%add3A_219, %dma_wait3A_226] : memref<10000x128xf32, #tpu.memory_space<vmem_shared>> -> memref<40x128xf32, #tpu.memory_space<vmem_shared>>
        tpu.wait_dma2 semaphore(%run_scoped3A : memref<!tpu.dma_semaphore, #tpu.memory_space<semaphore_mem>>) src(%arg18 : memref<40x128xf32, #tpu.memory_space<vmem>>) dst(%dma_wait3A_227 : memref<40x128xf32, #tpu.memory_space<vmem_shared>>)
        tpu.yield
      }) : () -> ()
    } else {
    }
    %add3A_52 = arith.constant 96 : i32
    %add3A_53 = arith.addi %arg1, %add3A_52 : i32
    %lt3A_54 = arith.constant 125 : i32
    %lt3A_55 = arith.cmpi slt, %add3A_53, %lt3A_54 : i32
    %convert_element_type3A_56 = arith.extui %lt3A_55 : i1 to i32
    %cond3A_57 = arith.constant 0 : i32
    %cond3A_58 = arith.cmpi ne, %convert_element_type3A_56, %cond3A_57 : i32
    scf.if %cond3A_58 {
      %mul3A_212 = arith.constant 80 : i32
      %mul3A_213 = arith.muli %add3A_53, %mul3A_212 : i32
      %add3A_214 = arith.constant 0 : i32
      %add3A_215 = arith.addi %mul3A_213, %add3A_214 : i32
      "tpu.region"() ({
        %run_scoped3A = tpu.sem_alloc : memref<!tpu.dma_semaphore, #tpu.memory_space<semaphore_mem>>
        %dma_start3A_220 = arith.constant 0 : i32
        %dma_start3A_221 = tpu.memref_slice %arg8[%add3A_215, %dma_start3A_220] : memref<10000x128xf32, #tpu.memory_space<vmem_shared>> -> memref<40x128xf32, #tpu.memory_space<vmem_shared>>
        %dma_start3A_222 = arith.constant 0 : i32
        %dma_start3A_223 = tpu.memref_slice %arg8[%add3A_215, %dma_start3A_222] : memref<10000x128xf32, #tpu.memory_space<vmem_shared>> -> memref<40x128xf32, #tpu.memory_space<vmem_shared>>
        tpu.enqueue_dma source(%arg18 : memref<40x128xf32, #tpu.memory_space<vmem>>) target(%dma_start3A_223 : memref<40x128xf32, #tpu.memory_space<vmem_shared>>) target_semaphore(%run_scoped3A : memref<!tpu.dma_semaphore, #tpu.memory_space<semaphore_mem>>)
        %dma_wait3A_224 = arith.constant 0 : i32
        %dma_wait3A_225 = tpu.memref_slice %arg8[%add3A_215, %dma_wait3A_224] : memref<10000x128xf32, #tpu.memory_space<vmem_shared>> -> memref<40x128xf32, #tpu.memory_space<vmem_shared>>
        %dma_wait3A_226 = arith.constant 0 : i32
        %dma_wait3A_227 = tpu.memref_slice %arg8[%add3A_215, %dma_wait3A_226] : memref<10000x128xf32, #tpu.memory_space<vmem_shared>> -> memref<40x128xf32, #tpu.memory_space<vmem_shared>>
        tpu.wait_dma2 semaphore(%run_scoped3A : memref<!tpu.dma_semaphore, #tpu.memory_space<semaphore_mem>>) src(%arg18 : memref<40x128xf32, #tpu.memory_space<vmem>>) dst(%dma_wait3A_227 : memref<40x128xf32, #tpu.memory_space<vmem_shared>>)
        tpu.yield
      }) : () -> ()
      %mul3A_216 = arith.constant 80 : i32
      %mul3A_217 = arith.muli %add3A_53, %mul3A_216 : i32
      %add3A_218 = arith.constant 40 : i32
      %add3A_219 = arith.addi %mul3A_217, %add3A_218 : i32
      "tpu.region"() ({
        %run_scoped3A = tpu.sem_alloc : memref<!tpu.dma_semaphore, #tpu.memory_space<semaphore_mem>>
        %dma_start3A_220 = arith.constant 0 : i32
        %dma_start3A_221 = tpu.memref_slice %arg8[%add3A_219, %dma_start3A_220] : memref<10000x128xf32, #tpu.memory_space<vmem_shared>> -> memref<40x128xf32, #tpu.memory_space<vmem_shared>>
        %dma_start3A_222 = arith.constant 0 : i32
        %dma_start3A_223 = tpu.memref_slice %arg8[%add3A_219, %dma_start3A_222] : memref<10000x128xf32, #tpu.memory_space<vmem_shared>> -> memref<40x128xf32, #tpu.memory_space<vmem_shared>>
        tpu.enqueue_dma source(%arg18 : memref<40x128xf32, #tpu.memory_space<vmem>>) target(%dma_start3A_223 : memref<40x128xf32, #tpu.memory_space<vmem_shared>>) target_semaphore(%run_scoped3A : memref<!tpu.dma_semaphore, #tpu.memory_space<semaphore_mem>>)
        %dma_wait3A_224 = arith.constant 0 : i32
        %dma_wait3A_225 = tpu.memref_slice %arg8[%add3A_219, %dma_wait3A_224] : memref<10000x128xf32, #tpu.memory_space<vmem_shared>> -> memref<40x128xf32, #tpu.memory_space<vmem_shared>>
        %dma_wait3A_226 = arith.constant 0 : i32
        %dma_wait3A_227 = tpu.memref_slice %arg8[%add3A_219, %dma_wait3A_226] : memref<10000x128xf32, #tpu.memory_space<vmem_shared>> -> memref<40x128xf32, #tpu.memory_space<vmem_shared>>
        tpu.wait_dma2 semaphore(%run_scoped3A : memref<!tpu.dma_semaphore, #tpu.memory_space<semaphore_mem>>) src(%arg18 : memref<40x128xf32, #tpu.memory_space<vmem>>) dst(%dma_wait3A_227 : memref<40x128xf32, #tpu.memory_space<vmem_shared>>)
        tpu.yield
      }) : () -> ()
    } else {
    }
    %add3A_59 = arith.constant 112 : i32
    %add3A_60 = arith.addi %arg1, %add3A_59 : i32
    %lt3A_61 = arith.constant 125 : i32
    %lt3A_62 = arith.cmpi slt, %add3A_60, %lt3A_61 : i32
    %convert_element_type3A_63 = arith.extui %lt3A_62 : i1 to i32
    %cond3A_64 = arith.constant 0 : i32
    %cond3A_65 = arith.cmpi ne, %convert_element_type3A_63, %cond3A_64 : i32
    scf.if %cond3A_65 {
      %mul3A_212 = arith.constant 80 : i32
      %mul3A_213 = arith.muli %add3A_60, %mul3A_212 : i32
      %add3A_214 = arith.constant 0 : i32
      %add3A_215 = arith.addi %mul3A_213, %add3A_214 : i32
      "tpu.region"() ({
        %run_scoped3A = tpu.sem_alloc : memref<!tpu.dma_semaphore, #tpu.memory_space<semaphore_mem>>
        %dma_start3A_220 = arith.constant 0 : i32
        %dma_start3A_221 = tpu.memref_slice %arg8[%add3A_215, %dma_start3A_220] : memref<10000x128xf32, #tpu.memory_space<vmem_shared>> -> memref<40x128xf32, #tpu.memory_space<vmem_shared>>
        %dma_start3A_222 = arith.constant 0 : i32
        %dma_start3A_223 = tpu.memref_slice %arg8[%add3A_215, %dma_start3A_222] : memref<10000x128xf32, #tpu.memory_space<vmem_shared>> -> memref<40x128xf32, #tpu.memory_space<vmem_shared>>
        tpu.enqueue_dma source(%arg18 : memref<40x128xf32, #tpu.memory_space<vmem>>) target(%dma_start3A_223 : memref<40x128xf32, #tpu.memory_space<vmem_shared>>) target_semaphore(%run_scoped3A : memref<!tpu.dma_semaphore, #tpu.memory_space<semaphore_mem>>)
        %dma_wait3A_224 = arith.constant 0 : i32
        %dma_wait3A_225 = tpu.memref_slice %arg8[%add3A_215, %dma_wait3A_224] : memref<10000x128xf32, #tpu.memory_space<vmem_shared>> -> memref<40x128xf32, #tpu.memory_space<vmem_shared>>
        %dma_wait3A_226 = arith.constant 0 : i32
        %dma_wait3A_227 = tpu.memref_slice %arg8[%add3A_215, %dma_wait3A_226] : memref<10000x128xf32, #tpu.memory_space<vmem_shared>> -> memref<40x128xf32, #tpu.memory_space<vmem_shared>>
        tpu.wait_dma2 semaphore(%run_scoped3A : memref<!tpu.dma_semaphore, #tpu.memory_space<semaphore_mem>>) src(%arg18 : memref<40x128xf32, #tpu.memory_space<vmem>>) dst(%dma_wait3A_227 : memref<40x128xf32, #tpu.memory_space<vmem_shared>>)
        tpu.yield
      }) : () -> ()
      %mul3A_216 = arith.constant 80 : i32
      %mul3A_217 = arith.muli %add3A_60, %mul3A_216 : i32
      %add3A_218 = arith.constant 40 : i32
      %add3A_219 = arith.addi %mul3A_217, %add3A_218 : i32
      "tpu.region"() ({
        %run_scoped3A = tpu.sem_alloc : memref<!tpu.dma_semaphore, #tpu.memory_space<semaphore_mem>>
        %dma_start3A_220 = arith.constant 0 : i32
        %dma_start3A_221 = tpu.memref_slice %arg8[%add3A_219, %dma_start3A_220] : memref<10000x128xf32, #tpu.memory_space<vmem_shared>> -> memref<40x128xf32, #tpu.memory_space<vmem_shared>>
        %dma_start3A_222 = arith.constant 0 : i32
        %dma_start3A_223 = tpu.memref_slice %arg8[%add3A_219, %dma_start3A_222] : memref<10000x128xf32, #tpu.memory_space<vmem_shared>> -> memref<40x128xf32, #tpu.memory_space<vmem_shared>>
        tpu.enqueue_dma source(%arg18 : memref<40x128xf32, #tpu.memory_space<vmem>>) target(%dma_start3A_223 : memref<40x128xf32, #tpu.memory_space<vmem_shared>>) target_semaphore(%run_scoped3A : memref<!tpu.dma_semaphore, #tpu.memory_space<semaphore_mem>>)
        %dma_wait3A_224 = arith.constant 0 : i32
        %dma_wait3A_225 = tpu.memref_slice %arg8[%add3A_219, %dma_wait3A_224] : memref<10000x128xf32, #tpu.memory_space<vmem_shared>> -> memref<40x128xf32, #tpu.memory_space<vmem_shared>>
        %dma_wait3A_226 = arith.constant 0 : i32
        %dma_wait3A_227 = tpu.memref_slice %arg8[%add3A_219, %dma_wait3A_226] : memref<10000x128xf32, #tpu.memory_space<vmem_shared>> -> memref<40x128xf32, #tpu.memory_space<vmem_shared>>
        tpu.wait_dma2 semaphore(%run_scoped3A : memref<!tpu.dma_semaphore, #tpu.memory_space<semaphore_mem>>) src(%arg18 : memref<40x128xf32, #tpu.memory_space<vmem>>) dst(%dma_wait3A_227 : memref<40x128xf32, #tpu.memory_space<vmem_shared>>)
        tpu.yield
      }) : () -> ()
    } else {
    }
    %barrier3A = arith.constant 0 : index
    tpu.barrier barrier_id(%barrier3A)
    %mul3A_66 = arith.constant 250 : i32
    %mul3A_67 = arith.muli %add3A, %mul3A_66 : i32
    %mul3A_68 = arith.constant 40 : i32
    %mul3A_69 = arith.muli %mul3A_67, %mul3A_68 : i32
    %add3A_70 = arith.constant 0 : i32
    %add3A_71 = arith.addi %mul3A_69, %add3A_70 : i32
    "tpu.region"() ({
      %run_scoped3A = tpu.sem_alloc : memref<!tpu.dma_semaphore, #tpu.memory_space<semaphore_mem>>
      %dma_start3A_212 = arith.constant 0 : i32
      %dma_start3A_213 = tpu.memref_slice %arg5[%dma_start3A_212, %add3A_71] : memref<2x320000xi32, #tpu.memory_space<hbm>> -> memref<2x80xi32, #tpu.memory_space<hbm>>
      %dma_start3A_214 = arith.constant 0 : i32
      %dma_start3A_215 = tpu.memref_slice %arg5[%dma_start3A_214, %add3A_71] : memref<2x320000xi32, #tpu.memory_space<hbm>> -> memref<2x80xi32, #tpu.memory_space<hbm>>
      tpu.enqueue_dma source(%dma_start3A_215 : memref<2x80xi32, #tpu.memory_space<hbm>>) target(%arg9 : memref<2x80xi32, #tpu.memory_space<vmem>>) target_semaphore(%run_scoped3A : memref<!tpu.dma_semaphore, #tpu.memory_space<semaphore_mem>>)
      %dma_wait3A_216 = arith.constant 0 : i32
      %dma_wait3A_217 = tpu.memref_slice %arg5[%dma_wait3A_216, %add3A_71] : memref<2x320000xi32, #tpu.memory_space<hbm>> -> memref<2x80xi32, #tpu.memory_space<hbm>>
      %dma_wait3A_218 = arith.constant 0 : i32
      %dma_wait3A_219 = tpu.memref_slice %arg5[%dma_wait3A_218, %add3A_71] : memref<2x320000xi32, #tpu.memory_space<hbm>> -> memref<2x80xi32, #tpu.memory_space<hbm>>
      tpu.wait_dma2 semaphore(%run_scoped3A : memref<!tpu.dma_semaphore, #tpu.memory_space<semaphore_mem>>) src(%dma_wait3A_219 : memref<2x80xi32, #tpu.memory_space<hbm>>) dst(%arg9 : memref<2x80xi32, #tpu.memory_space<vmem>>)
      tpu.yield
    }) : () -> ()
    %add3A_72 = arith.constant 0 : i32
    %add3A_73 = arith.addi %mul3A_69, %add3A_72 : i32
    %dma_start3A = arith.constant 0 : i32
    %dma_start3A_74 = arith.constant 0 : i32
    %dma_start3A_75 = tpu.memref_slice %arg9[%dma_start3A, %dma_start3A_74] : memref<2x80xi32, #tpu.memory_space<vmem>> -> memref<1x40xi32, #tpu.memory_space<vmem>>
    %dma_start3A_76 = tpu.memref_squeeze %dma_start3A_75 : memref<1x40xi32, #tpu.memory_space<vmem>> -> memref<40xi32, #tpu.memory_space<vmem>>
    %dma_start3A_77 = arith.constant 0 : i32
    %dma_start3A_78 = arith.constant 0 : i32
    %dma_start3A_79 = tpu.memref_slice %arg2[%dma_start3A_77, %dma_start3A_78] : memref<10000x128xf32, #tpu.memory_space<hbm>> -> memref<10000x128xf32, #tpu.memory_space<hbm>>
    tpu.enqueue_indirect_dma source(%dma_start3A_79 : memref<10000x128xf32, #tpu.memory_space<hbm>>) target(%arg12 : memref<40x128xf32, #tpu.memory_space<vmem>>) offsets(%dma_start3A_76 : memref<40xi32, #tpu.memory_space<vmem>>) semaphore(%arg20 : memref<!tpu.dma_semaphore, #tpu.memory_space<semaphore_mem>>)
    %dma_start3A_80 = arith.constant 1 : i32
    %dma_start3A_81 = arith.constant 0 : i32
    %dma_start3A_82 = tpu.memref_slice %arg9[%dma_start3A_80, %dma_start3A_81] : memref<2x80xi32, #tpu.memory_space<vmem>> -> memref<1x40xi32, #tpu.memory_space<vmem>>
    %dma_start3A_83 = tpu.memref_squeeze %dma_start3A_82 : memref<1x40xi32, #tpu.memory_space<vmem>> -> memref<40xi32, #tpu.memory_space<vmem>>
    %dma_start3A_84 = arith.constant 0 : i32
    %dma_start3A_85 = arith.constant 0 : i32
    %dma_start3A_86 = tpu.memref_slice %arg3[%dma_start3A_84, %dma_start3A_85] : memref<10000x128xf32, #tpu.memory_space<hbm>> -> memref<10000x128xf32, #tpu.memory_space<hbm>>
    tpu.enqueue_indirect_dma source(%dma_start3A_86 : memref<10000x128xf32, #tpu.memory_space<hbm>>) target(%arg13 : memref<40x128xf32, #tpu.memory_space<vmem>>) offsets(%dma_start3A_83 : memref<40xi32, #tpu.memory_space<vmem>>) semaphore(%arg21 : memref<!tpu.dma_semaphore, #tpu.memory_space<semaphore_mem>>)
    %dma_start3A_87 = arith.constant 0 : i32
    %dma_start3A_88 = tpu.memref_slice %arg4[%add3A_73, %dma_start3A_87] : memref<320000x128xf32, #tpu.memory_space<hbm>> -> memref<40x128xf32, #tpu.memory_space<hbm>>
    %dma_start3A_89 = arith.constant 0 : i32
    %dma_start3A_90 = tpu.memref_slice %arg4[%add3A_73, %dma_start3A_89] : memref<320000x128xf32, #tpu.memory_space<hbm>> -> memref<40x128xf32, #tpu.memory_space<hbm>>
    tpu.enqueue_dma source(%dma_start3A_90 : memref<40x128xf32, #tpu.memory_space<hbm>>) target(%arg14 : memref<40x128xf32, #tpu.memory_space<vmem>>) target_semaphore(%arg22 : memref<!tpu.dma_semaphore, #tpu.memory_space<semaphore_mem>>)
    %scan3A_91 = arith.constant 0 : i32
    %scan3A_92 = arith.constant 0 : i32
    %scan3A_93 = arith.constant 125 : i32
    %scan3A_94 = arith.addi %scan3A_92, %scan3A_93 : i32
    %scan3A_95 = arith.constant 1 : i32
    scf.for %scan3A_212 = %scan3A_92 to %scan3A_94 step %scan3A_95  : i32 {
      %mul3A_213 = arith.constant 2 : i32
      %mul3A_214 = arith.muli %mul3A_213, %scan3A_212 : i32
      %gt3A = arith.constant 0 : i32
      %gt3A_215 = arith.cmpi sgt, %scan3A_212, %gt3A : i32
      %convert_element_type3A_216 = arith.extui %gt3A_215 : i1 to i32
      %cond3A_217 = arith.constant 0 : i32
      %cond3A_218 = arith.cmpi ne, %convert_element_type3A_216, %cond3A_217 : i32
      scf.if %cond3A_218 {
        %dma_wait3A_1959 = arith.constant 0 : i32
        %dma_wait3A_1960 = arith.constant 0 : i32
        %dma_wait3A_1961 = tpu.memref_slice %arg8[%dma_wait3A_1959, %dma_wait3A_1960] : memref<10000x128xf32, #tpu.memory_space<vmem_shared>> -> memref<10000x128xf32, #tpu.memory_space<vmem_shared>>
        tpu.wait_indirect_dma semaphore(%arg27 : memref<!tpu.dma_semaphore, #tpu.memory_space<semaphore_mem>>) src(%arg18 : memref<40x128xf32, #tpu.memory_space<vmem>>) dst(%dma_wait3A_1961 : memref<10000x128xf32, #tpu.memory_space<vmem_shared>>)
      } else {
      }
      %add3A_219 = arith.constant 1 : i32
      %add3A_220 = arith.addi %mul3A_214, %add3A_219 : i32
      %mul3A_221 = arith.constant 40 : i32
      %mul3A_222 = arith.muli %add3A_220, %mul3A_221 : i32
      %add3A_223 = arith.addi %mul3A_69, %mul3A_222 : i32
      %dma_start3A_224 = arith.constant 0 : i32
      %dma_start3A_225 = arith.constant 40 : i32
      %dma_start3A_226 = tpu.memref_slice %arg9[%dma_start3A_224, %dma_start3A_225] : memref<2x80xi32, #tpu.memory_space<vmem>> -> memref<1x40xi32, #tpu.memory_space<vmem>>
      %dma_start3A_227 = tpu.memref_squeeze %dma_start3A_226 : memref<1x40xi32, #tpu.memory_space<vmem>> -> memref<40xi32, #tpu.memory_space<vmem>>
      %dma_start3A_228 = arith.constant 0 : i32
      %dma_start3A_229 = arith.constant 0 : i32
      %dma_start3A_230 = tpu.memref_slice %arg2[%dma_start3A_228, %dma_start3A_229] : memref<10000x128xf32, #tpu.memory_space<hbm>> -> memref<10000x128xf32, #tpu.memory_space<hbm>>
      tpu.enqueue_indirect_dma source(%dma_start3A_230 : memref<10000x128xf32, #tpu.memory_space<hbm>>) target(%arg15 : memref<40x128xf32, #tpu.memory_space<vmem>>) offsets(%dma_start3A_227 : memref<40xi32, #tpu.memory_space<vmem>>) semaphore(%arg23 : memref<!tpu.dma_semaphore, #tpu.memory_space<semaphore_mem>>)
      %dma_start3A_231 = arith.constant 1 : i32
      %dma_start3A_232 = arith.constant 40 : i32
      %dma_start3A_233 = tpu.memref_slice %arg9[%dma_start3A_231, %dma_start3A_232] : memref<2x80xi32, #tpu.memory_space<vmem>> -> memref<1x40xi32, #tpu.memory_space<vmem>>
      %dma_start3A_234 = tpu.memref_squeeze %dma_start3A_233 : memref<1x40xi32, #tpu.memory_space<vmem>> -> memref<40xi32, #tpu.memory_space<vmem>>
      %dma_start3A_235 = arith.constant 0 : i32
      %dma_start3A_236 = arith.constant 0 : i32
      %dma_start3A_237 = tpu.memref_slice %arg3[%dma_start3A_235, %dma_start3A_236] : memref<10000x128xf32, #tpu.memory_space<hbm>> -> memref<10000x128xf32, #tpu.memory_space<hbm>>
      tpu.enqueue_indirect_dma source(%dma_start3A_237 : memref<10000x128xf32, #tpu.memory_space<hbm>>) target(%arg16 : memref<40x128xf32, #tpu.memory_space<vmem>>) offsets(%dma_start3A_234 : memref<40xi32, #tpu.memory_space<vmem>>) semaphore(%arg24 : memref<!tpu.dma_semaphore, #tpu.memory_space<semaphore_mem>>)
      %dma_start3A_238 = arith.constant 0 : i32
      %dma_start3A_239 = tpu.memref_slice %arg4[%add3A_223, %dma_start3A_238] : memref<320000x128xf32, #tpu.memory_space<hbm>> -> memref<40x128xf32, #tpu.memory_space<hbm>>
      %dma_start3A_240 = arith.constant 0 : i32
      %dma_start3A_241 = tpu.memref_slice %arg4[%add3A_223, %dma_start3A_240] : memref<320000x128xf32, #tpu.memory_space<hbm>> -> memref<40x128xf32, #tpu.memory_space<hbm>>
      tpu.enqueue_dma source(%dma_start3A_241 : memref<40x128xf32, #tpu.memory_space<hbm>>) target(%arg17 : memref<40x128xf32, #tpu.memory_space<vmem>>) target_semaphore(%arg25 : memref<!tpu.dma_semaphore, #tpu.memory_space<semaphore_mem>>)
      %get3A = arith.constant 0 : i32
      %get3A_242 = arith.index_cast %get3A : i32 to index
      %get3A_243 = arith.constant 0 : index
      %get3A_244 = tpu.vector_load %arg9[%get3A_242, %get3A_243] {strides = array<i32>} : memref<2x80xi32, #tpu.memory_space<vmem>>, vector<16xi32>,
      %slice3A = vector.extract_strided_slice %get3A_244 {offsets = [0], sizes = [1], strides = [1]} : vector<16xi32> to vector<1xi32>
      %squeeze3A = vector.extract %slice3A[0] : i32 from vector<1xi32>
      %shift_right_logical3A = arith.constant 4 : i32
      %shift_right_logical3A_245 = arith.shrui %squeeze3A, %shift_right_logical3A : i32
      %and3A = arith.constant 15 : i32
      %and3A_246 = arith.andi %squeeze3A, %and3A : i32
      %eq3A = vector.broadcast %and3A_246 : i32 to vector<16xi32>
      %eq3A_247 = arith.cmpi eq, %iota3A, %eq3A : vector<16xi32>
      %jit3A = arith.constant 1.000000e+00 : f32
      %jit3A_248 = arith.constant 0.000000e+00 : f32
      %broadcast_in_dim3A_249 = vector.broadcast %jit3A : f32 to vector<16xf32>
      %broadcast_in_dim3A_250 = vector.broadcast %jit3A_248 : f32 to vector<16xf32>
      %select_n3A = arith.select %eq3A_247, %broadcast_in_dim3A_249, %broadcast_in_dim3A_250 : vector<16xi1>, vector<16xf32>
      %get3A_251 = arith.index_cast %shift_right_logical3A_245 : i32 to index
      %get3A_252 = arith.constant 0 : index
      %get3A_253 = tpu.vector_load %arg19[%get3A_251, %get3A_252] {strides = array<i32>} : memref<640x16xf32, #tpu.memory_space<vmem>>, vector<16xf32>,
      %add3A_254 = arith.addf %get3A_253, %select_n3A : vector<16xf32>
      %swap3A = arith.index_cast %shift_right_logical3A_245 : i32 to index
      %swap3A_255 = arith.constant 0 : index
      %swap3A_256 = tpu.vector_load %arg19[%swap3A, %swap3A_255] {strides = array<i32>} : memref<640x16xf32, #tpu.memory_space<vmem>>, vector<16xf32>,
      tpu.vector_store %arg19[%swap3A, %swap3A_255], %add3A_254 {strides = array<i32>} : memref<640x16xf32, #tpu.memory_space<vmem>>, vector<16xf32>,
      %slice3A_257 = vector.extract_strided_slice %get3A_244 {offsets = [1], sizes = [1], strides = [1]} : vector<16xi32> to vector<1xi32>
      %squeeze3A_258 = vector.extract %slice3A_257[0] : i32 from vector<1xi32>
      %shift_right_logical3A_259 = arith.constant 4 : i32
      %shift_right_logical3A_260 = arith.shrui %squeeze3A_258, %shift_right_logical3A_259 : i32
      %and3A_261 = arith.constant 15 : i32
      %and3A_262 = arith.andi %squeeze3A_258, %and3A_261 : i32
      %eq3A_263 = vector.broadcast %and3A_262 : i32 to vector<16xi32>
      %eq3A_264 = arith.cmpi eq, %iota3A, %eq3A_263 : vector<16xi32>
      %jit3A_265 = arith.constant 1.000000e+00 : f32
      %jit3A_266 = arith.constant 0.000000e+00 : f32
      %broadcast_in_dim3A_267 = vector.broadcast %jit3A_265 : f32 to vector<16xf32>
      %broadcast_in_dim3A_268 = vector.broadcast %jit3A_266 : f32 to vector<16xf32>
      %select_n3A_269 = arith.select %eq3A_264, %broadcast_in_dim3A_267, %broadcast_in_dim3A_268 : vector<16xi1>, vector<16xf32>
      %get3A_270 = arith.index_cast %shift_right_logical3A_260 : i32 to index
      %get3A_271 = arith.constant 0 : index
      %get3A_272 = tpu.vector_load %arg19[%get3A_270, %get3A_271] {strides = array<i32>} : memref<640x16xf32, #tpu.memory_space<vmem>>, vector<16xf32>,
      %add3A_273 = arith.addf %get3A_272, %select_n3A_269 : vector<16xf32>
      %swap3A_274 = arith.index_cast %shift_right_logical3A_260 : i32 to index
      %swap3A_275 = arith.constant 0 : index
      %swap3A_276 = tpu.vector_load %arg19[%swap3A_274, %swap3A_275] {strides = array<i32>} : memref<640x16xf32, #tpu.memory_space<vmem>>, vector<16xf32>,
      tpu.vector_store %arg19[%swap3A_274, %swap3A_275], %add3A_273 {strides = array<i32>} : memref<640x16xf32, #tpu.memory_space<vmem>>, vector<16xf32>,
      %slice3A_277 = vector.extract_strided_slice %get3A_244 {offsets = [2], sizes = [1], strides = [1]} : vector<16xi32> to vector<1xi32>
      %squeeze3A_278 = vector.extract %slice3A_277[0] : i32 from vector<1xi32>
      %shift_right_logical3A_279 = arith.constant 4 : i32
      %shift_right_logical3A_280 = arith.shrui %squeeze3A_278, %shift_right_logical3A_279 : i32
      %and3A_281 = arith.constant 15 : i32
      %and3A_282 = arith.andi %squeeze3A_278, %and3A_281 : i32
      %eq3A_283 = vector.broadcast %and3A_282 : i32 to vector<16xi32>
      %eq3A_284 = arith.cmpi eq, %iota3A, %eq3A_283 : vector<16xi32>
      %jit3A_285 = arith.constant 1.000000e+00 : f32
      %jit3A_286 = arith.constant 0.000000e+00 : f32
      %broadcast_in_dim3A_287 = vector.broadcast %jit3A_285 : f32 to vector<16xf32>
      %broadcast_in_dim3A_288 = vector.broadcast %jit3A_286 : f32 to vector<16xf32>
      %select_n3A_289 = arith.select %eq3A_284, %broadcast_in_dim3A_287, %broadcast_in_dim3A_288 : vector<16xi1>, vector<16xf32>
      %get3A_290 = arith.index_cast %shift_right_logical3A_280 : i32 to index
      %get3A_291 = arith.constant 0 : index
      %get3A_292 = tpu.vector_load %arg19[%get3A_290, %get3A_291] {strides = array<i32>} : memref<640x16xf32, #tpu.memory_space<vmem>>, vector<16xf32>,
      %add3A_293 = arith.addf %get3A_292, %select_n3A_289 : vector<16xf32>
      %swap3A_294 = arith.index_cast %shift_right_logical3A_280 : i32 to index
      %swap3A_295 = arith.constant 0 : index
      %swap3A_296 = tpu.vector_load %arg19[%swap3A_294, %swap3A_295] {strides = array<i32>} : memref<640x16xf32, #tpu.memory_space<vmem>>, vector<16xf32>,
      tpu.vector_store %arg19[%swap3A_294, %swap3A_295], %add3A_293 {strides = array<i32>} : memref<640x16xf32, #tpu.memory_space<vmem>>, vector<16xf32>,
      %slice3A_297 = vector.extract_strided_slice %get3A_244 {offsets = [3], sizes = [1], strides = [1]} : vector<16xi32> to vector<1xi32>
      %squeeze3A_298 = vector.extract %slice3A_297[0] : i32 from vector<1xi32>
      %shift_right_logical3A_299 = arith.constant 4 : i32
      %shift_right_logical3A_300 = arith.shrui %squeeze3A_298, %shift_right_logical3A_299 : i32
      %and3A_301 = arith.constant 15 : i32
      %and3A_302 = arith.andi %squeeze3A_298, %and3A_301 : i32
      %eq3A_303 = vector.broadcast %and3A_302 : i32 to vector<16xi32>
      %eq3A_304 = arith.cmpi eq, %iota3A, %eq3A_303 : vector<16xi32>
      %jit3A_305 = arith.constant 1.000000e+00 : f32
      %jit3A_306 = arith.constant 0.000000e+00 : f32
      %broadcast_in_dim3A_307 = vector.broadcast %jit3A_305 : f32 to vector<16xf32>
      %broadcast_in_dim3A_308 = vector.broadcast %jit3A_306 : f32 to vector<16xf32>
      %select_n3A_309 = arith.select %eq3A_304, %broadcast_in_dim3A_307, %broadcast_in_dim3A_308 : vector<16xi1>, vector<16xf32>
      %get3A_310 = arith.index_cast %shift_right_logical3A_300 : i32 to index
      %get3A_311 = arith.constant 0 : index
      %get3A_312 = tpu.vector_load %arg19[%get3A_310, %get3A_311] {strides = array<i32>} : memref<640x16xf32, #tpu.memory_space<vmem>>, vector<16xf32>,
      %add3A_313 = arith.addf %get3A_312, %select_n3A_309 : vector<16xf32>
      %swap3A_314 = arith.index_cast %shift_right_logical3A_300 : i32 to index
      %swap3A_315 = arith.constant 0 : index
      %swap3A_316 = tpu.vector_load %arg19[%swap3A_314, %swap3A_315] {strides = array<i32>} : memref<640x16xf32, #tpu.memory_space<vmem>>, vector<16xf32>,
      tpu.vector_store %arg19[%swap3A_314, %swap3A_315], %add3A_313 {strides = array<i32>} : memref<640x16xf32, #tpu.memory_space<vmem>>, vector<16xf32>,
      %slice3A_317 = vector.extract_strided_slice %get3A_244 {offsets = [4], sizes = [1], strides = [1]} : vector<16xi32> to vector<1xi32>
      %squeeze3A_318 = vector.extract %slice3A_317[0] : i32 from vector<1xi32>
      %shift_right_logical3A_319 = arith.constant 4 : i32
      %shift_right_logical3A_320 = arith.shrui %squeeze3A_318, %shift_right_logical3A_319 : i32
      %and3A_321 = arith.constant 15 : i32
      %and3A_322 = arith.andi %squeeze3A_318, %and3A_321 : i32
      %eq3A_323 = vector.broadcast %and3A_322 : i32 to vector<16xi32>
      %eq3A_324 = arith.cmpi eq, %iota3A, %eq3A_323 : vector<16xi32>
      %jit3A_325 = arith.constant 1.000000e+00 : f32
      %jit3A_326 = arith.constant 0.000000e+00 : f32
      %broadcast_in_dim3A_327 = vector.broadcast %jit3A_325 : f32 to vector<16xf32>
      %broadcast_in_dim3A_328 = vector.broadcast %jit3A_326 : f32 to vector<16xf32>
      %select_n3A_329 = arith.select %eq3A_324, %broadcast_in_dim3A_327, %broadcast_in_dim3A_328 : vector<16xi1>, vector<16xf32>
      %get3A_330 = arith.index_cast %shift_right_logical3A_320 : i32 to index
      %get3A_331 = arith.constant 0 : index
      %get3A_332 = tpu.vector_load %arg19[%get3A_330, %get3A_331] {strides = array<i32>} : memref<640x16xf32, #tpu.memory_space<vmem>>, vector<16xf32>,
      %add3A_333 = arith.addf %get3A_332, %select_n3A_329 : vector<16xf32>
      %swap3A_334 = arith.index_cast %shift_right_logical3A_320 : i32 to index
      %swap3A_335 = arith.constant 0 : index
      %swap3A_336 = tpu.vector_load %arg19[%swap3A_334, %swap3A_335] {strides = array<i32>} : memref<640x16xf32, #tpu.memory_space<vmem>>, vector<16xf32>,
      tpu.vector_store %arg19[%swap3A_334, %swap3A_335], %add3A_333 {strides = array<i32>} : memref<640x16xf32, #tpu.memory_space<vmem>>, vector<16xf32>,
      %slice3A_337 = vector.extract_strided_slice %get3A_244 {offsets = [5], sizes = [1], strides = [1]} : vector<16xi32> to vector<1xi32>
      %squeeze3A_338 = vector.extract %slice3A_337[0] : i32 from vector<1xi32>
      %shift_right_logical3A_339 = arith.constant 4 : i32
      %shift_right_logical3A_340 = arith.shrui %squeeze3A_338, %shift_right_logical3A_339 : i32
      %and3A_341 = arith.constant 15 : i32
      %and3A_342 = arith.andi %squeeze3A_338, %and3A_341 : i32
      %eq3A_343 = vector.broadcast %and3A_342 : i32 to vector<16xi32>
      %eq3A_344 = arith.cmpi eq, %iota3A, %eq3A_343 : vector<16xi32>
      %jit3A_345 = arith.constant 1.000000e+00 : f32
      %jit3A_346 = arith.constant 0.000000e+00 : f32
      %broadcast_in_dim3A_347 = vector.broadcast %jit3A_345 : f32 to vector<16xf32>
      %broadcast_in_dim3A_348 = vector.broadcast %jit3A_346 : f32 to vector<16xf32>
      %select_n3A_349 = arith.select %eq3A_344, %broadcast_in_dim3A_347, %broadcast_in_dim3A_348 : vector<16xi1>, vector<16xf32>
      %get3A_350 = arith.index_cast %shift_right_logical3A_340 : i32 to index
      %get3A_351 = arith.constant 0 : index
      %get3A_352 = tpu.vector_load %arg19[%get3A_350, %get3A_351] {strides = array<i32>} : memref<640x16xf32, #tpu.memory_space<vmem>>, vector<16xf32>,
      %add3A_353 = arith.addf %get3A_352, %select_n3A_349 : vector<16xf32>
      %swap3A_354 = arith.index_cast %shift_right_logical3A_340 : i32 to index
      %swap3A_355 = arith.constant 0 : index
      %swap3A_356 = tpu.vector_load %arg19[%swap3A_354, %swap3A_355] {strides = array<i32>} : memref<640x16xf32, #tpu.memory_space<vmem>>, vector<16xf32>,
      tpu.vector_store %arg19[%swap3A_354, %swap3A_355], %add3A_353 {strides = array<i32>} : memref<640x16xf32, #tpu.memory_space<vmem>>, vector<16xf32>,
      %slice3A_357 = vector.extract_strided_slice %get3A_244 {offsets = [6], sizes = [1], strides = [1]} : vector<16xi32> to vector<1xi32>
      %squeeze3A_358 = vector.extract %slice3A_357[0] : i32 from vector<1xi32>
      %shift_right_logical3A_359 = arith.constant 4 : i32
      %shift_right_logical3A_360 = arith.shrui %squeeze3A_358, %shift_right_logical3A_359 : i32
      %and3A_361 = arith.constant 15 : i32
      %and3A_362 = arith.andi %squeeze3A_358, %and3A_361 : i32
      %eq3A_363 = vector.broadcast %and3A_362 : i32 to vector<16xi32>
      %eq3A_364 = arith.cmpi eq, %iota3A, %eq3A_363 : vector<16xi32>
      %jit3A_365 = arith.constant 1.000000e+00 : f32
      %jit3A_366 = arith.constant 0.000000e+00 : f32
      %broadcast_in_dim3A_367 = vector.broadcast %jit3A_365 : f32 to vector<16xf32>
      %broadcast_in_dim3A_368 = vector.broadcast %jit3A_366 : f32 to vector<16xf32>
      %select_n3A_369 = arith.select %eq3A_364, %broadcast_in_dim3A_367, %broadcast_in_dim3A_368 : vector<16xi1>, vector<16xf32>
      %get3A_370 = arith.index_cast %shift_right_logical3A_360 : i32 to index
      %get3A_371 = arith.constant 0 : index
      %get3A_372 = tpu.vector_load %arg19[%get3A_370, %get3A_371] {strides = array<i32>} : memref<640x16xf32, #tpu.memory_space<vmem>>, vector<16xf32>,
      %add3A_373 = arith.addf %get3A_372, %select_n3A_369 : vector<16xf32>
      %swap3A_374 = arith.index_cast %shift_right_logical3A_360 : i32 to index
      %swap3A_375 = arith.constant 0 : index
      %swap3A_376 = tpu.vector_load %arg19[%swap3A_374, %swap3A_375] {strides = array<i32>} : memref<640x16xf32, #tpu.memory_space<vmem>>, vector<16xf32>,
      tpu.vector_store %arg19[%swap3A_374, %swap3A_375], %add3A_373 {strides = array<i32>} : memref<640x16xf32, #tpu.memory_space<vmem>>, vector<16xf32>,
      %slice3A_377 = vector.extract_strided_slice %get3A_244 {offsets = [7], sizes = [1], strides = [1]} : vector<16xi32> to vector<1xi32>
      %squeeze3A_378 = vector.extract %slice3A_377[0] : i32 from vector<1xi32>
      %shift_right_logical3A_379 = arith.constant 4 : i32
      %shift_right_logical3A_380 = arith.shrui %squeeze3A_378, %shift_right_logical3A_379 : i32
      %and3A_381 = arith.constant 15 : i32
      %and3A_382 = arith.andi %squeeze3A_378, %and3A_381 : i32
      %eq3A_383 = vector.broadcast %and3A_382 : i32 to vector<16xi32>
      %eq3A_384 = arith.cmpi eq, %iota3A, %eq3A_383 : vector<16xi32>
      %jit3A_385 = arith.constant 1.000000e+00 : f32
      %jit3A_386 = arith.constant 0.000000e+00 : f32
      %broadcast_in_dim3A_387 = vector.broadcast %jit3A_385 : f32 to vector<16xf32>
      %broadcast_in_dim3A_388 = vector.broadcast %jit3A_386 : f32 to vector<16xf32>
      %select_n3A_389 = arith.select %eq3A_384, %broadcast_in_dim3A_387, %broadcast_in_dim3A_388 : vector<16xi1>, vector<16xf32>
      %get3A_390 = arith.index_cast %shift_right_logical3A_380 : i32 to index
      %get3A_391 = arith.constant 0 : index
      %get3A_392 = tpu.vector_load %arg19[%get3A_390, %get3A_391] {strides = array<i32>} : memref<640x16xf32, #tpu.memory_space<vmem>>, vector<16xf32>,
      %add3A_393 = arith.addf %get3A_392, %select_n3A_389 : vector<16xf32>
      %swap3A_394 = arith.index_cast %shift_right_logical3A_380 : i32 to index
      %swap3A_395 = arith.constant 0 : index
      %swap3A_396 = tpu.vector_load %arg19[%swap3A_394, %swap3A_395] {strides = array<i32>} : memref<640x16xf32, #tpu.memory_space<vmem>>, vector<16xf32>,
      tpu.vector_store %arg19[%swap3A_394, %swap3A_395], %add3A_393 {strides = array<i32>} : memref<640x16xf32, #tpu.memory_space<vmem>>, vector<16xf32>,
      %slice3A_397 = vector.extract_strided_slice %get3A_244 {offsets = [8], sizes = [1], strides = [1]} : vector<16xi32> to vector<1xi32>
      %squeeze3A_398 = vector.extract %slice3A_397[0] : i32 from vector<1xi32>
      %shift_right_logical3A_399 = arith.constant 4 : i32
      %shift_right_logical3A_400 = arith.shrui %squeeze3A_398, %shift_right_logical3A_399 : i32
      %and3A_401 = arith.constant 15 : i32
      %and3A_402 = arith.andi %squeeze3A_398, %and3A_401 : i32
      %eq3A_403 = vector.broadcast %and3A_402 : i32 to vector<16xi32>
      %eq3A_404 = arith.cmpi eq, %iota3A, %eq3A_403 : vector<16xi32>
      %jit3A_405 = arith.constant 1.000000e+00 : f32
      %jit3A_406 = arith.constant 0.000000e+00 : f32
      %broadcast_in_dim3A_407 = vector.broadcast %jit3A_405 : f32 to vector<16xf32>
      %broadcast_in_dim3A_408 = vector.broadcast %jit3A_406 : f32 to vector<16xf32>
      %select_n3A_409 = arith.select %eq3A_404, %broadcast_in_dim3A_407, %broadcast_in_dim3A_408 : vector<16xi1>, vector<16xf32>
      %get3A_410 = arith.index_cast %shift_right_logical3A_400 : i32 to index
      %get3A_411 = arith.constant 0 : index
      %get3A_412 = tpu.vector_load %arg19[%get3A_410, %get3A_411] {strides = array<i32>} : memref<640x16xf32, #tpu.memory_space<vmem>>, vector<16xf32>,
      %add3A_413 = arith.addf %get3A_412, %select_n3A_409 : vector<16xf32>
      %swap3A_414 = arith.index_cast %shift_right_logical3A_400 : i32 to index
      %swap3A_415 = arith.constant 0 : index
      %swap3A_416 = tpu.vector_load %arg19[%swap3A_414, %swap3A_415] {strides = array<i32>} : memref<640x16xf32, #tpu.memory_space<vmem>>, vector<16xf32>,
      tpu.vector_store %arg19[%swap3A_414, %swap3A_415], %add3A_413 {strides = array<i32>} : memref<640x16xf32, #tpu.memory_space<vmem>>, vector<16xf32>,
      %slice3A_417 = vector.extract_strided_slice %get3A_244 {offsets = [9], sizes = [1], strides = [1]} : vector<16xi32> to vector<1xi32>
      %squeeze3A_418 = vector.extract %slice3A_417[0] : i32 from vector<1xi32>
      %shift_right_logical3A_419 = arith.constant 4 : i32
      %shift_right_logical3A_420 = arith.shrui %squeeze3A_418, %shift_right_logical3A_419 : i32
      %and3A_421 = arith.constant 15 : i32
      %and3A_422 = arith.andi %squeeze3A_418, %and3A_421 : i32
      %eq3A_423 = vector.broadcast %and3A_422 : i32 to vector<16xi32>
      %eq3A_424 = arith.cmpi eq, %iota3A, %eq3A_423 : vector<16xi32>
      %jit3A_425 = arith.constant 1.000000e+00 : f32
      %jit3A_426 = arith.constant 0.000000e+00 : f32
      %broadcast_in_dim3A_427 = vector.broadcast %jit3A_425 : f32 to vector<16xf32>
      %broadcast_in_dim3A_428 = vector.broadcast %jit3A_426 : f32 to vector<16xf32>
      %select_n3A_429 = arith.select %eq3A_424, %broadcast_in_dim3A_427, %broadcast_in_dim3A_428 : vector<16xi1>, vector<16xf32>
      %get3A_430 = arith.index_cast %shift_right_logical3A_420 : i32 to index
      %get3A_431 = arith.constant 0 : index
      %get3A_432 = tpu.vector_load %arg19[%get3A_430, %get3A_431] {strides = array<i32>} : memref<640x16xf32, #tpu.memory_space<vmem>>, vector<16xf32>,
      %add3A_433 = arith.addf %get3A_432, %select_n3A_429 : vector<16xf32>
      %swap3A_434 = arith.index_cast %shift_right_logical3A_420 : i32 to index
      %swap3A_435 = arith.constant 0 : index
      %swap3A_436 = tpu.vector_load %arg19[%swap3A_434, %swap3A_435] {strides = array<i32>} : memref<640x16xf32, #tpu.memory_space<vmem>>, vector<16xf32>,
      tpu.vector_store %arg19[%swap3A_434, %swap3A_435], %add3A_433 {strides = array<i32>} : memref<640x16xf32, #tpu.memory_space<vmem>>, vector<16xf32>,
      %slice3A_437 = vector.extract_strided_slice %get3A_244 {offsets = [10], sizes = [1], strides = [1]} : vector<16xi32> to vector<1xi32>
      %squeeze3A_438 = vector.extract %slice3A_437[0] : i32 from vector<1xi32>
      %shift_right_logical3A_439 = arith.constant 4 : i32
      %shift_right_logical3A_440 = arith.shrui %squeeze3A_438, %shift_right_logical3A_439 : i32
      %and3A_441 = arith.constant 15 : i32
      %and3A_442 = arith.andi %squeeze3A_438, %and3A_441 : i32
      %eq3A_443 = vector.broadcast %and3A_442 : i32 to vector<16xi32>
      %eq3A_444 = arith.cmpi eq, %iota3A, %eq3A_443 : vector<16xi32>
      %jit3A_445 = arith.constant 1.000000e+00 : f32
      %jit3A_446 = arith.constant 0.000000e+00 : f32
      %broadcast_in_dim3A_447 = vector.broadcast %jit3A_445 : f32 to vector<16xf32>
      %broadcast_in_dim3A_448 = vector.broadcast %jit3A_446 : f32 to vector<16xf32>
      %select_n3A_449 = arith.select %eq3A_444, %broadcast_in_dim3A_447, %broadcast_in_dim3A_448 : vector<16xi1>, vector<16xf32>
      %get3A_450 = arith.index_cast %shift_right_logical3A_440 : i32 to index
      %get3A_451 = arith.constant 0 : index
      %get3A_452 = tpu.vector_load %arg19[%get3A_450, %get3A_451] {strides = array<i32>} : memref<640x16xf32, #tpu.memory_space<vmem>>, vector<16xf32>,
      %add3A_453 = arith.addf %get3A_452, %select_n3A_449 : vector<16xf32>
      %swap3A_454 = arith.index_cast %shift_right_logical3A_440 : i32 to index
      %swap3A_455 = arith.constant 0 : index
      %swap3A_456 = tpu.vector_load %arg19[%swap3A_454, %swap3A_455] {strides = array<i32>} : memref<640x16xf32, #tpu.memory_space<vmem>>, vector<16xf32>,
      tpu.vector_store %arg19[%swap3A_454, %swap3A_455], %add3A_453 {strides = array<i32>} : memref<640x16xf32, #tpu.memory_space<vmem>>, vector<16xf32>,
      %slice3A_457 = vector.extract_strided_slice %get3A_244 {offsets = [11], sizes = [1], strides = [1]} : vector<16xi32> to vector<1xi32>
      %squeeze3A_458 = vector.extract %slice3A_457[0] : i32 from vector<1xi32>
      %shift_right_logical3A_459 = arith.constant 4 : i32
      %shift_right_logical3A_460 = arith.shrui %squeeze3A_458, %shift_right_logical3A_459 : i32
      %and3A_461 = arith.constant 15 : i32
      %and3A_462 = arith.andi %squeeze3A_458, %and3A_461 : i32
      %eq3A_463 = vector.broadcast %and3A_462 : i32 to vector<16xi32>
      %eq3A_464 = arith.cmpi eq, %iota3A, %eq3A_463 : vector<16xi32>
      %jit3A_465 = arith.constant 1.000000e+00 : f32
      %jit3A_466 = arith.constant 0.000000e+00 : f32
      %broadcast_in_dim3A_467 = vector.broadcast %jit3A_465 : f32 to vector<16xf32>
      %broadcast_in_dim3A_468 = vector.broadcast %jit3A_466 : f32 to vector<16xf32>
      %select_n3A_469 = arith.select %eq3A_464, %broadcast_in_dim3A_467, %broadcast_in_dim3A_468 : vector<16xi1>, vector<16xf32>
      %get3A_470 = arith.index_cast %shift_right_logical3A_460 : i32 to index
      %get3A_471 = arith.constant 0 : index
      %get3A_472 = tpu.vector_load %arg19[%get3A_470, %get3A_471] {strides = array<i32>} : memref<640x16xf32, #tpu.memory_space<vmem>>, vector<16xf32>,
      %add3A_473 = arith.addf %get3A_472, %select_n3A_469 : vector<16xf32>
      %swap3A_474 = arith.index_cast %shift_right_logical3A_460 : i32 to index
      %swap3A_475 = arith.constant 0 : index
      %swap3A_476 = tpu.vector_load %arg19[%swap3A_474, %swap3A_475] {strides = array<i32>} : memref<640x16xf32, #tpu.memory_space<vmem>>, vector<16xf32>,
      tpu.vector_store %arg19[%swap3A_474, %swap3A_475], %add3A_473 {strides = array<i32>} : memref<640x16xf32, #tpu.memory_space<vmem>>, vector<16xf32>,
      %slice3A_477 = vector.extract_strided_slice %get3A_244 {offsets = [12], sizes = [1], strides = [1]} : vector<16xi32> to vector<1xi32>
      %squeeze3A_478 = vector.extract %slice3A_477[0] : i32 from vector<1xi32>
      %shift_right_logical3A_479 = arith.constant 4 : i32
      %shift_right_logical3A_480 = arith.shrui %squeeze3A_478, %shift_right_logical3A_479 : i32
      %and3A_481 = arith.constant 15 : i32
      %and3A_482 = arith.andi %squeeze3A_478, %and3A_481 : i32
      %eq3A_483 = vector.broadcast %and3A_482 : i32 to vector<16xi32>
      %eq3A_484 = arith.cmpi eq, %iota3A, %eq3A_483 : vector<16xi32>
      %jit3A_485 = arith.constant 1.000000e+00 : f32
      %jit3A_486 = arith.constant 0.000000e+00 : f32
      %broadcast_in_dim3A_487 = vector.broadcast %jit3A_485 : f32 to vector<16xf32>
      %broadcast_in_dim3A_488 = vector.broadcast %jit3A_486 : f32 to vector<16xf32>
      %select_n3A_489 = arith.select %eq3A_484, %broadcast_in_dim3A_487, %broadcast_in_dim3A_488 : vector<16xi1>, vector<16xf32>
      %get3A_490 = arith.index_cast %shift_right_logical3A_480 : i32 to index
      %get3A_491 = arith.constant 0 : index
      %get3A_492 = tpu.vector_load %arg19[%get3A_490, %get3A_491] {strides = array<i32>} : memref<640x16xf32, #tpu.memory_space<vmem>>, vector<16xf32>,
      %add3A_493 = arith.addf %get3A_492, %select_n3A_489 : vector<16xf32>
      %swap3A_494 = arith.index_cast %shift_right_logical3A_480 : i32 to index
      %swap3A_495 = arith.constant 0 : index
      %swap3A_496 = tpu.vector_load %arg19[%swap3A_494, %swap3A_495] {strides = array<i32>} : memref<640x16xf32, #tpu.memory_space<vmem>>, vector<16xf32>,
      tpu.vector_store %arg19[%swap3A_494, %swap3A_495], %add3A_493 {strides = array<i32>} : memref<640x16xf32, #tpu.memory_space<vmem>>, vector<16xf32>,
      %slice3A_497 = vector.extract_strided_slice %get3A_244 {offsets = [13], sizes = [1], strides = [1]} : vector<16xi32> to vector<1xi32>
      %squeeze3A_498 = vector.extract %slice3A_497[0] : i32 from vector<1xi32>
      %shift_right_logical3A_499 = arith.constant 4 : i32
      %shift_right_logical3A_500 = arith.shrui %squeeze3A_498, %shift_right_logical3A_499 : i32
      %and3A_501 = arith.constant 15 : i32
      %and3A_502 = arith.andi %squeeze3A_498, %and3A_501 : i32
      %eq3A_503 = vector.broadcast %and3A_502 : i32 to vector<16xi32>
      %eq3A_504 = arith.cmpi eq, %iota3A, %eq3A_503 : vector<16xi32>
      %jit3A_505 = arith.constant 1.000000e+00 : f32
      %jit3A_506 = arith.constant 0.000000e+00 : f32
      %broadcast_in_dim3A_507 = vector.broadcast %jit3A_505 : f32 to vector<16xf32>
      %broadcast_in_dim3A_508 = vector.broadcast %jit3A_506 : f32 to vector<16xf32>
      %select_n3A_509 = arith.select %eq3A_504, %broadcast_in_dim3A_507, %broadcast_in_dim3A_508 : vector<16xi1>, vector<16xf32>
      %get3A_510 = arith.index_cast %shift_right_logical3A_500 : i32 to index
      %get3A_511 = arith.constant 0 : index
      %get3A_512 = tpu.vector_load %arg19[%get3A_510, %get3A_511] {strides = array<i32>} : memref<640x16xf32, #tpu.memory_space<vmem>>, vector<16xf32>,
      %add3A_513 = arith.addf %get3A_512, %select_n3A_509 : vector<16xf32>
      %swap3A_514 = arith.index_cast %shift_right_logical3A_500 : i32 to index
      %swap3A_515 = arith.constant 0 : index
      %swap3A_516 = tpu.vector_load %arg19[%swap3A_514, %swap3A_515] {strides = array<i32>} : memref<640x16xf32, #tpu.memory_space<vmem>>, vector<16xf32>,
      tpu.vector_store %arg19[%swap3A_514, %swap3A_515], %add3A_513 {strides = array<i32>} : memref<640x16xf32, #tpu.memory_space<vmem>>, vector<16xf32>,
      %slice3A_517 = vector.extract_strided_slice %get3A_244 {offsets = [14], sizes = [1], strides = [1]} : vector<16xi32> to vector<1xi32>
      %squeeze3A_518 = vector.extract %slice3A_517[0] : i32 from vector<1xi32>
      %shift_right_logical3A_519 = arith.constant 4 : i32
      %shift_right_logical3A_520 = arith.shrui %squeeze3A_518, %shift_right_logical3A_519 : i32
      %and3A_521 = arith.constant 15 : i32
      %and3A_522 = arith.andi %squeeze3A_518, %and3A_521 : i32
      %eq3A_523 = vector.broadcast %and3A_522 : i32 to vector<16xi32>
      %eq3A_524 = arith.cmpi eq, %iota3A, %eq3A_523 : vector<16xi32>
      %jit3A_525 = arith.constant 1.000000e+00 : f32
      %jit3A_526 = arith.constant 0.000000e+00 : f32
      %broadcast_in_dim3A_527 = vector.broadcast %jit3A_525 : f32 to vector<16xf32>
      %broadcast_in_dim3A_528 = vector.broadcast %jit3A_526 : f32 to vector<16xf32>
      %select_n3A_529 = arith.select %eq3A_524, %broadcast_in_dim3A_527, %broadcast_in_dim3A_528 : vector<16xi1>, vector<16xf32>
      %get3A_530 = arith.index_cast %shift_right_logical3A_520 : i32 to index
      %get3A_531 = arith.constant 0 : index
      %get3A_532 = tpu.vector_load %arg19[%get3A_530, %get3A_531] {strides = array<i32>} : memref<640x16xf32, #tpu.memory_space<vmem>>, vector<16xf32>,
      %add3A_533 = arith.addf %get3A_532, %select_n3A_529 : vector<16xf32>
      %swap3A_534 = arith.index_cast %shift_right_logical3A_520 : i32 to index
      %swap3A_535 = arith.constant 0 : index
      %swap3A_536 = tpu.vector_load %arg19[%swap3A_534, %swap3A_535] {strides = array<i32>} : memref<640x16xf32, #tpu.memory_space<vmem>>, vector<16xf32>,
      tpu.vector_store %arg19[%swap3A_534, %swap3A_535], %add3A_533 {strides = array<i32>} : memref<640x16xf32, #tpu.memory_space<vmem>>, vector<16xf32>,
      %slice3A_537 = vector.extract_strided_slice %get3A_244 {offsets = [15], sizes = [1], strides = [1]} : vector<16xi32> to vector<1xi32>
      %squeeze3A_538 = vector.extract %slice3A_537[0] : i32 from vector<1xi32>
      %shift_right_logical3A_539 = arith.constant 4 : i32
      %shift_right_logical3A_540 = arith.shrui %squeeze3A_538, %shift_right_logical3A_539 : i32
      %and3A_541 = arith.constant 15 : i32
      %and3A_542 = arith.andi %squeeze3A_538, %and3A_541 : i32
      %eq3A_543 = vector.broadcast %and3A_542 : i32 to vector<16xi32>
      %eq3A_544 = arith.cmpi eq, %iota3A, %eq3A_543 : vector<16xi32>
      %jit3A_545 = arith.constant 1.000000e+00 : f32
      %jit3A_546 = arith.constant 0.000000e+00 : f32
      %broadcast_in_dim3A_547 = vector.broadcast %jit3A_545 : f32 to vector<16xf32>
      %broadcast_in_dim3A_548 = vector.broadcast %jit3A_546 : f32 to vector<16xf32>
      %select_n3A_549 = arith.select %eq3A_544, %broadcast_in_dim3A_547, %broadcast_in_dim3A_548 : vector<16xi1>, vector<16xf32>
      %get3A_550 = arith.index_cast %shift_right_logical3A_540 : i32 to index
      %get3A_551 = arith.constant 0 : index
      %get3A_552 = tpu.vector_load %arg19[%get3A_550, %get3A_551] {strides = array<i32>} : memref<640x16xf32, #tpu.memory_space<vmem>>, vector<16xf32>,
      %add3A_553 = arith.addf %get3A_552, %select_n3A_549 : vector<16xf32>
      %swap3A_554 = arith.index_cast %shift_right_logical3A_540 : i32 to index
      %swap3A_555 = arith.constant 0 : index
      %swap3A_556 = tpu.vector_load %arg19[%swap3A_554, %swap3A_555] {strides = array<i32>} : memref<640x16xf32, #tpu.memory_space<vmem>>, vector<16xf32>,
      tpu.vector_store %arg19[%swap3A_554, %swap3A_555], %add3A_553 {strides = array<i32>} : memref<640x16xf32, #tpu.memory_space<vmem>>, vector<16xf32>,
      %get3A_557 = arith.constant 0 : i32
      %get3A_558 = arith.index_cast %get3A_557 : i32 to index
      %get3A_559 = arith.constant 16 : index
      %get3A_560 = tpu.vector_load %arg9[%get3A_558, %get3A_559] {strides = array<i32>} : memref<2x80xi32, #tpu.memory_space<vmem>>, vector<16xi32>,
      %slice3A_561 = vector.extract_strided_slice %get3A_560 {offsets = [0], sizes = [1], strides = [1]} : vector<16xi32> to vector<1xi32>
      %squeeze3A_562 = vector.extract %slice3A_561[0] : i32 from vector<1xi32>
      %shift_right_logical3A_563 = arith.constant 4 : i32
      %shift_right_logical3A_564 = arith.shrui %squeeze3A_562, %shift_right_logical3A_563 : i32
      %and3A_565 = arith.constant 15 : i32
      %and3A_566 = arith.andi %squeeze3A_562, %and3A_565 : i32
      %eq3A_567 = vector.broadcast %and3A_566 : i32 to vector<16xi32>
      %eq3A_568 = arith.cmpi eq, %iota3A, %eq3A_567 : vector<16xi32>
      %jit3A_569 = arith.constant 1.000000e+00 : f32
      %jit3A_570 = arith.constant 0.000000e+00 : f32
      %broadcast_in_dim3A_571 = vector.broadcast %jit3A_569 : f32 to vector<16xf32>
      %broadcast_in_dim3A_572 = vector.broadcast %jit3A_570 : f32 to vector<16xf32>
      %select_n3A_573 = arith.select %eq3A_568, %broadcast_in_dim3A_571, %broadcast_in_dim3A_572 : vector<16xi1>, vector<16xf32>
      %get3A_574 = arith.index_cast %shift_right_logical3A_564 : i32 to index
      %get3A_575 = arith.constant 0 : index
      %get3A_576 = tpu.vector_load %arg19[%get3A_574, %get3A_575] {strides = array<i32>} : memref<640x16xf32, #tpu.memory_space<vmem>>, vector<16xf32>,
      %add3A_577 = arith.addf %get3A_576, %select_n3A_573 : vector<16xf32>
      %swap3A_578 = arith.index_cast %shift_right_logical3A_564 : i32 to index
      %swap3A_579 = arith.constant 0 : index
      %swap3A_580 = tpu.vector_load %arg19[%swap3A_578, %swap3A_579] {strides = array<i32>} : memref<640x16xf32, #tpu.memory_space<vmem>>, vector<16xf32>,
      tpu.vector_store %arg19[%swap3A_578, %swap3A_579], %add3A_577 {strides = array<i32>} : memref<640x16xf32, #tpu.memory_space<vmem>>, vector<16xf32>,
      %slice3A_581 = vector.extract_strided_slice %get3A_560 {offsets = [1], sizes = [1], strides = [1]} : vector<16xi32> to vector<1xi32>
      %squeeze3A_582 = vector.extract %slice3A_581[0] : i32 from vector<1xi32>
      %shift_right_logical3A_583 = arith.constant 4 : i32
      %shift_right_logical3A_584 = arith.shrui %squeeze3A_582, %shift_right_logical3A_583 : i32
      %and3A_585 = arith.constant 15 : i32
      %and3A_586 = arith.andi %squeeze3A_582, %and3A_585 : i32
      %eq3A_587 = vector.broadcast %and3A_586 : i32 to vector<16xi32>
      %eq3A_588 = arith.cmpi eq, %iota3A, %eq3A_587 : vector<16xi32>
      %jit3A_589 = arith.constant 1.000000e+00 : f32
      %jit3A_590 = arith.constant 0.000000e+00 : f32
      %broadcast_in_dim3A_591 = vector.broadcast %jit3A_589 : f32 to vector<16xf32>
      %broadcast_in_dim3A_592 = vector.broadcast %jit3A_590 : f32 to vector<16xf32>
      %select_n3A_593 = arith.select %eq3A_588, %broadcast_in_dim3A_591, %broadcast_in_dim3A_592 : vector<16xi1>, vector<16xf32>
      %get3A_594 = arith.index_cast %shift_right_logical3A_584 : i32 to index
      %get3A_595 = arith.constant 0 : index
      %get3A_596 = tpu.vector_load %arg19[%get3A_594, %get3A_595] {strides = array<i32>} : memref<640x16xf32, #tpu.memory_space<vmem>>, vector<16xf32>,
      %add3A_597 = arith.addf %get3A_596, %select_n3A_593 : vector<16xf32>
      %swap3A_598 = arith.index_cast %shift_right_logical3A_584 : i32 to index
      %swap3A_599 = arith.constant 0 : index
      %swap3A_600 = tpu.vector_load %arg19[%swap3A_598, %swap3A_599] {strides = array<i32>} : memref<640x16xf32, #tpu.memory_space<vmem>>, vector<16xf32>,
      tpu.vector_store %arg19[%swap3A_598, %swap3A_599], %add3A_597 {strides = array<i32>} : memref<640x16xf32, #tpu.memory_space<vmem>>, vector<16xf32>,
      %slice3A_601 = vector.extract_strided_slice %get3A_560 {offsets = [2], sizes = [1], strides = [1]} : vector<16xi32> to vector<1xi32>
      %squeeze3A_602 = vector.extract %slice3A_601[0] : i32 from vector<1xi32>
      %shift_right_logical3A_603 = arith.constant 4 : i32
      %shift_right_logical3A_604 = arith.shrui %squeeze3A_602, %shift_right_logical3A_603 : i32
      %and3A_605 = arith.constant 15 : i32
      %and3A_606 = arith.andi %squeeze3A_602, %and3A_605 : i32
      %eq3A_607 = vector.broadcast %and3A_606 : i32 to vector<16xi32>
      %eq3A_608 = arith.cmpi eq, %iota3A, %eq3A_607 : vector<16xi32>
      %jit3A_609 = arith.constant 1.000000e+00 : f32
      %jit3A_610 = arith.constant 0.000000e+00 : f32
      %broadcast_in_dim3A_611 = vector.broadcast %jit3A_609 : f32 to vector<16xf32>
      %broadcast_in_dim3A_612 = vector.broadcast %jit3A_610 : f32 to vector<16xf32>
      %select_n3A_613 = arith.select %eq3A_608, %broadcast_in_dim3A_611, %broadcast_in_dim3A_612 : vector<16xi1>, vector<16xf32>
      %get3A_614 = arith.index_cast %shift_right_logical3A_604 : i32 to index
      %get3A_615 = arith.constant 0 : index
      %get3A_616 = tpu.vector_load %arg19[%get3A_614, %get3A_615] {strides = array<i32>} : memref<640x16xf32, #tpu.memory_space<vmem>>, vector<16xf32>,
      %add3A_617 = arith.addf %get3A_616, %select_n3A_613 : vector<16xf32>
      %swap3A_618 = arith.index_cast %shift_right_logical3A_604 : i32 to index
      %swap3A_619 = arith.constant 0 : index
      %swap3A_620 = tpu.vector_load %arg19[%swap3A_618, %swap3A_619] {strides = array<i32>} : memref<640x16xf32, #tpu.memory_space<vmem>>, vector<16xf32>,
      tpu.vector_store %arg19[%swap3A_618, %swap3A_619], %add3A_617 {strides = array<i32>} : memref<640x16xf32, #tpu.memory_space<vmem>>, vector<16xf32>,
      %slice3A_621 = vector.extract_strided_slice %get3A_560 {offsets = [3], sizes = [1], strides = [1]} : vector<16xi32> to vector<1xi32>
      %squeeze3A_622 = vector.extract %slice3A_621[0] : i32 from vector<1xi32>
      %shift_right_logical3A_623 = arith.constant 4 : i32
      %shift_right_logical3A_624 = arith.shrui %squeeze3A_622, %shift_right_logical3A_623 : i32
      %and3A_625 = arith.constant 15 : i32
      %and3A_626 = arith.andi %squeeze3A_622, %and3A_625 : i32
      %eq3A_627 = vector.broadcast %and3A_626 : i32 to vector<16xi32>
      %eq3A_628 = arith.cmpi eq, %iota3A, %eq3A_627 : vector<16xi32>
      %jit3A_629 = arith.constant 1.000000e+00 : f32
      %jit3A_630 = arith.constant 0.000000e+00 : f32
      %broadcast_in_dim3A_631 = vector.broadcast %jit3A_629 : f32 to vector<16xf32>
      %broadcast_in_dim3A_632 = vector.broadcast %jit3A_630 : f32 to vector<16xf32>
      %select_n3A_633 = arith.select %eq3A_628, %broadcast_in_dim3A_631, %broadcast_in_dim3A_632 : vector<16xi1>, vector<16xf32>
      %get3A_634 = arith.index_cast %shift_right_logical3A_624 : i32 to index
      %get3A_635 = arith.constant 0 : index
      %get3A_636 = tpu.vector_load %arg19[%get3A_634, %get3A_635] {strides = array<i32>} : memref<640x16xf32, #tpu.memory_space<vmem>>, vector<16xf32>,
      %add3A_637 = arith.addf %get3A_636, %select_n3A_633 : vector<16xf32>
      %swap3A_638 = arith.index_cast %shift_right_logical3A_624 : i32 to index
      %swap3A_639 = arith.constant 0 : index
      %swap3A_640 = tpu.vector_load %arg19[%swap3A_638, %swap3A_639] {strides = array<i32>} : memref<640x16xf32, #tpu.memory_space<vmem>>, vector<16xf32>,
      tpu.vector_store %arg19[%swap3A_638, %swap3A_639], %add3A_637 {strides = array<i32>} : memref<640x16xf32, #tpu.memory_space<vmem>>, vector<16xf32>,
      %slice3A_641 = vector.extract_strided_slice %get3A_560 {offsets = [4], sizes = [1], strides = [1]} : vector<16xi32> to vector<1xi32>
      %squeeze3A_642 = vector.extract %slice3A_641[0] : i32 from vector<1xi32>
      %shift_right_logical3A_643 = arith.constant 4 : i32
      %shift_right_logical3A_644 = arith.shrui %squeeze3A_642, %shift_right_logical3A_643 : i32
      %and3A_645 = arith.constant 15 : i32
      %and3A_646 = arith.andi %squeeze3A_642, %and3A_645 : i32
      %eq3A_647 = vector.broadcast %and3A_646 : i32 to vector<16xi32>
      %eq3A_648 = arith.cmpi eq, %iota3A, %eq3A_647 : vector<16xi32>
      %jit3A_649 = arith.constant 1.000000e+00 : f32
      %jit3A_650 = arith.constant 0.000000e+00 : f32
      %broadcast_in_dim3A_651 = vector.broadcast %jit3A_649 : f32 to vector<16xf32>
      %broadcast_in_dim3A_652 = vector.broadcast %jit3A_650 : f32 to vector<16xf32>
      %select_n3A_653 = arith.select %eq3A_648, %broadcast_in_dim3A_651, %broadcast_in_dim3A_652 : vector<16xi1>, vector<16xf32>
      %get3A_654 = arith.index_cast %shift_right_logical3A_644 : i32 to index
      %get3A_655 = arith.constant 0 : index
      %get3A_656 = tpu.vector_load %arg19[%get3A_654, %get3A_655] {strides = array<i32>} : memref<640x16xf32, #tpu.memory_space<vmem>>, vector<16xf32>,
      %add3A_657 = arith.addf %get3A_656, %select_n3A_653 : vector<16xf32>
      %swap3A_658 = arith.index_cast %shift_right_logical3A_644 : i32 to index
      %swap3A_659 = arith.constant 0 : index
      %swap3A_660 = tpu.vector_load %arg19[%swap3A_658, %swap3A_659] {strides = array<i32>} : memref<640x16xf32, #tpu.memory_space<vmem>>, vector<16xf32>,
      tpu.vector_store %arg19[%swap3A_658, %swap3A_659], %add3A_657 {strides = array<i32>} : memref<640x16xf32, #tpu.memory_space<vmem>>, vector<16xf32>,
      %slice3A_661 = vector.extract_strided_slice %get3A_560 {offsets = [5], sizes = [1], strides = [1]} : vector<16xi32> to vector<1xi32>
      %squeeze3A_662 = vector.extract %slice3A_661[0] : i32 from vector<1xi32>
      %shift_right_logical3A_663 = arith.constant 4 : i32
      %shift_right_logical3A_664 = arith.shrui %squeeze3A_662, %shift_right_logical3A_663 : i32
      %and3A_665 = arith.constant 15 : i32
      %and3A_666 = arith.andi %squeeze3A_662, %and3A_665 : i32
      %eq3A_667 = vector.broadcast %and3A_666 : i32 to vector<16xi32>
      %eq3A_668 = arith.cmpi eq, %iota3A, %eq3A_667 : vector<16xi32>
      %jit3A_669 = arith.constant 1.000000e+00 : f32
      %jit3A_670 = arith.constant 0.000000e+00 : f32
      %broadcast_in_dim3A_671 = vector.broadcast %jit3A_669 : f32 to vector<16xf32>
      %broadcast_in_dim3A_672 = vector.broadcast %jit3A_670 : f32 to vector<16xf32>
      %select_n3A_673 = arith.select %eq3A_668, %broadcast_in_dim3A_671, %broadcast_in_dim3A_672 : vector<16xi1>, vector<16xf32>
      %get3A_674 = arith.index_cast %shift_right_logical3A_664 : i32 to index
      %get3A_675 = arith.constant 0 : index
      %get3A_676 = tpu.vector_load %arg19[%get3A_674, %get3A_675] {strides = array<i32>} : memref<640x16xf32, #tpu.memory_space<vmem>>, vector<16xf32>,
      %add3A_677 = arith.addf %get3A_676, %select_n3A_673 : vector<16xf32>
      %swap3A_678 = arith.index_cast %shift_right_logical3A_664 : i32 to index
      %swap3A_679 = arith.constant 0 : index
      %swap3A_680 = tpu.vector_load %arg19[%swap3A_678, %swap3A_679] {strides = array<i32>} : memref<640x16xf32, #tpu.memory_space<vmem>>, vector<16xf32>,
      tpu.vector_store %arg19[%swap3A_678, %swap3A_679], %add3A_677 {strides = array<i32>} : memref<640x16xf32, #tpu.memory_space<vmem>>, vector<16xf32>,
      %slice3A_681 = vector.extract_strided_slice %get3A_560 {offsets = [6], sizes = [1], strides = [1]} : vector<16xi32> to vector<1xi32>
      %squeeze3A_682 = vector.extract %slice3A_681[0] : i32 from vector<1xi32>
      %shift_right_logical3A_683 = arith.constant 4 : i32
      %shift_right_logical3A_684 = arith.shrui %squeeze3A_682, %shift_right_logical3A_683 : i32
      %and3A_685 = arith.constant 15 : i32
      %and3A_686 = arith.andi %squeeze3A_682, %and3A_685 : i32
      %eq3A_687 = vector.broadcast %and3A_686 : i32 to vector<16xi32>
      %eq3A_688 = arith.cmpi eq, %iota3A, %eq3A_687 : vector<16xi32>
      %jit3A_689 = arith.constant 1.000000e+00 : f32
      %jit3A_690 = arith.constant 0.000000e+00 : f32
      %broadcast_in_dim3A_691 = vector.broadcast %jit3A_689 : f32 to vector<16xf32>
      %broadcast_in_dim3A_692 = vector.broadcast %jit3A_690 : f32 to vector<16xf32>
      %select_n3A_693 = arith.select %eq3A_688, %broadcast_in_dim3A_691, %broadcast_in_dim3A_692 : vector<16xi1>, vector<16xf32>
      %get3A_694 = arith.index_cast %shift_right_logical3A_684 : i32 to index
      %get3A_695 = arith.constant 0 : index
      %get3A_696 = tpu.vector_load %arg19[%get3A_694, %get3A_695] {strides = array<i32>} : memref<640x16xf32, #tpu.memory_space<vmem>>, vector<16xf32>,
      %add3A_697 = arith.addf %get3A_696, %select_n3A_693 : vector<16xf32>
      %swap3A_698 = arith.index_cast %shift_right_logical3A_684 : i32 to index
      %swap3A_699 = arith.constant 0 : index
      %swap3A_700 = tpu.vector_load %arg19[%swap3A_698, %swap3A_699] {strides = array<i32>} : memref<640x16xf32, #tpu.memory_space<vmem>>, vector<16xf32>,
      tpu.vector_store %arg19[%swap3A_698, %swap3A_699], %add3A_697 {strides = array<i32>} : memref<640x16xf32, #tpu.memory_space<vmem>>, vector<16xf32>,
      %slice3A_701 = vector.extract_strided_slice %get3A_560 {offsets = [7], sizes = [1], strides = [1]} : vector<16xi32> to vector<1xi32>
      %squeeze3A_702 = vector.extract %slice3A_701[0] : i32 from vector<1xi32>
      %shift_right_logical3A_703 = arith.constant 4 : i32
      %shift_right_logical3A_704 = arith.shrui %squeeze3A_702, %shift_right_logical3A_703 : i32
      %and3A_705 = arith.constant 15 : i32
      %and3A_706 = arith.andi %squeeze3A_702, %and3A_705 : i32
      %eq3A_707 = vector.broadcast %and3A_706 : i32 to vector<16xi32>
      %eq3A_708 = arith.cmpi eq, %iota3A, %eq3A_707 : vector<16xi32>
      %jit3A_709 = arith.constant 1.000000e+00 : f32
      %jit3A_710 = arith.constant 0.000000e+00 : f32
      %broadcast_in_dim3A_711 = vector.broadcast %jit3A_709 : f32 to vector<16xf32>
      %broadcast_in_dim3A_712 = vector.broadcast %jit3A_710 : f32 to vector<16xf32>
      %select_n3A_713 = arith.select %eq3A_708, %broadcast_in_dim3A_711, %broadcast_in_dim3A_712 : vector<16xi1>, vector<16xf32>
      %get3A_714 = arith.index_cast %shift_right_logical3A_704 : i32 to index
      %get3A_715 = arith.constant 0 : index
      %get3A_716 = tpu.vector_load %arg19[%get3A_714, %get3A_715] {strides = array<i32>} : memref<640x16xf32, #tpu.memory_space<vmem>>, vector<16xf32>,
      %add3A_717 = arith.addf %get3A_716, %select_n3A_713 : vector<16xf32>
      %swap3A_718 = arith.index_cast %shift_right_logical3A_704 : i32 to index
      %swap3A_719 = arith.constant 0 : index
      %swap3A_720 = tpu.vector_load %arg19[%swap3A_718, %swap3A_719] {strides = array<i32>} : memref<640x16xf32, #tpu.memory_space<vmem>>, vector<16xf32>,
      tpu.vector_store %arg19[%swap3A_718, %swap3A_719], %add3A_717 {strides = array<i32>} : memref<640x16xf32, #tpu.memory_space<vmem>>, vector<16xf32>,
      %slice3A_721 = vector.extract_strided_slice %get3A_560 {offsets = [8], sizes = [1], strides = [1]} : vector<16xi32> to vector<1xi32>
      %squeeze3A_722 = vector.extract %slice3A_721[0] : i32 from vector<1xi32>
      %shift_right_logical3A_723 = arith.constant 4 : i32
      %shift_right_logical3A_724 = arith.shrui %squeeze3A_722, %shift_right_logical3A_723 : i32
      %and3A_725 = arith.constant 15 : i32
      %and3A_726 = arith.andi %squeeze3A_722, %and3A_725 : i32
      %eq3A_727 = vector.broadcast %and3A_726 : i32 to vector<16xi32>
      %eq3A_728 = arith.cmpi eq, %iota3A, %eq3A_727 : vector<16xi32>
      %jit3A_729 = arith.constant 1.000000e+00 : f32
      %jit3A_730 = arith.constant 0.000000e+00 : f32
      %broadcast_in_dim3A_731 = vector.broadcast %jit3A_729 : f32 to vector<16xf32>
      %broadcast_in_dim3A_732 = vector.broadcast %jit3A_730 : f32 to vector<16xf32>
      %select_n3A_733 = arith.select %eq3A_728, %broadcast_in_dim3A_731, %broadcast_in_dim3A_732 : vector<16xi1>, vector<16xf32>
      %get3A_734 = arith.index_cast %shift_right_logical3A_724 : i32 to index
      %get3A_735 = arith.constant 0 : index
      %get3A_736 = tpu.vector_load %arg19[%get3A_734, %get3A_735] {strides = array<i32>} : memref<640x16xf32, #tpu.memory_space<vmem>>, vector<16xf32>,
      %add3A_737 = arith.addf %get3A_736, %select_n3A_733 : vector<16xf32>
      %swap3A_738 = arith.index_cast %shift_right_logical3A_724 : i32 to index
      %swap3A_739 = arith.constant 0 : index
      %swap3A_740 = tpu.vector_load %arg19[%swap3A_738, %swap3A_739] {strides = array<i32>} : memref<640x16xf32, #tpu.memory_space<vmem>>, vector<16xf32>,
      tpu.vector_store %arg19[%swap3A_738, %swap3A_739], %add3A_737 {strides = array<i32>} : memref<640x16xf32, #tpu.memory_space<vmem>>, vector<16xf32>,
      %slice3A_741 = vector.extract_strided_slice %get3A_560 {offsets = [9], sizes = [1], strides = [1]} : vector<16xi32> to vector<1xi32>
      %squeeze3A_742 = vector.extract %slice3A_741[0] : i32 from vector<1xi32>
      %shift_right_logical3A_743 = arith.constant 4 : i32
      %shift_right_logical3A_744 = arith.shrui %squeeze3A_742, %shift_right_logical3A_743 : i32
      %and3A_745 = arith.constant 15 : i32
      %and3A_746 = arith.andi %squeeze3A_742, %and3A_745 : i32
      %eq3A_747 = vector.broadcast %and3A_746 : i32 to vector<16xi32>
      %eq3A_748 = arith.cmpi eq, %iota3A, %eq3A_747 : vector<16xi32>
      %jit3A_749 = arith.constant 1.000000e+00 : f32
      %jit3A_750 = arith.constant 0.000000e+00 : f32
      %broadcast_in_dim3A_751 = vector.broadcast %jit3A_749 : f32 to vector<16xf32>
      %broadcast_in_dim3A_752 = vector.broadcast %jit3A_750 : f32 to vector<16xf32>
      %select_n3A_753 = arith.select %eq3A_748, %broadcast_in_dim3A_751, %broadcast_in_dim3A_752 : vector<16xi1>, vector<16xf32>
      %get3A_754 = arith.index_cast %shift_right_logical3A_744 : i32 to index
      %get3A_755 = arith.constant 0 : index
      %get3A_756 = tpu.vector_load %arg19[%get3A_754, %get3A_755] {strides = array<i32>} : memref<640x16xf32, #tpu.memory_space<vmem>>, vector<16xf32>,
      %add3A_757 = arith.addf %get3A_756, %select_n3A_753 : vector<16xf32>
      %swap3A_758 = arith.index_cast %shift_right_logical3A_744 : i32 to index
      %swap3A_759 = arith.constant 0 : index
      %swap3A_760 = tpu.vector_load %arg19[%swap3A_758, %swap3A_759] {strides = array<i32>} : memref<640x16xf32, #tpu.memory_space<vmem>>, vector<16xf32>,
      tpu.vector_store %arg19[%swap3A_758, %swap3A_759], %add3A_757 {strides = array<i32>} : memref<640x16xf32, #tpu.memory_space<vmem>>, vector<16xf32>,
      %slice3A_761 = vector.extract_strided_slice %get3A_560 {offsets = [10], sizes = [1], strides = [1]} : vector<16xi32> to vector<1xi32>
      %squeeze3A_762 = vector.extract %slice3A_761[0] : i32 from vector<1xi32>
      %shift_right_logical3A_763 = arith.constant 4 : i32
      %shift_right_logical3A_764 = arith.shrui %squeeze3A_762, %shift_right_logical3A_763 : i32
      %and3A_765 = arith.constant 15 : i32
      %and3A_766 = arith.andi %squeeze3A_762, %and3A_765 : i32
      %eq3A_767 = vector.broadcast %and3A_766 : i32 to vector<16xi32>
      %eq3A_768 = arith.cmpi eq, %iota3A, %eq3A_767 : vector<16xi32>
      %jit3A_769 = arith.constant 1.000000e+00 : f32
      %jit3A_770 = arith.constant 0.000000e+00 : f32
      %broadcast_in_dim3A_771 = vector.broadcast %jit3A_769 : f32 to vector<16xf32>
      %broadcast_in_dim3A_772 = vector.broadcast %jit3A_770 : f32 to vector<16xf32>
      %select_n3A_773 = arith.select %eq3A_768, %broadcast_in_dim3A_771, %broadcast_in_dim3A_772 : vector<16xi1>, vector<16xf32>
      %get3A_774 = arith.index_cast %shift_right_logical3A_764 : i32 to index
      %get3A_775 = arith.constant 0 : index
      %get3A_776 = tpu.vector_load %arg19[%get3A_774, %get3A_775] {strides = array<i32>} : memref<640x16xf32, #tpu.memory_space<vmem>>, vector<16xf32>,
      %add3A_777 = arith.addf %get3A_776, %select_n3A_773 : vector<16xf32>
      %swap3A_778 = arith.index_cast %shift_right_logical3A_764 : i32 to index
      %swap3A_779 = arith.constant 0 : index
      %swap3A_780 = tpu.vector_load %arg19[%swap3A_778, %swap3A_779] {strides = array<i32>} : memref<640x16xf32, #tpu.memory_space<vmem>>, vector<16xf32>,
      tpu.vector_store %arg19[%swap3A_778, %swap3A_779], %add3A_777 {strides = array<i32>} : memref<640x16xf32, #tpu.memory_space<vmem>>, vector<16xf32>,
      %slice3A_781 = vector.extract_strided_slice %get3A_560 {offsets = [11], sizes = [1], strides = [1]} : vector<16xi32> to vector<1xi32>
      %squeeze3A_782 = vector.extract %slice3A_781[0] : i32 from vector<1xi32>
      %shift_right_logical3A_783 = arith.constant 4 : i32
      %shift_right_logical3A_784 = arith.shrui %squeeze3A_782, %shift_right_logical3A_783 : i32
      %and3A_785 = arith.constant 15 : i32
      %and3A_786 = arith.andi %squeeze3A_782, %and3A_785 : i32
      %eq3A_787 = vector.broadcast %and3A_786 : i32 to vector<16xi32>
      %eq3A_788 = arith.cmpi eq, %iota3A, %eq3A_787 : vector<16xi32>
      %jit3A_789 = arith.constant 1.000000e+00 : f32
      %jit3A_790 = arith.constant 0.000000e+00 : f32
      %broadcast_in_dim3A_791 = vector.broadcast %jit3A_789 : f32 to vector<16xf32>
      %broadcast_in_dim3A_792 = vector.broadcast %jit3A_790 : f32 to vector<16xf32>
      %select_n3A_793 = arith.select %eq3A_788, %broadcast_in_dim3A_791, %broadcast_in_dim3A_792 : vector<16xi1>, vector<16xf32>
      %get3A_794 = arith.index_cast %shift_right_logical3A_784 : i32 to index
      %get3A_795 = arith.constant 0 : index
      %get3A_796 = tpu.vector_load %arg19[%get3A_794, %get3A_795] {strides = array<i32>} : memref<640x16xf32, #tpu.memory_space<vmem>>, vector<16xf32>,
      %add3A_797 = arith.addf %get3A_796, %select_n3A_793 : vector<16xf32>
      %swap3A_798 = arith.index_cast %shift_right_logical3A_784 : i32 to index
      %swap3A_799 = arith.constant 0 : index
      %swap3A_800 = tpu.vector_load %arg19[%swap3A_798, %swap3A_799] {strides = array<i32>} : memref<640x16xf32, #tpu.memory_space<vmem>>, vector<16xf32>,
      tpu.vector_store %arg19[%swap3A_798, %swap3A_799], %add3A_797 {strides = array<i32>} : memref<640x16xf32, #tpu.memory_space<vmem>>, vector<16xf32>,
      %slice3A_801 = vector.extract_strided_slice %get3A_560 {offsets = [12], sizes = [1], strides = [1]} : vector<16xi32> to vector<1xi32>
      %squeeze3A_802 = vector.extract %slice3A_801[0] : i32 from vector<1xi32>
      %shift_right_logical3A_803 = arith.constant 4 : i32
      %shift_right_logical3A_804 = arith.shrui %squeeze3A_802, %shift_right_logical3A_803 : i32
      %and3A_805 = arith.constant 15 : i32
      %and3A_806 = arith.andi %squeeze3A_802, %and3A_805 : i32
      %eq3A_807 = vector.broadcast %and3A_806 : i32 to vector<16xi32>
      %eq3A_808 = arith.cmpi eq, %iota3A, %eq3A_807 : vector<16xi32>
      %jit3A_809 = arith.constant 1.000000e+00 : f32
      %jit3A_810 = arith.constant 0.000000e+00 : f32
      %broadcast_in_dim3A_811 = vector.broadcast %jit3A_809 : f32 to vector<16xf32>
      %broadcast_in_dim3A_812 = vector.broadcast %jit3A_810 : f32 to vector<16xf32>
      %select_n3A_813 = arith.select %eq3A_808, %broadcast_in_dim3A_811, %broadcast_in_dim3A_812 : vector<16xi1>, vector<16xf32>
      %get3A_814 = arith.index_cast %shift_right_logical3A_804 : i32 to index
      %get3A_815 = arith.constant 0 : index
      %get3A_816 = tpu.vector_load %arg19[%get3A_814, %get3A_815] {strides = array<i32>} : memref<640x16xf32, #tpu.memory_space<vmem>>, vector<16xf32>,
      %add3A_817 = arith.addf %get3A_816, %select_n3A_813 : vector<16xf32>
      %swap3A_818 = arith.index_cast %shift_right_logical3A_804 : i32 to index
      %swap3A_819 = arith.constant 0 : index
      %swap3A_820 = tpu.vector_load %arg19[%swap3A_818, %swap3A_819] {strides = array<i32>} : memref<640x16xf32, #tpu.memory_space<vmem>>, vector<16xf32>,
      tpu.vector_store %arg19[%swap3A_818, %swap3A_819], %add3A_817 {strides = array<i32>} : memref<640x16xf32, #tpu.memory_space<vmem>>, vector<16xf32>,
      %slice3A_821 = vector.extract_strided_slice %get3A_560 {offsets = [13], sizes = [1], strides = [1]} : vector<16xi32> to vector<1xi32>
      %squeeze3A_822 = vector.extract %slice3A_821[0] : i32 from vector<1xi32>
      %shift_right_logical3A_823 = arith.constant 4 : i32
      %shift_right_logical3A_824 = arith.shrui %squeeze3A_822, %shift_right_logical3A_823 : i32
      %and3A_825 = arith.constant 15 : i32
      %and3A_826 = arith.andi %squeeze3A_822, %and3A_825 : i32
      %eq3A_827 = vector.broadcast %and3A_826 : i32 to vector<16xi32>
      %eq3A_828 = arith.cmpi eq, %iota3A, %eq3A_827 : vector<16xi32>
      %jit3A_829 = arith.constant 1.000000e+00 : f32
      %jit3A_830 = arith.constant 0.000000e+00 : f32
      %broadcast_in_dim3A_831 = vector.broadcast %jit3A_829 : f32 to vector<16xf32>
      %broadcast_in_dim3A_832 = vector.broadcast %jit3A_830 : f32 to vector<16xf32>
      %select_n3A_833 = arith.select %eq3A_828, %broadcast_in_dim3A_831, %broadcast_in_dim3A_832 : vector<16xi1>, vector<16xf32>
      %get3A_834 = arith.index_cast %shift_right_logical3A_824 : i32 to index
      %get3A_835 = arith.constant 0 : index
      %get3A_836 = tpu.vector_load %arg19[%get3A_834, %get3A_835] {strides = array<i32>} : memref<640x16xf32, #tpu.memory_space<vmem>>, vector<16xf32>,
      %add3A_837 = arith.addf %get3A_836, %select_n3A_833 : vector<16xf32>
      %swap3A_838 = arith.index_cast %shift_right_logical3A_824 : i32 to index
      %swap3A_839 = arith.constant 0 : index
      %swap3A_840 = tpu.vector_load %arg19[%swap3A_838, %swap3A_839] {strides = array<i32>} : memref<640x16xf32, #tpu.memory_space<vmem>>, vector<16xf32>,
      tpu.vector_store %arg19[%swap3A_838, %swap3A_839], %add3A_837 {strides = array<i32>} : memref<640x16xf32, #tpu.memory_space<vmem>>, vector<16xf32>,
      %slice3A_841 = vector.extract_strided_slice %get3A_560 {offsets = [14], sizes = [1], strides = [1]} : vector<16xi32> to vector<1xi32>
      %squeeze3A_842 = vector.extract %slice3A_841[0] : i32 from vector<1xi32>
      %shift_right_logical3A_843 = arith.constant 4 : i32
      %shift_right_logical3A_844 = arith.shrui %squeeze3A_842, %shift_right_logical3A_843 : i32
      %and3A_845 = arith.constant 15 : i32
      %and3A_846 = arith.andi %squeeze3A_842, %and3A_845 : i32
      %eq3A_847 = vector.broadcast %and3A_846 : i32 to vector<16xi32>
      %eq3A_848 = arith.cmpi eq, %iota3A, %eq3A_847 : vector<16xi32>
      %jit3A_849 = arith.constant 1.000000e+00 : f32
      %jit3A_850 = arith.constant 0.000000e+00 : f32
      %broadcast_in_dim3A_851 = vector.broadcast %jit3A_849 : f32 to vector<16xf32>
      %broadcast_in_dim3A_852 = vector.broadcast %jit3A_850 : f32 to vector<16xf32>
      %select_n3A_853 = arith.select %eq3A_848, %broadcast_in_dim3A_851, %broadcast_in_dim3A_852 : vector<16xi1>, vector<16xf32>
      %get3A_854 = arith.index_cast %shift_right_logical3A_844 : i32 to index
      %get3A_855 = arith.constant 0 : index
      %get3A_856 = tpu.vector_load %arg19[%get3A_854, %get3A_855] {strides = array<i32>} : memref<640x16xf32, #tpu.memory_space<vmem>>, vector<16xf32>,
      %add3A_857 = arith.addf %get3A_856, %select_n3A_853 : vector<16xf32>
      %swap3A_858 = arith.index_cast %shift_right_logical3A_844 : i32 to index
      %swap3A_859 = arith.constant 0 : index
      %swap3A_860 = tpu.vector_load %arg19[%swap3A_858, %swap3A_859] {strides = array<i32>} : memref<640x16xf32, #tpu.memory_space<vmem>>, vector<16xf32>,
      tpu.vector_store %arg19[%swap3A_858, %swap3A_859], %add3A_857 {strides = array<i32>} : memref<640x16xf32, #tpu.memory_space<vmem>>, vector<16xf32>,
      %slice3A_861 = vector.extract_strided_slice %get3A_560 {offsets = [15], sizes = [1], strides = [1]} : vector<16xi32> to vector<1xi32>
      %squeeze3A_862 = vector.extract %slice3A_861[0] : i32 from vector<1xi32>
      %shift_right_logical3A_863 = arith.constant 4 : i32
      %shift_right_logical3A_864 = arith.shrui %squeeze3A_862, %shift_right_logical3A_863 : i32
      %and3A_865 = arith.constant 15 : i32
      %and3A_866 = arith.andi %squeeze3A_862, %and3A_865 : i32
      %eq3A_867 = vector.broadcast %and3A_866 : i32 to vector<16xi32>
      %eq3A_868 = arith.cmpi eq, %iota3A, %eq3A_867 : vector<16xi32>
      %jit3A_869 = arith.constant 1.000000e+00 : f32
      %jit3A_870 = arith.constant 0.000000e+00 : f32
      %broadcast_in_dim3A_871 = vector.broadcast %jit3A_869 : f32 to vector<16xf32>
      %broadcast_in_dim3A_872 = vector.broadcast %jit3A_870 : f32 to vector<16xf32>
      %select_n3A_873 = arith.select %eq3A_868, %broadcast_in_dim3A_871, %broadcast_in_dim3A_872 : vector<16xi1>, vector<16xf32>
      %get3A_874 = arith.index_cast %shift_right_logical3A_864 : i32 to index
      %get3A_875 = arith.constant 0 : index
      %get3A_876 = tpu.vector_load %arg19[%get3A_874, %get3A_875] {strides = array<i32>} : memref<640x16xf32, #tpu.memory_space<vmem>>, vector<16xf32>,
      %add3A_877 = arith.addf %get3A_876, %select_n3A_873 : vector<16xf32>
      %swap3A_878 = arith.index_cast %shift_right_logical3A_864 : i32 to index
      %swap3A_879 = arith.constant 0 : index
      %swap3A_880 = tpu.vector_load %arg19[%swap3A_878, %swap3A_879] {strides = array<i32>} : memref<640x16xf32, #tpu.memory_space<vmem>>, vector<16xf32>,
      tpu.vector_store %arg19[%swap3A_878, %swap3A_879], %add3A_877 {strides = array<i32>} : memref<640x16xf32, #tpu.memory_space<vmem>>, vector<16xf32>,
      %get3A_881 = arith.constant 0 : i32
      %get3A_882 = arith.index_cast %get3A_881 : i32 to index
      %get3A_883 = arith.constant 24 : index
      %get3A_884 = tpu.vector_load %arg9[%get3A_882, %get3A_883] {strides = array<i32>} : memref<2x80xi32, #tpu.memory_space<vmem>>, vector<16xi32>,
      %slice3A_885 = vector.extract_strided_slice %get3A_884 {offsets = [8], sizes = [1], strides = [1]} : vector<16xi32> to vector<1xi32>
      %squeeze3A_886 = vector.extract %slice3A_885[0] : i32 from vector<1xi32>
      %shift_right_logical3A_887 = arith.constant 4 : i32
      %shift_right_logical3A_888 = arith.shrui %squeeze3A_886, %shift_right_logical3A_887 : i32
      %and3A_889 = arith.constant 15 : i32
      %and3A_890 = arith.andi %squeeze3A_886, %and3A_889 : i32
      %eq3A_891 = vector.broadcast %and3A_890 : i32 to vector<16xi32>
      %eq3A_892 = arith.cmpi eq, %iota3A, %eq3A_891 : vector<16xi32>
      %jit3A_893 = arith.constant 1.000000e+00 : f32
      %jit3A_894 = arith.constant 0.000000e+00 : f32
      %broadcast_in_dim3A_895 = vector.broadcast %jit3A_893 : f32 to vector<16xf32>
      %broadcast_in_dim3A_896 = vector.broadcast %jit3A_894 : f32 to vector<16xf32>
      %select_n3A_897 = arith.select %eq3A_892, %broadcast_in_dim3A_895, %broadcast_in_dim3A_896 : vector<16xi1>, vector<16xf32>
      %get3A_898 = arith.index_cast %shift_right_logical3A_888 : i32 to index
      %get3A_899 = arith.constant 0 : index
      %get3A_900 = tpu.vector_load %arg19[%get3A_898, %get3A_899] {strides = array<i32>} : memref<640x16xf32, #tpu.memory_space<vmem>>, vector<16xf32>,
      %add3A_901 = arith.addf %get3A_900, %select_n3A_897 : vector<16xf32>
      %swap3A_902 = arith.index_cast %shift_right_logical3A_888 : i32 to index
      %swap3A_903 = arith.constant 0 : index
      %swap3A_904 = tpu.vector_load %arg19[%swap3A_902, %swap3A_903] {strides = array<i32>} : memref<640x16xf32, #tpu.memory_space<vmem>>, vector<16xf32>,
      tpu.vector_store %arg19[%swap3A_902, %swap3A_903], %add3A_901 {strides = array<i32>} : memref<640x16xf32, #tpu.memory_space<vmem>>, vector<16xf32>,
      %slice3A_905 = vector.extract_strided_slice %get3A_884 {offsets = [9], sizes = [1], strides = [1]} : vector<16xi32> to vector<1xi32>
      %squeeze3A_906 = vector.extract %slice3A_905[0] : i32 from vector<1xi32>
      %shift_right_logical3A_907 = arith.constant 4 : i32
      %shift_right_logical3A_908 = arith.shrui %squeeze3A_906, %shift_right_logical3A_907 : i32
      %and3A_909 = arith.constant 15 : i32
      %and3A_910 = arith.andi %squeeze3A_906, %and3A_909 : i32
      %eq3A_911 = vector.broadcast %and3A_910 : i32 to vector<16xi32>
      %eq3A_912 = arith.cmpi eq, %iota3A, %eq3A_911 : vector<16xi32>
      %jit3A_913 = arith.constant 1.000000e+00 : f32
      %jit3A_914 = arith.constant 0.000000e+00 : f32
      %broadcast_in_dim3A_915 = vector.broadcast %jit3A_913 : f32 to vector<16xf32>
      %broadcast_in_dim3A_916 = vector.broadcast %jit3A_914 : f32 to vector<16xf32>
      %select_n3A_917 = arith.select %eq3A_912, %broadcast_in_dim3A_915, %broadcast_in_dim3A_916 : vector<16xi1>, vector<16xf32>
      %get3A_918 = arith.index_cast %shift_right_logical3A_908 : i32 to index
      %get3A_919 = arith.constant 0 : index
      %get3A_920 = tpu.vector_load %arg19[%get3A_918, %get3A_919] {strides = array<i32>} : memref<640x16xf32, #tpu.memory_space<vmem>>, vector<16xf32>,
      %add3A_921 = arith.addf %get3A_920, %select_n3A_917 : vector<16xf32>
      %swap3A_922 = arith.index_cast %shift_right_logical3A_908 : i32 to index
      %swap3A_923 = arith.constant 0 : index
      %swap3A_924 = tpu.vector_load %arg19[%swap3A_922, %swap3A_923] {strides = array<i32>} : memref<640x16xf32, #tpu.memory_space<vmem>>, vector<16xf32>,
      tpu.vector_store %arg19[%swap3A_922, %swap3A_923], %add3A_921 {strides = array<i32>} : memref<640x16xf32, #tpu.memory_space<vmem>>, vector<16xf32>,
      %slice3A_925 = vector.extract_strided_slice %get3A_884 {offsets = [10], sizes = [1], strides = [1]} : vector<16xi32> to vector<1xi32>
      %squeeze3A_926 = vector.extract %slice3A_925[0] : i32 from vector<1xi32>
      %shift_right_logical3A_927 = arith.constant 4 : i32
      %shift_right_logical3A_928 = arith.shrui %squeeze3A_926, %shift_right_logical3A_927 : i32
      %and3A_929 = arith.constant 15 : i32
      %and3A_930 = arith.andi %squeeze3A_926, %and3A_929 : i32
      %eq3A_931 = vector.broadcast %and3A_930 : i32 to vector<16xi32>
      %eq3A_932 = arith.cmpi eq, %iota3A, %eq3A_931 : vector<16xi32>
      %jit3A_933 = arith.constant 1.000000e+00 : f32
      %jit3A_934 = arith.constant 0.000000e+00 : f32
      %broadcast_in_dim3A_935 = vector.broadcast %jit3A_933 : f32 to vector<16xf32>
      %broadcast_in_dim3A_936 = vector.broadcast %jit3A_934 : f32 to vector<16xf32>
      %select_n3A_937 = arith.select %eq3A_932, %broadcast_in_dim3A_935, %broadcast_in_dim3A_936 : vector<16xi1>, vector<16xf32>
      %get3A_938 = arith.index_cast %shift_right_logical3A_928 : i32 to index
      %get3A_939 = arith.constant 0 : index
      %get3A_940 = tpu.vector_load %arg19[%get3A_938, %get3A_939] {strides = array<i32>} : memref<640x16xf32, #tpu.memory_space<vmem>>, vector<16xf32>,
      %add3A_941 = arith.addf %get3A_940, %select_n3A_937 : vector<16xf32>
      %swap3A_942 = arith.index_cast %shift_right_logical3A_928 : i32 to index
      %swap3A_943 = arith.constant 0 : index
      %swap3A_944 = tpu.vector_load %arg19[%swap3A_942, %swap3A_943] {strides = array<i32>} : memref<640x16xf32, #tpu.memory_space<vmem>>, vector<16xf32>,
      tpu.vector_store %arg19[%swap3A_942, %swap3A_943], %add3A_941 {strides = array<i32>} : memref<640x16xf32, #tpu.memory_space<vmem>>, vector<16xf32>,
      %slice3A_945 = vector.extract_strided_slice %get3A_884 {offsets = [11], sizes = [1], strides = [1]} : vector<16xi32> to vector<1xi32>
      %squeeze3A_946 = vector.extract %slice3A_945[0] : i32 from vector<1xi32>
      %shift_right_logical3A_947 = arith.constant 4 : i32
      %shift_right_logical3A_948 = arith.shrui %squeeze3A_946, %shift_right_logical3A_947 : i32
      %and3A_949 = arith.constant 15 : i32
      %and3A_950 = arith.andi %squeeze3A_946, %and3A_949 : i32
      %eq3A_951 = vector.broadcast %and3A_950 : i32 to vector<16xi32>
      %eq3A_952 = arith.cmpi eq, %iota3A, %eq3A_951 : vector<16xi32>
      %jit3A_953 = arith.constant 1.000000e+00 : f32
      %jit3A_954 = arith.constant 0.000000e+00 : f32
      %broadcast_in_dim3A_955 = vector.broadcast %jit3A_953 : f32 to vector<16xf32>
      %broadcast_in_dim3A_956 = vector.broadcast %jit3A_954 : f32 to vector<16xf32>
      %select_n3A_957 = arith.select %eq3A_952, %broadcast_in_dim3A_955, %broadcast_in_dim3A_956 : vector<16xi1>, vector<16xf32>
      %get3A_958 = arith.index_cast %shift_right_logical3A_948 : i32 to index
      %get3A_959 = arith.constant 0 : index
      %get3A_960 = tpu.vector_load %arg19[%get3A_958, %get3A_959] {strides = array<i32>} : memref<640x16xf32, #tpu.memory_space<vmem>>, vector<16xf32>,
      %add3A_961 = arith.addf %get3A_960, %select_n3A_957 : vector<16xf32>
      %swap3A_962 = arith.index_cast %shift_right_logical3A_948 : i32 to index
      %swap3A_963 = arith.constant 0 : index
      %swap3A_964 = tpu.vector_load %arg19[%swap3A_962, %swap3A_963] {strides = array<i32>} : memref<640x16xf32, #tpu.memory_space<vmem>>, vector<16xf32>,
      tpu.vector_store %arg19[%swap3A_962, %swap3A_963], %add3A_961 {strides = array<i32>} : memref<640x16xf32, #tpu.memory_space<vmem>>, vector<16xf32>,
      %slice3A_965 = vector.extract_strided_slice %get3A_884 {offsets = [12], sizes = [1], strides = [1]} : vector<16xi32> to vector<1xi32>
      %squeeze3A_966 = vector.extract %slice3A_965[0] : i32 from vector<1xi32>
      %shift_right_logical3A_967 = arith.constant 4 : i32
      %shift_right_logical3A_968 = arith.shrui %squeeze3A_966, %shift_right_logical3A_967 : i32
      %and3A_969 = arith.constant 15 : i32
      %and3A_970 = arith.andi %squeeze3A_966, %and3A_969 : i32
      %eq3A_971 = vector.broadcast %and3A_970 : i32 to vector<16xi32>
      %eq3A_972 = arith.cmpi eq, %iota3A, %eq3A_971 : vector<16xi32>
      %jit3A_973 = arith.constant 1.000000e+00 : f32
      %jit3A_974 = arith.constant 0.000000e+00 : f32
      %broadcast_in_dim3A_975 = vector.broadcast %jit3A_973 : f32 to vector<16xf32>
      %broadcast_in_dim3A_976 = vector.broadcast %jit3A_974 : f32 to vector<16xf32>
      %select_n3A_977 = arith.select %eq3A_972, %broadcast_in_dim3A_975, %broadcast_in_dim3A_976 : vector<16xi1>, vector<16xf32>
      %get3A_978 = arith.index_cast %shift_right_logical3A_968 : i32 to index
      %get3A_979 = arith.constant 0 : index
      %get3A_980 = tpu.vector_load %arg19[%get3A_978, %get3A_979] {strides = array<i32>} : memref<640x16xf32, #tpu.memory_space<vmem>>, vector<16xf32>,
      %add3A_981 = arith.addf %get3A_980, %select_n3A_977 : vector<16xf32>
      %swap3A_982 = arith.index_cast %shift_right_logical3A_968 : i32 to index
      %swap3A_983 = arith.constant 0 : index
      %swap3A_984 = tpu.vector_load %arg19[%swap3A_982, %swap3A_983] {strides = array<i32>} : memref<640x16xf32, #tpu.memory_space<vmem>>, vector<16xf32>,
      tpu.vector_store %arg19[%swap3A_982, %swap3A_983], %add3A_981 {strides = array<i32>} : memref<640x16xf32, #tpu.memory_space<vmem>>, vector<16xf32>,
      %slice3A_985 = vector.extract_strided_slice %get3A_884 {offsets = [13], sizes = [1], strides = [1]} : vector<16xi32> to vector<1xi32>
      %squeeze3A_986 = vector.extract %slice3A_985[0] : i32 from vector<1xi32>
      %shift_right_logical3A_987 = arith.constant 4 : i32
      %shift_right_logical3A_988 = arith.shrui %squeeze3A_986, %shift_right_logical3A_987 : i32
      %and3A_989 = arith.constant 15 : i32
      %and3A_990 = arith.andi %squeeze3A_986, %and3A_989 : i32
      %eq3A_991 = vector.broadcast %and3A_990 : i32 to vector<16xi32>
      %eq3A_992 = arith.cmpi eq, %iota3A, %eq3A_991 : vector<16xi32>
      %jit3A_993 = arith.constant 1.000000e+00 : f32
      %jit3A_994 = arith.constant 0.000000e+00 : f32
      %broadcast_in_dim3A_995 = vector.broadcast %jit3A_993 : f32 to vector<16xf32>
      %broadcast_in_dim3A_996 = vector.broadcast %jit3A_994 : f32 to vector<16xf32>
      %select_n3A_997 = arith.select %eq3A_992, %broadcast_in_dim3A_995, %broadcast_in_dim3A_996 : vector<16xi1>, vector<16xf32>
      %get3A_998 = arith.index_cast %shift_right_logical3A_988 : i32 to index
      %get3A_999 = arith.constant 0 : index
      %get3A_1000 = tpu.vector_load %arg19[%get3A_998, %get3A_999] {strides = array<i32>} : memref<640x16xf32, #tpu.memory_space<vmem>>, vector<16xf32>,
      %add3A_1001 = arith.addf %get3A_1000, %select_n3A_997 : vector<16xf32>
      %swap3A_1002 = arith.index_cast %shift_right_logical3A_988 : i32 to index
      %swap3A_1003 = arith.constant 0 : index
      %swap3A_1004 = tpu.vector_load %arg19[%swap3A_1002, %swap3A_1003] {strides = array<i32>} : memref<640x16xf32, #tpu.memory_space<vmem>>, vector<16xf32>,
      tpu.vector_store %arg19[%swap3A_1002, %swap3A_1003], %add3A_1001 {strides = array<i32>} : memref<640x16xf32, #tpu.memory_space<vmem>>, vector<16xf32>,
      %slice3A_1005 = vector.extract_strided_slice %get3A_884 {offsets = [14], sizes = [1], strides = [1]} : vector<16xi32> to vector<1xi32>
      %squeeze3A_1006 = vector.extract %slice3A_1005[0] : i32 from vector<1xi32>
      %shift_right_logical3A_1007 = arith.constant 4 : i32
      %shift_right_logical3A_1008 = arith.shrui %squeeze3A_1006, %shift_right_logical3A_1007 : i32
      %and3A_1009 = arith.constant 15 : i32
      %and3A_1010 = arith.andi %squeeze3A_1006, %and3A_1009 : i32
      %eq3A_1011 = vector.broadcast %and3A_1010 : i32 to vector<16xi32>
      %eq3A_1012 = arith.cmpi eq, %iota3A, %eq3A_1011 : vector<16xi32>
      %jit3A_1013 = arith.constant 1.000000e+00 : f32
      %jit3A_1014 = arith.constant 0.000000e+00 : f32
      %broadcast_in_dim3A_1015 = vector.broadcast %jit3A_1013 : f32 to vector<16xf32>
      %broadcast_in_dim3A_1016 = vector.broadcast %jit3A_1014 : f32 to vector<16xf32>
      %select_n3A_1017 = arith.select %eq3A_1012, %broadcast_in_dim3A_1015, %broadcast_in_dim3A_1016 : vector<16xi1>, vector<16xf32>
      %get3A_1018 = arith.index_cast %shift_right_logical3A_1008 : i32 to index
      %get3A_1019 = arith.constant 0 : index
      %get3A_1020 = tpu.vector_load %arg19[%get3A_1018, %get3A_1019] {strides = array<i32>} : memref<640x16xf32, #tpu.memory_space<vmem>>, vector<16xf32>,
      %add3A_1021 = arith.addf %get3A_1020, %select_n3A_1017 : vector<16xf32>
      %swap3A_1022 = arith.index_cast %shift_right_logical3A_1008 : i32 to index
      %swap3A_1023 = arith.constant 0 : index
      %swap3A_1024 = tpu.vector_load %arg19[%swap3A_1022, %swap3A_1023] {strides = array<i32>} : memref<640x16xf32, #tpu.memory_space<vmem>>, vector<16xf32>,
      tpu.vector_store %arg19[%swap3A_1022, %swap3A_1023], %add3A_1021 {strides = array<i32>} : memref<640x16xf32, #tpu.memory_space<vmem>>, vector<16xf32>,
      %slice3A_1025 = vector.extract_strided_slice %get3A_884 {offsets = [15], sizes = [1], strides = [1]} : vector<16xi32> to vector<1xi32>
      %squeeze3A_1026 = vector.extract %slice3A_1025[0] : i32 from vector<1xi32>
      %shift_right_logical3A_1027 = arith.constant 4 : i32
      %shift_right_logical3A_1028 = arith.shrui %squeeze3A_1026, %shift_right_logical3A_1027 : i32
      %and3A_1029 = arith.constant 15 : i32
      %and3A_1030 = arith.andi %squeeze3A_1026, %and3A_1029 : i32
      %eq3A_1031 = vector.broadcast %and3A_1030 : i32 to vector<16xi32>
      %eq3A_1032 = arith.cmpi eq, %iota3A, %eq3A_1031 : vector<16xi32>
      %jit3A_1033 = arith.constant 1.000000e+00 : f32
      %jit3A_1034 = arith.constant 0.000000e+00 : f32
      %broadcast_in_dim3A_1035 = vector.broadcast %jit3A_1033 : f32 to vector<16xf32>
      %broadcast_in_dim3A_1036 = vector.broadcast %jit3A_1034 : f32 to vector<16xf32>
      %select_n3A_1037 = arith.select %eq3A_1032, %broadcast_in_dim3A_1035, %broadcast_in_dim3A_1036 : vector<16xi1>, vector<16xf32>
      %get3A_1038 = arith.index_cast %shift_right_logical3A_1028 : i32 to index
      %get3A_1039 = arith.constant 0 : index
      %get3A_1040 = tpu.vector_load %arg19[%get3A_1038, %get3A_1039] {strides = array<i32>} : memref<640x16xf32, #tpu.memory_space<vmem>>, vector<16xf32>,
      %add3A_1041 = arith.addf %get3A_1040, %select_n3A_1037 : vector<16xf32>
      %swap3A_1042 = arith.index_cast %shift_right_logical3A_1028 : i32 to index
      %swap3A_1043 = arith.constant 0 : index
      %swap3A_1044 = tpu.vector_load %arg19[%swap3A_1042, %swap3A_1043] {strides = array<i32>} : memref<640x16xf32, #tpu.memory_space<vmem>>, vector<16xf32>,
      tpu.vector_store %arg19[%swap3A_1042, %swap3A_1043], %add3A_1041 {strides = array<i32>} : memref<640x16xf32, #tpu.memory_space<vmem>>, vector<16xf32>,
      %get3A_1045 = arith.constant 0 : i32
      %get3A_1046 = arith.index_cast %get3A_1045 : i32 to index
      %get3A_1047 = arith.constant 40 : index
      %get3A_1048 = tpu.vector_load %arg9[%get3A_1046, %get3A_1047] {strides = array<i32>} : memref<2x80xi32, #tpu.memory_space<vmem>>, vector<16xi32>,
      %slice3A_1049 = vector.extract_strided_slice %get3A_1048 {offsets = [0], sizes = [1], strides = [1]} : vector<16xi32> to vector<1xi32>
      %squeeze3A_1050 = vector.extract %slice3A_1049[0] : i32 from vector<1xi32>
      %shift_right_logical3A_1051 = arith.constant 4 : i32
      %shift_right_logical3A_1052 = arith.shrui %squeeze3A_1050, %shift_right_logical3A_1051 : i32
      %and3A_1053 = arith.constant 15 : i32
      %and3A_1054 = arith.andi %squeeze3A_1050, %and3A_1053 : i32
      %eq3A_1055 = vector.broadcast %and3A_1054 : i32 to vector<16xi32>
      %eq3A_1056 = arith.cmpi eq, %iota3A, %eq3A_1055 : vector<16xi32>
      %jit3A_1057 = arith.constant 1.000000e+00 : f32
      %jit3A_1058 = arith.constant 0.000000e+00 : f32
      %broadcast_in_dim3A_1059 = vector.broadcast %jit3A_1057 : f32 to vector<16xf32>
      %broadcast_in_dim3A_1060 = vector.broadcast %jit3A_1058 : f32 to vector<16xf32>
      %select_n3A_1061 = arith.select %eq3A_1056, %broadcast_in_dim3A_1059, %broadcast_in_dim3A_1060 : vector<16xi1>, vector<16xf32>
      %get3A_1062 = arith.index_cast %shift_right_logical3A_1052 : i32 to index
      %get3A_1063 = arith.constant 0 : index
      %get3A_1064 = tpu.vector_load %arg19[%get3A_1062, %get3A_1063] {strides = array<i32>} : memref<640x16xf32, #tpu.memory_space<vmem>>, vector<16xf32>,
      %add3A_1065 = arith.addf %get3A_1064, %select_n3A_1061 : vector<16xf32>
      %swap3A_1066 = arith.index_cast %shift_right_logical3A_1052 : i32 to index
      %swap3A_1067 = arith.constant 0 : index
      %swap3A_1068 = tpu.vector_load %arg19[%swap3A_1066, %swap3A_1067] {strides = array<i32>} : memref<640x16xf32, #tpu.memory_space<vmem>>, vector<16xf32>,
      tpu.vector_store %arg19[%swap3A_1066, %swap3A_1067], %add3A_1065 {strides = array<i32>} : memref<640x16xf32, #tpu.memory_space<vmem>>, vector<16xf32>,
      %slice3A_1069 = vector.extract_strided_slice %get3A_1048 {offsets = [1], sizes = [1], strides = [1]} : vector<16xi32> to vector<1xi32>
      %squeeze3A_1070 = vector.extract %slice3A_1069[0] : i32 from vector<1xi32>
      %shift_right_logical3A_1071 = arith.constant 4 : i32
      %shift_right_logical3A_1072 = arith.shrui %squeeze3A_1070, %shift_right_logical3A_1071 : i32
      %and3A_1073 = arith.constant 15 : i32
      %and3A_1074 = arith.andi %squeeze3A_1070, %and3A_1073 : i32
      %eq3A_1075 = vector.broadcast %and3A_1074 : i32 to vector<16xi32>
      %eq3A_1076 = arith.cmpi eq, %iota3A, %eq3A_1075 : vector<16xi32>
      %jit3A_1077 = arith.constant 1.000000e+00 : f32
      %jit3A_1078 = arith.constant 0.000000e+00 : f32
      %broadcast_in_dim3A_1079 = vector.broadcast %jit3A_1077 : f32 to vector<16xf32>
      %broadcast_in_dim3A_1080 = vector.broadcast %jit3A_1078 : f32 to vector<16xf32>
      %select_n3A_1081 = arith.select %eq3A_1076, %broadcast_in_dim3A_1079, %broadcast_in_dim3A_1080 : vector<16xi1>, vector<16xf32>
      %get3A_1082 = arith.index_cast %shift_right_logical3A_1072 : i32 to index
      %get3A_1083 = arith.constant 0 : index
      %get3A_1084 = tpu.vector_load %arg19[%get3A_1082, %get3A_1083] {strides = array<i32>} : memref<640x16xf32, #tpu.memory_space<vmem>>, vector<16xf32>,
      %add3A_1085 = arith.addf %get3A_1084, %select_n3A_1081 : vector<16xf32>
      %swap3A_1086 = arith.index_cast %shift_right_logical3A_1072 : i32 to index
      %swap3A_1087 = arith.constant 0 : index
      %swap3A_1088 = tpu.vector_load %arg19[%swap3A_1086, %swap3A_1087] {strides = array<i32>} : memref<640x16xf32, #tpu.memory_space<vmem>>, vector<16xf32>,
      tpu.vector_store %arg19[%swap3A_1086, %swap3A_1087], %add3A_1085 {strides = array<i32>} : memref<640x16xf32, #tpu.memory_space<vmem>>, vector<16xf32>,
      %slice3A_1089 = vector.extract_strided_slice %get3A_1048 {offsets = [2], sizes = [1], strides = [1]} : vector<16xi32> to vector<1xi32>
      %squeeze3A_1090 = vector.extract %slice3A_1089[0] : i32 from vector<1xi32>
      %shift_right_logical3A_1091 = arith.constant 4 : i32
      %shift_right_logical3A_1092 = arith.shrui %squeeze3A_1090, %shift_right_logical3A_1091 : i32
      %and3A_1093 = arith.constant 15 : i32
      %and3A_1094 = arith.andi %squeeze3A_1090, %and3A_1093 : i32
      %eq3A_1095 = vector.broadcast %and3A_1094 : i32 to vector<16xi32>
      %eq3A_1096 = arith.cmpi eq, %iota3A, %eq3A_1095 : vector<16xi32>
      %jit3A_1097 = arith.constant 1.000000e+00 : f32
      %jit3A_1098 = arith.constant 0.000000e+00 : f32
      %broadcast_in_dim3A_1099 = vector.broadcast %jit3A_1097 : f32 to vector<16xf32>
      %broadcast_in_dim3A_1100 = vector.broadcast %jit3A_1098 : f32 to vector<16xf32>
      %select_n3A_1101 = arith.select %eq3A_1096, %broadcast_in_dim3A_1099, %broadcast_in_dim3A_1100 : vector<16xi1>, vector<16xf32>
      %get3A_1102 = arith.index_cast %shift_right_logical3A_1092 : i32 to index
      %get3A_1103 = arith.constant 0 : index
      %get3A_1104 = tpu.vector_load %arg19[%get3A_1102, %get3A_1103] {strides = array<i32>} : memref<640x16xf32, #tpu.memory_space<vmem>>, vector<16xf32>,
      %add3A_1105 = arith.addf %get3A_1104, %select_n3A_1101 : vector<16xf32>
      %swap3A_1106 = arith.index_cast %shift_right_logical3A_1092 : i32 to index
      %swap3A_1107 = arith.constant 0 : index
      %swap3A_1108 = tpu.vector_load %arg19[%swap3A_1106, %swap3A_1107] {strides = array<i32>} : memref<640x16xf32, #tpu.memory_space<vmem>>, vector<16xf32>,
      tpu.vector_store %arg19[%swap3A_1106, %swap3A_1107], %add3A_1105 {strides = array<i32>} : memref<640x16xf32, #tpu.memory_space<vmem>>, vector<16xf32>,
      %slice3A_1109 = vector.extract_strided_slice %get3A_1048 {offsets = [3], sizes = [1], strides = [1]} : vector<16xi32> to vector<1xi32>
      %squeeze3A_1110 = vector.extract %slice3A_1109[0] : i32 from vector<1xi32>
      %shift_right_logical3A_1111 = arith.constant 4 : i32
      %shift_right_logical3A_1112 = arith.shrui %squeeze3A_1110, %shift_right_logical3A_1111 : i32
      %and3A_1113 = arith.constant 15 : i32
      %and3A_1114 = arith.andi %squeeze3A_1110, %and3A_1113 : i32
      %eq3A_1115 = vector.broadcast %and3A_1114 : i32 to vector<16xi32>
      %eq3A_1116 = arith.cmpi eq, %iota3A, %eq3A_1115 : vector<16xi32>
      %jit3A_1117 = arith.constant 1.000000e+00 : f32
      %jit3A_1118 = arith.constant 0.000000e+00 : f32
      %broadcast_in_dim3A_1119 = vector.broadcast %jit3A_1117 : f32 to vector<16xf32>
      %broadcast_in_dim3A_1120 = vector.broadcast %jit3A_1118 : f32 to vector<16xf32>
      %select_n3A_1121 = arith.select %eq3A_1116, %broadcast_in_dim3A_1119, %broadcast_in_dim3A_1120 : vector<16xi1>, vector<16xf32>
      %get3A_1122 = arith.index_cast %shift_right_logical3A_1112 : i32 to index
      %get3A_1123 = arith.constant 0 : index
      %get3A_1124 = tpu.vector_load %arg19[%get3A_1122, %get3A_1123] {strides = array<i32>} : memref<640x16xf32, #tpu.memory_space<vmem>>, vector<16xf32>,
      %add3A_1125 = arith.addf %get3A_1124, %select_n3A_1121 : vector<16xf32>
      %swap3A_1126 = arith.index_cast %shift_right_logical3A_1112 : i32 to index
      %swap3A_1127 = arith.constant 0 : index
      %swap3A_1128 = tpu.vector_load %arg19[%swap3A_1126, %swap3A_1127] {strides = array<i32>} : memref<640x16xf32, #tpu.memory_space<vmem>>, vector<16xf32>,
      tpu.vector_store %arg19[%swap3A_1126, %swap3A_1127], %add3A_1125 {strides = array<i32>} : memref<640x16xf32, #tpu.memory_space<vmem>>, vector<16xf32>,
      %slice3A_1129 = vector.extract_strided_slice %get3A_1048 {offsets = [4], sizes = [1], strides = [1]} : vector<16xi32> to vector<1xi32>
      %squeeze3A_1130 = vector.extract %slice3A_1129[0] : i32 from vector<1xi32>
      %shift_right_logical3A_1131 = arith.constant 4 : i32
      %shift_right_logical3A_1132 = arith.shrui %squeeze3A_1130, %shift_right_logical3A_1131 : i32
      %and3A_1133 = arith.constant 15 : i32
      %and3A_1134 = arith.andi %squeeze3A_1130, %and3A_1133 : i32
      %eq3A_1135 = vector.broadcast %and3A_1134 : i32 to vector<16xi32>
      %eq3A_1136 = arith.cmpi eq, %iota3A, %eq3A_1135 : vector<16xi32>
      %jit3A_1137 = arith.constant 1.000000e+00 : f32
      %jit3A_1138 = arith.constant 0.000000e+00 : f32
      %broadcast_in_dim3A_1139 = vector.broadcast %jit3A_1137 : f32 to vector<16xf32>
      %broadcast_in_dim3A_1140 = vector.broadcast %jit3A_1138 : f32 to vector<16xf32>
      %select_n3A_1141 = arith.select %eq3A_1136, %broadcast_in_dim3A_1139, %broadcast_in_dim3A_1140 : vector<16xi1>, vector<16xf32>
      %get3A_1142 = arith.index_cast %shift_right_logical3A_1132 : i32 to index
      %get3A_1143 = arith.constant 0 : index
      %get3A_1144 = tpu.vector_load %arg19[%get3A_1142, %get3A_1143] {strides = array<i32>} : memref<640x16xf32, #tpu.memory_space<vmem>>, vector<16xf32>,
      %add3A_1145 = arith.addf %get3A_1144, %select_n3A_1141 : vector<16xf32>
      %swap3A_1146 = arith.index_cast %shift_right_logical3A_1132 : i32 to index
      %swap3A_1147 = arith.constant 0 : index
      %swap3A_1148 = tpu.vector_load %arg19[%swap3A_1146, %swap3A_1147] {strides = array<i32>} : memref<640x16xf32, #tpu.memory_space<vmem>>, vector<16xf32>,
      tpu.vector_store %arg19[%swap3A_1146, %swap3A_1147], %add3A_1145 {strides = array<i32>} : memref<640x16xf32, #tpu.memory_space<vmem>>, vector<16xf32>,
      %slice3A_1149 = vector.extract_strided_slice %get3A_1048 {offsets = [5], sizes = [1], strides = [1]} : vector<16xi32> to vector<1xi32>
      %squeeze3A_1150 = vector.extract %slice3A_1149[0] : i32 from vector<1xi32>
      %shift_right_logical3A_1151 = arith.constant 4 : i32
      %shift_right_logical3A_1152 = arith.shrui %squeeze3A_1150, %shift_right_logical3A_1151 : i32
      %and3A_1153 = arith.constant 15 : i32
      %and3A_1154 = arith.andi %squeeze3A_1150, %and3A_1153 : i32
      %eq3A_1155 = vector.broadcast %and3A_1154 : i32 to vector<16xi32>
      %eq3A_1156 = arith.cmpi eq, %iota3A, %eq3A_1155 : vector<16xi32>
      %jit3A_1157 = arith.constant 1.000000e+00 : f32
      %jit3A_1158 = arith.constant 0.000000e+00 : f32
      %broadcast_in_dim3A_1159 = vector.broadcast %jit3A_1157 : f32 to vector<16xf32>
      %broadcast_in_dim3A_1160 = vector.broadcast %jit3A_1158 : f32 to vector<16xf32>
      %select_n3A_1161 = arith.select %eq3A_1156, %broadcast_in_dim3A_1159, %broadcast_in_dim3A_1160 : vector<16xi1>, vector<16xf32>
      %get3A_1162 = arith.index_cast %shift_right_logical3A_1152 : i32 to index
      %get3A_1163 = arith.constant 0 : index
      %get3A_1164 = tpu.vector_load %arg19[%get3A_1162, %get3A_1163] {strides = array<i32>} : memref<640x16xf32, #tpu.memory_space<vmem>>, vector<16xf32>,
      %add3A_1165 = arith.addf %get3A_1164, %select_n3A_1161 : vector<16xf32>
      %swap3A_1166 = arith.index_cast %shift_right_logical3A_1152 : i32 to index
      %swap3A_1167 = arith.constant 0 : index
      %swap3A_1168 = tpu.vector_load %arg19[%swap3A_1166, %swap3A_1167] {strides = array<i32>} : memref<640x16xf32, #tpu.memory_space<vmem>>, vector<16xf32>,
      tpu.vector_store %arg19[%swap3A_1166, %swap3A_1167], %add3A_1165 {strides = array<i32>} : memref<640x16xf32, #tpu.memory_space<vmem>>, vector<16xf32>,
      %slice3A_1169 = vector.extract_strided_slice %get3A_1048 {offsets = [6], sizes = [1], strides = [1]} : vector<16xi32> to vector<1xi32>
      %squeeze3A_1170 = vector.extract %slice3A_1169[0] : i32 from vector<1xi32>
      %shift_right_logical3A_1171 = arith.constant 4 : i32
      %shift_right_logical3A_1172 = arith.shrui %squeeze3A_1170, %shift_right_logical3A_1171 : i32
      %and3A_1173 = arith.constant 15 : i32
      %and3A_1174 = arith.andi %squeeze3A_1170, %and3A_1173 : i32
      %eq3A_1175 = vector.broadcast %and3A_1174 : i32 to vector<16xi32>
      %eq3A_1176 = arith.cmpi eq, %iota3A, %eq3A_1175 : vector<16xi32>
      %jit3A_1177 = arith.constant 1.000000e+00 : f32
      %jit3A_1178 = arith.constant 0.000000e+00 : f32
      %broadcast_in_dim3A_1179 = vector.broadcast %jit3A_1177 : f32 to vector<16xf32>
      %broadcast_in_dim3A_1180 = vector.broadcast %jit3A_1178 : f32 to vector<16xf32>
      %select_n3A_1181 = arith.select %eq3A_1176, %broadcast_in_dim3A_1179, %broadcast_in_dim3A_1180 : vector<16xi1>, vector<16xf32>
      %get3A_1182 = arith.index_cast %shift_right_logical3A_1172 : i32 to index
      %get3A_1183 = arith.constant 0 : index
      %get3A_1184 = tpu.vector_load %arg19[%get3A_1182, %get3A_1183] {strides = array<i32>} : memref<640x16xf32, #tpu.memory_space<vmem>>, vector<16xf32>,
      %add3A_1185 = arith.addf %get3A_1184, %select_n3A_1181 : vector<16xf32>
      %swap3A_1186 = arith.index_cast %shift_right_logical3A_1172 : i32 to index
      %swap3A_1187 = arith.constant 0 : index
      %swap3A_1188 = tpu.vector_load %arg19[%swap3A_1186, %swap3A_1187] {strides = array<i32>} : memref<640x16xf32, #tpu.memory_space<vmem>>, vector<16xf32>,
      tpu.vector_store %arg19[%swap3A_1186, %swap3A_1187], %add3A_1185 {strides = array<i32>} : memref<640x16xf32, #tpu.memory_space<vmem>>, vector<16xf32>,
      %slice3A_1189 = vector.extract_strided_slice %get3A_1048 {offsets = [7], sizes = [1], strides = [1]} : vector<16xi32> to vector<1xi32>
      %squeeze3A_1190 = vector.extract %slice3A_1189[0] : i32 from vector<1xi32>
      %shift_right_logical3A_1191 = arith.constant 4 : i32
      %shift_right_logical3A_1192 = arith.shrui %squeeze3A_1190, %shift_right_logical3A_1191 : i32
      %and3A_1193 = arith.constant 15 : i32
      %and3A_1194 = arith.andi %squeeze3A_1190, %and3A_1193 : i32
      %eq3A_1195 = vector.broadcast %and3A_1194 : i32 to vector<16xi32>
      %eq3A_1196 = arith.cmpi eq, %iota3A, %eq3A_1195 : vector<16xi32>
      %jit3A_1197 = arith.constant 1.000000e+00 : f32
      %jit3A_1198 = arith.constant 0.000000e+00 : f32
      %broadcast_in_dim3A_1199 = vector.broadcast %jit3A_1197 : f32 to vector<16xf32>
      %broadcast_in_dim3A_1200 = vector.broadcast %jit3A_1198 : f32 to vector<16xf32>
      %select_n3A_1201 = arith.select %eq3A_1196, %broadcast_in_dim3A_1199, %broadcast_in_dim3A_1200 : vector<16xi1>, vector<16xf32>
      %get3A_1202 = arith.index_cast %shift_right_logical3A_1192 : i32 to index
      %get3A_1203 = arith.constant 0 : index
      %get3A_1204 = tpu.vector_load %arg19[%get3A_1202, %get3A_1203] {strides = array<i32>} : memref<640x16xf32, #tpu.memory_space<vmem>>, vector<16xf32>,
      %add3A_1205 = arith.addf %get3A_1204, %select_n3A_1201 : vector<16xf32>
      %swap3A_1206 = arith.index_cast %shift_right_logical3A_1192 : i32 to index
      %swap3A_1207 = arith.constant 0 : index
      %swap3A_1208 = tpu.vector_load %arg19[%swap3A_1206, %swap3A_1207] {strides = array<i32>} : memref<640x16xf32, #tpu.memory_space<vmem>>, vector<16xf32>,
      tpu.vector_store %arg19[%swap3A_1206, %swap3A_1207], %add3A_1205 {strides = array<i32>} : memref<640x16xf32, #tpu.memory_space<vmem>>, vector<16xf32>,
      %slice3A_1209 = vector.extract_strided_slice %get3A_1048 {offsets = [8], sizes = [1], strides = [1]} : vector<16xi32> to vector<1xi32>
      %squeeze3A_1210 = vector.extract %slice3A_1209[0] : i32 from vector<1xi32>
      %shift_right_logical3A_1211 = arith.constant 4 : i32
      %shift_right_logical3A_1212 = arith.shrui %squeeze3A_1210, %shift_right_logical3A_1211 : i32
      %and3A_1213 = arith.constant 15 : i32
      %and3A_1214 = arith.andi %squeeze3A_1210, %and3A_1213 : i32
      %eq3A_1215 = vector.broadcast %and3A_1214 : i32 to vector<16xi32>
      %eq3A_1216 = arith.cmpi eq, %iota3A, %eq3A_1215 : vector<16xi32>
      %jit3A_1217 = arith.constant 1.000000e+00 : f32
      %jit3A_1218 = arith.constant 0.000000e+00 : f32
      %broadcast_in_dim3A_1219 = vector.broadcast %jit3A_1217 : f32 to vector<16xf32>
      %broadcast_in_dim3A_1220 = vector.broadcast %jit3A_1218 : f32 to vector<16xf32>
      %select_n3A_1221 = arith.select %eq3A_1216, %broadcast_in_dim3A_1219, %broadcast_in_dim3A_1220 : vector<16xi1>, vector<16xf32>
      %get3A_1222 = arith.index_cast %shift_right_logical3A_1212 : i32 to index
      %get3A_1223 = arith.constant 0 : index
      %get3A_1224 = tpu.vector_load %arg19[%get3A_1222, %get3A_1223] {strides = array<i32>} : memref<640x16xf32, #tpu.memory_space<vmem>>, vector<16xf32>,
      %add3A_1225 = arith.addf %get3A_1224, %select_n3A_1221 : vector<16xf32>
      %swap3A_1226 = arith.index_cast %shift_right_logical3A_1212 : i32 to index
      %swap3A_1227 = arith.constant 0 : index
      %swap3A_1228 = tpu.vector_load %arg19[%swap3A_1226, %swap3A_1227] {strides = array<i32>} : memref<640x16xf32, #tpu.memory_space<vmem>>, vector<16xf32>,
      tpu.vector_store %arg19[%swap3A_1226, %swap3A_1227], %add3A_1225 {strides = array<i32>} : memref<640x16xf32, #tpu.memory_space<vmem>>, vector<16xf32>,
      %slice3A_1229 = vector.extract_strided_slice %get3A_1048 {offsets = [9], sizes = [1], strides = [1]} : vector<16xi32> to vector<1xi32>
      %squeeze3A_1230 = vector.extract %slice3A_1229[0] : i32 from vector<1xi32>
      %shift_right_logical3A_1231 = arith.constant 4 : i32
      %shift_right_logical3A_1232 = arith.shrui %squeeze3A_1230, %shift_right_logical3A_1231 : i32
      %and3A_1233 = arith.constant 15 : i32
      %and3A_1234 = arith.andi %squeeze3A_1230, %and3A_1233 : i32
      %eq3A_1235 = vector.broadcast %and3A_1234 : i32 to vector<16xi32>
      %eq3A_1236 = arith.cmpi eq, %iota3A, %eq3A_1235 : vector<16xi32>
      %jit3A_1237 = arith.constant 1.000000e+00 : f32
      %jit3A_1238 = arith.constant 0.000000e+00 : f32
      %broadcast_in_dim3A_1239 = vector.broadcast %jit3A_1237 : f32 to vector<16xf32>
      %broadcast_in_dim3A_1240 = vector.broadcast %jit3A_1238 : f32 to vector<16xf32>
      %select_n3A_1241 = arith.select %eq3A_1236, %broadcast_in_dim3A_1239, %broadcast_in_dim3A_1240 : vector<16xi1>, vector<16xf32>
      %get3A_1242 = arith.index_cast %shift_right_logical3A_1232 : i32 to index
      %get3A_1243 = arith.constant 0 : index
      %get3A_1244 = tpu.vector_load %arg19[%get3A_1242, %get3A_1243] {strides = array<i32>} : memref<640x16xf32, #tpu.memory_space<vmem>>, vector<16xf32>,
      %add3A_1245 = arith.addf %get3A_1244, %select_n3A_1241 : vector<16xf32>
      %swap3A_1246 = arith.index_cast %shift_right_logical3A_1232 : i32 to index
      %swap3A_1247 = arith.constant 0 : index
      %swap3A_1248 = tpu.vector_load %arg19[%swap3A_1246, %swap3A_1247] {strides = array<i32>} : memref<640x16xf32, #tpu.memory_space<vmem>>, vector<16xf32>,
      tpu.vector_store %arg19[%swap3A_1246, %swap3A_1247], %add3A_1245 {strides = array<i32>} : memref<640x16xf32, #tpu.memory_space<vmem>>, vector<16xf32>,
      %slice3A_1249 = vector.extract_strided_slice %get3A_1048 {offsets = [10], sizes = [1], strides = [1]} : vector<16xi32> to vector<1xi32>
      %squeeze3A_1250 = vector.extract %slice3A_1249[0] : i32 from vector<1xi32>
      %shift_right_logical3A_1251 = arith.constant 4 : i32
      %shift_right_logical3A_1252 = arith.shrui %squeeze3A_1250, %shift_right_logical3A_1251 : i32
      %and3A_1253 = arith.constant 15 : i32
      %and3A_1254 = arith.andi %squeeze3A_1250, %and3A_1253 : i32
      %eq3A_1255 = vector.broadcast %and3A_1254 : i32 to vector<16xi32>
      %eq3A_1256 = arith.cmpi eq, %iota3A, %eq3A_1255 : vector<16xi32>
      %jit3A_1257 = arith.constant 1.000000e+00 : f32
      %jit3A_1258 = arith.constant 0.000000e+00 : f32
      %broadcast_in_dim3A_1259 = vector.broadcast %jit3A_1257 : f32 to vector<16xf32>
      %broadcast_in_dim3A_1260 = vector.broadcast %jit3A_1258 : f32 to vector<16xf32>
      %select_n3A_1261 = arith.select %eq3A_1256, %broadcast_in_dim3A_1259, %broadcast_in_dim3A_1260 : vector<16xi1>, vector<16xf32>
      %get3A_1262 = arith.index_cast %shift_right_logical3A_1252 : i32 to index
      %get3A_1263 = arith.constant 0 : index
      %get3A_1264 = tpu.vector_load %arg19[%get3A_1262, %get3A_1263] {strides = array<i32>} : memref<640x16xf32, #tpu.memory_space<vmem>>, vector<16xf32>,
      %add3A_1265 = arith.addf %get3A_1264, %select_n3A_1261 : vector<16xf32>
      %swap3A_1266 = arith.index_cast %shift_right_logical3A_1252 : i32 to index
      %swap3A_1267 = arith.constant 0 : index
      %swap3A_1268 = tpu.vector_load %arg19[%swap3A_1266, %swap3A_1267] {strides = array<i32>} : memref<640x16xf32, #tpu.memory_space<vmem>>, vector<16xf32>,
      tpu.vector_store %arg19[%swap3A_1266, %swap3A_1267], %add3A_1265 {strides = array<i32>} : memref<640x16xf32, #tpu.memory_space<vmem>>, vector<16xf32>,
      %slice3A_1269 = vector.extract_strided_slice %get3A_1048 {offsets = [11], sizes = [1], strides = [1]} : vector<16xi32> to vector<1xi32>
      %squeeze3A_1270 = vector.extract %slice3A_1269[0] : i32 from vector<1xi32>
      %shift_right_logical3A_1271 = arith.constant 4 : i32
      %shift_right_logical3A_1272 = arith.shrui %squeeze3A_1270, %shift_right_logical3A_1271 : i32
      %and3A_1273 = arith.constant 15 : i32
      %and3A_1274 = arith.andi %squeeze3A_1270, %and3A_1273 : i32
      %eq3A_1275 = vector.broadcast %and3A_1274 : i32 to vector<16xi32>
      %eq3A_1276 = arith.cmpi eq, %iota3A, %eq3A_1275 : vector<16xi32>
      %jit3A_1277 = arith.constant 1.000000e+00 : f32
      %jit3A_1278 = arith.constant 0.000000e+00 : f32
      %broadcast_in_dim3A_1279 = vector.broadcast %jit3A_1277 : f32 to vector<16xf32>
      %broadcast_in_dim3A_1280 = vector.broadcast %jit3A_1278 : f32 to vector<16xf32>
      %select_n3A_1281 = arith.select %eq3A_1276, %broadcast_in_dim3A_1279, %broadcast_in_dim3A_1280 : vector<16xi1>, vector<16xf32>
      %get3A_1282 = arith.index_cast %shift_right_logical3A_1272 : i32 to index
      %get3A_1283 = arith.constant 0 : index
      %get3A_1284 = tpu.vector_load %arg19[%get3A_1282, %get3A_1283] {strides = array<i32>} : memref<640x16xf32, #tpu.memory_space<vmem>>, vector<16xf32>,
      %add3A_1285 = arith.addf %get3A_1284, %select_n3A_1281 : vector<16xf32>
      %swap3A_1286 = arith.index_cast %shift_right_logical3A_1272 : i32 to index
      %swap3A_1287 = arith.constant 0 : index
      %swap3A_1288 = tpu.vector_load %arg19[%swap3A_1286, %swap3A_1287] {strides = array<i32>} : memref<640x16xf32, #tpu.memory_space<vmem>>, vector<16xf32>,
      tpu.vector_store %arg19[%swap3A_1286, %swap3A_1287], %add3A_1285 {strides = array<i32>} : memref<640x16xf32, #tpu.memory_space<vmem>>, vector<16xf32>,
      %slice3A_1289 = vector.extract_strided_slice %get3A_1048 {offsets = [12], sizes = [1], strides = [1]} : vector<16xi32> to vector<1xi32>
      %squeeze3A_1290 = vector.extract %slice3A_1289[0] : i32 from vector<1xi32>
      %shift_right_logical3A_1291 = arith.constant 4 : i32
      %shift_right_logical3A_1292 = arith.shrui %squeeze3A_1290, %shift_right_logical3A_1291 : i32
      %and3A_1293 = arith.constant 15 : i32
      %and3A_1294 = arith.andi %squeeze3A_1290, %and3A_1293 : i32
      %eq3A_1295 = vector.broadcast %and3A_1294 : i32 to vector<16xi32>
      %eq3A_1296 = arith.cmpi eq, %iota3A, %eq3A_1295 : vector<16xi32>
      %jit3A_1297 = arith.constant 1.000000e+00 : f32
      %jit3A_1298 = arith.constant 0.000000e+00 : f32
      %broadcast_in_dim3A_1299 = vector.broadcast %jit3A_1297 : f32 to vector<16xf32>
      %broadcast_in_dim3A_1300 = vector.broadcast %jit3A_1298 : f32 to vector<16xf32>
      %select_n3A_1301 = arith.select %eq3A_1296, %broadcast_in_dim3A_1299, %broadcast_in_dim3A_1300 : vector<16xi1>, vector<16xf32>
      %get3A_1302 = arith.index_cast %shift_right_logical3A_1292 : i32 to index
      %get3A_1303 = arith.constant 0 : index
      %get3A_1304 = tpu.vector_load %arg19[%get3A_1302, %get3A_1303] {strides = array<i32>} : memref<640x16xf32, #tpu.memory_space<vmem>>, vector<16xf32>,
      %add3A_1305 = arith.addf %get3A_1304, %select_n3A_1301 : vector<16xf32>
      %swap3A_1306 = arith.index_cast %shift_right_logical3A_1292 : i32 to index
      %swap3A_1307 = arith.constant 0 : index
      %swap3A_1308 = tpu.vector_load %arg19[%swap3A_1306, %swap3A_1307] {strides = array<i32>} : memref<640x16xf32, #tpu.memory_space<vmem>>, vector<16xf32>,
      tpu.vector_store %arg19[%swap3A_1306, %swap3A_1307], %add3A_1305 {strides = array<i32>} : memref<640x16xf32, #tpu.memory_space<vmem>>, vector<16xf32>,
      %slice3A_1309 = vector.extract_strided_slice %get3A_1048 {offsets = [13], sizes = [1], strides = [1]} : vector<16xi32> to vector<1xi32>
      %squeeze3A_1310 = vector.extract %slice3A_1309[0] : i32 from vector<1xi32>
      %shift_right_logical3A_1311 = arith.constant 4 : i32
      %shift_right_logical3A_1312 = arith.shrui %squeeze3A_1310, %shift_right_logical3A_1311 : i32
      %and3A_1313 = arith.constant 15 : i32
      %and3A_1314 = arith.andi %squeeze3A_1310, %and3A_1313 : i32
      %eq3A_1315 = vector.broadcast %and3A_1314 : i32 to vector<16xi32>
      %eq3A_1316 = arith.cmpi eq, %iota3A, %eq3A_1315 : vector<16xi32>
      %jit3A_1317 = arith.constant 1.000000e+00 : f32
      %jit3A_1318 = arith.constant 0.000000e+00 : f32
      %broadcast_in_dim3A_1319 = vector.broadcast %jit3A_1317 : f32 to vector<16xf32>
      %broadcast_in_dim3A_1320 = vector.broadcast %jit3A_1318 : f32 to vector<16xf32>
      %select_n3A_1321 = arith.select %eq3A_1316, %broadcast_in_dim3A_1319, %broadcast_in_dim3A_1320 : vector<16xi1>, vector<16xf32>
      %get3A_1322 = arith.index_cast %shift_right_logical3A_1312 : i32 to index
      %get3A_1323 = arith.constant 0 : index
      %get3A_1324 = tpu.vector_load %arg19[%get3A_1322, %get3A_1323] {strides = array<i32>} : memref<640x16xf32, #tpu.memory_space<vmem>>, vector<16xf32>,
      %add3A_1325 = arith.addf %get3A_1324, %select_n3A_1321 : vector<16xf32>
      %swap3A_1326 = arith.index_cast %shift_right_logical3A_1312 : i32 to index
      %swap3A_1327 = arith.constant 0 : index
      %swap3A_1328 = tpu.vector_load %arg19[%swap3A_1326, %swap3A_1327] {strides = array<i32>} : memref<640x16xf32, #tpu.memory_space<vmem>>, vector<16xf32>,
      tpu.vector_store %arg19[%swap3A_1326, %swap3A_1327], %add3A_1325 {strides = array<i32>} : memref<640x16xf32, #tpu.memory_space<vmem>>, vector<16xf32>,
      %slice3A_1329 = vector.extract_strided_slice %get3A_1048 {offsets = [14], sizes = [1], strides = [1]} : vector<16xi32> to vector<1xi32>
      %squeeze3A_1330 = vector.extract %slice3A_1329[0] : i32 from vector<1xi32>
      %shift_right_logical3A_1331 = arith.constant 4 : i32
      %shift_right_logical3A_1332 = arith.shrui %squeeze3A_1330, %shift_right_logical3A_1331 : i32
      %and3A_1333 = arith.constant 15 : i32
      %and3A_1334 = arith.andi %squeeze3A_1330, %and3A_1333 : i32
      %eq3A_1335 = vector.broadcast %and3A_1334 : i32 to vector<16xi32>
      %eq3A_1336 = arith.cmpi eq, %iota3A, %eq3A_1335 : vector<16xi32>
      %jit3A_1337 = arith.constant 1.000000e+00 : f32
      %jit3A_1338 = arith.constant 0.000000e+00 : f32
      %broadcast_in_dim3A_1339 = vector.broadcast %jit3A_1337 : f32 to vector<16xf32>
      %broadcast_in_dim3A_1340 = vector.broadcast %jit3A_1338 : f32 to vector<16xf32>
      %select_n3A_1341 = arith.select %eq3A_1336, %broadcast_in_dim3A_1339, %broadcast_in_dim3A_1340 : vector<16xi1>, vector<16xf32>
      %get3A_1342 = arith.index_cast %shift_right_logical3A_1332 : i32 to index
      %get3A_1343 = arith.constant 0 : index
      %get3A_1344 = tpu.vector_load %arg19[%get3A_1342, %get3A_1343] {strides = array<i32>} : memref<640x16xf32, #tpu.memory_space<vmem>>, vector<16xf32>,
      %add3A_1345 = arith.addf %get3A_1344, %select_n3A_1341 : vector<16xf32>
      %swap3A_1346 = arith.index_cast %shift_right_logical3A_1332 : i32 to index
      %swap3A_1347 = arith.constant 0 : index
      %swap3A_1348 = tpu.vector_load %arg19[%swap3A_1346, %swap3A_1347] {strides = array<i32>} : memref<640x16xf32, #tpu.memory_space<vmem>>, vector<16xf32>,
      tpu.vector_store %arg19[%swap3A_1346, %swap3A_1347], %add3A_1345 {strides = array<i32>} : memref<640x16xf32, #tpu.memory_space<vmem>>, vector<16xf32>,
      %slice3A_1349 = vector.extract_strided_slice %get3A_1048 {offsets = [15], sizes = [1], strides = [1]} : vector<16xi32> to vector<1xi32>
      %squeeze3A_1350 = vector.extract %slice3A_1349[0] : i32 from vector<1xi32>
      %shift_right_logical3A_1351 = arith.constant 4 : i32
      %shift_right_logical3A_1352 = arith.shrui %squeeze3A_1350, %shift_right_logical3A_1351 : i32
      %and3A_1353 = arith.constant 15 : i32
      %and3A_1354 = arith.andi %squeeze3A_1350, %and3A_1353 : i32
      %eq3A_1355 = vector.broadcast %and3A_1354 : i32 to vector<16xi32>
      %eq3A_1356 = arith.cmpi eq, %iota3A, %eq3A_1355 : vector<16xi32>
      %jit3A_1357 = arith.constant 1.000000e+00 : f32
      %jit3A_1358 = arith.constant 0.000000e+00 : f32
      %broadcast_in_dim3A_1359 = vector.broadcast %jit3A_1357 : f32 to vector<16xf32>
      %broadcast_in_dim3A_1360 = vector.broadcast %jit3A_1358 : f32 to vector<16xf32>
      %select_n3A_1361 = arith.select %eq3A_1356, %broadcast_in_dim3A_1359, %broadcast_in_dim3A_1360 : vector<16xi1>, vector<16xf32>
      %get3A_1362 = arith.index_cast %shift_right_logical3A_1352 : i32 to index
      %get3A_1363 = arith.constant 0 : index
      %get3A_1364 = tpu.vector_load %arg19[%get3A_1362, %get3A_1363] {strides = array<i32>} : memref<640x16xf32, #tpu.memory_space<vmem>>, vector<16xf32>,
      %add3A_1365 = arith.addf %get3A_1364, %select_n3A_1361 : vector<16xf32>
      %swap3A_1366 = arith.index_cast %shift_right_logical3A_1352 : i32 to index
      %swap3A_1367 = arith.constant 0 : index
      %swap3A_1368 = tpu.vector_load %arg19[%swap3A_1366, %swap3A_1367] {strides = array<i32>} : memref<640x16xf32, #tpu.memory_space<vmem>>, vector<16xf32>,
      tpu.vector_store %arg19[%swap3A_1366, %swap3A_1367], %add3A_1365 {strides = array<i32>} : memref<640x16xf32, #tpu.memory_space<vmem>>, vector<16xf32>,
      %get3A_1369 = arith.constant 0 : i32
      %get3A_1370 = arith.index_cast %get3A_1369 : i32 to index
      %get3A_1371 = arith.constant 56 : index
      %get3A_1372 = tpu.vector_load %arg9[%get3A_1370, %get3A_1371] {strides = array<i32>} : memref<2x80xi32, #tpu.memory_space<vmem>>, vector<16xi32>,
      %slice3A_1373 = vector.extract_strided_slice %get3A_1372 {offsets = [0], sizes = [1], strides = [1]} : vector<16xi32> to vector<1xi32>
      %squeeze3A_1374 = vector.extract %slice3A_1373[0] : i32 from vector<1xi32>
      %shift_right_logical3A_1375 = arith.constant 4 : i32
      %shift_right_logical3A_1376 = arith.shrui %squeeze3A_1374, %shift_right_logical3A_1375 : i32
      %and3A_1377 = arith.constant 15 : i32
      %and3A_1378 = arith.andi %squeeze3A_1374, %and3A_1377 : i32
      %eq3A_1379 = vector.broadcast %and3A_1378 : i32 to vector<16xi32>
      %eq3A_1380 = arith.cmpi eq, %iota3A, %eq3A_1379 : vector<16xi32>
      %jit3A_1381 = arith.constant 1.000000e+00 : f32
      %jit3A_1382 = arith.constant 0.000000e+00 : f32
      %broadcast_in_dim3A_1383 = vector.broadcast %jit3A_1381 : f32 to vector<16xf32>
      %broadcast_in_dim3A_1384 = vector.broadcast %jit3A_1382 : f32 to vector<16xf32>
      %select_n3A_1385 = arith.select %eq3A_1380, %broadcast_in_dim3A_1383, %broadcast_in_dim3A_1384 : vector<16xi1>, vector<16xf32>
      %get3A_1386 = arith.index_cast %shift_right_logical3A_1376 : i32 to index
      %get3A_1387 = arith.constant 0 : index
      %get3A_1388 = tpu.vector_load %arg19[%get3A_1386, %get3A_1387] {strides = array<i32>} : memref<640x16xf32, #tpu.memory_space<vmem>>, vector<16xf32>,
      %add3A_1389 = arith.addf %get3A_1388, %select_n3A_1385 : vector<16xf32>
      %swap3A_1390 = arith.index_cast %shift_right_logical3A_1376 : i32 to index
      %swap3A_1391 = arith.constant 0 : index
      %swap3A_1392 = tpu.vector_load %arg19[%swap3A_1390, %swap3A_1391] {strides = array<i32>} : memref<640x16xf32, #tpu.memory_space<vmem>>, vector<16xf32>,
      tpu.vector_store %arg19[%swap3A_1390, %swap3A_1391], %add3A_1389 {strides = array<i32>} : memref<640x16xf32, #tpu.memory_space<vmem>>, vector<16xf32>,
      %slice3A_1393 = vector.extract_strided_slice %get3A_1372 {offsets = [1], sizes = [1], strides = [1]} : vector<16xi32> to vector<1xi32>
      %squeeze3A_1394 = vector.extract %slice3A_1393[0] : i32 from vector<1xi32>
      %shift_right_logical3A_1395 = arith.constant 4 : i32
      %shift_right_logical3A_1396 = arith.shrui %squeeze3A_1394, %shift_right_logical3A_1395 : i32
      %and3A_1397 = arith.constant 15 : i32
      %and3A_1398 = arith.andi %squeeze3A_1394, %and3A_1397 : i32
      %eq3A_1399 = vector.broadcast %and3A_1398 : i32 to vector<16xi32>
      %eq3A_1400 = arith.cmpi eq, %iota3A, %eq3A_1399 : vector<16xi32>
      %jit3A_1401 = arith.constant 1.000000e+00 : f32
      %jit3A_1402 = arith.constant 0.000000e+00 : f32
      %broadcast_in_dim3A_1403 = vector.broadcast %jit3A_1401 : f32 to vector<16xf32>
      %broadcast_in_dim3A_1404 = vector.broadcast %jit3A_1402 : f32 to vector<16xf32>
      %select_n3A_1405 = arith.select %eq3A_1400, %broadcast_in_dim3A_1403, %broadcast_in_dim3A_1404 : vector<16xi1>, vector<16xf32>
      %get3A_1406 = arith.index_cast %shift_right_logical3A_1396 : i32 to index
      %get3A_1407 = arith.constant 0 : index
      %get3A_1408 = tpu.vector_load %arg19[%get3A_1406, %get3A_1407] {strides = array<i32>} : memref<640x16xf32, #tpu.memory_space<vmem>>, vector<16xf32>,
      %add3A_1409 = arith.addf %get3A_1408, %select_n3A_1405 : vector<16xf32>
      %swap3A_1410 = arith.index_cast %shift_right_logical3A_1396 : i32 to index
      %swap3A_1411 = arith.constant 0 : index
      %swap3A_1412 = tpu.vector_load %arg19[%swap3A_1410, %swap3A_1411] {strides = array<i32>} : memref<640x16xf32, #tpu.memory_space<vmem>>, vector<16xf32>,
      tpu.vector_store %arg19[%swap3A_1410, %swap3A_1411], %add3A_1409 {strides = array<i32>} : memref<640x16xf32, #tpu.memory_space<vmem>>, vector<16xf32>,
      %slice3A_1413 = vector.extract_strided_slice %get3A_1372 {offsets = [2], sizes = [1], strides = [1]} : vector<16xi32> to vector<1xi32>
      %squeeze3A_1414 = vector.extract %slice3A_1413[0] : i32 from vector<1xi32>
      %shift_right_logical3A_1415 = arith.constant 4 : i32
      %shift_right_logical3A_1416 = arith.shrui %squeeze3A_1414, %shift_right_logical3A_1415 : i32
      %and3A_1417 = arith.constant 15 : i32
      %and3A_1418 = arith.andi %squeeze3A_1414, %and3A_1417 : i32
      %eq3A_1419 = vector.broadcast %and3A_1418 : i32 to vector<16xi32>
      %eq3A_1420 = arith.cmpi eq, %iota3A, %eq3A_1419 : vector<16xi32>
      %jit3A_1421 = arith.constant 1.000000e+00 : f32
      %jit3A_1422 = arith.constant 0.000000e+00 : f32
      %broadcast_in_dim3A_1423 = vector.broadcast %jit3A_1421 : f32 to vector<16xf32>
      %broadcast_in_dim3A_1424 = vector.broadcast %jit3A_1422 : f32 to vector<16xf32>
      %select_n3A_1425 = arith.select %eq3A_1420, %broadcast_in_dim3A_1423, %broadcast_in_dim3A_1424 : vector<16xi1>, vector<16xf32>
      %get3A_1426 = arith.index_cast %shift_right_logical3A_1416 : i32 to index
      %get3A_1427 = arith.constant 0 : index
      %get3A_1428 = tpu.vector_load %arg19[%get3A_1426, %get3A_1427] {strides = array<i32>} : memref<640x16xf32, #tpu.memory_space<vmem>>, vector<16xf32>,
      %add3A_1429 = arith.addf %get3A_1428, %select_n3A_1425 : vector<16xf32>
      %swap3A_1430 = arith.index_cast %shift_right_logical3A_1416 : i32 to index
      %swap3A_1431 = arith.constant 0 : index
      %swap3A_1432 = tpu.vector_load %arg19[%swap3A_1430, %swap3A_1431] {strides = array<i32>} : memref<640x16xf32, #tpu.memory_space<vmem>>, vector<16xf32>,
      tpu.vector_store %arg19[%swap3A_1430, %swap3A_1431], %add3A_1429 {strides = array<i32>} : memref<640x16xf32, #tpu.memory_space<vmem>>, vector<16xf32>,
      %slice3A_1433 = vector.extract_strided_slice %get3A_1372 {offsets = [3], sizes = [1], strides = [1]} : vector<16xi32> to vector<1xi32>
      %squeeze3A_1434 = vector.extract %slice3A_1433[0] : i32 from vector<1xi32>
      %shift_right_logical3A_1435 = arith.constant 4 : i32
      %shift_right_logical3A_1436 = arith.shrui %squeeze3A_1434, %shift_right_logical3A_1435 : i32
      %and3A_1437 = arith.constant 15 : i32
      %and3A_1438 = arith.andi %squeeze3A_1434, %and3A_1437 : i32
      %eq3A_1439 = vector.broadcast %and3A_1438 : i32 to vector<16xi32>
      %eq3A_1440 = arith.cmpi eq, %iota3A, %eq3A_1439 : vector<16xi32>
      %jit3A_1441 = arith.constant 1.000000e+00 : f32
      %jit3A_1442 = arith.constant 0.000000e+00 : f32
      %broadcast_in_dim3A_1443 = vector.broadcast %jit3A_1441 : f32 to vector<16xf32>
      %broadcast_in_dim3A_1444 = vector.broadcast %jit3A_1442 : f32 to vector<16xf32>
      %select_n3A_1445 = arith.select %eq3A_1440, %broadcast_in_dim3A_1443, %broadcast_in_dim3A_1444 : vector<16xi1>, vector<16xf32>
      %get3A_1446 = arith.index_cast %shift_right_logical3A_1436 : i32 to index
      %get3A_1447 = arith.constant 0 : index
      %get3A_1448 = tpu.vector_load %arg19[%get3A_1446, %get3A_1447] {strides = array<i32>} : memref<640x16xf32, #tpu.memory_space<vmem>>, vector<16xf32>,
      %add3A_1449 = arith.addf %get3A_1448, %select_n3A_1445 : vector<16xf32>
      %swap3A_1450 = arith.index_cast %shift_right_logical3A_1436 : i32 to index
      %swap3A_1451 = arith.constant 0 : index
      %swap3A_1452 = tpu.vector_load %arg19[%swap3A_1450, %swap3A_1451] {strides = array<i32>} : memref<640x16xf32, #tpu.memory_space<vmem>>, vector<16xf32>,
      tpu.vector_store %arg19[%swap3A_1450, %swap3A_1451], %add3A_1449 {strides = array<i32>} : memref<640x16xf32, #tpu.memory_space<vmem>>, vector<16xf32>,
      %slice3A_1453 = vector.extract_strided_slice %get3A_1372 {offsets = [4], sizes = [1], strides = [1]} : vector<16xi32> to vector<1xi32>
      %squeeze3A_1454 = vector.extract %slice3A_1453[0] : i32 from vector<1xi32>
      %shift_right_logical3A_1455 = arith.constant 4 : i32
      %shift_right_logical3A_1456 = arith.shrui %squeeze3A_1454, %shift_right_logical3A_1455 : i32
      %and3A_1457 = arith.constant 15 : i32
      %and3A_1458 = arith.andi %squeeze3A_1454, %and3A_1457 : i32
      %eq3A_1459 = vector.broadcast %and3A_1458 : i32 to vector<16xi32>
      %eq3A_1460 = arith.cmpi eq, %iota3A, %eq3A_1459 : vector<16xi32>
      %jit3A_1461 = arith.constant 1.000000e+00 : f32
      %jit3A_1462 = arith.constant 0.000000e+00 : f32
      %broadcast_in_dim3A_1463 = vector.broadcast %jit3A_1461 : f32 to vector<16xf32>
      %broadcast_in_dim3A_1464 = vector.broadcast %jit3A_1462 : f32 to vector<16xf32>
      %select_n3A_1465 = arith.select %eq3A_1460, %broadcast_in_dim3A_1463, %broadcast_in_dim3A_1464 : vector<16xi1>, vector<16xf32>
      %get3A_1466 = arith.index_cast %shift_right_logical3A_1456 : i32 to index
      %get3A_1467 = arith.constant 0 : index
      %get3A_1468 = tpu.vector_load %arg19[%get3A_1466, %get3A_1467] {strides = array<i32>} : memref<640x16xf32, #tpu.memory_space<vmem>>, vector<16xf32>,
      %add3A_1469 = arith.addf %get3A_1468, %select_n3A_1465 : vector<16xf32>
      %swap3A_1470 = arith.index_cast %shift_right_logical3A_1456 : i32 to index
      %swap3A_1471 = arith.constant 0 : index
      %swap3A_1472 = tpu.vector_load %arg19[%swap3A_1470, %swap3A_1471] {strides = array<i32>} : memref<640x16xf32, #tpu.memory_space<vmem>>, vector<16xf32>,
      tpu.vector_store %arg19[%swap3A_1470, %swap3A_1471], %add3A_1469 {strides = array<i32>} : memref<640x16xf32, #tpu.memory_space<vmem>>, vector<16xf32>,
      %slice3A_1473 = vector.extract_strided_slice %get3A_1372 {offsets = [5], sizes = [1], strides = [1]} : vector<16xi32> to vector<1xi32>
      %squeeze3A_1474 = vector.extract %slice3A_1473[0] : i32 from vector<1xi32>
      %shift_right_logical3A_1475 = arith.constant 4 : i32
      %shift_right_logical3A_1476 = arith.shrui %squeeze3A_1474, %shift_right_logical3A_1475 : i32
      %and3A_1477 = arith.constant 15 : i32
      %and3A_1478 = arith.andi %squeeze3A_1474, %and3A_1477 : i32
      %eq3A_1479 = vector.broadcast %and3A_1478 : i32 to vector<16xi32>
      %eq3A_1480 = arith.cmpi eq, %iota3A, %eq3A_1479 : vector<16xi32>
      %jit3A_1481 = arith.constant 1.000000e+00 : f32
      %jit3A_1482 = arith.constant 0.000000e+00 : f32
      %broadcast_in_dim3A_1483 = vector.broadcast %jit3A_1481 : f32 to vector<16xf32>
      %broadcast_in_dim3A_1484 = vector.broadcast %jit3A_1482 : f32 to vector<16xf32>
      %select_n3A_1485 = arith.select %eq3A_1480, %broadcast_in_dim3A_1483, %broadcast_in_dim3A_1484 : vector<16xi1>, vector<16xf32>
      %get3A_1486 = arith.index_cast %shift_right_logical3A_1476 : i32 to index
      %get3A_1487 = arith.constant 0 : index
      %get3A_1488 = tpu.vector_load %arg19[%get3A_1486, %get3A_1487] {strides = array<i32>} : memref<640x16xf32, #tpu.memory_space<vmem>>, vector<16xf32>,
      %add3A_1489 = arith.addf %get3A_1488, %select_n3A_1485 : vector<16xf32>
      %swap3A_1490 = arith.index_cast %shift_right_logical3A_1476 : i32 to index
      %swap3A_1491 = arith.constant 0 : index
      %swap3A_1492 = tpu.vector_load %arg19[%swap3A_1490, %swap3A_1491] {strides = array<i32>} : memref<640x16xf32, #tpu.memory_space<vmem>>, vector<16xf32>,
      tpu.vector_store %arg19[%swap3A_1490, %swap3A_1491], %add3A_1489 {strides = array<i32>} : memref<640x16xf32, #tpu.memory_space<vmem>>, vector<16xf32>,
      %slice3A_1493 = vector.extract_strided_slice %get3A_1372 {offsets = [6], sizes = [1], strides = [1]} : vector<16xi32> to vector<1xi32>
      %squeeze3A_1494 = vector.extract %slice3A_1493[0] : i32 from vector<1xi32>
      %shift_right_logical3A_1495 = arith.constant 4 : i32
      %shift_right_logical3A_1496 = arith.shrui %squeeze3A_1494, %shift_right_logical3A_1495 : i32
      %and3A_1497 = arith.constant 15 : i32
      %and3A_1498 = arith.andi %squeeze3A_1494, %and3A_1497 : i32
      %eq3A_1499 = vector.broadcast %and3A_1498 : i32 to vector<16xi32>
      %eq3A_1500 = arith.cmpi eq, %iota3A, %eq3A_1499 : vector<16xi32>
      %jit3A_1501 = arith.constant 1.000000e+00 : f32
      %jit3A_1502 = arith.constant 0.000000e+00 : f32
      %broadcast_in_dim3A_1503 = vector.broadcast %jit3A_1501 : f32 to vector<16xf32>
      %broadcast_in_dim3A_1504 = vector.broadcast %jit3A_1502 : f32 to vector<16xf32>
      %select_n3A_1505 = arith.select %eq3A_1500, %broadcast_in_dim3A_1503, %broadcast_in_dim3A_1504 : vector<16xi1>, vector<16xf32>
      %get3A_1506 = arith.index_cast %shift_right_logical3A_1496 : i32 to index
      %get3A_1507 = arith.constant 0 : index
      %get3A_1508 = tpu.vector_load %arg19[%get3A_1506, %get3A_1507] {strides = array<i32>} : memref<640x16xf32, #tpu.memory_space<vmem>>, vector<16xf32>,
      %add3A_1509 = arith.addf %get3A_1508, %select_n3A_1505 : vector<16xf32>
      %swap3A_1510 = arith.index_cast %shift_right_logical3A_1496 : i32 to index
      %swap3A_1511 = arith.constant 0 : index
      %swap3A_1512 = tpu.vector_load %arg19[%swap3A_1510, %swap3A_1511] {strides = array<i32>} : memref<640x16xf32, #tpu.memory_space<vmem>>, vector<16xf32>,
      tpu.vector_store %arg19[%swap3A_1510, %swap3A_1511], %add3A_1509 {strides = array<i32>} : memref<640x16xf32, #tpu.memory_space<vmem>>, vector<16xf32>,
      %slice3A_1513 = vector.extract_strided_slice %get3A_1372 {offsets = [7], sizes = [1], strides = [1]} : vector<16xi32> to vector<1xi32>
      %squeeze3A_1514 = vector.extract %slice3A_1513[0] : i32 from vector<1xi32>
      %shift_right_logical3A_1515 = arith.constant 4 : i32
      %shift_right_logical3A_1516 = arith.shrui %squeeze3A_1514, %shift_right_logical3A_1515 : i32
      %and3A_1517 = arith.constant 15 : i32
      %and3A_1518 = arith.andi %squeeze3A_1514, %and3A_1517 : i32
      %eq3A_1519 = vector.broadcast %and3A_1518 : i32 to vector<16xi32>
      %eq3A_1520 = arith.cmpi eq, %iota3A, %eq3A_1519 : vector<16xi32>
      %jit3A_1521 = arith.constant 1.000000e+00 : f32
      %jit3A_1522 = arith.constant 0.000000e+00 : f32
      %broadcast_in_dim3A_1523 = vector.broadcast %jit3A_1521 : f32 to vector<16xf32>
      %broadcast_in_dim3A_1524 = vector.broadcast %jit3A_1522 : f32 to vector<16xf32>
      %select_n3A_1525 = arith.select %eq3A_1520, %broadcast_in_dim3A_1523, %broadcast_in_dim3A_1524 : vector<16xi1>, vector<16xf32>
      %get3A_1526 = arith.index_cast %shift_right_logical3A_1516 : i32 to index
      %get3A_1527 = arith.constant 0 : index
      %get3A_1528 = tpu.vector_load %arg19[%get3A_1526, %get3A_1527] {strides = array<i32>} : memref<640x16xf32, #tpu.memory_space<vmem>>, vector<16xf32>,
      %add3A_1529 = arith.addf %get3A_1528, %select_n3A_1525 : vector<16xf32>
      %swap3A_1530 = arith.index_cast %shift_right_logical3A_1516 : i32 to index
      %swap3A_1531 = arith.constant 0 : index
      %swap3A_1532 = tpu.vector_load %arg19[%swap3A_1530, %swap3A_1531] {strides = array<i32>} : memref<640x16xf32, #tpu.memory_space<vmem>>, vector<16xf32>,
      tpu.vector_store %arg19[%swap3A_1530, %swap3A_1531], %add3A_1529 {strides = array<i32>} : memref<640x16xf32, #tpu.memory_space<vmem>>, vector<16xf32>,
      %slice3A_1533 = vector.extract_strided_slice %get3A_1372 {offsets = [8], sizes = [1], strides = [1]} : vector<16xi32> to vector<1xi32>
      %squeeze3A_1534 = vector.extract %slice3A_1533[0] : i32 from vector<1xi32>
      %shift_right_logical3A_1535 = arith.constant 4 : i32
      %shift_right_logical3A_1536 = arith.shrui %squeeze3A_1534, %shift_right_logical3A_1535 : i32
      %and3A_1537 = arith.constant 15 : i32
      %and3A_1538 = arith.andi %squeeze3A_1534, %and3A_1537 : i32
      %eq3A_1539 = vector.broadcast %and3A_1538 : i32 to vector<16xi32>
      %eq3A_1540 = arith.cmpi eq, %iota3A, %eq3A_1539 : vector<16xi32>
      %jit3A_1541 = arith.constant 1.000000e+00 : f32
      %jit3A_1542 = arith.constant 0.000000e+00 : f32
      %broadcast_in_dim3A_1543 = vector.broadcast %jit3A_1541 : f32 to vector<16xf32>
      %broadcast_in_dim3A_1544 = vector.broadcast %jit3A_1542 : f32 to vector<16xf32>
      %select_n3A_1545 = arith.select %eq3A_1540, %broadcast_in_dim3A_1543, %broadcast_in_dim3A_1544 : vector<16xi1>, vector<16xf32>
      %get3A_1546 = arith.index_cast %shift_right_logical3A_1536 : i32 to index
      %get3A_1547 = arith.constant 0 : index
      %get3A_1548 = tpu.vector_load %arg19[%get3A_1546, %get3A_1547] {strides = array<i32>} : memref<640x16xf32, #tpu.memory_space<vmem>>, vector<16xf32>,
      %add3A_1549 = arith.addf %get3A_1548, %select_n3A_1545 : vector<16xf32>
      %swap3A_1550 = arith.index_cast %shift_right_logical3A_1536 : i32 to index
      %swap3A_1551 = arith.constant 0 : index
      %swap3A_1552 = tpu.vector_load %arg19[%swap3A_1550, %swap3A_1551] {strides = array<i32>} : memref<640x16xf32, #tpu.memory_space<vmem>>, vector<16xf32>,
      tpu.vector_store %arg19[%swap3A_1550, %swap3A_1551], %add3A_1549 {strides = array<i32>} : memref<640x16xf32, #tpu.memory_space<vmem>>, vector<16xf32>,
      %slice3A_1553 = vector.extract_strided_slice %get3A_1372 {offsets = [9], sizes = [1], strides = [1]} : vector<16xi32> to vector<1xi32>
      %squeeze3A_1554 = vector.extract %slice3A_1553[0] : i32 from vector<1xi32>
      %shift_right_logical3A_1555 = arith.constant 4 : i32
      %shift_right_logical3A_1556 = arith.shrui %squeeze3A_1554, %shift_right_logical3A_1555 : i32
      %and3A_1557 = arith.constant 15 : i32
      %and3A_1558 = arith.andi %squeeze3A_1554, %and3A_1557 : i32
      %eq3A_1559 = vector.broadcast %and3A_1558 : i32 to vector<16xi32>
      %eq3A_1560 = arith.cmpi eq, %iota3A, %eq3A_1559 : vector<16xi32>
      %jit3A_1561 = arith.constant 1.000000e+00 : f32
      %jit3A_1562 = arith.constant 0.000000e+00 : f32
      %broadcast_in_dim3A_1563 = vector.broadcast %jit3A_1561 : f32 to vector<16xf32>
      %broadcast_in_dim3A_1564 = vector.broadcast %jit3A_1562 : f32 to vector<16xf32>
      %select_n3A_1565 = arith.select %eq3A_1560, %broadcast_in_dim3A_1563, %broadcast_in_dim3A_1564 : vector<16xi1>, vector<16xf32>
      %get3A_1566 = arith.index_cast %shift_right_logical3A_1556 : i32 to index
      %get3A_1567 = arith.constant 0 : index
      %get3A_1568 = tpu.vector_load %arg19[%get3A_1566, %get3A_1567] {strides = array<i32>} : memref<640x16xf32, #tpu.memory_space<vmem>>, vector<16xf32>,
      %add3A_1569 = arith.addf %get3A_1568, %select_n3A_1565 : vector<16xf32>
      %swap3A_1570 = arith.index_cast %shift_right_logical3A_1556 : i32 to index
      %swap3A_1571 = arith.constant 0 : index
      %swap3A_1572 = tpu.vector_load %arg19[%swap3A_1570, %swap3A_1571] {strides = array<i32>} : memref<640x16xf32, #tpu.memory_space<vmem>>, vector<16xf32>,
      tpu.vector_store %arg19[%swap3A_1570, %swap3A_1571], %add3A_1569 {strides = array<i32>} : memref<640x16xf32, #tpu.memory_space<vmem>>, vector<16xf32>,
      %slice3A_1573 = vector.extract_strided_slice %get3A_1372 {offsets = [10], sizes = [1], strides = [1]} : vector<16xi32> to vector<1xi32>
      %squeeze3A_1574 = vector.extract %slice3A_1573[0] : i32 from vector<1xi32>
      %shift_right_logical3A_1575 = arith.constant 4 : i32
      %shift_right_logical3A_1576 = arith.shrui %squeeze3A_1574, %shift_right_logical3A_1575 : i32
      %and3A_1577 = arith.constant 15 : i32
      %and3A_1578 = arith.andi %squeeze3A_1574, %and3A_1577 : i32
      %eq3A_1579 = vector.broadcast %and3A_1578 : i32 to vector<16xi32>
      %eq3A_1580 = arith.cmpi eq, %iota3A, %eq3A_1579 : vector<16xi32>
      %jit3A_1581 = arith.constant 1.000000e+00 : f32
      %jit3A_1582 = arith.constant 0.000000e+00 : f32
      %broadcast_in_dim3A_1583 = vector.broadcast %jit3A_1581 : f32 to vector<16xf32>
      %broadcast_in_dim3A_1584 = vector.broadcast %jit3A_1582 : f32 to vector<16xf32>
      %select_n3A_1585 = arith.select %eq3A_1580, %broadcast_in_dim3A_1583, %broadcast_in_dim3A_1584 : vector<16xi1>, vector<16xf32>
      %get3A_1586 = arith.index_cast %shift_right_logical3A_1576 : i32 to index
      %get3A_1587 = arith.constant 0 : index
      %get3A_1588 = tpu.vector_load %arg19[%get3A_1586, %get3A_1587] {strides = array<i32>} : memref<640x16xf32, #tpu.memory_space<vmem>>, vector<16xf32>,
      %add3A_1589 = arith.addf %get3A_1588, %select_n3A_1585 : vector<16xf32>
      %swap3A_1590 = arith.index_cast %shift_right_logical3A_1576 : i32 to index
      %swap3A_1591 = arith.constant 0 : index
      %swap3A_1592 = tpu.vector_load %arg19[%swap3A_1590, %swap3A_1591] {strides = array<i32>} : memref<640x16xf32, #tpu.memory_space<vmem>>, vector<16xf32>,
      tpu.vector_store %arg19[%swap3A_1590, %swap3A_1591], %add3A_1589 {strides = array<i32>} : memref<640x16xf32, #tpu.memory_space<vmem>>, vector<16xf32>,
      %slice3A_1593 = vector.extract_strided_slice %get3A_1372 {offsets = [11], sizes = [1], strides = [1]} : vector<16xi32> to vector<1xi32>
      %squeeze3A_1594 = vector.extract %slice3A_1593[0] : i32 from vector<1xi32>
      %shift_right_logical3A_1595 = arith.constant 4 : i32
      %shift_right_logical3A_1596 = arith.shrui %squeeze3A_1594, %shift_right_logical3A_1595 : i32
      %and3A_1597 = arith.constant 15 : i32
      %and3A_1598 = arith.andi %squeeze3A_1594, %and3A_1597 : i32
      %eq3A_1599 = vector.broadcast %and3A_1598 : i32 to vector<16xi32>
      %eq3A_1600 = arith.cmpi eq, %iota3A, %eq3A_1599 : vector<16xi32>
      %jit3A_1601 = arith.constant 1.000000e+00 : f32
      %jit3A_1602 = arith.constant 0.000000e+00 : f32
      %broadcast_in_dim3A_1603 = vector.broadcast %jit3A_1601 : f32 to vector<16xf32>
      %broadcast_in_dim3A_1604 = vector.broadcast %jit3A_1602 : f32 to vector<16xf32>
      %select_n3A_1605 = arith.select %eq3A_1600, %broadcast_in_dim3A_1603, %broadcast_in_dim3A_1604 : vector<16xi1>, vector<16xf32>
      %get3A_1606 = arith.index_cast %shift_right_logical3A_1596 : i32 to index
      %get3A_1607 = arith.constant 0 : index
      %get3A_1608 = tpu.vector_load %arg19[%get3A_1606, %get3A_1607] {strides = array<i32>} : memref<640x16xf32, #tpu.memory_space<vmem>>, vector<16xf32>,
      %add3A_1609 = arith.addf %get3A_1608, %select_n3A_1605 : vector<16xf32>
      %swap3A_1610 = arith.index_cast %shift_right_logical3A_1596 : i32 to index
      %swap3A_1611 = arith.constant 0 : index
      %swap3A_1612 = tpu.vector_load %arg19[%swap3A_1610, %swap3A_1611] {strides = array<i32>} : memref<640x16xf32, #tpu.memory_space<vmem>>, vector<16xf32>,
      tpu.vector_store %arg19[%swap3A_1610, %swap3A_1611], %add3A_1609 {strides = array<i32>} : memref<640x16xf32, #tpu.memory_space<vmem>>, vector<16xf32>,
      %slice3A_1613 = vector.extract_strided_slice %get3A_1372 {offsets = [12], sizes = [1], strides = [1]} : vector<16xi32> to vector<1xi32>
      %squeeze3A_1614 = vector.extract %slice3A_1613[0] : i32 from vector<1xi32>
      %shift_right_logical3A_1615 = arith.constant 4 : i32
      %shift_right_logical3A_1616 = arith.shrui %squeeze3A_1614, %shift_right_logical3A_1615 : i32
      %and3A_1617 = arith.constant 15 : i32
      %and3A_1618 = arith.andi %squeeze3A_1614, %and3A_1617 : i32
      %eq3A_1619 = vector.broadcast %and3A_1618 : i32 to vector<16xi32>
      %eq3A_1620 = arith.cmpi eq, %iota3A, %eq3A_1619 : vector<16xi32>
      %jit3A_1621 = arith.constant 1.000000e+00 : f32
      %jit3A_1622 = arith.constant 0.000000e+00 : f32
      %broadcast_in_dim3A_1623 = vector.broadcast %jit3A_1621 : f32 to vector<16xf32>
      %broadcast_in_dim3A_1624 = vector.broadcast %jit3A_1622 : f32 to vector<16xf32>
      %select_n3A_1625 = arith.select %eq3A_1620, %broadcast_in_dim3A_1623, %broadcast_in_dim3A_1624 : vector<16xi1>, vector<16xf32>
      %get3A_1626 = arith.index_cast %shift_right_logical3A_1616 : i32 to index
      %get3A_1627 = arith.constant 0 : index
      %get3A_1628 = tpu.vector_load %arg19[%get3A_1626, %get3A_1627] {strides = array<i32>} : memref<640x16xf32, #tpu.memory_space<vmem>>, vector<16xf32>,
      %add3A_1629 = arith.addf %get3A_1628, %select_n3A_1625 : vector<16xf32>
      %swap3A_1630 = arith.index_cast %shift_right_logical3A_1616 : i32 to index
      %swap3A_1631 = arith.constant 0 : index
      %swap3A_1632 = tpu.vector_load %arg19[%swap3A_1630, %swap3A_1631] {strides = array<i32>} : memref<640x16xf32, #tpu.memory_space<vmem>>, vector<16xf32>,
      tpu.vector_store %arg19[%swap3A_1630, %swap3A_1631], %add3A_1629 {strides = array<i32>} : memref<640x16xf32, #tpu.memory_space<vmem>>, vector<16xf32>,
      %slice3A_1633 = vector.extract_strided_slice %get3A_1372 {offsets = [13], sizes = [1], strides = [1]} : vector<16xi32> to vector<1xi32>
      %squeeze3A_1634 = vector.extract %slice3A_1633[0] : i32 from vector<1xi32>
      %shift_right_logical3A_1635 = arith.constant 4 : i32
      %shift_right_logical3A_1636 = arith.shrui %squeeze3A_1634, %shift_right_logical3A_1635 : i32
      %and3A_1637 = arith.constant 15 : i32
      %and3A_1638 = arith.andi %squeeze3A_1634, %and3A_1637 : i32
      %eq3A_1639 = vector.broadcast %and3A_1638 : i32 to vector<16xi32>
      %eq3A_1640 = arith.cmpi eq, %iota3A, %eq3A_1639 : vector<16xi32>
      %jit3A_1641 = arith.constant 1.000000e+00 : f32
      %jit3A_1642 = arith.constant 0.000000e+00 : f32
      %broadcast_in_dim3A_1643 = vector.broadcast %jit3A_1641 : f32 to vector<16xf32>
      %broadcast_in_dim3A_1644 = vector.broadcast %jit3A_1642 : f32 to vector<16xf32>
      %select_n3A_1645 = arith.select %eq3A_1640, %broadcast_in_dim3A_1643, %broadcast_in_dim3A_1644 : vector<16xi1>, vector<16xf32>
      %get3A_1646 = arith.index_cast %shift_right_logical3A_1636 : i32 to index
      %get3A_1647 = arith.constant 0 : index
      %get3A_1648 = tpu.vector_load %arg19[%get3A_1646, %get3A_1647] {strides = array<i32>} : memref<640x16xf32, #tpu.memory_space<vmem>>, vector<16xf32>,
      %add3A_1649 = arith.addf %get3A_1648, %select_n3A_1645 : vector<16xf32>
      %swap3A_1650 = arith.index_cast %shift_right_logical3A_1636 : i32 to index
      %swap3A_1651 = arith.constant 0 : index
      %swap3A_1652 = tpu.vector_load %arg19[%swap3A_1650, %swap3A_1651] {strides = array<i32>} : memref<640x16xf32, #tpu.memory_space<vmem>>, vector<16xf32>,
      tpu.vector_store %arg19[%swap3A_1650, %swap3A_1651], %add3A_1649 {strides = array<i32>} : memref<640x16xf32, #tpu.memory_space<vmem>>, vector<16xf32>,
      %slice3A_1653 = vector.extract_strided_slice %get3A_1372 {offsets = [14], sizes = [1], strides = [1]} : vector<16xi32> to vector<1xi32>
      %squeeze3A_1654 = vector.extract %slice3A_1653[0] : i32 from vector<1xi32>
      %shift_right_logical3A_1655 = arith.constant 4 : i32
      %shift_right_logical3A_1656 = arith.shrui %squeeze3A_1654, %shift_right_logical3A_1655 : i32
      %and3A_1657 = arith.constant 15 : i32
      %and3A_1658 = arith.andi %squeeze3A_1654, %and3A_1657 : i32
      %eq3A_1659 = vector.broadcast %and3A_1658 : i32 to vector<16xi32>
      %eq3A_1660 = arith.cmpi eq, %iota3A, %eq3A_1659 : vector<16xi32>
      %jit3A_1661 = arith.constant 1.000000e+00 : f32
      %jit3A_1662 = arith.constant 0.000000e+00 : f32
      %broadcast_in_dim3A_1663 = vector.broadcast %jit3A_1661 : f32 to vector<16xf32>
      %broadcast_in_dim3A_1664 = vector.broadcast %jit3A_1662 : f32 to vector<16xf32>
      %select_n3A_1665 = arith.select %eq3A_1660, %broadcast_in_dim3A_1663, %broadcast_in_dim3A_1664 : vector<16xi1>, vector<16xf32>
      %get3A_1666 = arith.index_cast %shift_right_logical3A_1656 : i32 to index
      %get3A_1667 = arith.constant 0 : index
      %get3A_1668 = tpu.vector_load %arg19[%get3A_1666, %get3A_1667] {strides = array<i32>} : memref<640x16xf32, #tpu.memory_space<vmem>>, vector<16xf32>,
      %add3A_1669 = arith.addf %get3A_1668, %select_n3A_1665 : vector<16xf32>
      %swap3A_1670 = arith.index_cast %shift_right_logical3A_1656 : i32 to index
      %swap3A_1671 = arith.constant 0 : index
      %swap3A_1672 = tpu.vector_load %arg19[%swap3A_1670, %swap3A_1671] {strides = array<i32>} : memref<640x16xf32, #tpu.memory_space<vmem>>, vector<16xf32>,
      tpu.vector_store %arg19[%swap3A_1670, %swap3A_1671], %add3A_1669 {strides = array<i32>} : memref<640x16xf32, #tpu.memory_space<vmem>>, vector<16xf32>,
      %slice3A_1673 = vector.extract_strided_slice %get3A_1372 {offsets = [15], sizes = [1], strides = [1]} : vector<16xi32> to vector<1xi32>
      %squeeze3A_1674 = vector.extract %slice3A_1673[0] : i32 from vector<1xi32>
      %shift_right_logical3A_1675 = arith.constant 4 : i32
      %shift_right_logical3A_1676 = arith.shrui %squeeze3A_1674, %shift_right_logical3A_1675 : i32
      %and3A_1677 = arith.constant 15 : i32
      %and3A_1678 = arith.andi %squeeze3A_1674, %and3A_1677 : i32
      %eq3A_1679 = vector.broadcast %and3A_1678 : i32 to vector<16xi32>
      %eq3A_1680 = arith.cmpi eq, %iota3A, %eq3A_1679 : vector<16xi32>
      %jit3A_1681 = arith.constant 1.000000e+00 : f32
      %jit3A_1682 = arith.constant 0.000000e+00 : f32
      %broadcast_in_dim3A_1683 = vector.broadcast %jit3A_1681 : f32 to vector<16xf32>
      %broadcast_in_dim3A_1684 = vector.broadcast %jit3A_1682 : f32 to vector<16xf32>
      %select_n3A_1685 = arith.select %eq3A_1680, %broadcast_in_dim3A_1683, %broadcast_in_dim3A_1684 : vector<16xi1>, vector<16xf32>
      %get3A_1686 = arith.index_cast %shift_right_logical3A_1676 : i32 to index
      %get3A_1687 = arith.constant 0 : index
      %get3A_1688 = tpu.vector_load %arg19[%get3A_1686, %get3A_1687] {strides = array<i32>} : memref<640x16xf32, #tpu.memory_space<vmem>>, vector<16xf32>,
      %add3A_1689 = arith.addf %get3A_1688, %select_n3A_1685 : vector<16xf32>
      %swap3A_1690 = arith.index_cast %shift_right_logical3A_1676 : i32 to index
      %swap3A_1691 = arith.constant 0 : index
      %swap3A_1692 = tpu.vector_load %arg19[%swap3A_1690, %swap3A_1691] {strides = array<i32>} : memref<640x16xf32, #tpu.memory_space<vmem>>, vector<16xf32>,
      tpu.vector_store %arg19[%swap3A_1690, %swap3A_1691], %add3A_1689 {strides = array<i32>} : memref<640x16xf32, #tpu.memory_space<vmem>>, vector<16xf32>,
      %get3A_1693 = arith.constant 0 : i32
      %get3A_1694 = arith.index_cast %get3A_1693 : i32 to index
      %get3A_1695 = arith.constant 64 : index
      %get3A_1696 = tpu.vector_load %arg9[%get3A_1694, %get3A_1695] {strides = array<i32>} : memref<2x80xi32, #tpu.memory_space<vmem>>, vector<16xi32>,
      %slice3A_1697 = vector.extract_strided_slice %get3A_1696 {offsets = [8], sizes = [1], strides = [1]} : vector<16xi32> to vector<1xi32>
      %squeeze3A_1698 = vector.extract %slice3A_1697[0] : i32 from vector<1xi32>
      %shift_right_logical3A_1699 = arith.constant 4 : i32
      %shift_right_logical3A_1700 = arith.shrui %squeeze3A_1698, %shift_right_logical3A_1699 : i32
      %and3A_1701 = arith.constant 15 : i32
      %and3A_1702 = arith.andi %squeeze3A_1698, %and3A_1701 : i32
      %eq3A_1703 = vector.broadcast %and3A_1702 : i32 to vector<16xi32>
      %eq3A_1704 = arith.cmpi eq, %iota3A, %eq3A_1703 : vector<16xi32>
      %jit3A_1705 = arith.constant 1.000000e+00 : f32
      %jit3A_1706 = arith.constant 0.000000e+00 : f32
      %broadcast_in_dim3A_1707 = vector.broadcast %jit3A_1705 : f32 to vector<16xf32>
      %broadcast_in_dim3A_1708 = vector.broadcast %jit3A_1706 : f32 to vector<16xf32>
      %select_n3A_1709 = arith.select %eq3A_1704, %broadcast_in_dim3A_1707, %broadcast_in_dim3A_1708 : vector<16xi1>, vector<16xf32>
      %get3A_1710 = arith.index_cast %shift_right_logical3A_1700 : i32 to index
      %get3A_1711 = arith.constant 0 : index
      %get3A_1712 = tpu.vector_load %arg19[%get3A_1710, %get3A_1711] {strides = array<i32>} : memref<640x16xf32, #tpu.memory_space<vmem>>, vector<16xf32>,
      %add3A_1713 = arith.addf %get3A_1712, %select_n3A_1709 : vector<16xf32>
      %swap3A_1714 = arith.index_cast %shift_right_logical3A_1700 : i32 to index
      %swap3A_1715 = arith.constant 0 : index
      %swap3A_1716 = tpu.vector_load %arg19[%swap3A_1714, %swap3A_1715] {strides = array<i32>} : memref<640x16xf32, #tpu.memory_space<vmem>>, vector<16xf32>,
      tpu.vector_store %arg19[%swap3A_1714, %swap3A_1715], %add3A_1713 {strides = array<i32>} : memref<640x16xf32, #tpu.memory_space<vmem>>, vector<16xf32>,
      %slice3A_1717 = vector.extract_strided_slice %get3A_1696 {offsets = [9], sizes = [1], strides = [1]} : vector<16xi32> to vector<1xi32>
      %squeeze3A_1718 = vector.extract %slice3A_1717[0] : i32 from vector<1xi32>
      %shift_right_logical3A_1719 = arith.constant 4 : i32
      %shift_right_logical3A_1720 = arith.shrui %squeeze3A_1718, %shift_right_logical3A_1719 : i32
      %and3A_1721 = arith.constant 15 : i32
      %and3A_1722 = arith.andi %squeeze3A_1718, %and3A_1721 : i32
      %eq3A_1723 = vector.broadcast %and3A_1722 : i32 to vector<16xi32>
      %eq3A_1724 = arith.cmpi eq, %iota3A, %eq3A_1723 : vector<16xi32>
      %jit3A_1725 = arith.constant 1.000000e+00 : f32
      %jit3A_1726 = arith.constant 0.000000e+00 : f32
      %broadcast_in_dim3A_1727 = vector.broadcast %jit3A_1725 : f32 to vector<16xf32>
      %broadcast_in_dim3A_1728 = vector.broadcast %jit3A_1726 : f32 to vector<16xf32>
      %select_n3A_1729 = arith.select %eq3A_1724, %broadcast_in_dim3A_1727, %broadcast_in_dim3A_1728 : vector<16xi1>, vector<16xf32>
      %get3A_1730 = arith.index_cast %shift_right_logical3A_1720 : i32 to index
      %get3A_1731 = arith.constant 0 : index
      %get3A_1732 = tpu.vector_load %arg19[%get3A_1730, %get3A_1731] {strides = array<i32>} : memref<640x16xf32, #tpu.memory_space<vmem>>, vector<16xf32>,
      %add3A_1733 = arith.addf %get3A_1732, %select_n3A_1729 : vector<16xf32>
      %swap3A_1734 = arith.index_cast %shift_right_logical3A_1720 : i32 to index
      %swap3A_1735 = arith.constant 0 : index
      %swap3A_1736 = tpu.vector_load %arg19[%swap3A_1734, %swap3A_1735] {strides = array<i32>} : memref<640x16xf32, #tpu.memory_space<vmem>>, vector<16xf32>,
      tpu.vector_store %arg19[%swap3A_1734, %swap3A_1735], %add3A_1733 {strides = array<i32>} : memref<640x16xf32, #tpu.memory_space<vmem>>, vector<16xf32>,
      %slice3A_1737 = vector.extract_strided_slice %get3A_1696 {offsets = [10], sizes = [1], strides = [1]} : vector<16xi32> to vector<1xi32>
      %squeeze3A_1738 = vector.extract %slice3A_1737[0] : i32 from vector<1xi32>
      %shift_right_logical3A_1739 = arith.constant 4 : i32
      %shift_right_logical3A_1740 = arith.shrui %squeeze3A_1738, %shift_right_logical3A_1739 : i32
      %and3A_1741 = arith.constant 15 : i32
      %and3A_1742 = arith.andi %squeeze3A_1738, %and3A_1741 : i32
      %eq3A_1743 = vector.broadcast %and3A_1742 : i32 to vector<16xi32>
      %eq3A_1744 = arith.cmpi eq, %iota3A, %eq3A_1743 : vector<16xi32>
      %jit3A_1745 = arith.constant 1.000000e+00 : f32
      %jit3A_1746 = arith.constant 0.000000e+00 : f32
      %broadcast_in_dim3A_1747 = vector.broadcast %jit3A_1745 : f32 to vector<16xf32>
      %broadcast_in_dim3A_1748 = vector.broadcast %jit3A_1746 : f32 to vector<16xf32>
      %select_n3A_1749 = arith.select %eq3A_1744, %broadcast_in_dim3A_1747, %broadcast_in_dim3A_1748 : vector<16xi1>, vector<16xf32>
      %get3A_1750 = arith.index_cast %shift_right_logical3A_1740 : i32 to index
      %get3A_1751 = arith.constant 0 : index
      %get3A_1752 = tpu.vector_load %arg19[%get3A_1750, %get3A_1751] {strides = array<i32>} : memref<640x16xf32, #tpu.memory_space<vmem>>, vector<16xf32>,
      %add3A_1753 = arith.addf %get3A_1752, %select_n3A_1749 : vector<16xf32>
      %swap3A_1754 = arith.index_cast %shift_right_logical3A_1740 : i32 to index
      %swap3A_1755 = arith.constant 0 : index
      %swap3A_1756 = tpu.vector_load %arg19[%swap3A_1754, %swap3A_1755] {strides = array<i32>} : memref<640x16xf32, #tpu.memory_space<vmem>>, vector<16xf32>,
      tpu.vector_store %arg19[%swap3A_1754, %swap3A_1755], %add3A_1753 {strides = array<i32>} : memref<640x16xf32, #tpu.memory_space<vmem>>, vector<16xf32>,
      %slice3A_1757 = vector.extract_strided_slice %get3A_1696 {offsets = [11], sizes = [1], strides = [1]} : vector<16xi32> to vector<1xi32>
      %squeeze3A_1758 = vector.extract %slice3A_1757[0] : i32 from vector<1xi32>
      %shift_right_logical3A_1759 = arith.constant 4 : i32
      %shift_right_logical3A_1760 = arith.shrui %squeeze3A_1758, %shift_right_logical3A_1759 : i32
      %and3A_1761 = arith.constant 15 : i32
      %and3A_1762 = arith.andi %squeeze3A_1758, %and3A_1761 : i32
      %eq3A_1763 = vector.broadcast %and3A_1762 : i32 to vector<16xi32>
      %eq3A_1764 = arith.cmpi eq, %iota3A, %eq3A_1763 : vector<16xi32>
      %jit3A_1765 = arith.constant 1.000000e+00 : f32
      %jit3A_1766 = arith.constant 0.000000e+00 : f32
      %broadcast_in_dim3A_1767 = vector.broadcast %jit3A_1765 : f32 to vector<16xf32>
      %broadcast_in_dim3A_1768 = vector.broadcast %jit3A_1766 : f32 to vector<16xf32>
      %select_n3A_1769 = arith.select %eq3A_1764, %broadcast_in_dim3A_1767, %broadcast_in_dim3A_1768 : vector<16xi1>, vector<16xf32>
      %get3A_1770 = arith.index_cast %shift_right_logical3A_1760 : i32 to index
      %get3A_1771 = arith.constant 0 : index
      %get3A_1772 = tpu.vector_load %arg19[%get3A_1770, %get3A_1771] {strides = array<i32>} : memref<640x16xf32, #tpu.memory_space<vmem>>, vector<16xf32>,
      %add3A_1773 = arith.addf %get3A_1772, %select_n3A_1769 : vector<16xf32>
      %swap3A_1774 = arith.index_cast %shift_right_logical3A_1760 : i32 to index
      %swap3A_1775 = arith.constant 0 : index
      %swap3A_1776 = tpu.vector_load %arg19[%swap3A_1774, %swap3A_1775] {strides = array<i32>} : memref<640x16xf32, #tpu.memory_space<vmem>>, vector<16xf32>,
      tpu.vector_store %arg19[%swap3A_1774, %swap3A_1775], %add3A_1773 {strides = array<i32>} : memref<640x16xf32, #tpu.memory_space<vmem>>, vector<16xf32>,
      %slice3A_1777 = vector.extract_strided_slice %get3A_1696 {offsets = [12], sizes = [1], strides = [1]} : vector<16xi32> to vector<1xi32>
      %squeeze3A_1778 = vector.extract %slice3A_1777[0] : i32 from vector<1xi32>
      %shift_right_logical3A_1779 = arith.constant 4 : i32
      %shift_right_logical3A_1780 = arith.shrui %squeeze3A_1778, %shift_right_logical3A_1779 : i32
      %and3A_1781 = arith.constant 15 : i32
      %and3A_1782 = arith.andi %squeeze3A_1778, %and3A_1781 : i32
      %eq3A_1783 = vector.broadcast %and3A_1782 : i32 to vector<16xi32>
      %eq3A_1784 = arith.cmpi eq, %iota3A, %eq3A_1783 : vector<16xi32>
      %jit3A_1785 = arith.constant 1.000000e+00 : f32
      %jit3A_1786 = arith.constant 0.000000e+00 : f32
      %broadcast_in_dim3A_1787 = vector.broadcast %jit3A_1785 : f32 to vector<16xf32>
      %broadcast_in_dim3A_1788 = vector.broadcast %jit3A_1786 : f32 to vector<16xf32>
      %select_n3A_1789 = arith.select %eq3A_1784, %broadcast_in_dim3A_1787, %broadcast_in_dim3A_1788 : vector<16xi1>, vector<16xf32>
      %get3A_1790 = arith.index_cast %shift_right_logical3A_1780 : i32 to index
      %get3A_1791 = arith.constant 0 : index
      %get3A_1792 = tpu.vector_load %arg19[%get3A_1790, %get3A_1791] {strides = array<i32>} : memref<640x16xf32, #tpu.memory_space<vmem>>, vector<16xf32>,
      %add3A_1793 = arith.addf %get3A_1792, %select_n3A_1789 : vector<16xf32>
      %swap3A_1794 = arith.index_cast %shift_right_logical3A_1780 : i32 to index
      %swap3A_1795 = arith.constant 0 : index
      %swap3A_1796 = tpu.vector_load %arg19[%swap3A_1794, %swap3A_1795] {strides = array<i32>} : memref<640x16xf32, #tpu.memory_space<vmem>>, vector<16xf32>,
      tpu.vector_store %arg19[%swap3A_1794, %swap3A_1795], %add3A_1793 {strides = array<i32>} : memref<640x16xf32, #tpu.memory_space<vmem>>, vector<16xf32>,
      %slice3A_1797 = vector.extract_strided_slice %get3A_1696 {offsets = [13], sizes = [1], strides = [1]} : vector<16xi32> to vector<1xi32>
      %squeeze3A_1798 = vector.extract %slice3A_1797[0] : i32 from vector<1xi32>
      %shift_right_logical3A_1799 = arith.constant 4 : i32
      %shift_right_logical3A_1800 = arith.shrui %squeeze3A_1798, %shift_right_logical3A_1799 : i32
      %and3A_1801 = arith.constant 15 : i32
      %and3A_1802 = arith.andi %squeeze3A_1798, %and3A_1801 : i32
      %eq3A_1803 = vector.broadcast %and3A_1802 : i32 to vector<16xi32>
      %eq3A_1804 = arith.cmpi eq, %iota3A, %eq3A_1803 : vector<16xi32>
      %jit3A_1805 = arith.constant 1.000000e+00 : f32
      %jit3A_1806 = arith.constant 0.000000e+00 : f32
      %broadcast_in_dim3A_1807 = vector.broadcast %jit3A_1805 : f32 to vector<16xf32>
      %broadcast_in_dim3A_1808 = vector.broadcast %jit3A_1806 : f32 to vector<16xf32>
      %select_n3A_1809 = arith.select %eq3A_1804, %broadcast_in_dim3A_1807, %broadcast_in_dim3A_1808 : vector<16xi1>, vector<16xf32>
      %get3A_1810 = arith.index_cast %shift_right_logical3A_1800 : i32 to index
      %get3A_1811 = arith.constant 0 : index
      %get3A_1812 = tpu.vector_load %arg19[%get3A_1810, %get3A_1811] {strides = array<i32>} : memref<640x16xf32, #tpu.memory_space<vmem>>, vector<16xf32>,
      %add3A_1813 = arith.addf %get3A_1812, %select_n3A_1809 : vector<16xf32>
      %swap3A_1814 = arith.index_cast %shift_right_logical3A_1800 : i32 to index
      %swap3A_1815 = arith.constant 0 : index
      %swap3A_1816 = tpu.vector_load %arg19[%swap3A_1814, %swap3A_1815] {strides = array<i32>} : memref<640x16xf32, #tpu.memory_space<vmem>>, vector<16xf32>,
      tpu.vector_store %arg19[%swap3A_1814, %swap3A_1815], %add3A_1813 {strides = array<i32>} : memref<640x16xf32, #tpu.memory_space<vmem>>, vector<16xf32>,
      %slice3A_1817 = vector.extract_strided_slice %get3A_1696 {offsets = [14], sizes = [1], strides = [1]} : vector<16xi32> to vector<1xi32>
      %squeeze3A_1818 = vector.extract %slice3A_1817[0] : i32 from vector<1xi32>
      %shift_right_logical3A_1819 = arith.constant 4 : i32
      %shift_right_logical3A_1820 = arith.shrui %squeeze3A_1818, %shift_right_logical3A_1819 : i32
      %and3A_1821 = arith.constant 15 : i32
      %and3A_1822 = arith.andi %squeeze3A_1818, %and3A_1821 : i32
      %eq3A_1823 = vector.broadcast %and3A_1822 : i32 to vector<16xi32>
      %eq3A_1824 = arith.cmpi eq, %iota3A, %eq3A_1823 : vector<16xi32>
      %jit3A_1825 = arith.constant 1.000000e+00 : f32
      %jit3A_1826 = arith.constant 0.000000e+00 : f32
      %broadcast_in_dim3A_1827 = vector.broadcast %jit3A_1825 : f32 to vector<16xf32>
      %broadcast_in_dim3A_1828 = vector.broadcast %jit3A_1826 : f32 to vector<16xf32>
      %select_n3A_1829 = arith.select %eq3A_1824, %broadcast_in_dim3A_1827, %broadcast_in_dim3A_1828 : vector<16xi1>, vector<16xf32>
      %get3A_1830 = arith.index_cast %shift_right_logical3A_1820 : i32 to index
      %get3A_1831 = arith.constant 0 : index
      %get3A_1832 = tpu.vector_load %arg19[%get3A_1830, %get3A_1831] {strides = array<i32>} : memref<640x16xf32, #tpu.memory_space<vmem>>, vector<16xf32>,
      %add3A_1833 = arith.addf %get3A_1832, %select_n3A_1829 : vector<16xf32>
      %swap3A_1834 = arith.index_cast %shift_right_logical3A_1820 : i32 to index
      %swap3A_1835 = arith.constant 0 : index
      %swap3A_1836 = tpu.vector_load %arg19[%swap3A_1834, %swap3A_1835] {strides = array<i32>} : memref<640x16xf32, #tpu.memory_space<vmem>>, vector<16xf32>,
      tpu.vector_store %arg19[%swap3A_1834, %swap3A_1835], %add3A_1833 {strides = array<i32>} : memref<640x16xf32, #tpu.memory_space<vmem>>, vector<16xf32>,
      %slice3A_1837 = vector.extract_strided_slice %get3A_1696 {offsets = [15], sizes = [1], strides = [1]} : vector<16xi32> to vector<1xi32>
      %squeeze3A_1838 = vector.extract %slice3A_1837[0] : i32 from vector<1xi32>
      %shift_right_logical3A_1839 = arith.constant 4 : i32
      %shift_right_logical3A_1840 = arith.shrui %squeeze3A_1838, %shift_right_logical3A_1839 : i32
      %and3A_1841 = arith.constant 15 : i32
      %and3A_1842 = arith.andi %squeeze3A_1838, %and3A_1841 : i32
      %eq3A_1843 = vector.broadcast %and3A_1842 : i32 to vector<16xi32>
      %eq3A_1844 = arith.cmpi eq, %iota3A, %eq3A_1843 : vector<16xi32>
      %jit3A_1845 = arith.constant 1.000000e+00 : f32
      %jit3A_1846 = arith.constant 0.000000e+00 : f32
      %broadcast_in_dim3A_1847 = vector.broadcast %jit3A_1845 : f32 to vector<16xf32>
      %broadcast_in_dim3A_1848 = vector.broadcast %jit3A_1846 : f32 to vector<16xf32>
      %select_n3A_1849 = arith.select %eq3A_1844, %broadcast_in_dim3A_1847, %broadcast_in_dim3A_1848 : vector<16xi1>, vector<16xf32>
      %get3A_1850 = arith.index_cast %shift_right_logical3A_1840 : i32 to index
      %get3A_1851 = arith.constant 0 : index
      %get3A_1852 = tpu.vector_load %arg19[%get3A_1850, %get3A_1851] {strides = array<i32>} : memref<640x16xf32, #tpu.memory_space<vmem>>, vector<16xf32>,
      %add3A_1853 = arith.addf %get3A_1852, %select_n3A_1849 : vector<16xf32>
      %swap3A_1854 = arith.index_cast %shift_right_logical3A_1840 : i32 to index
      %swap3A_1855 = arith.constant 0 : index
      %swap3A_1856 = tpu.vector_load %arg19[%swap3A_1854, %swap3A_1855] {strides = array<i32>} : memref<640x16xf32, #tpu.memory_space<vmem>>, vector<16xf32>,
      tpu.vector_store %arg19[%swap3A_1854, %swap3A_1855], %add3A_1853 {strides = array<i32>} : memref<640x16xf32, #tpu.memory_space<vmem>>, vector<16xf32>,
      %get3A_1857 = arith.constant 0 : i32
      %get3A_1858 = arith.index_cast %get3A_1857 : i32 to index
      %get3A_1859 = arith.constant 0 : index
      %get3A_1860 = tpu.vector_load %arg9[%get3A_1858, %get3A_1859] {strides = array<i32>} : memref<2x80xi32, #tpu.memory_space<vmem>>, vector<16xi32>,
      %swap3A_1861 = arith.constant 0 : index
      %swap3A_1862 = tpu.vector_load %arg10[%swap3A_1861] {strides = array<i32>} : memref<40xi32, #tpu.memory_space<vmem>>, vector<16xi32>,
      tpu.vector_store %arg10[%swap3A_1861], %get3A_1860 {strides = array<i32>} : memref<40xi32, #tpu.memory_space<vmem>>, vector<16xi32>,
      %get3A_1863 = arith.constant 0 : i32
      %get3A_1864 = arith.index_cast %get3A_1863 : i32 to index
      %get3A_1865 = arith.constant 16 : index
      %get3A_1866 = tpu.vector_load %arg9[%get3A_1864, %get3A_1865] {strides = array<i32>} : memref<2x80xi32, #tpu.memory_space<vmem>>, vector<16xi32>,
      %swap3A_1867 = arith.constant 16 : index
      %swap3A_1868 = tpu.vector_load %arg10[%swap3A_1867] {strides = array<i32>} : memref<40xi32, #tpu.memory_space<vmem>>, vector<16xi32>,
      tpu.vector_store %arg10[%swap3A_1867], %get3A_1866 {strides = array<i32>} : memref<40xi32, #tpu.memory_space<vmem>>, vector<16xi32>,
      %get3A_1869 = arith.constant 0 : i32
      %get3A_1870 = arith.index_cast %get3A_1869 : i32 to index
      %get3A_1871 = arith.constant 24 : index
      %get3A_1872 = tpu.vector_load %arg9[%get3A_1870, %get3A_1871] {strides = array<i32>} : memref<2x80xi32, #tpu.memory_space<vmem>>, vector<16xi32>,
      %swap3A_1873 = arith.constant 24 : index
      %swap3A_1874 = tpu.vector_load %arg10[%swap3A_1873] {strides = array<i32>} : memref<40xi32, #tpu.memory_space<vmem>>, vector<16xi32>,
      tpu.vector_store %arg10[%swap3A_1873], %get3A_1872 {strides = array<i32>} : memref<40xi32, #tpu.memory_space<vmem>>, vector<16xi32>,
      %get3A_1875 = arith.constant 0 : i32
      %get3A_1876 = arith.index_cast %get3A_1875 : i32 to index
      %get3A_1877 = arith.constant 40 : index
      %get3A_1878 = tpu.vector_load %arg9[%get3A_1876, %get3A_1877] {strides = array<i32>} : memref<2x80xi32, #tpu.memory_space<vmem>>, vector<16xi32>,
      %swap3A_1879 = arith.constant 0 : index
      %swap3A_1880 = tpu.vector_load %arg11[%swap3A_1879] {strides = array<i32>} : memref<40xi32, #tpu.memory_space<vmem>>, vector<16xi32>,
      tpu.vector_store %arg11[%swap3A_1879], %get3A_1878 {strides = array<i32>} : memref<40xi32, #tpu.memory_space<vmem>>, vector<16xi32>,
      %get3A_1881 = arith.constant 0 : i32
      %get3A_1882 = arith.index_cast %get3A_1881 : i32 to index
      %get3A_1883 = arith.constant 56 : index
      %get3A_1884 = tpu.vector_load %arg9[%get3A_1882, %get3A_1883] {strides = array<i32>} : memref<2x80xi32, #tpu.memory_space<vmem>>, vector<16xi32>,
      %swap3A_1885 = arith.constant 16 : index
      %swap3A_1886 = tpu.vector_load %arg11[%swap3A_1885] {strides = array<i32>} : memref<40xi32, #tpu.memory_space<vmem>>, vector<16xi32>,
      tpu.vector_store %arg11[%swap3A_1885], %get3A_1884 {strides = array<i32>} : memref<40xi32, #tpu.memory_space<vmem>>, vector<16xi32>,
      %get3A_1887 = arith.constant 0 : i32
      %get3A_1888 = arith.index_cast %get3A_1887 : i32 to index
      %get3A_1889 = arith.constant 64 : index
      %get3A_1890 = tpu.vector_load %arg9[%get3A_1888, %get3A_1889] {strides = array<i32>} : memref<2x80xi32, #tpu.memory_space<vmem>>, vector<16xi32>,
      %swap3A_1891 = arith.constant 24 : index
      %swap3A_1892 = tpu.vector_load %arg11[%swap3A_1891] {strides = array<i32>} : memref<40xi32, #tpu.memory_space<vmem>>, vector<16xi32>,
      tpu.vector_store %arg11[%swap3A_1891], %get3A_1890 {strides = array<i32>} : memref<40xi32, #tpu.memory_space<vmem>>, vector<16xi32>,
      %dma_wait3A_1893 = arith.constant 0 : i32
      %dma_wait3A_1894 = arith.constant 0 : i32
      %dma_wait3A_1895 = tpu.memref_slice %arg9[%dma_wait3A_1893, %dma_wait3A_1894] : memref<2x80xi32, #tpu.memory_space<vmem>> -> memref<1x40xi32, #tpu.memory_space<vmem>>
      %dma_wait3A_1896 = tpu.memref_squeeze %dma_wait3A_1895 : memref<1x40xi32, #tpu.memory_space<vmem>> -> memref<40xi32, #tpu.memory_space<vmem>>
      %dma_wait3A_1897 = arith.constant 0 : i32
      %dma_wait3A_1898 = arith.constant 0 : i32
      %dma_wait3A_1899 = tpu.memref_slice %arg2[%dma_wait3A_1897, %dma_wait3A_1898] : memref<10000x128xf32, #tpu.memory_space<hbm>> -> memref<10000x128xf32, #tpu.memory_space<hbm>>
      tpu.wait_indirect_dma semaphore(%arg20 : memref<!tpu.dma_semaphore, #tpu.memory_space<semaphore_mem>>) src(%dma_wait3A_1899 : memref<10000x128xf32, #tpu.memory_space<hbm>>) dst(%arg12 : memref<40x128xf32, #tpu.memory_space<vmem>>)
      %dma_wait3A_1900 = arith.constant 1 : i32
      %dma_wait3A_1901 = arith.constant 0 : i32
      %dma_wait3A_1902 = tpu.memref_slice %arg9[%dma_wait3A_1900, %dma_wait3A_1901] : memref<2x80xi32, #tpu.memory_space<vmem>> -> memref<1x40xi32, #tpu.memory_space<vmem>>
      %dma_wait3A_1903 = tpu.memref_squeeze %dma_wait3A_1902 : memref<1x40xi32, #tpu.memory_space<vmem>> -> memref<40xi32, #tpu.memory_space<vmem>>
      %dma_wait3A_1904 = arith.constant 0 : i32
      %dma_wait3A_1905 = arith.constant 0 : i32
      %dma_wait3A_1906 = tpu.memref_slice %arg3[%dma_wait3A_1904, %dma_wait3A_1905] : memref<10000x128xf32, #tpu.memory_space<hbm>> -> memref<10000x128xf32, #tpu.memory_space<hbm>>
      tpu.wait_indirect_dma semaphore(%arg21 : memref<!tpu.dma_semaphore, #tpu.memory_space<semaphore_mem>>) src(%dma_wait3A_1906 : memref<10000x128xf32, #tpu.memory_space<hbm>>) dst(%arg13 : memref<40x128xf32, #tpu.memory_space<vmem>>)
      %dma_wait3A_1907 = arith.constant 0 : i32
      %dma_wait3A_1908 = arith.constant 0 : i32
      %dma_wait3A_1909 = tpu.memref_slice %arg4[%dma_wait3A_1907, %dma_wait3A_1908] : memref<320000x128xf32, #tpu.memory_space<hbm>> -> memref<40x128xf32, #tpu.memory_space<hbm>>
      %dma_wait3A_1910 = arith.constant 0 : i32
      %dma_wait3A_1911 = arith.constant 0 : i32
      %dma_wait3A_1912 = tpu.memref_slice %arg4[%dma_wait3A_1910, %dma_wait3A_1911] : memref<320000x128xf32, #tpu.memory_space<hbm>> -> memref<40x128xf32, #tpu.memory_space<hbm>>
      tpu.wait_dma2 semaphore(%arg22 : memref<!tpu.dma_semaphore, #tpu.memory_space<semaphore_mem>>) src(%dma_wait3A_1912 : memref<40x128xf32, #tpu.memory_space<hbm>>) dst(%arg14 : memref<40x128xf32, #tpu.memory_space<vmem>>)
      %scan3A_1913 = arith.constant 0 : i32
      %scan3A_1914 = arith.constant 0 : i32
      %scan3A_1915 = arith.constant 40 : i32
      %scan3A_1916 = arith.addi %scan3A_1914, %scan3A_1915 : i32
      %scan3A_1917 = arith.constant 1 : i32
      scf.for %scan3A_1959 = %scan3A_1914 to %scan3A_1916 step %scan3A_1917  : i32 {
        %get3A_1960 = arith.index_cast %scan3A_1959 : i32 to index
        %get3A_1961 = arith.constant 0 : index
        %get3A_1962 = tpu.vector_load %arg12[%get3A_1960, %get3A_1961] {strides = array<i32>} : memref<40x128xf32, #tpu.memory_space<vmem>>, vector<16xf32>,
        %get3A_1963 = arith.index_cast %scan3A_1959 : i32 to index
        %get3A_1964 = arith.constant 0 : index
        %get3A_1965 = tpu.vector_load %arg13[%get3A_1963, %get3A_1964] {strides = array<i32>} : memref<40x128xf32, #tpu.memory_space<vmem>>, vector<16xf32>,
        %add3A_1966 = arith.addf %get3A_1962, %get3A_1965 : vector<16xf32>
        %get3A_1967 = arith.index_cast %scan3A_1959 : i32 to index
        %get3A_1968 = arith.constant 0 : index
        %get3A_1969 = tpu.vector_load %arg14[%get3A_1967, %get3A_1968] {strides = array<i32>} : memref<40x128xf32, #tpu.memory_space<vmem>>, vector<16xf32>,
        %add3A_1970 = arith.addf %add3A_1966, %get3A_1969 : vector<16xf32>
        %neg3A = arith.constant 0.000000e+00 : f32
        %neg3A_1971 = vector.broadcast %neg3A : f32 to vector<16xf32>
        %neg3A_1972 = arith.subf %neg3A_1971, %add3A_1970 : vector<16xf32>
        %exp3A = math.exp %neg3A_1972 : vector<16xf32>
        %add3A_1973 = arith.constant 1.000000e+00 : f32
        %add3A_1974 = vector.broadcast %add3A_1973 : f32 to vector<16xf32>
        %add3A_1975 = arith.addf %add3A_1974, %exp3A : vector<16xf32>
        %div3A = arith.divf %add3A_1970, %add3A_1975 : vector<16xf32>
        %swap3A_1976 = arith.index_cast %scan3A_1959 : i32 to index
        %swap3A_1977 = arith.constant 0 : index
        %swap3A_1978 = tpu.vector_load %arg18[%swap3A_1976, %swap3A_1977] {strides = array<i32>} : memref<40x128xf32, #tpu.memory_space<vmem>>, vector<16xf32>,
        tpu.vector_store %arg18[%swap3A_1976, %swap3A_1977], %div3A {strides = array<i32>} : memref<40x128xf32, #tpu.memory_space<vmem>>, vector<16xf32>,
        %get3A_1979 = arith.index_cast %scan3A_1959 : i32 to index
        %get3A_1980 = arith.constant 16 : index
        %get3A_1981 = tpu.vector_load %arg12[%get3A_1979, %get3A_1980] {strides = array<i32>} : memref<40x128xf32, #tpu.memory_space<vmem>>, vector<16xf32>,
        %get3A_1982 = arith.index_cast %scan3A_1959 : i32 to index
        %get3A_1983 = arith.constant 16 : index
        %get3A_1984 = tpu.vector_load %arg13[%get3A_1982, %get3A_1983] {strides = array<i32>} : memref<40x128xf32, #tpu.memory_space<vmem>>, vector<16xf32>,
        %add3A_1985 = arith.addf %get3A_1981, %get3A_1984 : vector<16xf32>
        %get3A_1986 = arith.index_cast %scan3A_1959 : i32 to index
        %get3A_1987 = arith.constant 16 : index
        %get3A_1988 = tpu.vector_load %arg14[%get3A_1986, %get3A_1987] {strides = array<i32>} : memref<40x128xf32, #tpu.memory_space<vmem>>, vector<16xf32>,
        %add3A_1989 = arith.addf %add3A_1985, %get3A_1988 : vector<16xf32>
        %neg3A_1990 = arith.constant 0.000000e+00 : f32
        %neg3A_1991 = vector.broadcast %neg3A_1990 : f32 to vector<16xf32>
        %neg3A_1992 = arith.subf %neg3A_1991, %add3A_1989 : vector<16xf32>
        %exp3A_1993 = math.exp %neg3A_1992 : vector<16xf32>
        %add3A_1994 = arith.constant 1.000000e+00 : f32
        %add3A_1995 = vector.broadcast %add3A_1994 : f32 to vector<16xf32>
        %add3A_1996 = arith.addf %add3A_1995, %exp3A_1993 : vector<16xf32>
        %div3A_1997 = arith.divf %add3A_1989, %add3A_1996 : vector<16xf32>
        %swap3A_1998 = arith.index_cast %scan3A_1959 : i32 to index
        %swap3A_1999 = arith.constant 16 : index
        %swap3A_2000 = tpu.vector_load %arg18[%swap3A_1998, %swap3A_1999] {strides = array<i32>} : memref<40x128xf32, #tpu.memory_space<vmem>>, vector<16xf32>,
        tpu.vector_store %arg18[%swap3A_1998, %swap3A_1999], %div3A_1997 {strides = array<i32>} : memref<40x128xf32, #tpu.memory_space<vmem>>, vector<16xf32>,
        %get3A_2001 = arith.index_cast %scan3A_1959 : i32 to index
        %get3A_2002 = arith.constant 32 : index
        %get3A_2003 = tpu.vector_load %arg12[%get3A_2001, %get3A_2002] {strides = array<i32>} : memref<40x128xf32, #tpu.memory_space<vmem>>, vector<16xf32>,
        %get3A_2004 = arith.index_cast %scan3A_1959 : i32 to index
        %get3A_2005 = arith.constant 32 : index
        %get3A_2006 = tpu.vector_load %arg13[%get3A_2004, %get3A_2005] {strides = array<i32>} : memref<40x128xf32, #tpu.memory_space<vmem>>, vector<16xf32>,
        %add3A_2007 = arith.addf %get3A_2003, %get3A_2006 : vector<16xf32>
        %get3A_2008 = arith.index_cast %scan3A_1959 : i32 to index
        %get3A_2009 = arith.constant 32 : index
        %get3A_2010 = tpu.vector_load %arg14[%get3A_2008, %get3A_2009] {strides = array<i32>} : memref<40x128xf32, #tpu.memory_space<vmem>>, vector<16xf32>,
        %add3A_2011 = arith.addf %add3A_2007, %get3A_2010 : vector<16xf32>
        %neg3A_2012 = arith.constant 0.000000e+00 : f32
        %neg3A_2013 = vector.broadcast %neg3A_2012 : f32 to vector<16xf32>
        %neg3A_2014 = arith.subf %neg3A_2013, %add3A_2011 : vector<16xf32>
        %exp3A_2015 = math.exp %neg3A_2014 : vector<16xf32>
        %add3A_2016 = arith.constant 1.000000e+00 : f32
        %add3A_2017 = vector.broadcast %add3A_2016 : f32 to vector<16xf32>
        %add3A_2018 = arith.addf %add3A_2017, %exp3A_2015 : vector<16xf32>
        %div3A_2019 = arith.divf %add3A_2011, %add3A_2018 : vector<16xf32>
        %swap3A_2020 = arith.index_cast %scan3A_1959 : i32 to index
        %swap3A_2021 = arith.constant 32 : index
        %swap3A_2022 = tpu.vector_load %arg18[%swap3A_2020, %swap3A_2021] {strides = array<i32>} : memref<40x128xf32, #tpu.memory_space<vmem>>, vector<16xf32>,
        tpu.vector_store %arg18[%swap3A_2020, %swap3A_2021], %div3A_2019 {strides = array<i32>} : memref<40x128xf32, #tpu.memory_space<vmem>>, vector<16xf32>,
        %get3A_2023 = arith.index_cast %scan3A_1959 : i32 to index
        %get3A_2024 = arith.constant 48 : index
        %get3A_2025 = tpu.vector_load %arg12[%get3A_2023, %get3A_2024] {strides = array<i32>} : memref<40x128xf32, #tpu.memory_space<vmem>>, vector<16xf32>,
        %get3A_2026 = arith.index_cast %scan3A_1959 : i32 to index
        %get3A_2027 = arith.constant 48 : index
        %get3A_2028 = tpu.vector_load %arg13[%get3A_2026, %get3A_2027] {strides = array<i32>} : memref<40x128xf32, #tpu.memory_space<vmem>>, vector<16xf32>,
        %add3A_2029 = arith.addf %get3A_2025, %get3A_2028 : vector<16xf32>
        %get3A_2030 = arith.index_cast %scan3A_1959 : i32 to index
        %get3A_2031 = arith.constant 48 : index
        %get3A_2032 = tpu.vector_load %arg14[%get3A_2030, %get3A_2031] {strides = array<i32>} : memref<40x128xf32, #tpu.memory_space<vmem>>, vector<16xf32>,
        %add3A_2033 = arith.addf %add3A_2029, %get3A_2032 : vector<16xf32>
        %neg3A_2034 = arith.constant 0.000000e+00 : f32
        %neg3A_2035 = vector.broadcast %neg3A_2034 : f32 to vector<16xf32>
        %neg3A_2036 = arith.subf %neg3A_2035, %add3A_2033 : vector<16xf32>
        %exp3A_2037 = math.exp %neg3A_2036 : vector<16xf32>
        %add3A_2038 = arith.constant 1.000000e+00 : f32
        %add3A_2039 = vector.broadcast %add3A_2038 : f32 to vector<16xf32>
        %add3A_2040 = arith.addf %add3A_2039, %exp3A_2037 : vector<16xf32>
        %div3A_2041 = arith.divf %add3A_2033, %add3A_2040 : vector<16xf32>
        %swap3A_2042 = arith.index_cast %scan3A_1959 : i32 to index
        %swap3A_2043 = arith.constant 48 : index
        %swap3A_2044 = tpu.vector_load %arg18[%swap3A_2042, %swap3A_2043] {strides = array<i32>} : memref<40x128xf32, #tpu.memory_space<vmem>>, vector<16xf32>,
        tpu.vector_store %arg18[%swap3A_2042, %swap3A_2043], %div3A_2041 {strides = array<i32>} : memref<40x128xf32, #tpu.memory_space<vmem>>, vector<16xf32>,
        %get3A_2045 = arith.index_cast %scan3A_1959 : i32 to index
        %get3A_2046 = arith.constant 64 : index
        %get3A_2047 = tpu.vector_load %arg12[%get3A_2045, %get3A_2046] {strides = array<i32>} : memref<40x128xf32, #tpu.memory_space<vmem>>, vector<16xf32>,
        %get3A_2048 = arith.index_cast %scan3A_1959 : i32 to index
        %get3A_2049 = arith.constant 64 : index
        %get3A_2050 = tpu.vector_load %arg13[%get3A_2048, %get3A_2049] {strides = array<i32>} : memref<40x128xf32, #tpu.memory_space<vmem>>, vector<16xf32>,
        %add3A_2051 = arith.addf %get3A_2047, %get3A_2050 : vector<16xf32>
        %get3A_2052 = arith.index_cast %scan3A_1959 : i32 to index
        %get3A_2053 = arith.constant 64 : index
        %get3A_2054 = tpu.vector_load %arg14[%get3A_2052, %get3A_2053] {strides = array<i32>} : memref<40x128xf32, #tpu.memory_space<vmem>>, vector<16xf32>,
        %add3A_2055 = arith.addf %add3A_2051, %get3A_2054 : vector<16xf32>
        %neg3A_2056 = arith.constant 0.000000e+00 : f32
        %neg3A_2057 = vector.broadcast %neg3A_2056 : f32 to vector<16xf32>
        %neg3A_2058 = arith.subf %neg3A_2057, %add3A_2055 : vector<16xf32>
        %exp3A_2059 = math.exp %neg3A_2058 : vector<16xf32>
        %add3A_2060 = arith.constant 1.000000e+00 : f32
        %add3A_2061 = vector.broadcast %add3A_2060 : f32 to vector<16xf32>
        %add3A_2062 = arith.addf %add3A_2061, %exp3A_2059 : vector<16xf32>
        %div3A_2063 = arith.divf %add3A_2055, %add3A_2062 : vector<16xf32>
        %swap3A_2064 = arith.index_cast %scan3A_1959 : i32 to index
        %swap3A_2065 = arith.constant 64 : index
        %swap3A_2066 = tpu.vector_load %arg18[%swap3A_2064, %swap3A_2065] {strides = array<i32>} : memref<40x128xf32, #tpu.memory_space<vmem>>, vector<16xf32>,
        tpu.vector_store %arg18[%swap3A_2064, %swap3A_2065], %div3A_2063 {strides = array<i32>} : memref<40x128xf32, #tpu.memory_space<vmem>>, vector<16xf32>,
        %get3A_2067 = arith.index_cast %scan3A_1959 : i32 to index
        %get3A_2068 = arith.constant 80 : index
        %get3A_2069 = tpu.vector_load %arg12[%get3A_2067, %get3A_2068] {strides = array<i32>} : memref<40x128xf32, #tpu.memory_space<vmem>>, vector<16xf32>,
        %get3A_2070 = arith.index_cast %scan3A_1959 : i32 to index
        %get3A_2071 = arith.constant 80 : index
        %get3A_2072 = tpu.vector_load %arg13[%get3A_2070, %get3A_2071] {strides = array<i32>} : memref<40x128xf32, #tpu.memory_space<vmem>>, vector<16xf32>,
        %add3A_2073 = arith.addf %get3A_2069, %get3A_2072 : vector<16xf32>
        %get3A_2074 = arith.index_cast %scan3A_1959 : i32 to index
        %get3A_2075 = arith.constant 80 : index
        %get3A_2076 = tpu.vector_load %arg14[%get3A_2074, %get3A_2075] {strides = array<i32>} : memref<40x128xf32, #tpu.memory_space<vmem>>, vector<16xf32>,
        %add3A_2077 = arith.addf %add3A_2073, %get3A_2076 : vector<16xf32>
        %neg3A_2078 = arith.constant 0.000000e+00 : f32
        %neg3A_2079 = vector.broadcast %neg3A_2078 : f32 to vector<16xf32>
        %neg3A_2080 = arith.subf %neg3A_2079, %add3A_2077 : vector<16xf32>
        %exp3A_2081 = math.exp %neg3A_2080 : vector<16xf32>
        %add3A_2082 = arith.constant 1.000000e+00 : f32
        %add3A_2083 = vector.broadcast %add3A_2082 : f32 to vector<16xf32>
        %add3A_2084 = arith.addf %add3A_2083, %exp3A_2081 : vector<16xf32>
        %div3A_2085 = arith.divf %add3A_2077, %add3A_2084 : vector<16xf32>
        %swap3A_2086 = arith.index_cast %scan3A_1959 : i32 to index
        %swap3A_2087 = arith.constant 80 : index
        %swap3A_2088 = tpu.vector_load %arg18[%swap3A_2086, %swap3A_2087] {strides = array<i32>} : memref<40x128xf32, #tpu.memory_space<vmem>>, vector<16xf32>,
        tpu.vector_store %arg18[%swap3A_2086, %swap3A_2087], %div3A_2085 {strides = array<i32>} : memref<40x128xf32, #tpu.memory_space<vmem>>, vector<16xf32>,
        %get3A_2089 = arith.index_cast %scan3A_1959 : i32 to index
        %get3A_2090 = arith.constant 96 : index
        %get3A_2091 = tpu.vector_load %arg12[%get3A_2089, %get3A_2090] {strides = array<i32>} : memref<40x128xf32, #tpu.memory_space<vmem>>, vector<16xf32>,
        %get3A_2092 = arith.index_cast %scan3A_1959 : i32 to index
        %get3A_2093 = arith.constant 96 : index
        %get3A_2094 = tpu.vector_load %arg13[%get3A_2092, %get3A_2093] {strides = array<i32>} : memref<40x128xf32, #tpu.memory_space<vmem>>, vector<16xf32>,
        %add3A_2095 = arith.addf %get3A_2091, %get3A_2094 : vector<16xf32>
        %get3A_2096 = arith.index_cast %scan3A_1959 : i32 to index
        %get3A_2097 = arith.constant 96 : index
        %get3A_2098 = tpu.vector_load %arg14[%get3A_2096, %get3A_2097] {strides = array<i32>} : memref<40x128xf32, #tpu.memory_space<vmem>>, vector<16xf32>,
        %add3A_2099 = arith.addf %add3A_2095, %get3A_2098 : vector<16xf32>
        %neg3A_2100 = arith.constant 0.000000e+00 : f32
        %neg3A_2101 = vector.broadcast %neg3A_2100 : f32 to vector<16xf32>
        %neg3A_2102 = arith.subf %neg3A_2101, %add3A_2099 : vector<16xf32>
        %exp3A_2103 = math.exp %neg3A_2102 : vector<16xf32>
        %add3A_2104 = arith.constant 1.000000e+00 : f32
        %add3A_2105 = vector.broadcast %add3A_2104 : f32 to vector<16xf32>
        %add3A_2106 = arith.addf %add3A_2105, %exp3A_2103 : vector<16xf32>
        %div3A_2107 = arith.divf %add3A_2099, %add3A_2106 : vector<16xf32>
        %swap3A_2108 = arith.index_cast %scan3A_1959 : i32 to index
        %swap3A_2109 = arith.constant 96 : index
        %swap3A_2110 = tpu.vector_load %arg18[%swap3A_2108, %swap3A_2109] {strides = array<i32>} : memref<40x128xf32, #tpu.memory_space<vmem>>, vector<16xf32>,
        tpu.vector_store %arg18[%swap3A_2108, %swap3A_2109], %div3A_2107 {strides = array<i32>} : memref<40x128xf32, #tpu.memory_space<vmem>>, vector<16xf32>,
        %get3A_2111 = arith.index_cast %scan3A_1959 : i32 to index
        %get3A_2112 = arith.constant 112 : index
        %get3A_2113 = tpu.vector_load %arg12[%get3A_2111, %get3A_2112] {strides = array<i32>} : memref<40x128xf32, #tpu.memory_space<vmem>>, vector<16xf32>,
        %get3A_2114 = arith.index_cast %scan3A_1959 : i32 to index
        %get3A_2115 = arith.constant 112 : index
        %get3A_2116 = tpu.vector_load %arg13[%get3A_2114, %get3A_2115] {strides = array<i32>} : memref<40x128xf32, #tpu.memory_space<vmem>>, vector<16xf32>,
        %add3A_2117 = arith.addf %get3A_2113, %get3A_2116 : vector<16xf32>
        %get3A_2118 = arith.index_cast %scan3A_1959 : i32 to index
        %get3A_2119 = arith.constant 112 : index
        %get3A_2120 = tpu.vector_load %arg14[%get3A_2118, %get3A_2119] {strides = array<i32>} : memref<40x128xf32, #tpu.memory_space<vmem>>, vector<16xf32>,
        %add3A_2121 = arith.addf %add3A_2117, %get3A_2120 : vector<16xf32>
        %neg3A_2122 = arith.constant 0.000000e+00 : f32
        %neg3A_2123 = vector.broadcast %neg3A_2122 : f32 to vector<16xf32>
        %neg3A_2124 = arith.subf %neg3A_2123, %add3A_2121 : vector<16xf32>
        %exp3A_2125 = math.exp %neg3A_2124 : vector<16xf32>
        %add3A_2126 = arith.constant 1.000000e+00 : f32
        %add3A_2127 = vector.broadcast %add3A_2126 : f32 to vector<16xf32>
        %add3A_2128 = arith.addf %add3A_2127, %exp3A_2125 : vector<16xf32>
        %div3A_2129 = arith.divf %add3A_2121, %add3A_2128 : vector<16xf32>
        %swap3A_2130 = arith.index_cast %scan3A_1959 : i32 to index
        %swap3A_2131 = arith.constant 112 : index
        %swap3A_2132 = tpu.vector_load %arg18[%swap3A_2130, %swap3A_2131] {strides = array<i32>} : memref<40x128xf32, #tpu.memory_space<vmem>>, vector<16xf32>,
        tpu.vector_store %arg18[%swap3A_2130, %swap3A_2131], %div3A_2129 {strides = array<i32>} : memref<40x128xf32, #tpu.memory_space<vmem>>, vector<16xf32>,
      }
      %scan3A_1918 = arith.constant 40 : i32
      %dma_start3A_1919 = arith.constant 0 : i32
      %dma_start3A_1920 = arith.constant 0 : i32
      %dma_start3A_1921 = tpu.memref_slice %arg8[%dma_start3A_1919, %dma_start3A_1920] : memref<10000x128xf32, #tpu.memory_space<vmem_shared>> -> memref<10000x128xf32, #tpu.memory_space<vmem_shared>>
      tpu.enqueue_indirect_dma source(%arg18 : memref<40x128xf32, #tpu.memory_space<vmem>>) target(%dma_start3A_1921 : memref<10000x128xf32, #tpu.memory_space<vmem_shared>>) offsets(%arg10 : memref<40xi32, #tpu.memory_space<vmem>>) semaphore(%arg26 : memref<!tpu.dma_semaphore, #tpu.memory_space<semaphore_mem>>) {add = true}
      %dma_wait3A_1922 = arith.constant 0 : i32
      %dma_wait3A_1923 = arith.constant 40 : i32
      %dma_wait3A_1924 = tpu.memref_slice %arg9[%dma_wait3A_1922, %dma_wait3A_1923] : memref<2x80xi32, #tpu.memory_space<vmem>> -> memref<1x40xi32, #tpu.memory_space<vmem>>
      %dma_wait3A_1925 = tpu.memref_squeeze %dma_wait3A_1924 : memref<1x40xi32, #tpu.memory_space<vmem>> -> memref<40xi32, #tpu.memory_space<vmem>>
      %dma_wait3A_1926 = arith.constant 0 : i32
      %dma_wait3A_1927 = arith.constant 0 : i32
      %dma_wait3A_1928 = tpu.memref_slice %arg2[%dma_wait3A_1926, %dma_wait3A_1927] : memref<10000x128xf32, #tpu.memory_space<hbm>> -> memref<10000x128xf32, #tpu.memory_space<hbm>>
      tpu.wait_indirect_dma semaphore(%arg23 : memref<!tpu.dma_semaphore, #tpu.memory_space<semaphore_mem>>) src(%dma_wait3A_1928 : memref<10000x128xf32, #tpu.memory_space<hbm>>) dst(%arg15 : memref<40x128xf32, #tpu.memory_space<vmem>>)
      %dma_wait3A_1929 = arith.constant 1 : i32
      %dma_wait3A_1930 = arith.constant 40 : i32
      %dma_wait3A_1931 = tpu.memref_slice %arg9[%dma_wait3A_1929, %dma_wait3A_1930] : memref<2x80xi32, #tpu.memory_space<vmem>> -> memref<1x40xi32, #tpu.memory_space<vmem>>
      %dma_wait3A_1932 = tpu.memref_squeeze %dma_wait3A_1931 : memref<1x40xi32, #tpu.memory_space<vmem>> -> memref<40xi32, #tpu.memory_space<vmem>>
      %dma_wait3A_1933 = arith.constant 0 : i32
      %dma_wait3A_1934 = arith.constant 0 : i32
      %dma_wait3A_1935 = tpu.memref_slice %arg3[%dma_wait3A_1933, %dma_wait3A_1934] : memref<10000x128xf32, #tpu.memory_space<hbm>> -> memref<10000x128xf32, #tpu.memory_space<hbm>>
      tpu.wait_indirect_dma semaphore(%arg24 : memref<!tpu.dma_semaphore, #tpu.memory_space<semaphore_mem>>) src(%dma_wait3A_1935 : memref<10000x128xf32, #tpu.memory_space<hbm>>) dst(%arg16 : memref<40x128xf32, #tpu.memory_space<vmem>>)
      %dma_wait3A_1936 = arith.constant 0 : i32
      %dma_wait3A_1937 = arith.constant 0 : i32
      %dma_wait3A_1938 = tpu.memref_slice %arg4[%dma_wait3A_1936, %dma_wait3A_1937] : memref<320000x128xf32, #tpu.memory_space<hbm>> -> memref<40x128xf32, #tpu.memory_space<hbm>>
      %dma_wait3A_1939 = arith.constant 0 : i32
      %dma_wait3A_1940 = arith.constant 0 : i32
      %dma_wait3A_1941 = tpu.memref_slice %arg4[%dma_wait3A_1939, %dma_wait3A_1940] : memref<320000x128xf32, #tpu.memory_space<hbm>> -> memref<40x128xf32, #tpu.memory_space<hbm>>
      tpu.wait_dma2 semaphore(%arg25 : memref<!tpu.dma_semaphore, #tpu.memory_space<semaphore_mem>>) src(%dma_wait3A_1941 : memref<40x128xf32, #tpu.memory_space<hbm>>) dst(%arg17 : memref<40x128xf32, #tpu.memory_space<vmem>>)
      %lt3A_1942 = arith.constant 124 : i32
      %lt3A_1943 = arith.cmpi slt, %scan3A_212, %lt3A_1942 : i32
      %convert_element_type3A_1944 = arith.extui %lt3A_1943 : i1 to i32
      %cond3A_1945 = arith.constant 0 : i32
      %cond3A_1946 = arith.cmpi ne, %convert_element_type3A_1944, %cond3A_1945 : i32
      scf.if %cond3A_1946 {
        %add3A_1959 = arith.constant 1 : i32
        %add3A_1960 = arith.addi %scan3A_212, %add3A_1959 : i32
        %mul3A_1961 = arith.constant 2 : i32
        %mul3A_1962 = arith.muli %mul3A_1961, %add3A_1960 : i32
        %mul3A_1963 = arith.constant 40 : i32
        %mul3A_1964 = arith.muli %mul3A_1962, %mul3A_1963 : i32
        %add3A_1965 = arith.addi %mul3A_69, %mul3A_1964 : i32
        "tpu.region"() ({
          %run_scoped3A = tpu.sem_alloc : memref<!tpu.dma_semaphore, #tpu.memory_space<semaphore_mem>>
          %dma_start3A_1989 = arith.constant 0 : i32
          %dma_start3A_1990 = tpu.memref_slice %arg5[%dma_start3A_1989, %add3A_1965] : memref<2x320000xi32, #tpu.memory_space<hbm>> -> memref<2x80xi32, #tpu.memory_space<hbm>>
          %dma_start3A_1991 = arith.constant 0 : i32
          %dma_start3A_1992 = tpu.memref_slice %arg5[%dma_start3A_1991, %add3A_1965] : memref<2x320000xi32, #tpu.memory_space<hbm>> -> memref<2x80xi32, #tpu.memory_space<hbm>>
          tpu.enqueue_dma source(%dma_start3A_1992 : memref<2x80xi32, #tpu.memory_space<hbm>>) target(%arg9 : memref<2x80xi32, #tpu.memory_space<vmem>>) target_semaphore(%run_scoped3A : memref<!tpu.dma_semaphore, #tpu.memory_space<semaphore_mem>>)
          %dma_wait3A_1993 = arith.constant 0 : i32
          %dma_wait3A_1994 = tpu.memref_slice %arg5[%dma_wait3A_1993, %add3A_1965] : memref<2x320000xi32, #tpu.memory_space<hbm>> -> memref<2x80xi32, #tpu.memory_space<hbm>>
          %dma_wait3A_1995 = arith.constant 0 : i32
          %dma_wait3A_1996 = tpu.memref_slice %arg5[%dma_wait3A_1995, %add3A_1965] : memref<2x320000xi32, #tpu.memory_space<hbm>> -> memref<2x80xi32, #tpu.memory_space<hbm>>
          tpu.wait_dma2 semaphore(%run_scoped3A : memref<!tpu.dma_semaphore, #tpu.memory_space<semaphore_mem>>) src(%dma_wait3A_1996 : memref<2x80xi32, #tpu.memory_space<hbm>>) dst(%arg9 : memref<2x80xi32, #tpu.memory_space<vmem>>)
          tpu.yield
        }) : () -> ()
        %add3A_1966 = arith.constant 2 : i32
        %add3A_1967 = arith.addi %mul3A_214, %add3A_1966 : i32
        %mul3A_1968 = arith.constant 40 : i32
        %mul3A_1969 = arith.muli %add3A_1967, %mul3A_1968 : i32
        %add3A_1970 = arith.addi %mul3A_69, %mul3A_1969 : i32
        %dma_start3A_1971 = arith.constant 0 : i32
        %dma_start3A_1972 = arith.constant 0 : i32
        %dma_start3A_1973 = tpu.memref_slice %arg9[%dma_start3A_1971, %dma_start3A_1972] : memref<2x80xi32, #tpu.memory_space<vmem>> -> memref<1x40xi32, #tpu.memory_space<vmem>>
        %dma_start3A_1974 = tpu.memref_squeeze %dma_start3A_1973 : memref<1x40xi32, #tpu.memory_space<vmem>> -> memref<40xi32, #tpu.memory_space<vmem>>
        %dma_start3A_1975 = arith.constant 0 : i32
        %dma_start3A_1976 = arith.constant 0 : i32
        %dma_start3A_1977 = tpu.memref_slice %arg2[%dma_start3A_1975, %dma_start3A_1976] : memref<10000x128xf32, #tpu.memory_space<hbm>> -> memref<10000x128xf32, #tpu.memory_space<hbm>>
        tpu.enqueue_indirect_dma source(%dma_start3A_1977 : memref<10000x128xf32, #tpu.memory_space<hbm>>) target(%arg12 : memref<40x128xf32, #tpu.memory_space<vmem>>) offsets(%dma_start3A_1974 : memref<40xi32, #tpu.memory_space<vmem>>) semaphore(%arg20 : memref<!tpu.dma_semaphore, #tpu.memory_space<semaphore_mem>>)
        %dma_start3A_1978 = arith.constant 1 : i32
        %dma_start3A_1979 = arith.constant 0 : i32
        %dma_start3A_1980 = tpu.memref_slice %arg9[%dma_start3A_1978, %dma_start3A_1979] : memref<2x80xi32, #tpu.memory_space<vmem>> -> memref<1x40xi32, #tpu.memory_space<vmem>>
        %dma_start3A_1981 = tpu.memref_squeeze %dma_start3A_1980 : memref<1x40xi32, #tpu.memory_space<vmem>> -> memref<40xi32, #tpu.memory_space<vmem>>
        %dma_start3A_1982 = arith.constant 0 : i32
        %dma_start3A_1983 = arith.constant 0 : i32
        %dma_start3A_1984 = tpu.memref_slice %arg3[%dma_start3A_1982, %dma_start3A_1983] : memref<10000x128xf32, #tpu.memory_space<hbm>> -> memref<10000x128xf32, #tpu.memory_space<hbm>>
        tpu.enqueue_indirect_dma source(%dma_start3A_1984 : memref<10000x128xf32, #tpu.memory_space<hbm>>) target(%arg13 : memref<40x128xf32, #tpu.memory_space<vmem>>) offsets(%dma_start3A_1981 : memref<40xi32, #tpu.memory_space<vmem>>) semaphore(%arg21 : memref<!tpu.dma_semaphore, #tpu.memory_space<semaphore_mem>>)
        %dma_start3A_1985 = arith.constant 0 : i32
        %dma_start3A_1986 = tpu.memref_slice %arg4[%add3A_1970, %dma_start3A_1985] : memref<320000x128xf32, #tpu.memory_space<hbm>> -> memref<40x128xf32, #tpu.memory_space<hbm>>
        %dma_start3A_1987 = arith.constant 0 : i32
        %dma_start3A_1988 = tpu.memref_slice %arg4[%add3A_1970, %dma_start3A_1987] : memref<320000x128xf32, #tpu.memory_space<hbm>> -> memref<40x128xf32, #tpu.memory_space<hbm>>
        tpu.enqueue_dma source(%dma_start3A_1988 : memref<40x128xf32, #tpu.memory_space<hbm>>) target(%arg14 : memref<40x128xf32, #tpu.memory_space<vmem>>) target_semaphore(%arg22 : memref<!tpu.dma_semaphore, #tpu.memory_space<semaphore_mem>>)
      } else {
      }
      %dma_wait3A_1947 = arith.constant 0 : i32
      %dma_wait3A_1948 = arith.constant 0 : i32
      %dma_wait3A_1949 = tpu.memref_slice %arg8[%dma_wait3A_1947, %dma_wait3A_1948] : memref<10000x128xf32, #tpu.memory_space<vmem_shared>> -> memref<10000x128xf32, #tpu.memory_space<vmem_shared>>
      tpu.wait_indirect_dma semaphore(%arg26 : memref<!tpu.dma_semaphore, #tpu.memory_space<semaphore_mem>>) src(%arg18 : memref<40x128xf32, #tpu.memory_space<vmem>>) dst(%dma_wait3A_1949 : memref<10000x128xf32, #tpu.memory_space<vmem_shared>>)
      %scan3A_1950 = arith.constant 0 : i32
      %scan3A_1951 = arith.constant 0 : i32
      %scan3A_1952 = arith.constant 40 : i32
      %scan3A_1953 = arith.addi %scan3A_1951, %scan3A_1952 : i32
      %scan3A_1954 = arith.constant 1 : i32
      scf.for %scan3A_1959 = %scan3A_1951 to %scan3A_1953 step %scan3A_1954  : i32 {
        %get3A_1960 = arith.index_cast %scan3A_1959 : i32 to index
        %get3A_1961 = arith.constant 0 : index
        %get3A_1962 = tpu.vector_load %arg15[%get3A_1960, %get3A_1961] {strides = array<i32>} : memref<40x128xf32, #tpu.memory_space<vmem>>, vector<16xf32>,
        %get3A_1963 = arith.index_cast %scan3A_1959 : i32 to index
        %get3A_1964 = arith.constant 0 : index
        %get3A_1965 = tpu.vector_load %arg16[%get3A_1963, %get3A_1964] {strides = array<i32>} : memref<40x128xf32, #tpu.memory_space<vmem>>, vector<16xf32>,
        %add3A_1966 = arith.addf %get3A_1962, %get3A_1965 : vector<16xf32>
        %get3A_1967 = arith.index_cast %scan3A_1959 : i32 to index
        %get3A_1968 = arith.constant 0 : index
        %get3A_1969 = tpu.vector_load %arg17[%get3A_1967, %get3A_1968] {strides = array<i32>} : memref<40x128xf32, #tpu.memory_space<vmem>>, vector<16xf32>,
        %add3A_1970 = arith.addf %add3A_1966, %get3A_1969 : vector<16xf32>
        %neg3A = arith.constant 0.000000e+00 : f32
        %neg3A_1971 = vector.broadcast %neg3A : f32 to vector<16xf32>
        %neg3A_1972 = arith.subf %neg3A_1971, %add3A_1970 : vector<16xf32>
        %exp3A = math.exp %neg3A_1972 : vector<16xf32>
        %add3A_1973 = arith.constant 1.000000e+00 : f32
        %add3A_1974 = vector.broadcast %add3A_1973 : f32 to vector<16xf32>
        %add3A_1975 = arith.addf %add3A_1974, %exp3A : vector<16xf32>
        %div3A = arith.divf %add3A_1970, %add3A_1975 : vector<16xf32>
        %swap3A_1976 = arith.index_cast %scan3A_1959 : i32 to index
        %swap3A_1977 = arith.constant 0 : index
        %swap3A_1978 = tpu.vector_load %arg18[%swap3A_1976, %swap3A_1977] {strides = array<i32>} : memref<40x128xf32, #tpu.memory_space<vmem>>, vector<16xf32>,
        tpu.vector_store %arg18[%swap3A_1976, %swap3A_1977], %div3A {strides = array<i32>} : memref<40x128xf32, #tpu.memory_space<vmem>>, vector<16xf32>,
        %get3A_1979 = arith.index_cast %scan3A_1959 : i32 to index
        %get3A_1980 = arith.constant 16 : index
        %get3A_1981 = tpu.vector_load %arg15[%get3A_1979, %get3A_1980] {strides = array<i32>} : memref<40x128xf32, #tpu.memory_space<vmem>>, vector<16xf32>,
        %get3A_1982 = arith.index_cast %scan3A_1959 : i32 to index
        %get3A_1983 = arith.constant 16 : index
        %get3A_1984 = tpu.vector_load %arg16[%get3A_1982, %get3A_1983] {strides = array<i32>} : memref<40x128xf32, #tpu.memory_space<vmem>>, vector<16xf32>,
        %add3A_1985 = arith.addf %get3A_1981, %get3A_1984 : vector<16xf32>
        %get3A_1986 = arith.index_cast %scan3A_1959 : i32 to index
        %get3A_1987 = arith.constant 16 : index
        %get3A_1988 = tpu.vector_load %arg17[%get3A_1986, %get3A_1987] {strides = array<i32>} : memref<40x128xf32, #tpu.memory_space<vmem>>, vector<16xf32>,
        %add3A_1989 = arith.addf %add3A_1985, %get3A_1988 : vector<16xf32>
        %neg3A_1990 = arith.constant 0.000000e+00 : f32
        %neg3A_1991 = vector.broadcast %neg3A_1990 : f32 to vector<16xf32>
        %neg3A_1992 = arith.subf %neg3A_1991, %add3A_1989 : vector<16xf32>
        %exp3A_1993 = math.exp %neg3A_1992 : vector<16xf32>
        %add3A_1994 = arith.constant 1.000000e+00 : f32
        %add3A_1995 = vector.broadcast %add3A_1994 : f32 to vector<16xf32>
        %add3A_1996 = arith.addf %add3A_1995, %exp3A_1993 : vector<16xf32>
        %div3A_1997 = arith.divf %add3A_1989, %add3A_1996 : vector<16xf32>
        %swap3A_1998 = arith.index_cast %scan3A_1959 : i32 to index
        %swap3A_1999 = arith.constant 16 : index
        %swap3A_2000 = tpu.vector_load %arg18[%swap3A_1998, %swap3A_1999] {strides = array<i32>} : memref<40x128xf32, #tpu.memory_space<vmem>>, vector<16xf32>,
        tpu.vector_store %arg18[%swap3A_1998, %swap3A_1999], %div3A_1997 {strides = array<i32>} : memref<40x128xf32, #tpu.memory_space<vmem>>, vector<16xf32>,
        %get3A_2001 = arith.index_cast %scan3A_1959 : i32 to index
        %get3A_2002 = arith.constant 32 : index
        %get3A_2003 = tpu.vector_load %arg15[%get3A_2001, %get3A_2002] {strides = array<i32>} : memref<40x128xf32, #tpu.memory_space<vmem>>, vector<16xf32>,
        %get3A_2004 = arith.index_cast %scan3A_1959 : i32 to index
        %get3A_2005 = arith.constant 32 : index
        %get3A_2006 = tpu.vector_load %arg16[%get3A_2004, %get3A_2005] {strides = array<i32>} : memref<40x128xf32, #tpu.memory_space<vmem>>, vector<16xf32>,
        %add3A_2007 = arith.addf %get3A_2003, %get3A_2006 : vector<16xf32>
        %get3A_2008 = arith.index_cast %scan3A_1959 : i32 to index
        %get3A_2009 = arith.constant 32 : index
        %get3A_2010 = tpu.vector_load %arg17[%get3A_2008, %get3A_2009] {strides = array<i32>} : memref<40x128xf32, #tpu.memory_space<vmem>>, vector<16xf32>,
        %add3A_2011 = arith.addf %add3A_2007, %get3A_2010 : vector<16xf32>
        %neg3A_2012 = arith.constant 0.000000e+00 : f32
        %neg3A_2013 = vector.broadcast %neg3A_2012 : f32 to vector<16xf32>
        %neg3A_2014 = arith.subf %neg3A_2013, %add3A_2011 : vector<16xf32>
        %exp3A_2015 = math.exp %neg3A_2014 : vector<16xf32>
        %add3A_2016 = arith.constant 1.000000e+00 : f32
        %add3A_2017 = vector.broadcast %add3A_2016 : f32 to vector<16xf32>
        %add3A_2018 = arith.addf %add3A_2017, %exp3A_2015 : vector<16xf32>
        %div3A_2019 = arith.divf %add3A_2011, %add3A_2018 : vector<16xf32>
        %swap3A_2020 = arith.index_cast %scan3A_1959 : i32 to index
        %swap3A_2021 = arith.constant 32 : index
        %swap3A_2022 = tpu.vector_load %arg18[%swap3A_2020, %swap3A_2021] {strides = array<i32>} : memref<40x128xf32, #tpu.memory_space<vmem>>, vector<16xf32>,
        tpu.vector_store %arg18[%swap3A_2020, %swap3A_2021], %div3A_2019 {strides = array<i32>} : memref<40x128xf32, #tpu.memory_space<vmem>>, vector<16xf32>,
        %get3A_2023 = arith.index_cast %scan3A_1959 : i32 to index
        %get3A_2024 = arith.constant 48 : index
        %get3A_2025 = tpu.vector_load %arg15[%get3A_2023, %get3A_2024] {strides = array<i32>} : memref<40x128xf32, #tpu.memory_space<vmem>>, vector<16xf32>,
        %get3A_2026 = arith.index_cast %scan3A_1959 : i32 to index
        %get3A_2027 = arith.constant 48 : index
        %get3A_2028 = tpu.vector_load %arg16[%get3A_2026, %get3A_2027] {strides = array<i32>} : memref<40x128xf32, #tpu.memory_space<vmem>>, vector<16xf32>,
        %add3A_2029 = arith.addf %get3A_2025, %get3A_2028 : vector<16xf32>
        %get3A_2030 = arith.index_cast %scan3A_1959 : i32 to index
        %get3A_2031 = arith.constant 48 : index
        %get3A_2032 = tpu.vector_load %arg17[%get3A_2030, %get3A_2031] {strides = array<i32>} : memref<40x128xf32, #tpu.memory_space<vmem>>, vector<16xf32>,
        %add3A_2033 = arith.addf %add3A_2029, %get3A_2032 : vector<16xf32>
        %neg3A_2034 = arith.constant 0.000000e+00 : f32
        %neg3A_2035 = vector.broadcast %neg3A_2034 : f32 to vector<16xf32>
        %neg3A_2036 = arith.subf %neg3A_2035, %add3A_2033 : vector<16xf32>
        %exp3A_2037 = math.exp %neg3A_2036 : vector<16xf32>
        %add3A_2038 = arith.constant 1.000000e+00 : f32
        %add3A_2039 = vector.broadcast %add3A_2038 : f32 to vector<16xf32>
        %add3A_2040 = arith.addf %add3A_2039, %exp3A_2037 : vector<16xf32>
        %div3A_2041 = arith.divf %add3A_2033, %add3A_2040 : vector<16xf32>
        %swap3A_2042 = arith.index_cast %scan3A_1959 : i32 to index
        %swap3A_2043 = arith.constant 48 : index
        %swap3A_2044 = tpu.vector_load %arg18[%swap3A_2042, %swap3A_2043] {strides = array<i32>} : memref<40x128xf32, #tpu.memory_space<vmem>>, vector<16xf32>,
        tpu.vector_store %arg18[%swap3A_2042, %swap3A_2043], %div3A_2041 {strides = array<i32>} : memref<40x128xf32, #tpu.memory_space<vmem>>, vector<16xf32>,
        %get3A_2045 = arith.index_cast %scan3A_1959 : i32 to index
        %get3A_2046 = arith.constant 64 : index
        %get3A_2047 = tpu.vector_load %arg15[%get3A_2045, %get3A_2046] {strides = array<i32>} : memref<40x128xf32, #tpu.memory_space<vmem>>, vector<16xf32>,
        %get3A_2048 = arith.index_cast %scan3A_1959 : i32 to index
        %get3A_2049 = arith.constant 64 : index
        %get3A_2050 = tpu.vector_load %arg16[%get3A_2048, %get3A_2049] {strides = array<i32>} : memref<40x128xf32, #tpu.memory_space<vmem>>, vector<16xf32>,
        %add3A_2051 = arith.addf %get3A_2047, %get3A_2050 : vector<16xf32>
        %get3A_2052 = arith.index_cast %scan3A_1959 : i32 to index
        %get3A_2053 = arith.constant 64 : index
        %get3A_2054 = tpu.vector_load %arg17[%get3A_2052, %get3A_2053] {strides = array<i32>} : memref<40x128xf32, #tpu.memory_space<vmem>>, vector<16xf32>,
        %add3A_2055 = arith.addf %add3A_2051, %get3A_2054 : vector<16xf32>
        %neg3A_2056 = arith.constant 0.000000e+00 : f32
        %neg3A_2057 = vector.broadcast %neg3A_2056 : f32 to vector<16xf32>
        %neg3A_2058 = arith.subf %neg3A_2057, %add3A_2055 : vector<16xf32>
        %exp3A_2059 = math.exp %neg3A_2058 : vector<16xf32>
        %add3A_2060 = arith.constant 1.000000e+00 : f32
        %add3A_2061 = vector.broadcast %add3A_2060 : f32 to vector<16xf32>
        %add3A_2062 = arith.addf %add3A_2061, %exp3A_2059 : vector<16xf32>
        %div3A_2063 = arith.divf %add3A_2055, %add3A_2062 : vector<16xf32>
        %swap3A_2064 = arith.index_cast %scan3A_1959 : i32 to index
        %swap3A_2065 = arith.constant 64 : index
        %swap3A_2066 = tpu.vector_load %arg18[%swap3A_2064, %swap3A_2065] {strides = array<i32>} : memref<40x128xf32, #tpu.memory_space<vmem>>, vector<16xf32>,
        tpu.vector_store %arg18[%swap3A_2064, %swap3A_2065], %div3A_2063 {strides = array<i32>} : memref<40x128xf32, #tpu.memory_space<vmem>>, vector<16xf32>,
        %get3A_2067 = arith.index_cast %scan3A_1959 : i32 to index
        %get3A_2068 = arith.constant 80 : index
        %get3A_2069 = tpu.vector_load %arg15[%get3A_2067, %get3A_2068] {strides = array<i32>} : memref<40x128xf32, #tpu.memory_space<vmem>>, vector<16xf32>,
        %get3A_2070 = arith.index_cast %scan3A_1959 : i32 to index
        %get3A_2071 = arith.constant 80 : index
        %get3A_2072 = tpu.vector_load %arg16[%get3A_2070, %get3A_2071] {strides = array<i32>} : memref<40x128xf32, #tpu.memory_space<vmem>>, vector<16xf32>,
        %add3A_2073 = arith.addf %get3A_2069, %get3A_2072 : vector<16xf32>
        %get3A_2074 = arith.index_cast %scan3A_1959 : i32 to index
        %get3A_2075 = arith.constant 80 : index
        %get3A_2076 = tpu.vector_load %arg17[%get3A_2074, %get3A_2075] {strides = array<i32>} : memref<40x128xf32, #tpu.memory_space<vmem>>, vector<16xf32>,
        %add3A_2077 = arith.addf %add3A_2073, %get3A_2076 : vector<16xf32>
        %neg3A_2078 = arith.constant 0.000000e+00 : f32
        %neg3A_2079 = vector.broadcast %neg3A_2078 : f32 to vector<16xf32>
        %neg3A_2080 = arith.subf %neg3A_2079, %add3A_2077 : vector<16xf32>
        %exp3A_2081 = math.exp %neg3A_2080 : vector<16xf32>
        %add3A_2082 = arith.constant 1.000000e+00 : f32
        %add3A_2083 = vector.broadcast %add3A_2082 : f32 to vector<16xf32>
        %add3A_2084 = arith.addf %add3A_2083, %exp3A_2081 : vector<16xf32>
        %div3A_2085 = arith.divf %add3A_2077, %add3A_2084 : vector<16xf32>
        %swap3A_2086 = arith.index_cast %scan3A_1959 : i32 to index
        %swap3A_2087 = arith.constant 80 : index
        %swap3A_2088 = tpu.vector_load %arg18[%swap3A_2086, %swap3A_2087] {strides = array<i32>} : memref<40x128xf32, #tpu.memory_space<vmem>>, vector<16xf32>,
        tpu.vector_store %arg18[%swap3A_2086, %swap3A_2087], %div3A_2085 {strides = array<i32>} : memref<40x128xf32, #tpu.memory_space<vmem>>, vector<16xf32>,
        %get3A_2089 = arith.index_cast %scan3A_1959 : i32 to index
        %get3A_2090 = arith.constant 96 : index
        %get3A_2091 = tpu.vector_load %arg15[%get3A_2089, %get3A_2090] {strides = array<i32>} : memref<40x128xf32, #tpu.memory_space<vmem>>, vector<16xf32>,
        %get3A_2092 = arith.index_cast %scan3A_1959 : i32 to index
        %get3A_2093 = arith.constant 96 : index
        %get3A_2094 = tpu.vector_load %arg16[%get3A_2092, %get3A_2093] {strides = array<i32>} : memref<40x128xf32, #tpu.memory_space<vmem>>, vector<16xf32>,
        %add3A_2095 = arith.addf %get3A_2091, %get3A_2094 : vector<16xf32>
        %get3A_2096 = arith.index_cast %scan3A_1959 : i32 to index
        %get3A_2097 = arith.constant 96 : index
        %get3A_2098 = tpu.vector_load %arg17[%get3A_2096, %get3A_2097] {strides = array<i32>} : memref<40x128xf32, #tpu.memory_space<vmem>>, vector<16xf32>,
        %add3A_2099 = arith.addf %add3A_2095, %get3A_2098 : vector<16xf32>
        %neg3A_2100 = arith.constant 0.000000e+00 : f32
        %neg3A_2101 = vector.broadcast %neg3A_2100 : f32 to vector<16xf32>
        %neg3A_2102 = arith.subf %neg3A_2101, %add3A_2099 : vector<16xf32>
        %exp3A_2103 = math.exp %neg3A_2102 : vector<16xf32>
        %add3A_2104 = arith.constant 1.000000e+00 : f32
        %add3A_2105 = vector.broadcast %add3A_2104 : f32 to vector<16xf32>
        %add3A_2106 = arith.addf %add3A_2105, %exp3A_2103 : vector<16xf32>
        %div3A_2107 = arith.divf %add3A_2099, %add3A_2106 : vector<16xf32>
        %swap3A_2108 = arith.index_cast %scan3A_1959 : i32 to index
        %swap3A_2109 = arith.constant 96 : index
        %swap3A_2110 = tpu.vector_load %arg18[%swap3A_2108, %swap3A_2109] {strides = array<i32>} : memref<40x128xf32, #tpu.memory_space<vmem>>, vector<16xf32>,
        tpu.vector_store %arg18[%swap3A_2108, %swap3A_2109], %div3A_2107 {strides = array<i32>} : memref<40x128xf32, #tpu.memory_space<vmem>>, vector<16xf32>,
        %get3A_2111 = arith.index_cast %scan3A_1959 : i32 to index
        %get3A_2112 = arith.constant 112 : index
        %get3A_2113 = tpu.vector_load %arg15[%get3A_2111, %get3A_2112] {strides = array<i32>} : memref<40x128xf32, #tpu.memory_space<vmem>>, vector<16xf32>,
        %get3A_2114 = arith.index_cast %scan3A_1959 : i32 to index
        %get3A_2115 = arith.constant 112 : index
        %get3A_2116 = tpu.vector_load %arg16[%get3A_2114, %get3A_2115] {strides = array<i32>} : memref<40x128xf32, #tpu.memory_space<vmem>>, vector<16xf32>,
        %add3A_2117 = arith.addf %get3A_2113, %get3A_2116 : vector<16xf32>
        %get3A_2118 = arith.index_cast %scan3A_1959 : i32 to index
        %get3A_2119 = arith.constant 112 : index
        %get3A_2120 = tpu.vector_load %arg17[%get3A_2118, %get3A_2119] {strides = array<i32>} : memref<40x128xf32, #tpu.memory_space<vmem>>, vector<16xf32>,
        %add3A_2121 = arith.addf %add3A_2117, %get3A_2120 : vector<16xf32>
        %neg3A_2122 = arith.constant 0.000000e+00 : f32
        %neg3A_2123 = vector.broadcast %neg3A_2122 : f32 to vector<16xf32>
        %neg3A_2124 = arith.subf %neg3A_2123, %add3A_2121 : vector<16xf32>
        %exp3A_2125 = math.exp %neg3A_2124 : vector<16xf32>
        %add3A_2126 = arith.constant 1.000000e+00 : f32
        %add3A_2127 = vector.broadcast %add3A_2126 : f32 to vector<16xf32>
        %add3A_2128 = arith.addf %add3A_2127, %exp3A_2125 : vector<16xf32>
        %div3A_2129 = arith.divf %add3A_2121, %add3A_2128 : vector<16xf32>
        %swap3A_2130 = arith.index_cast %scan3A_1959 : i32 to index
        %swap3A_2131 = arith.constant 112 : index
        %swap3A_2132 = tpu.vector_load %arg18[%swap3A_2130, %swap3A_2131] {strides = array<i32>} : memref<40x128xf32, #tpu.memory_space<vmem>>, vector<16xf32>,
        tpu.vector_store %arg18[%swap3A_2130, %swap3A_2131], %div3A_2129 {strides = array<i32>} : memref<40x128xf32, #tpu.memory_space<vmem>>, vector<16xf32>,
      }
      %scan3A_1955 = arith.constant 40 : i32
      %dma_start3A_1956 = arith.constant 0 : i32
      %dma_start3A_1957 = arith.constant 0 : i32
      %dma_start3A_1958 = tpu.memref_slice %arg8[%dma_start3A_1956, %dma_start3A_1957] : memref<10000x128xf32, #tpu.memory_space<vmem_shared>> -> memref<10000x128xf32, #tpu.memory_space<vmem_shared>>
      tpu.enqueue_indirect_dma source(%arg18 : memref<40x128xf32, #tpu.memory_space<vmem>>) target(%dma_start3A_1958 : memref<10000x128xf32, #tpu.memory_space<vmem_shared>>) offsets(%arg11 : memref<40xi32, #tpu.memory_space<vmem>>) semaphore(%arg27 : memref<!tpu.dma_semaphore, #tpu.memory_space<semaphore_mem>>) {add = true}
    }
    %scan3A_96 = arith.constant 125 : i32
    %dma_wait3A = arith.constant 0 : i32
    %dma_wait3A_97 = arith.constant 0 : i32
    %dma_wait3A_98 = tpu.memref_slice %arg8[%dma_wait3A, %dma_wait3A_97] : memref<10000x128xf32, #tpu.memory_space<vmem_shared>> -> memref<10000x128xf32, #tpu.memory_space<vmem_shared>>
    tpu.wait_indirect_dma semaphore(%arg27 : memref<!tpu.dma_semaphore, #tpu.memory_space<semaphore_mem>>) src(%arg18 : memref<40x128xf32, #tpu.memory_space<vmem>>) dst(%dma_wait3A_98 : memref<10000x128xf32, #tpu.memory_space<vmem_shared>>)
    "tpu.region"() ({
      %run_scoped3A = tpu.sem_alloc : memref<!tpu.dma_semaphore, #tpu.memory_space<semaphore_mem>>
      %dma_start3A_212 = arith.constant 0 : i32
      %dma_start3A_213 = arith.constant 0 : i32
      %dma_start3A_214 = tpu.memref_slice %arg7[%add3A, %dma_start3A_212, %dma_start3A_213] : memref<32x640x16xf32, #tpu.memory_space<hbm>> -> memref<1x640x16xf32, #tpu.memory_space<hbm>>
      %dma_start3A_215 = tpu.memref_squeeze %dma_start3A_214 : memref<1x640x16xf32, #tpu.memory_space<hbm>> -> memref<640x16xf32, #tpu.memory_space<hbm>>
      %dma_start3A_216 = arith.constant 0 : i32
      %dma_start3A_217 = arith.constant 0 : i32
      %dma_start3A_218 = tpu.memref_slice %arg7[%add3A, %dma_start3A_216, %dma_start3A_217] : memref<32x640x16xf32, #tpu.memory_space<hbm>> -> memref<1x640x16xf32, #tpu.memory_space<hbm>>
      %dma_start3A_219 = tpu.memref_squeeze %dma_start3A_218 : memref<1x640x16xf32, #tpu.memory_space<hbm>> -> memref<640x16xf32, #tpu.memory_space<hbm>>
      tpu.enqueue_dma source(%arg19 : memref<640x16xf32, #tpu.memory_space<vmem>>) target(%dma_start3A_219 : memref<640x16xf32, #tpu.memory_space<hbm>>) target_semaphore(%run_scoped3A : memref<!tpu.dma_semaphore, #tpu.memory_space<semaphore_mem>>)
      %dma_wait3A_220 = arith.constant 0 : i32
      %dma_wait3A_221 = arith.constant 0 : i32
      %dma_wait3A_222 = tpu.memref_slice %arg7[%add3A, %dma_wait3A_220, %dma_wait3A_221] : memref<32x640x16xf32, #tpu.memory_space<hbm>> -> memref<1x640x16xf32, #tpu.memory_space<hbm>>
      %dma_wait3A_223 = tpu.memref_squeeze %dma_wait3A_222 : memref<1x640x16xf32, #tpu.memory_space<hbm>> -> memref<640x16xf32, #tpu.memory_space<hbm>>
      %dma_wait3A_224 = arith.constant 0 : i32
      %dma_wait3A_225 = arith.constant 0 : i32
      %dma_wait3A_226 = tpu.memref_slice %arg7[%add3A, %dma_wait3A_224, %dma_wait3A_225] : memref<32x640x16xf32, #tpu.memory_space<hbm>> -> memref<1x640x16xf32, #tpu.memory_space<hbm>>
      %dma_wait3A_227 = tpu.memref_squeeze %dma_wait3A_226 : memref<1x640x16xf32, #tpu.memory_space<hbm>> -> memref<640x16xf32, #tpu.memory_space<hbm>>
      tpu.wait_dma2 semaphore(%run_scoped3A : memref<!tpu.dma_semaphore, #tpu.memory_space<semaphore_mem>>) src(%arg19 : memref<640x16xf32, #tpu.memory_space<vmem>>) dst(%dma_wait3A_227 : memref<640x16xf32, #tpu.memory_space<hbm>>)
      tpu.yield
    }) : () -> ()
    %barrier3A_99 = arith.constant 0 : index
    tpu.barrier barrier_id(%barrier3A_99)
    %add3A_100 = arith.constant 0 : i32
    %add3A_101 = arith.addi %arg1, %add3A_100 : i32
    %lt3A_102 = arith.constant 250 : i32
    %lt3A_103 = arith.cmpi slt, %add3A_101, %lt3A_102 : i32
    %convert_element_type3A_104 = arith.extui %lt3A_103 : i1 to i32
    %cond3A_105 = arith.constant 0 : i32
    %cond3A_106 = arith.cmpi ne, %convert_element_type3A_104, %cond3A_105 : i32
    scf.if %cond3A_106 {
      %mul3A_212 = arith.constant 40 : i32
      %mul3A_213 = arith.muli %add3A_101, %mul3A_212 : i32
      "tpu.region"() ({
        %run_scoped3A = tpu.sem_alloc : memref<!tpu.dma_semaphore, #tpu.memory_space<semaphore_mem>>
        %dma_start3A_216 = arith.constant 0 : i32
        %dma_start3A_217 = tpu.memref_slice %arg8[%mul3A_213, %dma_start3A_216] : memref<10000x128xf32, #tpu.memory_space<vmem_shared>> -> memref<40x128xf32, #tpu.memory_space<vmem_shared>>
        %dma_start3A_218 = arith.constant 0 : i32
        %dma_start3A_219 = tpu.memref_slice %arg8[%mul3A_213, %dma_start3A_218] : memref<10000x128xf32, #tpu.memory_space<vmem_shared>> -> memref<40x128xf32, #tpu.memory_space<vmem_shared>>
        tpu.enqueue_dma source(%dma_start3A_219 : memref<40x128xf32, #tpu.memory_space<vmem_shared>>) target(%arg18 : memref<40x128xf32, #tpu.memory_space<vmem>>) target_semaphore(%run_scoped3A : memref<!tpu.dma_semaphore, #tpu.memory_space<semaphore_mem>>)
        %dma_wait3A_220 = arith.constant 0 : i32
        %dma_wait3A_221 = tpu.memref_slice %arg8[%mul3A_213, %dma_wait3A_220] : memref<10000x128xf32, #tpu.memory_space<vmem_shared>> -> memref<40x128xf32, #tpu.memory_space<vmem_shared>>
        %dma_wait3A_222 = arith.constant 0 : i32
        %dma_wait3A_223 = tpu.memref_slice %arg8[%mul3A_213, %dma_wait3A_222] : memref<10000x128xf32, #tpu.memory_space<vmem_shared>> -> memref<40x128xf32, #tpu.memory_space<vmem_shared>>
        tpu.wait_dma2 semaphore(%run_scoped3A : memref<!tpu.dma_semaphore, #tpu.memory_space<semaphore_mem>>) src(%dma_wait3A_223 : memref<40x128xf32, #tpu.memory_space<vmem_shared>>) dst(%arg18 : memref<40x128xf32, #tpu.memory_space<vmem>>)
        tpu.yield
      }) : () -> ()
      %mul3A_214 = arith.constant 40 : i32
      %mul3A_215 = arith.muli %add3A_101, %mul3A_214 : i32
      "tpu.region"() ({
        %run_scoped3A = tpu.sem_alloc : memref<!tpu.dma_semaphore, #tpu.memory_space<semaphore_mem>>
        %dma_start3A_216 = arith.constant 0 : i32
        %dma_start3A_217 = arith.constant 0 : i32
        %dma_start3A_218 = tpu.memref_slice %arg6[%arg0, %dma_start3A_216, %dma_start3A_217] : memref<2x10000x128xf32, #tpu.memory_space<hbm>> -> memref<1x10000x128xf32, #tpu.memory_space<hbm>>
        %dma_start3A_219 = tpu.memref_squeeze %dma_start3A_218 : memref<1x10000x128xf32, #tpu.memory_space<hbm>> -> memref<10000x128xf32, #tpu.memory_space<hbm>>
        %dma_start3A_220 = arith.constant 0 : i32
        %dma_start3A_221 = tpu.memref_slice %dma_start3A_219[%mul3A_215, %dma_start3A_220] : memref<10000x128xf32, #tpu.memory_space<hbm>> -> memref<40x128xf32, #tpu.memory_space<hbm>>
        %dma_start3A_222 = arith.constant 0 : i32
        %dma_start3A_223 = arith.constant 0 : i32
        %dma_start3A_224 = tpu.memref_slice %arg6[%arg0, %dma_start3A_222, %dma_start3A_223] : memref<2x10000x128xf32, #tpu.memory_space<hbm>> -> memref<1x10000x128xf32, #tpu.memory_space<hbm>>
        %dma_start3A_225 = tpu.memref_squeeze %dma_start3A_224 : memref<1x10000x128xf32, #tpu.memory_space<hbm>> -> memref<10000x128xf32, #tpu.memory_space<hbm>>
        %dma_start3A_226 = arith.constant 0 : i32
        %dma_start3A_227 = tpu.memref_slice %dma_start3A_225[%mul3A_215, %dma_start3A_226] : memref<10000x128xf32, #tpu.memory_space<hbm>> -> memref<40x128xf32, #tpu.memory_space<hbm>>
        tpu.enqueue_dma source(%arg18 : memref<40x128xf32, #tpu.memory_space<vmem>>) target(%dma_start3A_227 : memref<40x128xf32, #tpu.memory_space<hbm>>) target_semaphore(%run_scoped3A : memref<!tpu.dma_semaphore, #tpu.memory_space<semaphore_mem>>)
        %dma_wait3A_228 = arith.constant 0 : i32
        %dma_wait3A_229 = arith.constant 0 : i32
        %dma_wait3A_230 = tpu.memref_slice %arg6[%arg0, %dma_wait3A_228, %dma_wait3A_229] : memref<2x10000x128xf32, #tpu.memory_space<hbm>> -> memref<1x10000x128xf32, #tpu.memory_space<hbm>>
        %dma_wait3A_231 = tpu.memref_squeeze %dma_wait3A_230 : memref<1x10000x128xf32, #tpu.memory_space<hbm>> -> memref<10000x128xf32, #tpu.memory_space<hbm>>
        %dma_wait3A_232 = arith.constant 0 : i32
        %dma_wait3A_233 = tpu.memref_slice %dma_wait3A_231[%mul3A_215, %dma_wait3A_232] : memref<10000x128xf32, #tpu.memory_space<hbm>> -> memref<40x128xf32, #tpu.memory_space<hbm>>
        %dma_wait3A_234 = arith.constant 0 : i32
        %dma_wait3A_235 = arith.constant 0 : i32
        %dma_wait3A_236 = tpu.memref_slice %arg6[%arg0, %dma_wait3A_234, %dma_wait3A_235] : memref<2x10000x128xf32, #tpu.memory_space<hbm>> -> memref<1x10000x128xf32, #tpu.memory_space<hbm>>
        %dma_wait3A_237 = tpu.memref_squeeze %dma_wait3A_236 : memref<1x10000x128xf32, #tpu.memory_space<hbm>> -> memref<10000x128xf32, #tpu.memory_space<hbm>>
        %dma_wait3A_238 = arith.constant 0 : i32
        %dma_wait3A_239 = tpu.memref_slice %dma_wait3A_237[%mul3A_215, %dma_wait3A_238] : memref<10000x128xf32, #tpu.memory_space<hbm>> -> memref<40x128xf32, #tpu.memory_space<hbm>>
        tpu.wait_dma2 semaphore(%run_scoped3A : memref<!tpu.dma_semaphore, #tpu.memory_space<semaphore_mem>>) src(%arg18 : memref<40x128xf32, #tpu.memory_space<vmem>>) dst(%dma_wait3A_239 : memref<40x128xf32, #tpu.memory_space<hbm>>)
        tpu.yield
      }) : () -> ()
    } else {
    }
    %add3A_107 = arith.constant 16 : i32
    %add3A_108 = arith.addi %arg1, %add3A_107 : i32
    %lt3A_109 = arith.constant 250 : i32
    %lt3A_110 = arith.cmpi slt, %add3A_108, %lt3A_109 : i32
    %convert_element_type3A_111 = arith.extui %lt3A_110 : i1 to i32
    %cond3A_112 = arith.constant 0 : i32
    %cond3A_113 = arith.cmpi ne, %convert_element_type3A_111, %cond3A_112 : i32
    scf.if %cond3A_113 {
      %mul3A_212 = arith.constant 40 : i32
      %mul3A_213 = arith.muli %add3A_108, %mul3A_212 : i32
      "tpu.region"() ({
        %run_scoped3A = tpu.sem_alloc : memref<!tpu.dma_semaphore, #tpu.memory_space<semaphore_mem>>
        %dma_start3A_216 = arith.constant 0 : i32
        %dma_start3A_217 = tpu.memref_slice %arg8[%mul3A_213, %dma_start3A_216] : memref<10000x128xf32, #tpu.memory_space<vmem_shared>> -> memref<40x128xf32, #tpu.memory_space<vmem_shared>>
        %dma_start3A_218 = arith.constant 0 : i32
        %dma_start3A_219 = tpu.memref_slice %arg8[%mul3A_213, %dma_start3A_218] : memref<10000x128xf32, #tpu.memory_space<vmem_shared>> -> memref<40x128xf32, #tpu.memory_space<vmem_shared>>
        tpu.enqueue_dma source(%dma_start3A_219 : memref<40x128xf32, #tpu.memory_space<vmem_shared>>) target(%arg18 : memref<40x128xf32, #tpu.memory_space<vmem>>) target_semaphore(%run_scoped3A : memref<!tpu.dma_semaphore, #tpu.memory_space<semaphore_mem>>)
        %dma_wait3A_220 = arith.constant 0 : i32
        %dma_wait3A_221 = tpu.memref_slice %arg8[%mul3A_213, %dma_wait3A_220] : memref<10000x128xf32, #tpu.memory_space<vmem_shared>> -> memref<40x128xf32, #tpu.memory_space<vmem_shared>>
        %dma_wait3A_222 = arith.constant 0 : i32
        %dma_wait3A_223 = tpu.memref_slice %arg8[%mul3A_213, %dma_wait3A_222] : memref<10000x128xf32, #tpu.memory_space<vmem_shared>> -> memref<40x128xf32, #tpu.memory_space<vmem_shared>>
        tpu.wait_dma2 semaphore(%run_scoped3A : memref<!tpu.dma_semaphore, #tpu.memory_space<semaphore_mem>>) src(%dma_wait3A_223 : memref<40x128xf32, #tpu.memory_space<vmem_shared>>) dst(%arg18 : memref<40x128xf32, #tpu.memory_space<vmem>>)
        tpu.yield
      }) : () -> ()
      %mul3A_214 = arith.constant 40 : i32
      %mul3A_215 = arith.muli %add3A_108, %mul3A_214 : i32
      "tpu.region"() ({
        %run_scoped3A = tpu.sem_alloc : memref<!tpu.dma_semaphore, #tpu.memory_space<semaphore_mem>>
        %dma_start3A_216 = arith.constant 0 : i32
        %dma_start3A_217 = arith.constant 0 : i32
        %dma_start3A_218 = tpu.memref_slice %arg6[%arg0, %dma_start3A_216, %dma_start3A_217] : memref<2x10000x128xf32, #tpu.memory_space<hbm>> -> memref<1x10000x128xf32, #tpu.memory_space<hbm>>
        %dma_start3A_219 = tpu.memref_squeeze %dma_start3A_218 : memref<1x10000x128xf32, #tpu.memory_space<hbm>> -> memref<10000x128xf32, #tpu.memory_space<hbm>>
        %dma_start3A_220 = arith.constant 0 : i32
        %dma_start3A_221 = tpu.memref_slice %dma_start3A_219[%mul3A_215, %dma_start3A_220] : memref<10000x128xf32, #tpu.memory_space<hbm>> -> memref<40x128xf32, #tpu.memory_space<hbm>>
        %dma_start3A_222 = arith.constant 0 : i32
        %dma_start3A_223 = arith.constant 0 : i32
        %dma_start3A_224 = tpu.memref_slice %arg6[%arg0, %dma_start3A_222, %dma_start3A_223] : memref<2x10000x128xf32, #tpu.memory_space<hbm>> -> memref<1x10000x128xf32, #tpu.memory_space<hbm>>
        %dma_start3A_225 = tpu.memref_squeeze %dma_start3A_224 : memref<1x10000x128xf32, #tpu.memory_space<hbm>> -> memref<10000x128xf32, #tpu.memory_space<hbm>>
        %dma_start3A_226 = arith.constant 0 : i32
        %dma_start3A_227 = tpu.memref_slice %dma_start3A_225[%mul3A_215, %dma_start3A_226] : memref<10000x128xf32, #tpu.memory_space<hbm>> -> memref<40x128xf32, #tpu.memory_space<hbm>>
        tpu.enqueue_dma source(%arg18 : memref<40x128xf32, #tpu.memory_space<vmem>>) target(%dma_start3A_227 : memref<40x128xf32, #tpu.memory_space<hbm>>) target_semaphore(%run_scoped3A : memref<!tpu.dma_semaphore, #tpu.memory_space<semaphore_mem>>)
        %dma_wait3A_228 = arith.constant 0 : i32
        %dma_wait3A_229 = arith.constant 0 : i32
        %dma_wait3A_230 = tpu.memref_slice %arg6[%arg0, %dma_wait3A_228, %dma_wait3A_229] : memref<2x10000x128xf32, #tpu.memory_space<hbm>> -> memref<1x10000x128xf32, #tpu.memory_space<hbm>>
        %dma_wait3A_231 = tpu.memref_squeeze %dma_wait3A_230 : memref<1x10000x128xf32, #tpu.memory_space<hbm>> -> memref<10000x128xf32, #tpu.memory_space<hbm>>
        %dma_wait3A_232 = arith.constant 0 : i32
        %dma_wait3A_233 = tpu.memref_slice %dma_wait3A_231[%mul3A_215, %dma_wait3A_232] : memref<10000x128xf32, #tpu.memory_space<hbm>> -> memref<40x128xf32, #tpu.memory_space<hbm>>
        %dma_wait3A_234 = arith.constant 0 : i32
        %dma_wait3A_235 = arith.constant 0 : i32
        %dma_wait3A_236 = tpu.memref_slice %arg6[%arg0, %dma_wait3A_234, %dma_wait3A_235] : memref<2x10000x128xf32, #tpu.memory_space<hbm>> -> memref<1x10000x128xf32, #tpu.memory_space<hbm>>
        %dma_wait3A_237 = tpu.memref_squeeze %dma_wait3A_236 : memref<1x10000x128xf32, #tpu.memory_space<hbm>> -> memref<10000x128xf32, #tpu.memory_space<hbm>>
        %dma_wait3A_238 = arith.constant 0 : i32
        %dma_wait3A_239 = tpu.memref_slice %dma_wait3A_237[%mul3A_215, %dma_wait3A_238] : memref<10000x128xf32, #tpu.memory_space<hbm>> -> memref<40x128xf32, #tpu.memory_space<hbm>>
        tpu.wait_dma2 semaphore(%run_scoped3A : memref<!tpu.dma_semaphore, #tpu.memory_space<semaphore_mem>>) src(%arg18 : memref<40x128xf32, #tpu.memory_space<vmem>>) dst(%dma_wait3A_239 : memref<40x128xf32, #tpu.memory_space<hbm>>)
        tpu.yield
      }) : () -> ()
    } else {
    }
    %add3A_114 = arith.constant 32 : i32
    %add3A_115 = arith.addi %arg1, %add3A_114 : i32
    %lt3A_116 = arith.constant 250 : i32
    %lt3A_117 = arith.cmpi slt, %add3A_115, %lt3A_116 : i32
    %convert_element_type3A_118 = arith.extui %lt3A_117 : i1 to i32
    %cond3A_119 = arith.constant 0 : i32
    %cond3A_120 = arith.cmpi ne, %convert_element_type3A_118, %cond3A_119 : i32
    scf.if %cond3A_120 {
      %mul3A_212 = arith.constant 40 : i32
      %mul3A_213 = arith.muli %add3A_115, %mul3A_212 : i32
      "tpu.region"() ({
        %run_scoped3A = tpu.sem_alloc : memref<!tpu.dma_semaphore, #tpu.memory_space<semaphore_mem>>
        %dma_start3A_216 = arith.constant 0 : i32
        %dma_start3A_217 = tpu.memref_slice %arg8[%mul3A_213, %dma_start3A_216] : memref<10000x128xf32, #tpu.memory_space<vmem_shared>> -> memref<40x128xf32, #tpu.memory_space<vmem_shared>>
        %dma_start3A_218 = arith.constant 0 : i32
        %dma_start3A_219 = tpu.memref_slice %arg8[%mul3A_213, %dma_start3A_218] : memref<10000x128xf32, #tpu.memory_space<vmem_shared>> -> memref<40x128xf32, #tpu.memory_space<vmem_shared>>
        tpu.enqueue_dma source(%dma_start3A_219 : memref<40x128xf32, #tpu.memory_space<vmem_shared>>) target(%arg18 : memref<40x128xf32, #tpu.memory_space<vmem>>) target_semaphore(%run_scoped3A : memref<!tpu.dma_semaphore, #tpu.memory_space<semaphore_mem>>)
        %dma_wait3A_220 = arith.constant 0 : i32
        %dma_wait3A_221 = tpu.memref_slice %arg8[%mul3A_213, %dma_wait3A_220] : memref<10000x128xf32, #tpu.memory_space<vmem_shared>> -> memref<40x128xf32, #tpu.memory_space<vmem_shared>>
        %dma_wait3A_222 = arith.constant 0 : i32
        %dma_wait3A_223 = tpu.memref_slice %arg8[%mul3A_213, %dma_wait3A_222] : memref<10000x128xf32, #tpu.memory_space<vmem_shared>> -> memref<40x128xf32, #tpu.memory_space<vmem_shared>>
        tpu.wait_dma2 semaphore(%run_scoped3A : memref<!tpu.dma_semaphore, #tpu.memory_space<semaphore_mem>>) src(%dma_wait3A_223 : memref<40x128xf32, #tpu.memory_space<vmem_shared>>) dst(%arg18 : memref<40x128xf32, #tpu.memory_space<vmem>>)
        tpu.yield
      }) : () -> ()
      %mul3A_214 = arith.constant 40 : i32
      %mul3A_215 = arith.muli %add3A_115, %mul3A_214 : i32
      "tpu.region"() ({
        %run_scoped3A = tpu.sem_alloc : memref<!tpu.dma_semaphore, #tpu.memory_space<semaphore_mem>>
        %dma_start3A_216 = arith.constant 0 : i32
        %dma_start3A_217 = arith.constant 0 : i32
        %dma_start3A_218 = tpu.memref_slice %arg6[%arg0, %dma_start3A_216, %dma_start3A_217] : memref<2x10000x128xf32, #tpu.memory_space<hbm>> -> memref<1x10000x128xf32, #tpu.memory_space<hbm>>
        %dma_start3A_219 = tpu.memref_squeeze %dma_start3A_218 : memref<1x10000x128xf32, #tpu.memory_space<hbm>> -> memref<10000x128xf32, #tpu.memory_space<hbm>>
        %dma_start3A_220 = arith.constant 0 : i32
        %dma_start3A_221 = tpu.memref_slice %dma_start3A_219[%mul3A_215, %dma_start3A_220] : memref<10000x128xf32, #tpu.memory_space<hbm>> -> memref<40x128xf32, #tpu.memory_space<hbm>>
        %dma_start3A_222 = arith.constant 0 : i32
        %dma_start3A_223 = arith.constant 0 : i32
        %dma_start3A_224 = tpu.memref_slice %arg6[%arg0, %dma_start3A_222, %dma_start3A_223] : memref<2x10000x128xf32, #tpu.memory_space<hbm>> -> memref<1x10000x128xf32, #tpu.memory_space<hbm>>
        %dma_start3A_225 = tpu.memref_squeeze %dma_start3A_224 : memref<1x10000x128xf32, #tpu.memory_space<hbm>> -> memref<10000x128xf32, #tpu.memory_space<hbm>>
        %dma_start3A_226 = arith.constant 0 : i32
        %dma_start3A_227 = tpu.memref_slice %dma_start3A_225[%mul3A_215, %dma_start3A_226] : memref<10000x128xf32, #tpu.memory_space<hbm>> -> memref<40x128xf32, #tpu.memory_space<hbm>>
        tpu.enqueue_dma source(%arg18 : memref<40x128xf32, #tpu.memory_space<vmem>>) target(%dma_start3A_227 : memref<40x128xf32, #tpu.memory_space<hbm>>) target_semaphore(%run_scoped3A : memref<!tpu.dma_semaphore, #tpu.memory_space<semaphore_mem>>)
        %dma_wait3A_228 = arith.constant 0 : i32
        %dma_wait3A_229 = arith.constant 0 : i32
        %dma_wait3A_230 = tpu.memref_slice %arg6[%arg0, %dma_wait3A_228, %dma_wait3A_229] : memref<2x10000x128xf32, #tpu.memory_space<hbm>> -> memref<1x10000x128xf32, #tpu.memory_space<hbm>>
        %dma_wait3A_231 = tpu.memref_squeeze %dma_wait3A_230 : memref<1x10000x128xf32, #tpu.memory_space<hbm>> -> memref<10000x128xf32, #tpu.memory_space<hbm>>
        %dma_wait3A_232 = arith.constant 0 : i32
        %dma_wait3A_233 = tpu.memref_slice %dma_wait3A_231[%mul3A_215, %dma_wait3A_232] : memref<10000x128xf32, #tpu.memory_space<hbm>> -> memref<40x128xf32, #tpu.memory_space<hbm>>
        %dma_wait3A_234 = arith.constant 0 : i32
        %dma_wait3A_235 = arith.constant 0 : i32
        %dma_wait3A_236 = tpu.memref_slice %arg6[%arg0, %dma_wait3A_234, %dma_wait3A_235] : memref<2x10000x128xf32, #tpu.memory_space<hbm>> -> memref<1x10000x128xf32, #tpu.memory_space<hbm>>
        %dma_wait3A_237 = tpu.memref_squeeze %dma_wait3A_236 : memref<1x10000x128xf32, #tpu.memory_space<hbm>> -> memref<10000x128xf32, #tpu.memory_space<hbm>>
        %dma_wait3A_238 = arith.constant 0 : i32
        %dma_wait3A_239 = tpu.memref_slice %dma_wait3A_237[%mul3A_215, %dma_wait3A_238] : memref<10000x128xf32, #tpu.memory_space<hbm>> -> memref<40x128xf32, #tpu.memory_space<hbm>>
        tpu.wait_dma2 semaphore(%run_scoped3A : memref<!tpu.dma_semaphore, #tpu.memory_space<semaphore_mem>>) src(%arg18 : memref<40x128xf32, #tpu.memory_space<vmem>>) dst(%dma_wait3A_239 : memref<40x128xf32, #tpu.memory_space<hbm>>)
        tpu.yield
      }) : () -> ()
    } else {
    }
    %add3A_121 = arith.constant 48 : i32
    %add3A_122 = arith.addi %arg1, %add3A_121 : i32
    %lt3A_123 = arith.constant 250 : i32
    %lt3A_124 = arith.cmpi slt, %add3A_122, %lt3A_123 : i32
    %convert_element_type3A_125 = arith.extui %lt3A_124 : i1 to i32
    %cond3A_126 = arith.constant 0 : i32
    %cond3A_127 = arith.cmpi ne, %convert_element_type3A_125, %cond3A_126 : i32
    scf.if %cond3A_127 {
      %mul3A_212 = arith.constant 40 : i32
      %mul3A_213 = arith.muli %add3A_122, %mul3A_212 : i32
      "tpu.region"() ({
        %run_scoped3A = tpu.sem_alloc : memref<!tpu.dma_semaphore, #tpu.memory_space<semaphore_mem>>
        %dma_start3A_216 = arith.constant 0 : i32
        %dma_start3A_217 = tpu.memref_slice %arg8[%mul3A_213, %dma_start3A_216] : memref<10000x128xf32, #tpu.memory_space<vmem_shared>> -> memref<40x128xf32, #tpu.memory_space<vmem_shared>>
        %dma_start3A_218 = arith.constant 0 : i32
        %dma_start3A_219 = tpu.memref_slice %arg8[%mul3A_213, %dma_start3A_218] : memref<10000x128xf32, #tpu.memory_space<vmem_shared>> -> memref<40x128xf32, #tpu.memory_space<vmem_shared>>
        tpu.enqueue_dma source(%dma_start3A_219 : memref<40x128xf32, #tpu.memory_space<vmem_shared>>) target(%arg18 : memref<40x128xf32, #tpu.memory_space<vmem>>) target_semaphore(%run_scoped3A : memref<!tpu.dma_semaphore, #tpu.memory_space<semaphore_mem>>)
        %dma_wait3A_220 = arith.constant 0 : i32
        %dma_wait3A_221 = tpu.memref_slice %arg8[%mul3A_213, %dma_wait3A_220] : memref<10000x128xf32, #tpu.memory_space<vmem_shared>> -> memref<40x128xf32, #tpu.memory_space<vmem_shared>>
        %dma_wait3A_222 = arith.constant 0 : i32
        %dma_wait3A_223 = tpu.memref_slice %arg8[%mul3A_213, %dma_wait3A_222] : memref<10000x128xf32, #tpu.memory_space<vmem_shared>> -> memref<40x128xf32, #tpu.memory_space<vmem_shared>>
        tpu.wait_dma2 semaphore(%run_scoped3A : memref<!tpu.dma_semaphore, #tpu.memory_space<semaphore_mem>>) src(%dma_wait3A_223 : memref<40x128xf32, #tpu.memory_space<vmem_shared>>) dst(%arg18 : memref<40x128xf32, #tpu.memory_space<vmem>>)
        tpu.yield
      }) : () -> ()
      %mul3A_214 = arith.constant 40 : i32
      %mul3A_215 = arith.muli %add3A_122, %mul3A_214 : i32
      "tpu.region"() ({
        %run_scoped3A = tpu.sem_alloc : memref<!tpu.dma_semaphore, #tpu.memory_space<semaphore_mem>>
        %dma_start3A_216 = arith.constant 0 : i32
        %dma_start3A_217 = arith.constant 0 : i32
        %dma_start3A_218 = tpu.memref_slice %arg6[%arg0, %dma_start3A_216, %dma_start3A_217] : memref<2x10000x128xf32, #tpu.memory_space<hbm>> -> memref<1x10000x128xf32, #tpu.memory_space<hbm>>
        %dma_start3A_219 = tpu.memref_squeeze %dma_start3A_218 : memref<1x10000x128xf32, #tpu.memory_space<hbm>> -> memref<10000x128xf32, #tpu.memory_space<hbm>>
        %dma_start3A_220 = arith.constant 0 : i32
        %dma_start3A_221 = tpu.memref_slice %dma_start3A_219[%mul3A_215, %dma_start3A_220] : memref<10000x128xf32, #tpu.memory_space<hbm>> -> memref<40x128xf32, #tpu.memory_space<hbm>>
        %dma_start3A_222 = arith.constant 0 : i32
        %dma_start3A_223 = arith.constant 0 : i32
        %dma_start3A_224 = tpu.memref_slice %arg6[%arg0, %dma_start3A_222, %dma_start3A_223] : memref<2x10000x128xf32, #tpu.memory_space<hbm>> -> memref<1x10000x128xf32, #tpu.memory_space<hbm>>
        %dma_start3A_225 = tpu.memref_squeeze %dma_start3A_224 : memref<1x10000x128xf32, #tpu.memory_space<hbm>> -> memref<10000x128xf32, #tpu.memory_space<hbm>>
        %dma_start3A_226 = arith.constant 0 : i32
        %dma_start3A_227 = tpu.memref_slice %dma_start3A_225[%mul3A_215, %dma_start3A_226] : memref<10000x128xf32, #tpu.memory_space<hbm>> -> memref<40x128xf32, #tpu.memory_space<hbm>>
        tpu.enqueue_dma source(%arg18 : memref<40x128xf32, #tpu.memory_space<vmem>>) target(%dma_start3A_227 : memref<40x128xf32, #tpu.memory_space<hbm>>) target_semaphore(%run_scoped3A : memref<!tpu.dma_semaphore, #tpu.memory_space<semaphore_mem>>)
        %dma_wait3A_228 = arith.constant 0 : i32
        %dma_wait3A_229 = arith.constant 0 : i32
        %dma_wait3A_230 = tpu.memref_slice %arg6[%arg0, %dma_wait3A_228, %dma_wait3A_229] : memref<2x10000x128xf32, #tpu.memory_space<hbm>> -> memref<1x10000x128xf32, #tpu.memory_space<hbm>>
        %dma_wait3A_231 = tpu.memref_squeeze %dma_wait3A_230 : memref<1x10000x128xf32, #tpu.memory_space<hbm>> -> memref<10000x128xf32, #tpu.memory_space<hbm>>
        %dma_wait3A_232 = arith.constant 0 : i32
        %dma_wait3A_233 = tpu.memref_slice %dma_wait3A_231[%mul3A_215, %dma_wait3A_232] : memref<10000x128xf32, #tpu.memory_space<hbm>> -> memref<40x128xf32, #tpu.memory_space<hbm>>
        %dma_wait3A_234 = arith.constant 0 : i32
        %dma_wait3A_235 = arith.constant 0 : i32
        %dma_wait3A_236 = tpu.memref_slice %arg6[%arg0, %dma_wait3A_234, %dma_wait3A_235] : memref<2x10000x128xf32, #tpu.memory_space<hbm>> -> memref<1x10000x128xf32, #tpu.memory_space<hbm>>
        %dma_wait3A_237 = tpu.memref_squeeze %dma_wait3A_236 : memref<1x10000x128xf32, #tpu.memory_space<hbm>> -> memref<10000x128xf32, #tpu.memory_space<hbm>>
        %dma_wait3A_238 = arith.constant 0 : i32
        %dma_wait3A_239 = tpu.memref_slice %dma_wait3A_237[%mul3A_215, %dma_wait3A_238] : memref<10000x128xf32, #tpu.memory_space<hbm>> -> memref<40x128xf32, #tpu.memory_space<hbm>>
        tpu.wait_dma2 semaphore(%run_scoped3A : memref<!tpu.dma_semaphore, #tpu.memory_space<semaphore_mem>>) src(%arg18 : memref<40x128xf32, #tpu.memory_space<vmem>>) dst(%dma_wait3A_239 : memref<40x128xf32, #tpu.memory_space<hbm>>)
        tpu.yield
      }) : () -> ()
    } else {
    }
    %add3A_128 = arith.constant 64 : i32
    %add3A_129 = arith.addi %arg1, %add3A_128 : i32
    %lt3A_130 = arith.constant 250 : i32
    %lt3A_131 = arith.cmpi slt, %add3A_129, %lt3A_130 : i32
    %convert_element_type3A_132 = arith.extui %lt3A_131 : i1 to i32
    %cond3A_133 = arith.constant 0 : i32
    %cond3A_134 = arith.cmpi ne, %convert_element_type3A_132, %cond3A_133 : i32
    scf.if %cond3A_134 {
      %mul3A_212 = arith.constant 40 : i32
      %mul3A_213 = arith.muli %add3A_129, %mul3A_212 : i32
      "tpu.region"() ({
        %run_scoped3A = tpu.sem_alloc : memref<!tpu.dma_semaphore, #tpu.memory_space<semaphore_mem>>
        %dma_start3A_216 = arith.constant 0 : i32
        %dma_start3A_217 = tpu.memref_slice %arg8[%mul3A_213, %dma_start3A_216] : memref<10000x128xf32, #tpu.memory_space<vmem_shared>> -> memref<40x128xf32, #tpu.memory_space<vmem_shared>>
        %dma_start3A_218 = arith.constant 0 : i32
        %dma_start3A_219 = tpu.memref_slice %arg8[%mul3A_213, %dma_start3A_218] : memref<10000x128xf32, #tpu.memory_space<vmem_shared>> -> memref<40x128xf32, #tpu.memory_space<vmem_shared>>
        tpu.enqueue_dma source(%dma_start3A_219 : memref<40x128xf32, #tpu.memory_space<vmem_shared>>) target(%arg18 : memref<40x128xf32, #tpu.memory_space<vmem>>) target_semaphore(%run_scoped3A : memref<!tpu.dma_semaphore, #tpu.memory_space<semaphore_mem>>)
        %dma_wait3A_220 = arith.constant 0 : i32
        %dma_wait3A_221 = tpu.memref_slice %arg8[%mul3A_213, %dma_wait3A_220] : memref<10000x128xf32, #tpu.memory_space<vmem_shared>> -> memref<40x128xf32, #tpu.memory_space<vmem_shared>>
        %dma_wait3A_222 = arith.constant 0 : i32
        %dma_wait3A_223 = tpu.memref_slice %arg8[%mul3A_213, %dma_wait3A_222] : memref<10000x128xf32, #tpu.memory_space<vmem_shared>> -> memref<40x128xf32, #tpu.memory_space<vmem_shared>>
        tpu.wait_dma2 semaphore(%run_scoped3A : memref<!tpu.dma_semaphore, #tpu.memory_space<semaphore_mem>>) src(%dma_wait3A_223 : memref<40x128xf32, #tpu.memory_space<vmem_shared>>) dst(%arg18 : memref<40x128xf32, #tpu.memory_space<vmem>>)
        tpu.yield
      }) : () -> ()
      %mul3A_214 = arith.constant 40 : i32
      %mul3A_215 = arith.muli %add3A_129, %mul3A_214 : i32
      "tpu.region"() ({
        %run_scoped3A = tpu.sem_alloc : memref<!tpu.dma_semaphore, #tpu.memory_space<semaphore_mem>>
        %dma_start3A_216 = arith.constant 0 : i32
        %dma_start3A_217 = arith.constant 0 : i32
        %dma_start3A_218 = tpu.memref_slice %arg6[%arg0, %dma_start3A_216, %dma_start3A_217] : memref<2x10000x128xf32, #tpu.memory_space<hbm>> -> memref<1x10000x128xf32, #tpu.memory_space<hbm>>
        %dma_start3A_219 = tpu.memref_squeeze %dma_start3A_218 : memref<1x10000x128xf32, #tpu.memory_space<hbm>> -> memref<10000x128xf32, #tpu.memory_space<hbm>>
        %dma_start3A_220 = arith.constant 0 : i32
        %dma_start3A_221 = tpu.memref_slice %dma_start3A_219[%mul3A_215, %dma_start3A_220] : memref<10000x128xf32, #tpu.memory_space<hbm>> -> memref<40x128xf32, #tpu.memory_space<hbm>>
        %dma_start3A_222 = arith.constant 0 : i32
        %dma_start3A_223 = arith.constant 0 : i32
        %dma_start3A_224 = tpu.memref_slice %arg6[%arg0, %dma_start3A_222, %dma_start3A_223] : memref<2x10000x128xf32, #tpu.memory_space<hbm>> -> memref<1x10000x128xf32, #tpu.memory_space<hbm>>
        %dma_start3A_225 = tpu.memref_squeeze %dma_start3A_224 : memref<1x10000x128xf32, #tpu.memory_space<hbm>> -> memref<10000x128xf32, #tpu.memory_space<hbm>>
        %dma_start3A_226 = arith.constant 0 : i32
        %dma_start3A_227 = tpu.memref_slice %dma_start3A_225[%mul3A_215, %dma_start3A_226] : memref<10000x128xf32, #tpu.memory_space<hbm>> -> memref<40x128xf32, #tpu.memory_space<hbm>>
        tpu.enqueue_dma source(%arg18 : memref<40x128xf32, #tpu.memory_space<vmem>>) target(%dma_start3A_227 : memref<40x128xf32, #tpu.memory_space<hbm>>) target_semaphore(%run_scoped3A : memref<!tpu.dma_semaphore, #tpu.memory_space<semaphore_mem>>)
        %dma_wait3A_228 = arith.constant 0 : i32
        %dma_wait3A_229 = arith.constant 0 : i32
        %dma_wait3A_230 = tpu.memref_slice %arg6[%arg0, %dma_wait3A_228, %dma_wait3A_229] : memref<2x10000x128xf32, #tpu.memory_space<hbm>> -> memref<1x10000x128xf32, #tpu.memory_space<hbm>>
        %dma_wait3A_231 = tpu.memref_squeeze %dma_wait3A_230 : memref<1x10000x128xf32, #tpu.memory_space<hbm>> -> memref<10000x128xf32, #tpu.memory_space<hbm>>
        %dma_wait3A_232 = arith.constant 0 : i32
        %dma_wait3A_233 = tpu.memref_slice %dma_wait3A_231[%mul3A_215, %dma_wait3A_232] : memref<10000x128xf32, #tpu.memory_space<hbm>> -> memref<40x128xf32, #tpu.memory_space<hbm>>
        %dma_wait3A_234 = arith.constant 0 : i32
        %dma_wait3A_235 = arith.constant 0 : i32
        %dma_wait3A_236 = tpu.memref_slice %arg6[%arg0, %dma_wait3A_234, %dma_wait3A_235] : memref<2x10000x128xf32, #tpu.memory_space<hbm>> -> memref<1x10000x128xf32, #tpu.memory_space<hbm>>
        %dma_wait3A_237 = tpu.memref_squeeze %dma_wait3A_236 : memref<1x10000x128xf32, #tpu.memory_space<hbm>> -> memref<10000x128xf32, #tpu.memory_space<hbm>>
        %dma_wait3A_238 = arith.constant 0 : i32
        %dma_wait3A_239 = tpu.memref_slice %dma_wait3A_237[%mul3A_215, %dma_wait3A_238] : memref<10000x128xf32, #tpu.memory_space<hbm>> -> memref<40x128xf32, #tpu.memory_space<hbm>>
        tpu.wait_dma2 semaphore(%run_scoped3A : memref<!tpu.dma_semaphore, #tpu.memory_space<semaphore_mem>>) src(%arg18 : memref<40x128xf32, #tpu.memory_space<vmem>>) dst(%dma_wait3A_239 : memref<40x128xf32, #tpu.memory_space<hbm>>)
        tpu.yield
      }) : () -> ()
    } else {
    }
    %add3A_135 = arith.constant 80 : i32
    %add3A_136 = arith.addi %arg1, %add3A_135 : i32
    %lt3A_137 = arith.constant 250 : i32
    %lt3A_138 = arith.cmpi slt, %add3A_136, %lt3A_137 : i32
    %convert_element_type3A_139 = arith.extui %lt3A_138 : i1 to i32
    %cond3A_140 = arith.constant 0 : i32
    %cond3A_141 = arith.cmpi ne, %convert_element_type3A_139, %cond3A_140 : i32
    scf.if %cond3A_141 {
      %mul3A_212 = arith.constant 40 : i32
      %mul3A_213 = arith.muli %add3A_136, %mul3A_212 : i32
      "tpu.region"() ({
        %run_scoped3A = tpu.sem_alloc : memref<!tpu.dma_semaphore, #tpu.memory_space<semaphore_mem>>
        %dma_start3A_216 = arith.constant 0 : i32
        %dma_start3A_217 = tpu.memref_slice %arg8[%mul3A_213, %dma_start3A_216] : memref<10000x128xf32, #tpu.memory_space<vmem_shared>> -> memref<40x128xf32, #tpu.memory_space<vmem_shared>>
        %dma_start3A_218 = arith.constant 0 : i32
        %dma_start3A_219 = tpu.memref_slice %arg8[%mul3A_213, %dma_start3A_218] : memref<10000x128xf32, #tpu.memory_space<vmem_shared>> -> memref<40x128xf32, #tpu.memory_space<vmem_shared>>
        tpu.enqueue_dma source(%dma_start3A_219 : memref<40x128xf32, #tpu.memory_space<vmem_shared>>) target(%arg18 : memref<40x128xf32, #tpu.memory_space<vmem>>) target_semaphore(%run_scoped3A : memref<!tpu.dma_semaphore, #tpu.memory_space<semaphore_mem>>)
        %dma_wait3A_220 = arith.constant 0 : i32
        %dma_wait3A_221 = tpu.memref_slice %arg8[%mul3A_213, %dma_wait3A_220] : memref<10000x128xf32, #tpu.memory_space<vmem_shared>> -> memref<40x128xf32, #tpu.memory_space<vmem_shared>>
        %dma_wait3A_222 = arith.constant 0 : i32
        %dma_wait3A_223 = tpu.memref_slice %arg8[%mul3A_213, %dma_wait3A_222] : memref<10000x128xf32, #tpu.memory_space<vmem_shared>> -> memref<40x128xf32, #tpu.memory_space<vmem_shared>>
        tpu.wait_dma2 semaphore(%run_scoped3A : memref<!tpu.dma_semaphore, #tpu.memory_space<semaphore_mem>>) src(%dma_wait3A_223 : memref<40x128xf32, #tpu.memory_space<vmem_shared>>) dst(%arg18 : memref<40x128xf32, #tpu.memory_space<vmem>>)
        tpu.yield
      }) : () -> ()
      %mul3A_214 = arith.constant 40 : i32
      %mul3A_215 = arith.muli %add3A_136, %mul3A_214 : i32
      "tpu.region"() ({
        %run_scoped3A = tpu.sem_alloc : memref<!tpu.dma_semaphore, #tpu.memory_space<semaphore_mem>>
        %dma_start3A_216 = arith.constant 0 : i32
        %dma_start3A_217 = arith.constant 0 : i32
        %dma_start3A_218 = tpu.memref_slice %arg6[%arg0, %dma_start3A_216, %dma_start3A_217] : memref<2x10000x128xf32, #tpu.memory_space<hbm>> -> memref<1x10000x128xf32, #tpu.memory_space<hbm>>
        %dma_start3A_219 = tpu.memref_squeeze %dma_start3A_218 : memref<1x10000x128xf32, #tpu.memory_space<hbm>> -> memref<10000x128xf32, #tpu.memory_space<hbm>>
        %dma_start3A_220 = arith.constant 0 : i32
        %dma_start3A_221 = tpu.memref_slice %dma_start3A_219[%mul3A_215, %dma_start3A_220] : memref<10000x128xf32, #tpu.memory_space<hbm>> -> memref<40x128xf32, #tpu.memory_space<hbm>>
        %dma_start3A_222 = arith.constant 0 : i32
        %dma_start3A_223 = arith.constant 0 : i32
        %dma_start3A_224 = tpu.memref_slice %arg6[%arg0, %dma_start3A_222, %dma_start3A_223] : memref<2x10000x128xf32, #tpu.memory_space<hbm>> -> memref<1x10000x128xf32, #tpu.memory_space<hbm>>
        %dma_start3A_225 = tpu.memref_squeeze %dma_start3A_224 : memref<1x10000x128xf32, #tpu.memory_space<hbm>> -> memref<10000x128xf32, #tpu.memory_space<hbm>>
        %dma_start3A_226 = arith.constant 0 : i32
        %dma_start3A_227 = tpu.memref_slice %dma_start3A_225[%mul3A_215, %dma_start3A_226] : memref<10000x128xf32, #tpu.memory_space<hbm>> -> memref<40x128xf32, #tpu.memory_space<hbm>>
        tpu.enqueue_dma source(%arg18 : memref<40x128xf32, #tpu.memory_space<vmem>>) target(%dma_start3A_227 : memref<40x128xf32, #tpu.memory_space<hbm>>) target_semaphore(%run_scoped3A : memref<!tpu.dma_semaphore, #tpu.memory_space<semaphore_mem>>)
        %dma_wait3A_228 = arith.constant 0 : i32
        %dma_wait3A_229 = arith.constant 0 : i32
        %dma_wait3A_230 = tpu.memref_slice %arg6[%arg0, %dma_wait3A_228, %dma_wait3A_229] : memref<2x10000x128xf32, #tpu.memory_space<hbm>> -> memref<1x10000x128xf32, #tpu.memory_space<hbm>>
        %dma_wait3A_231 = tpu.memref_squeeze %dma_wait3A_230 : memref<1x10000x128xf32, #tpu.memory_space<hbm>> -> memref<10000x128xf32, #tpu.memory_space<hbm>>
        %dma_wait3A_232 = arith.constant 0 : i32
        %dma_wait3A_233 = tpu.memref_slice %dma_wait3A_231[%mul3A_215, %dma_wait3A_232] : memref<10000x128xf32, #tpu.memory_space<hbm>> -> memref<40x128xf32, #tpu.memory_space<hbm>>
        %dma_wait3A_234 = arith.constant 0 : i32
        %dma_wait3A_235 = arith.constant 0 : i32
        %dma_wait3A_236 = tpu.memref_slice %arg6[%arg0, %dma_wait3A_234, %dma_wait3A_235] : memref<2x10000x128xf32, #tpu.memory_space<hbm>> -> memref<1x10000x128xf32, #tpu.memory_space<hbm>>
        %dma_wait3A_237 = tpu.memref_squeeze %dma_wait3A_236 : memref<1x10000x128xf32, #tpu.memory_space<hbm>> -> memref<10000x128xf32, #tpu.memory_space<hbm>>
        %dma_wait3A_238 = arith.constant 0 : i32
        %dma_wait3A_239 = tpu.memref_slice %dma_wait3A_237[%mul3A_215, %dma_wait3A_238] : memref<10000x128xf32, #tpu.memory_space<hbm>> -> memref<40x128xf32, #tpu.memory_space<hbm>>
        tpu.wait_dma2 semaphore(%run_scoped3A : memref<!tpu.dma_semaphore, #tpu.memory_space<semaphore_mem>>) src(%arg18 : memref<40x128xf32, #tpu.memory_space<vmem>>) dst(%dma_wait3A_239 : memref<40x128xf32, #tpu.memory_space<hbm>>)
        tpu.yield
      }) : () -> ()
    } else {
    }
    %add3A_142 = arith.constant 96 : i32
    %add3A_143 = arith.addi %arg1, %add3A_142 : i32
    %lt3A_144 = arith.constant 250 : i32
    %lt3A_145 = arith.cmpi slt, %add3A_143, %lt3A_144 : i32
    %convert_element_type3A_146 = arith.extui %lt3A_145 : i1 to i32
    %cond3A_147 = arith.constant 0 : i32
    %cond3A_148 = arith.cmpi ne, %convert_element_type3A_146, %cond3A_147 : i32
    scf.if %cond3A_148 {
      %mul3A_212 = arith.constant 40 : i32
      %mul3A_213 = arith.muli %add3A_143, %mul3A_212 : i32
      "tpu.region"() ({
        %run_scoped3A = tpu.sem_alloc : memref<!tpu.dma_semaphore, #tpu.memory_space<semaphore_mem>>
        %dma_start3A_216 = arith.constant 0 : i32
        %dma_start3A_217 = tpu.memref_slice %arg8[%mul3A_213, %dma_start3A_216] : memref<10000x128xf32, #tpu.memory_space<vmem_shared>> -> memref<40x128xf32, #tpu.memory_space<vmem_shared>>
        %dma_start3A_218 = arith.constant 0 : i32
        %dma_start3A_219 = tpu.memref_slice %arg8[%mul3A_213, %dma_start3A_218] : memref<10000x128xf32, #tpu.memory_space<vmem_shared>> -> memref<40x128xf32, #tpu.memory_space<vmem_shared>>
        tpu.enqueue_dma source(%dma_start3A_219 : memref<40x128xf32, #tpu.memory_space<vmem_shared>>) target(%arg18 : memref<40x128xf32, #tpu.memory_space<vmem>>) target_semaphore(%run_scoped3A : memref<!tpu.dma_semaphore, #tpu.memory_space<semaphore_mem>>)
        %dma_wait3A_220 = arith.constant 0 : i32
        %dma_wait3A_221 = tpu.memref_slice %arg8[%mul3A_213, %dma_wait3A_220] : memref<10000x128xf32, #tpu.memory_space<vmem_shared>> -> memref<40x128xf32, #tpu.memory_space<vmem_shared>>
        %dma_wait3A_222 = arith.constant 0 : i32
        %dma_wait3A_223 = tpu.memref_slice %arg8[%mul3A_213, %dma_wait3A_222] : memref<10000x128xf32, #tpu.memory_space<vmem_shared>> -> memref<40x128xf32, #tpu.memory_space<vmem_shared>>
        tpu.wait_dma2 semaphore(%run_scoped3A : memref<!tpu.dma_semaphore, #tpu.memory_space<semaphore_mem>>) src(%dma_wait3A_223 : memref<40x128xf32, #tpu.memory_space<vmem_shared>>) dst(%arg18 : memref<40x128xf32, #tpu.memory_space<vmem>>)
        tpu.yield
      }) : () -> ()
      %mul3A_214 = arith.constant 40 : i32
      %mul3A_215 = arith.muli %add3A_143, %mul3A_214 : i32
      "tpu.region"() ({
        %run_scoped3A = tpu.sem_alloc : memref<!tpu.dma_semaphore, #tpu.memory_space<semaphore_mem>>
        %dma_start3A_216 = arith.constant 0 : i32
        %dma_start3A_217 = arith.constant 0 : i32
        %dma_start3A_218 = tpu.memref_slice %arg6[%arg0, %dma_start3A_216, %dma_start3A_217] : memref<2x10000x128xf32, #tpu.memory_space<hbm>> -> memref<1x10000x128xf32, #tpu.memory_space<hbm>>
        %dma_start3A_219 = tpu.memref_squeeze %dma_start3A_218 : memref<1x10000x128xf32, #tpu.memory_space<hbm>> -> memref<10000x128xf32, #tpu.memory_space<hbm>>
        %dma_start3A_220 = arith.constant 0 : i32
        %dma_start3A_221 = tpu.memref_slice %dma_start3A_219[%mul3A_215, %dma_start3A_220] : memref<10000x128xf32, #tpu.memory_space<hbm>> -> memref<40x128xf32, #tpu.memory_space<hbm>>
        %dma_start3A_222 = arith.constant 0 : i32
        %dma_start3A_223 = arith.constant 0 : i32
        %dma_start3A_224 = tpu.memref_slice %arg6[%arg0, %dma_start3A_222, %dma_start3A_223] : memref<2x10000x128xf32, #tpu.memory_space<hbm>> -> memref<1x10000x128xf32, #tpu.memory_space<hbm>>
        %dma_start3A_225 = tpu.memref_squeeze %dma_start3A_224 : memref<1x10000x128xf32, #tpu.memory_space<hbm>> -> memref<10000x128xf32, #tpu.memory_space<hbm>>
        %dma_start3A_226 = arith.constant 0 : i32
        %dma_start3A_227 = tpu.memref_slice %dma_start3A_225[%mul3A_215, %dma_start3A_226] : memref<10000x128xf32, #tpu.memory_space<hbm>> -> memref<40x128xf32, #tpu.memory_space<hbm>>
        tpu.enqueue_dma source(%arg18 : memref<40x128xf32, #tpu.memory_space<vmem>>) target(%dma_start3A_227 : memref<40x128xf32, #tpu.memory_space<hbm>>) target_semaphore(%run_scoped3A : memref<!tpu.dma_semaphore, #tpu.memory_space<semaphore_mem>>)
        %dma_wait3A_228 = arith.constant 0 : i32
        %dma_wait3A_229 = arith.constant 0 : i32
        %dma_wait3A_230 = tpu.memref_slice %arg6[%arg0, %dma_wait3A_228, %dma_wait3A_229] : memref<2x10000x128xf32, #tpu.memory_space<hbm>> -> memref<1x10000x128xf32, #tpu.memory_space<hbm>>
        %dma_wait3A_231 = tpu.memref_squeeze %dma_wait3A_230 : memref<1x10000x128xf32, #tpu.memory_space<hbm>> -> memref<10000x128xf32, #tpu.memory_space<hbm>>
        %dma_wait3A_232 = arith.constant 0 : i32
        %dma_wait3A_233 = tpu.memref_slice %dma_wait3A_231[%mul3A_215, %dma_wait3A_232] : memref<10000x128xf32, #tpu.memory_space<hbm>> -> memref<40x128xf32, #tpu.memory_space<hbm>>
        %dma_wait3A_234 = arith.constant 0 : i32
        %dma_wait3A_235 = arith.constant 0 : i32
        %dma_wait3A_236 = tpu.memref_slice %arg6[%arg0, %dma_wait3A_234, %dma_wait3A_235] : memref<2x10000x128xf32, #tpu.memory_space<hbm>> -> memref<1x10000x128xf32, #tpu.memory_space<hbm>>
        %dma_wait3A_237 = tpu.memref_squeeze %dma_wait3A_236 : memref<1x10000x128xf32, #tpu.memory_space<hbm>> -> memref<10000x128xf32, #tpu.memory_space<hbm>>
        %dma_wait3A_238 = arith.constant 0 : i32
        %dma_wait3A_239 = tpu.memref_slice %dma_wait3A_237[%mul3A_215, %dma_wait3A_238] : memref<10000x128xf32, #tpu.memory_space<hbm>> -> memref<40x128xf32, #tpu.memory_space<hbm>>
        tpu.wait_dma2 semaphore(%run_scoped3A : memref<!tpu.dma_semaphore, #tpu.memory_space<semaphore_mem>>) src(%arg18 : memref<40x128xf32, #tpu.memory_space<vmem>>) dst(%dma_wait3A_239 : memref<40x128xf32, #tpu.memory_space<hbm>>)
        tpu.yield
      }) : () -> ()
    } else {
    }
    %add3A_149 = arith.constant 112 : i32
    %add3A_150 = arith.addi %arg1, %add3A_149 : i32
    %lt3A_151 = arith.constant 250 : i32
    %lt3A_152 = arith.cmpi slt, %add3A_150, %lt3A_151 : i32
    %convert_element_type3A_153 = arith.extui %lt3A_152 : i1 to i32
    %cond3A_154 = arith.constant 0 : i32
    %cond3A_155 = arith.cmpi ne, %convert_element_type3A_153, %cond3A_154 : i32
    scf.if %cond3A_155 {
      %mul3A_212 = arith.constant 40 : i32
      %mul3A_213 = arith.muli %add3A_150, %mul3A_212 : i32
      "tpu.region"() ({
        %run_scoped3A = tpu.sem_alloc : memref<!tpu.dma_semaphore, #tpu.memory_space<semaphore_mem>>
        %dma_start3A_216 = arith.constant 0 : i32
        %dma_start3A_217 = tpu.memref_slice %arg8[%mul3A_213, %dma_start3A_216] : memref<10000x128xf32, #tpu.memory_space<vmem_shared>> -> memref<40x128xf32, #tpu.memory_space<vmem_shared>>
        %dma_start3A_218 = arith.constant 0 : i32
        %dma_start3A_219 = tpu.memref_slice %arg8[%mul3A_213, %dma_start3A_218] : memref<10000x128xf32, #tpu.memory_space<vmem_shared>> -> memref<40x128xf32, #tpu.memory_space<vmem_shared>>
        tpu.enqueue_dma source(%dma_start3A_219 : memref<40x128xf32, #tpu.memory_space<vmem_shared>>) target(%arg18 : memref<40x128xf32, #tpu.memory_space<vmem>>) target_semaphore(%run_scoped3A : memref<!tpu.dma_semaphore, #tpu.memory_space<semaphore_mem>>)
        %dma_wait3A_220 = arith.constant 0 : i32
        %dma_wait3A_221 = tpu.memref_slice %arg8[%mul3A_213, %dma_wait3A_220] : memref<10000x128xf32, #tpu.memory_space<vmem_shared>> -> memref<40x128xf32, #tpu.memory_space<vmem_shared>>
        %dma_wait3A_222 = arith.constant 0 : i32
        %dma_wait3A_223 = tpu.memref_slice %arg8[%mul3A_213, %dma_wait3A_222] : memref<10000x128xf32, #tpu.memory_space<vmem_shared>> -> memref<40x128xf32, #tpu.memory_space<vmem_shared>>
        tpu.wait_dma2 semaphore(%run_scoped3A : memref<!tpu.dma_semaphore, #tpu.memory_space<semaphore_mem>>) src(%dma_wait3A_223 : memref<40x128xf32, #tpu.memory_space<vmem_shared>>) dst(%arg18 : memref<40x128xf32, #tpu.memory_space<vmem>>)
        tpu.yield
      }) : () -> ()
      %mul3A_214 = arith.constant 40 : i32
      %mul3A_215 = arith.muli %add3A_150, %mul3A_214 : i32
      "tpu.region"() ({
        %run_scoped3A = tpu.sem_alloc : memref<!tpu.dma_semaphore, #tpu.memory_space<semaphore_mem>>
        %dma_start3A_216 = arith.constant 0 : i32
        %dma_start3A_217 = arith.constant 0 : i32
        %dma_start3A_218 = tpu.memref_slice %arg6[%arg0, %dma_start3A_216, %dma_start3A_217] : memref<2x10000x128xf32, #tpu.memory_space<hbm>> -> memref<1x10000x128xf32, #tpu.memory_space<hbm>>
        %dma_start3A_219 = tpu.memref_squeeze %dma_start3A_218 : memref<1x10000x128xf32, #tpu.memory_space<hbm>> -> memref<10000x128xf32, #tpu.memory_space<hbm>>
        %dma_start3A_220 = arith.constant 0 : i32
        %dma_start3A_221 = tpu.memref_slice %dma_start3A_219[%mul3A_215, %dma_start3A_220] : memref<10000x128xf32, #tpu.memory_space<hbm>> -> memref<40x128xf32, #tpu.memory_space<hbm>>
        %dma_start3A_222 = arith.constant 0 : i32
        %dma_start3A_223 = arith.constant 0 : i32
        %dma_start3A_224 = tpu.memref_slice %arg6[%arg0, %dma_start3A_222, %dma_start3A_223] : memref<2x10000x128xf32, #tpu.memory_space<hbm>> -> memref<1x10000x128xf32, #tpu.memory_space<hbm>>
        %dma_start3A_225 = tpu.memref_squeeze %dma_start3A_224 : memref<1x10000x128xf32, #tpu.memory_space<hbm>> -> memref<10000x128xf32, #tpu.memory_space<hbm>>
        %dma_start3A_226 = arith.constant 0 : i32
        %dma_start3A_227 = tpu.memref_slice %dma_start3A_225[%mul3A_215, %dma_start3A_226] : memref<10000x128xf32, #tpu.memory_space<hbm>> -> memref<40x128xf32, #tpu.memory_space<hbm>>
        tpu.enqueue_dma source(%arg18 : memref<40x128xf32, #tpu.memory_space<vmem>>) target(%dma_start3A_227 : memref<40x128xf32, #tpu.memory_space<hbm>>) target_semaphore(%run_scoped3A : memref<!tpu.dma_semaphore, #tpu.memory_space<semaphore_mem>>)
        %dma_wait3A_228 = arith.constant 0 : i32
        %dma_wait3A_229 = arith.constant 0 : i32
        %dma_wait3A_230 = tpu.memref_slice %arg6[%arg0, %dma_wait3A_228, %dma_wait3A_229] : memref<2x10000x128xf32, #tpu.memory_space<hbm>> -> memref<1x10000x128xf32, #tpu.memory_space<hbm>>
        %dma_wait3A_231 = tpu.memref_squeeze %dma_wait3A_230 : memref<1x10000x128xf32, #tpu.memory_space<hbm>> -> memref<10000x128xf32, #tpu.memory_space<hbm>>
        %dma_wait3A_232 = arith.constant 0 : i32
        %dma_wait3A_233 = tpu.memref_slice %dma_wait3A_231[%mul3A_215, %dma_wait3A_232] : memref<10000x128xf32, #tpu.memory_space<hbm>> -> memref<40x128xf32, #tpu.memory_space<hbm>>
        %dma_wait3A_234 = arith.constant 0 : i32
        %dma_wait3A_235 = arith.constant 0 : i32
        %dma_wait3A_236 = tpu.memref_slice %arg6[%arg0, %dma_wait3A_234, %dma_wait3A_235] : memref<2x10000x128xf32, #tpu.memory_space<hbm>> -> memref<1x10000x128xf32, #tpu.memory_space<hbm>>
        %dma_wait3A_237 = tpu.memref_squeeze %dma_wait3A_236 : memref<1x10000x128xf32, #tpu.memory_space<hbm>> -> memref<10000x128xf32, #tpu.memory_space<hbm>>
        %dma_wait3A_238 = arith.constant 0 : i32
        %dma_wait3A_239 = tpu.memref_slice %dma_wait3A_237[%mul3A_215, %dma_wait3A_238] : memref<10000x128xf32, #tpu.memory_space<hbm>> -> memref<40x128xf32, #tpu.memory_space<hbm>>
        tpu.wait_dma2 semaphore(%run_scoped3A : memref<!tpu.dma_semaphore, #tpu.memory_space<semaphore_mem>>) src(%arg18 : memref<40x128xf32, #tpu.memory_space<vmem>>) dst(%dma_wait3A_239 : memref<40x128xf32, #tpu.memory_space<hbm>>)
        tpu.yield
      }) : () -> ()
    } else {
    }
    %add3A_156 = arith.constant 128 : i32
    %add3A_157 = arith.addi %arg1, %add3A_156 : i32
    %lt3A_158 = arith.constant 250 : i32
    %lt3A_159 = arith.cmpi slt, %add3A_157, %lt3A_158 : i32
    %convert_element_type3A_160 = arith.extui %lt3A_159 : i1 to i32
    %cond3A_161 = arith.constant 0 : i32
    %cond3A_162 = arith.cmpi ne, %convert_element_type3A_160, %cond3A_161 : i32
    scf.if %cond3A_162 {
      %mul3A_212 = arith.constant 40 : i32
      %mul3A_213 = arith.muli %add3A_157, %mul3A_212 : i32
      "tpu.region"() ({
        %run_scoped3A = tpu.sem_alloc : memref<!tpu.dma_semaphore, #tpu.memory_space<semaphore_mem>>
        %dma_start3A_216 = arith.constant 0 : i32
        %dma_start3A_217 = tpu.memref_slice %arg8[%mul3A_213, %dma_start3A_216] : memref<10000x128xf32, #tpu.memory_space<vmem_shared>> -> memref<40x128xf32, #tpu.memory_space<vmem_shared>>
        %dma_start3A_218 = arith.constant 0 : i32
        %dma_start3A_219 = tpu.memref_slice %arg8[%mul3A_213, %dma_start3A_218] : memref<10000x128xf32, #tpu.memory_space<vmem_shared>> -> memref<40x128xf32, #tpu.memory_space<vmem_shared>>
        tpu.enqueue_dma source(%dma_start3A_219 : memref<40x128xf32, #tpu.memory_space<vmem_shared>>) target(%arg18 : memref<40x128xf32, #tpu.memory_space<vmem>>) target_semaphore(%run_scoped3A : memref<!tpu.dma_semaphore, #tpu.memory_space<semaphore_mem>>)
        %dma_wait3A_220 = arith.constant 0 : i32
        %dma_wait3A_221 = tpu.memref_slice %arg8[%mul3A_213, %dma_wait3A_220] : memref<10000x128xf32, #tpu.memory_space<vmem_shared>> -> memref<40x128xf32, #tpu.memory_space<vmem_shared>>
        %dma_wait3A_222 = arith.constant 0 : i32
        %dma_wait3A_223 = tpu.memref_slice %arg8[%mul3A_213, %dma_wait3A_222] : memref<10000x128xf32, #tpu.memory_space<vmem_shared>> -> memref<40x128xf32, #tpu.memory_space<vmem_shared>>
        tpu.wait_dma2 semaphore(%run_scoped3A : memref<!tpu.dma_semaphore, #tpu.memory_space<semaphore_mem>>) src(%dma_wait3A_223 : memref<40x128xf32, #tpu.memory_space<vmem_shared>>) dst(%arg18 : memref<40x128xf32, #tpu.memory_space<vmem>>)
        tpu.yield
      }) : () -> ()
      %mul3A_214 = arith.constant 40 : i32
      %mul3A_215 = arith.muli %add3A_157, %mul3A_214 : i32
      "tpu.region"() ({
        %run_scoped3A = tpu.sem_alloc : memref<!tpu.dma_semaphore, #tpu.memory_space<semaphore_mem>>
        %dma_start3A_216 = arith.constant 0 : i32
        %dma_start3A_217 = arith.constant 0 : i32
        %dma_start3A_218 = tpu.memref_slice %arg6[%arg0, %dma_start3A_216, %dma_start3A_217] : memref<2x10000x128xf32, #tpu.memory_space<hbm>> -> memref<1x10000x128xf32, #tpu.memory_space<hbm>>
        %dma_start3A_219 = tpu.memref_squeeze %dma_start3A_218 : memref<1x10000x128xf32, #tpu.memory_space<hbm>> -> memref<10000x128xf32, #tpu.memory_space<hbm>>
        %dma_start3A_220 = arith.constant 0 : i32
        %dma_start3A_221 = tpu.memref_slice %dma_start3A_219[%mul3A_215, %dma_start3A_220] : memref<10000x128xf32, #tpu.memory_space<hbm>> -> memref<40x128xf32, #tpu.memory_space<hbm>>
        %dma_start3A_222 = arith.constant 0 : i32
        %dma_start3A_223 = arith.constant 0 : i32
        %dma_start3A_224 = tpu.memref_slice %arg6[%arg0, %dma_start3A_222, %dma_start3A_223] : memref<2x10000x128xf32, #tpu.memory_space<hbm>> -> memref<1x10000x128xf32, #tpu.memory_space<hbm>>
        %dma_start3A_225 = tpu.memref_squeeze %dma_start3A_224 : memref<1x10000x128xf32, #tpu.memory_space<hbm>> -> memref<10000x128xf32, #tpu.memory_space<hbm>>
        %dma_start3A_226 = arith.constant 0 : i32
        %dma_start3A_227 = tpu.memref_slice %dma_start3A_225[%mul3A_215, %dma_start3A_226] : memref<10000x128xf32, #tpu.memory_space<hbm>> -> memref<40x128xf32, #tpu.memory_space<hbm>>
        tpu.enqueue_dma source(%arg18 : memref<40x128xf32, #tpu.memory_space<vmem>>) target(%dma_start3A_227 : memref<40x128xf32, #tpu.memory_space<hbm>>) target_semaphore(%run_scoped3A : memref<!tpu.dma_semaphore, #tpu.memory_space<semaphore_mem>>)
        %dma_wait3A_228 = arith.constant 0 : i32
        %dma_wait3A_229 = arith.constant 0 : i32
        %dma_wait3A_230 = tpu.memref_slice %arg6[%arg0, %dma_wait3A_228, %dma_wait3A_229] : memref<2x10000x128xf32, #tpu.memory_space<hbm>> -> memref<1x10000x128xf32, #tpu.memory_space<hbm>>
        %dma_wait3A_231 = tpu.memref_squeeze %dma_wait3A_230 : memref<1x10000x128xf32, #tpu.memory_space<hbm>> -> memref<10000x128xf32, #tpu.memory_space<hbm>>
        %dma_wait3A_232 = arith.constant 0 : i32
        %dma_wait3A_233 = tpu.memref_slice %dma_wait3A_231[%mul3A_215, %dma_wait3A_232] : memref<10000x128xf32, #tpu.memory_space<hbm>> -> memref<40x128xf32, #tpu.memory_space<hbm>>
        %dma_wait3A_234 = arith.constant 0 : i32
        %dma_wait3A_235 = arith.constant 0 : i32
        %dma_wait3A_236 = tpu.memref_slice %arg6[%arg0, %dma_wait3A_234, %dma_wait3A_235] : memref<2x10000x128xf32, #tpu.memory_space<hbm>> -> memref<1x10000x128xf32, #tpu.memory_space<hbm>>
        %dma_wait3A_237 = tpu.memref_squeeze %dma_wait3A_236 : memref<1x10000x128xf32, #tpu.memory_space<hbm>> -> memref<10000x128xf32, #tpu.memory_space<hbm>>
        %dma_wait3A_238 = arith.constant 0 : i32
        %dma_wait3A_239 = tpu.memref_slice %dma_wait3A_237[%mul3A_215, %dma_wait3A_238] : memref<10000x128xf32, #tpu.memory_space<hbm>> -> memref<40x128xf32, #tpu.memory_space<hbm>>
        tpu.wait_dma2 semaphore(%run_scoped3A : memref<!tpu.dma_semaphore, #tpu.memory_space<semaphore_mem>>) src(%arg18 : memref<40x128xf32, #tpu.memory_space<vmem>>) dst(%dma_wait3A_239 : memref<40x128xf32, #tpu.memory_space<hbm>>)
        tpu.yield
      }) : () -> ()
    } else {
    }
    %add3A_163 = arith.constant 144 : i32
    %add3A_164 = arith.addi %arg1, %add3A_163 : i32
    %lt3A_165 = arith.constant 250 : i32
    %lt3A_166 = arith.cmpi slt, %add3A_164, %lt3A_165 : i32
    %convert_element_type3A_167 = arith.extui %lt3A_166 : i1 to i32
    %cond3A_168 = arith.constant 0 : i32
    %cond3A_169 = arith.cmpi ne, %convert_element_type3A_167, %cond3A_168 : i32
    scf.if %cond3A_169 {
      %mul3A_212 = arith.constant 40 : i32
      %mul3A_213 = arith.muli %add3A_164, %mul3A_212 : i32
      "tpu.region"() ({
        %run_scoped3A = tpu.sem_alloc : memref<!tpu.dma_semaphore, #tpu.memory_space<semaphore_mem>>
        %dma_start3A_216 = arith.constant 0 : i32
        %dma_start3A_217 = tpu.memref_slice %arg8[%mul3A_213, %dma_start3A_216] : memref<10000x128xf32, #tpu.memory_space<vmem_shared>> -> memref<40x128xf32, #tpu.memory_space<vmem_shared>>
        %dma_start3A_218 = arith.constant 0 : i32
        %dma_start3A_219 = tpu.memref_slice %arg8[%mul3A_213, %dma_start3A_218] : memref<10000x128xf32, #tpu.memory_space<vmem_shared>> -> memref<40x128xf32, #tpu.memory_space<vmem_shared>>
        tpu.enqueue_dma source(%dma_start3A_219 : memref<40x128xf32, #tpu.memory_space<vmem_shared>>) target(%arg18 : memref<40x128xf32, #tpu.memory_space<vmem>>) target_semaphore(%run_scoped3A : memref<!tpu.dma_semaphore, #tpu.memory_space<semaphore_mem>>)
        %dma_wait3A_220 = arith.constant 0 : i32
        %dma_wait3A_221 = tpu.memref_slice %arg8[%mul3A_213, %dma_wait3A_220] : memref<10000x128xf32, #tpu.memory_space<vmem_shared>> -> memref<40x128xf32, #tpu.memory_space<vmem_shared>>
        %dma_wait3A_222 = arith.constant 0 : i32
        %dma_wait3A_223 = tpu.memref_slice %arg8[%mul3A_213, %dma_wait3A_222] : memref<10000x128xf32, #tpu.memory_space<vmem_shared>> -> memref<40x128xf32, #tpu.memory_space<vmem_shared>>
        tpu.wait_dma2 semaphore(%run_scoped3A : memref<!tpu.dma_semaphore, #tpu.memory_space<semaphore_mem>>) src(%dma_wait3A_223 : memref<40x128xf32, #tpu.memory_space<vmem_shared>>) dst(%arg18 : memref<40x128xf32, #tpu.memory_space<vmem>>)
        tpu.yield
      }) : () -> ()
      %mul3A_214 = arith.constant 40 : i32
      %mul3A_215 = arith.muli %add3A_164, %mul3A_214 : i32
      "tpu.region"() ({
        %run_scoped3A = tpu.sem_alloc : memref<!tpu.dma_semaphore, #tpu.memory_space<semaphore_mem>>
        %dma_start3A_216 = arith.constant 0 : i32
        %dma_start3A_217 = arith.constant 0 : i32
        %dma_start3A_218 = tpu.memref_slice %arg6[%arg0, %dma_start3A_216, %dma_start3A_217] : memref<2x10000x128xf32, #tpu.memory_space<hbm>> -> memref<1x10000x128xf32, #tpu.memory_space<hbm>>
        %dma_start3A_219 = tpu.memref_squeeze %dma_start3A_218 : memref<1x10000x128xf32, #tpu.memory_space<hbm>> -> memref<10000x128xf32, #tpu.memory_space<hbm>>
        %dma_start3A_220 = arith.constant 0 : i32
        %dma_start3A_221 = tpu.memref_slice %dma_start3A_219[%mul3A_215, %dma_start3A_220] : memref<10000x128xf32, #tpu.memory_space<hbm>> -> memref<40x128xf32, #tpu.memory_space<hbm>>
        %dma_start3A_222 = arith.constant 0 : i32
        %dma_start3A_223 = arith.constant 0 : i32
        %dma_start3A_224 = tpu.memref_slice %arg6[%arg0, %dma_start3A_222, %dma_start3A_223] : memref<2x10000x128xf32, #tpu.memory_space<hbm>> -> memref<1x10000x128xf32, #tpu.memory_space<hbm>>
        %dma_start3A_225 = tpu.memref_squeeze %dma_start3A_224 : memref<1x10000x128xf32, #tpu.memory_space<hbm>> -> memref<10000x128xf32, #tpu.memory_space<hbm>>
        %dma_start3A_226 = arith.constant 0 : i32
        %dma_start3A_227 = tpu.memref_slice %dma_start3A_225[%mul3A_215, %dma_start3A_226] : memref<10000x128xf32, #tpu.memory_space<hbm>> -> memref<40x128xf32, #tpu.memory_space<hbm>>
        tpu.enqueue_dma source(%arg18 : memref<40x128xf32, #tpu.memory_space<vmem>>) target(%dma_start3A_227 : memref<40x128xf32, #tpu.memory_space<hbm>>) target_semaphore(%run_scoped3A : memref<!tpu.dma_semaphore, #tpu.memory_space<semaphore_mem>>)
        %dma_wait3A_228 = arith.constant 0 : i32
        %dma_wait3A_229 = arith.constant 0 : i32
        %dma_wait3A_230 = tpu.memref_slice %arg6[%arg0, %dma_wait3A_228, %dma_wait3A_229] : memref<2x10000x128xf32, #tpu.memory_space<hbm>> -> memref<1x10000x128xf32, #tpu.memory_space<hbm>>
        %dma_wait3A_231 = tpu.memref_squeeze %dma_wait3A_230 : memref<1x10000x128xf32, #tpu.memory_space<hbm>> -> memref<10000x128xf32, #tpu.memory_space<hbm>>
        %dma_wait3A_232 = arith.constant 0 : i32
        %dma_wait3A_233 = tpu.memref_slice %dma_wait3A_231[%mul3A_215, %dma_wait3A_232] : memref<10000x128xf32, #tpu.memory_space<hbm>> -> memref<40x128xf32, #tpu.memory_space<hbm>>
        %dma_wait3A_234 = arith.constant 0 : i32
        %dma_wait3A_235 = arith.constant 0 : i32
        %dma_wait3A_236 = tpu.memref_slice %arg6[%arg0, %dma_wait3A_234, %dma_wait3A_235] : memref<2x10000x128xf32, #tpu.memory_space<hbm>> -> memref<1x10000x128xf32, #tpu.memory_space<hbm>>
        %dma_wait3A_237 = tpu.memref_squeeze %dma_wait3A_236 : memref<1x10000x128xf32, #tpu.memory_space<hbm>> -> memref<10000x128xf32, #tpu.memory_space<hbm>>
        %dma_wait3A_238 = arith.constant 0 : i32
        %dma_wait3A_239 = tpu.memref_slice %dma_wait3A_237[%mul3A_215, %dma_wait3A_238] : memref<10000x128xf32, #tpu.memory_space<hbm>> -> memref<40x128xf32, #tpu.memory_space<hbm>>
        tpu.wait_dma2 semaphore(%run_scoped3A : memref<!tpu.dma_semaphore, #tpu.memory_space<semaphore_mem>>) src(%arg18 : memref<40x128xf32, #tpu.memory_space<vmem>>) dst(%dma_wait3A_239 : memref<40x128xf32, #tpu.memory_space<hbm>>)
        tpu.yield
      }) : () -> ()
    } else {
    }
    %add3A_170 = arith.constant 160 : i32
    %add3A_171 = arith.addi %arg1, %add3A_170 : i32
    %lt3A_172 = arith.constant 250 : i32
    %lt3A_173 = arith.cmpi slt, %add3A_171, %lt3A_172 : i32
    %convert_element_type3A_174 = arith.extui %lt3A_173 : i1 to i32
    %cond3A_175 = arith.constant 0 : i32
    %cond3A_176 = arith.cmpi ne, %convert_element_type3A_174, %cond3A_175 : i32
    scf.if %cond3A_176 {
      %mul3A_212 = arith.constant 40 : i32
      %mul3A_213 = arith.muli %add3A_171, %mul3A_212 : i32
      "tpu.region"() ({
        %run_scoped3A = tpu.sem_alloc : memref<!tpu.dma_semaphore, #tpu.memory_space<semaphore_mem>>
        %dma_start3A_216 = arith.constant 0 : i32
        %dma_start3A_217 = tpu.memref_slice %arg8[%mul3A_213, %dma_start3A_216] : memref<10000x128xf32, #tpu.memory_space<vmem_shared>> -> memref<40x128xf32, #tpu.memory_space<vmem_shared>>
        %dma_start3A_218 = arith.constant 0 : i32
        %dma_start3A_219 = tpu.memref_slice %arg8[%mul3A_213, %dma_start3A_218] : memref<10000x128xf32, #tpu.memory_space<vmem_shared>> -> memref<40x128xf32, #tpu.memory_space<vmem_shared>>
        tpu.enqueue_dma source(%dma_start3A_219 : memref<40x128xf32, #tpu.memory_space<vmem_shared>>) target(%arg18 : memref<40x128xf32, #tpu.memory_space<vmem>>) target_semaphore(%run_scoped3A : memref<!tpu.dma_semaphore, #tpu.memory_space<semaphore_mem>>)
        %dma_wait3A_220 = arith.constant 0 : i32
        %dma_wait3A_221 = tpu.memref_slice %arg8[%mul3A_213, %dma_wait3A_220] : memref<10000x128xf32, #tpu.memory_space<vmem_shared>> -> memref<40x128xf32, #tpu.memory_space<vmem_shared>>
        %dma_wait3A_222 = arith.constant 0 : i32
        %dma_wait3A_223 = tpu.memref_slice %arg8[%mul3A_213, %dma_wait3A_222] : memref<10000x128xf32, #tpu.memory_space<vmem_shared>> -> memref<40x128xf32, #tpu.memory_space<vmem_shared>>
        tpu.wait_dma2 semaphore(%run_scoped3A : memref<!tpu.dma_semaphore, #tpu.memory_space<semaphore_mem>>) src(%dma_wait3A_223 : memref<40x128xf32, #tpu.memory_space<vmem_shared>>) dst(%arg18 : memref<40x128xf32, #tpu.memory_space<vmem>>)
        tpu.yield
      }) : () -> ()
      %mul3A_214 = arith.constant 40 : i32
      %mul3A_215 = arith.muli %add3A_171, %mul3A_214 : i32
      "tpu.region"() ({
        %run_scoped3A = tpu.sem_alloc : memref<!tpu.dma_semaphore, #tpu.memory_space<semaphore_mem>>
        %dma_start3A_216 = arith.constant 0 : i32
        %dma_start3A_217 = arith.constant 0 : i32
        %dma_start3A_218 = tpu.memref_slice %arg6[%arg0, %dma_start3A_216, %dma_start3A_217] : memref<2x10000x128xf32, #tpu.memory_space<hbm>> -> memref<1x10000x128xf32, #tpu.memory_space<hbm>>
        %dma_start3A_219 = tpu.memref_squeeze %dma_start3A_218 : memref<1x10000x128xf32, #tpu.memory_space<hbm>> -> memref<10000x128xf32, #tpu.memory_space<hbm>>
        %dma_start3A_220 = arith.constant 0 : i32
        %dma_start3A_221 = tpu.memref_slice %dma_start3A_219[%mul3A_215, %dma_start3A_220] : memref<10000x128xf32, #tpu.memory_space<hbm>> -> memref<40x128xf32, #tpu.memory_space<hbm>>
        %dma_start3A_222 = arith.constant 0 : i32
        %dma_start3A_223 = arith.constant 0 : i32
        %dma_start3A_224 = tpu.memref_slice %arg6[%arg0, %dma_start3A_222, %dma_start3A_223] : memref<2x10000x128xf32, #tpu.memory_space<hbm>> -> memref<1x10000x128xf32, #tpu.memory_space<hbm>>
        %dma_start3A_225 = tpu.memref_squeeze %dma_start3A_224 : memref<1x10000x128xf32, #tpu.memory_space<hbm>> -> memref<10000x128xf32, #tpu.memory_space<hbm>>
        %dma_start3A_226 = arith.constant 0 : i32
        %dma_start3A_227 = tpu.memref_slice %dma_start3A_225[%mul3A_215, %dma_start3A_226] : memref<10000x128xf32, #tpu.memory_space<hbm>> -> memref<40x128xf32, #tpu.memory_space<hbm>>
        tpu.enqueue_dma source(%arg18 : memref<40x128xf32, #tpu.memory_space<vmem>>) target(%dma_start3A_227 : memref<40x128xf32, #tpu.memory_space<hbm>>) target_semaphore(%run_scoped3A : memref<!tpu.dma_semaphore, #tpu.memory_space<semaphore_mem>>)
        %dma_wait3A_228 = arith.constant 0 : i32
        %dma_wait3A_229 = arith.constant 0 : i32
        %dma_wait3A_230 = tpu.memref_slice %arg6[%arg0, %dma_wait3A_228, %dma_wait3A_229] : memref<2x10000x128xf32, #tpu.memory_space<hbm>> -> memref<1x10000x128xf32, #tpu.memory_space<hbm>>
        %dma_wait3A_231 = tpu.memref_squeeze %dma_wait3A_230 : memref<1x10000x128xf32, #tpu.memory_space<hbm>> -> memref<10000x128xf32, #tpu.memory_space<hbm>>
        %dma_wait3A_232 = arith.constant 0 : i32
        %dma_wait3A_233 = tpu.memref_slice %dma_wait3A_231[%mul3A_215, %dma_wait3A_232] : memref<10000x128xf32, #tpu.memory_space<hbm>> -> memref<40x128xf32, #tpu.memory_space<hbm>>
        %dma_wait3A_234 = arith.constant 0 : i32
        %dma_wait3A_235 = arith.constant 0 : i32
        %dma_wait3A_236 = tpu.memref_slice %arg6[%arg0, %dma_wait3A_234, %dma_wait3A_235] : memref<2x10000x128xf32, #tpu.memory_space<hbm>> -> memref<1x10000x128xf32, #tpu.memory_space<hbm>>
        %dma_wait3A_237 = tpu.memref_squeeze %dma_wait3A_236 : memref<1x10000x128xf32, #tpu.memory_space<hbm>> -> memref<10000x128xf32, #tpu.memory_space<hbm>>
        %dma_wait3A_238 = arith.constant 0 : i32
        %dma_wait3A_239 = tpu.memref_slice %dma_wait3A_237[%mul3A_215, %dma_wait3A_238] : memref<10000x128xf32, #tpu.memory_space<hbm>> -> memref<40x128xf32, #tpu.memory_space<hbm>>
        tpu.wait_dma2 semaphore(%run_scoped3A : memref<!tpu.dma_semaphore, #tpu.memory_space<semaphore_mem>>) src(%arg18 : memref<40x128xf32, #tpu.memory_space<vmem>>) dst(%dma_wait3A_239 : memref<40x128xf32, #tpu.memory_space<hbm>>)
        tpu.yield
      }) : () -> ()
    } else {
    }
    %add3A_177 = arith.constant 176 : i32
    %add3A_178 = arith.addi %arg1, %add3A_177 : i32
    %lt3A_179 = arith.constant 250 : i32
    %lt3A_180 = arith.cmpi slt, %add3A_178, %lt3A_179 : i32
    %convert_element_type3A_181 = arith.extui %lt3A_180 : i1 to i32
    %cond3A_182 = arith.constant 0 : i32
    %cond3A_183 = arith.cmpi ne, %convert_element_type3A_181, %cond3A_182 : i32
    scf.if %cond3A_183 {
      %mul3A_212 = arith.constant 40 : i32
      %mul3A_213 = arith.muli %add3A_178, %mul3A_212 : i32
      "tpu.region"() ({
        %run_scoped3A = tpu.sem_alloc : memref<!tpu.dma_semaphore, #tpu.memory_space<semaphore_mem>>
        %dma_start3A_216 = arith.constant 0 : i32
        %dma_start3A_217 = tpu.memref_slice %arg8[%mul3A_213, %dma_start3A_216] : memref<10000x128xf32, #tpu.memory_space<vmem_shared>> -> memref<40x128xf32, #tpu.memory_space<vmem_shared>>
        %dma_start3A_218 = arith.constant 0 : i32
        %dma_start3A_219 = tpu.memref_slice %arg8[%mul3A_213, %dma_start3A_218] : memref<10000x128xf32, #tpu.memory_space<vmem_shared>> -> memref<40x128xf32, #tpu.memory_space<vmem_shared>>
        tpu.enqueue_dma source(%dma_start3A_219 : memref<40x128xf32, #tpu.memory_space<vmem_shared>>) target(%arg18 : memref<40x128xf32, #tpu.memory_space<vmem>>) target_semaphore(%run_scoped3A : memref<!tpu.dma_semaphore, #tpu.memory_space<semaphore_mem>>)
        %dma_wait3A_220 = arith.constant 0 : i32
        %dma_wait3A_221 = tpu.memref_slice %arg8[%mul3A_213, %dma_wait3A_220] : memref<10000x128xf32, #tpu.memory_space<vmem_shared>> -> memref<40x128xf32, #tpu.memory_space<vmem_shared>>
        %dma_wait3A_222 = arith.constant 0 : i32
        %dma_wait3A_223 = tpu.memref_slice %arg8[%mul3A_213, %dma_wait3A_222] : memref<10000x128xf32, #tpu.memory_space<vmem_shared>> -> memref<40x128xf32, #tpu.memory_space<vmem_shared>>
        tpu.wait_dma2 semaphore(%run_scoped3A : memref<!tpu.dma_semaphore, #tpu.memory_space<semaphore_mem>>) src(%dma_wait3A_223 : memref<40x128xf32, #tpu.memory_space<vmem_shared>>) dst(%arg18 : memref<40x128xf32, #tpu.memory_space<vmem>>)
        tpu.yield
      }) : () -> ()
      %mul3A_214 = arith.constant 40 : i32
      %mul3A_215 = arith.muli %add3A_178, %mul3A_214 : i32
      "tpu.region"() ({
        %run_scoped3A = tpu.sem_alloc : memref<!tpu.dma_semaphore, #tpu.memory_space<semaphore_mem>>
        %dma_start3A_216 = arith.constant 0 : i32
        %dma_start3A_217 = arith.constant 0 : i32
        %dma_start3A_218 = tpu.memref_slice %arg6[%arg0, %dma_start3A_216, %dma_start3A_217] : memref<2x10000x128xf32, #tpu.memory_space<hbm>> -> memref<1x10000x128xf32, #tpu.memory_space<hbm>>
        %dma_start3A_219 = tpu.memref_squeeze %dma_start3A_218 : memref<1x10000x128xf32, #tpu.memory_space<hbm>> -> memref<10000x128xf32, #tpu.memory_space<hbm>>
        %dma_start3A_220 = arith.constant 0 : i32
        %dma_start3A_221 = tpu.memref_slice %dma_start3A_219[%mul3A_215, %dma_start3A_220] : memref<10000x128xf32, #tpu.memory_space<hbm>> -> memref<40x128xf32, #tpu.memory_space<hbm>>
        %dma_start3A_222 = arith.constant 0 : i32
        %dma_start3A_223 = arith.constant 0 : i32
        %dma_start3A_224 = tpu.memref_slice %arg6[%arg0, %dma_start3A_222, %dma_start3A_223] : memref<2x10000x128xf32, #tpu.memory_space<hbm>> -> memref<1x10000x128xf32, #tpu.memory_space<hbm>>
        %dma_start3A_225 = tpu.memref_squeeze %dma_start3A_224 : memref<1x10000x128xf32, #tpu.memory_space<hbm>> -> memref<10000x128xf32, #tpu.memory_space<hbm>>
        %dma_start3A_226 = arith.constant 0 : i32
        %dma_start3A_227 = tpu.memref_slice %dma_start3A_225[%mul3A_215, %dma_start3A_226] : memref<10000x128xf32, #tpu.memory_space<hbm>> -> memref<40x128xf32, #tpu.memory_space<hbm>>
        tpu.enqueue_dma source(%arg18 : memref<40x128xf32, #tpu.memory_space<vmem>>) target(%dma_start3A_227 : memref<40x128xf32, #tpu.memory_space<hbm>>) target_semaphore(%run_scoped3A : memref<!tpu.dma_semaphore, #tpu.memory_space<semaphore_mem>>)
        %dma_wait3A_228 = arith.constant 0 : i32
        %dma_wait3A_229 = arith.constant 0 : i32
        %dma_wait3A_230 = tpu.memref_slice %arg6[%arg0, %dma_wait3A_228, %dma_wait3A_229] : memref<2x10000x128xf32, #tpu.memory_space<hbm>> -> memref<1x10000x128xf32, #tpu.memory_space<hbm>>
        %dma_wait3A_231 = tpu.memref_squeeze %dma_wait3A_230 : memref<1x10000x128xf32, #tpu.memory_space<hbm>> -> memref<10000x128xf32, #tpu.memory_space<hbm>>
        %dma_wait3A_232 = arith.constant 0 : i32
        %dma_wait3A_233 = tpu.memref_slice %dma_wait3A_231[%mul3A_215, %dma_wait3A_232] : memref<10000x128xf32, #tpu.memory_space<hbm>> -> memref<40x128xf32, #tpu.memory_space<hbm>>
        %dma_wait3A_234 = arith.constant 0 : i32
        %dma_wait3A_235 = arith.constant 0 : i32
        %dma_wait3A_236 = tpu.memref_slice %arg6[%arg0, %dma_wait3A_234, %dma_wait3A_235] : memref<2x10000x128xf32, #tpu.memory_space<hbm>> -> memref<1x10000x128xf32, #tpu.memory_space<hbm>>
        %dma_wait3A_237 = tpu.memref_squeeze %dma_wait3A_236 : memref<1x10000x128xf32, #tpu.memory_space<hbm>> -> memref<10000x128xf32, #tpu.memory_space<hbm>>
        %dma_wait3A_238 = arith.constant 0 : i32
        %dma_wait3A_239 = tpu.memref_slice %dma_wait3A_237[%mul3A_215, %dma_wait3A_238] : memref<10000x128xf32, #tpu.memory_space<hbm>> -> memref<40x128xf32, #tpu.memory_space<hbm>>
        tpu.wait_dma2 semaphore(%run_scoped3A : memref<!tpu.dma_semaphore, #tpu.memory_space<semaphore_mem>>) src(%arg18 : memref<40x128xf32, #tpu.memory_space<vmem>>) dst(%dma_wait3A_239 : memref<40x128xf32, #tpu.memory_space<hbm>>)
        tpu.yield
      }) : () -> ()
    } else {
    }
    %add3A_184 = arith.constant 192 : i32
    %add3A_185 = arith.addi %arg1, %add3A_184 : i32
    %lt3A_186 = arith.constant 250 : i32
    %lt3A_187 = arith.cmpi slt, %add3A_185, %lt3A_186 : i32
    %convert_element_type3A_188 = arith.extui %lt3A_187 : i1 to i32
    %cond3A_189 = arith.constant 0 : i32
    %cond3A_190 = arith.cmpi ne, %convert_element_type3A_188, %cond3A_189 : i32
    scf.if %cond3A_190 {
      %mul3A_212 = arith.constant 40 : i32
      %mul3A_213 = arith.muli %add3A_185, %mul3A_212 : i32
      "tpu.region"() ({
        %run_scoped3A = tpu.sem_alloc : memref<!tpu.dma_semaphore, #tpu.memory_space<semaphore_mem>>
        %dma_start3A_216 = arith.constant 0 : i32
        %dma_start3A_217 = tpu.memref_slice %arg8[%mul3A_213, %dma_start3A_216] : memref<10000x128xf32, #tpu.memory_space<vmem_shared>> -> memref<40x128xf32, #tpu.memory_space<vmem_shared>>
        %dma_start3A_218 = arith.constant 0 : i32
        %dma_start3A_219 = tpu.memref_slice %arg8[%mul3A_213, %dma_start3A_218] : memref<10000x128xf32, #tpu.memory_space<vmem_shared>> -> memref<40x128xf32, #tpu.memory_space<vmem_shared>>
        tpu.enqueue_dma source(%dma_start3A_219 : memref<40x128xf32, #tpu.memory_space<vmem_shared>>) target(%arg18 : memref<40x128xf32, #tpu.memory_space<vmem>>) target_semaphore(%run_scoped3A : memref<!tpu.dma_semaphore, #tpu.memory_space<semaphore_mem>>)
        %dma_wait3A_220 = arith.constant 0 : i32
        %dma_wait3A_221 = tpu.memref_slice %arg8[%mul3A_213, %dma_wait3A_220] : memref<10000x128xf32, #tpu.memory_space<vmem_shared>> -> memref<40x128xf32, #tpu.memory_space<vmem_shared>>
        %dma_wait3A_222 = arith.constant 0 : i32
        %dma_wait3A_223 = tpu.memref_slice %arg8[%mul3A_213, %dma_wait3A_222] : memref<10000x128xf32, #tpu.memory_space<vmem_shared>> -> memref<40x128xf32, #tpu.memory_space<vmem_shared>>
        tpu.wait_dma2 semaphore(%run_scoped3A : memref<!tpu.dma_semaphore, #tpu.memory_space<semaphore_mem>>) src(%dma_wait3A_223 : memref<40x128xf32, #tpu.memory_space<vmem_shared>>) dst(%arg18 : memref<40x128xf32, #tpu.memory_space<vmem>>)
        tpu.yield
      }) : () -> ()
      %mul3A_214 = arith.constant 40 : i32
      %mul3A_215 = arith.muli %add3A_185, %mul3A_214 : i32
      "tpu.region"() ({
        %run_scoped3A = tpu.sem_alloc : memref<!tpu.dma_semaphore, #tpu.memory_space<semaphore_mem>>
        %dma_start3A_216 = arith.constant 0 : i32
        %dma_start3A_217 = arith.constant 0 : i32
        %dma_start3A_218 = tpu.memref_slice %arg6[%arg0, %dma_start3A_216, %dma_start3A_217] : memref<2x10000x128xf32, #tpu.memory_space<hbm>> -> memref<1x10000x128xf32, #tpu.memory_space<hbm>>
        %dma_start3A_219 = tpu.memref_squeeze %dma_start3A_218 : memref<1x10000x128xf32, #tpu.memory_space<hbm>> -> memref<10000x128xf32, #tpu.memory_space<hbm>>
        %dma_start3A_220 = arith.constant 0 : i32
        %dma_start3A_221 = tpu.memref_slice %dma_start3A_219[%mul3A_215, %dma_start3A_220] : memref<10000x128xf32, #tpu.memory_space<hbm>> -> memref<40x128xf32, #tpu.memory_space<hbm>>
        %dma_start3A_222 = arith.constant 0 : i32
        %dma_start3A_223 = arith.constant 0 : i32
        %dma_start3A_224 = tpu.memref_slice %arg6[%arg0, %dma_start3A_222, %dma_start3A_223] : memref<2x10000x128xf32, #tpu.memory_space<hbm>> -> memref<1x10000x128xf32, #tpu.memory_space<hbm>>
        %dma_start3A_225 = tpu.memref_squeeze %dma_start3A_224 : memref<1x10000x128xf32, #tpu.memory_space<hbm>> -> memref<10000x128xf32, #tpu.memory_space<hbm>>
        %dma_start3A_226 = arith.constant 0 : i32
        %dma_start3A_227 = tpu.memref_slice %dma_start3A_225[%mul3A_215, %dma_start3A_226] : memref<10000x128xf32, #tpu.memory_space<hbm>> -> memref<40x128xf32, #tpu.memory_space<hbm>>
        tpu.enqueue_dma source(%arg18 : memref<40x128xf32, #tpu.memory_space<vmem>>) target(%dma_start3A_227 : memref<40x128xf32, #tpu.memory_space<hbm>>) target_semaphore(%run_scoped3A : memref<!tpu.dma_semaphore, #tpu.memory_space<semaphore_mem>>)
        %dma_wait3A_228 = arith.constant 0 : i32
        %dma_wait3A_229 = arith.constant 0 : i32
        %dma_wait3A_230 = tpu.memref_slice %arg6[%arg0, %dma_wait3A_228, %dma_wait3A_229] : memref<2x10000x128xf32, #tpu.memory_space<hbm>> -> memref<1x10000x128xf32, #tpu.memory_space<hbm>>
        %dma_wait3A_231 = tpu.memref_squeeze %dma_wait3A_230 : memref<1x10000x128xf32, #tpu.memory_space<hbm>> -> memref<10000x128xf32, #tpu.memory_space<hbm>>
        %dma_wait3A_232 = arith.constant 0 : i32
        %dma_wait3A_233 = tpu.memref_slice %dma_wait3A_231[%mul3A_215, %dma_wait3A_232] : memref<10000x128xf32, #tpu.memory_space<hbm>> -> memref<40x128xf32, #tpu.memory_space<hbm>>
        %dma_wait3A_234 = arith.constant 0 : i32
        %dma_wait3A_235 = arith.constant 0 : i32
        %dma_wait3A_236 = tpu.memref_slice %arg6[%arg0, %dma_wait3A_234, %dma_wait3A_235] : memref<2x10000x128xf32, #tpu.memory_space<hbm>> -> memref<1x10000x128xf32, #tpu.memory_space<hbm>>
        %dma_wait3A_237 = tpu.memref_squeeze %dma_wait3A_236 : memref<1x10000x128xf32, #tpu.memory_space<hbm>> -> memref<10000x128xf32, #tpu.memory_space<hbm>>
        %dma_wait3A_238 = arith.constant 0 : i32
        %dma_wait3A_239 = tpu.memref_slice %dma_wait3A_237[%mul3A_215, %dma_wait3A_238] : memref<10000x128xf32, #tpu.memory_space<hbm>> -> memref<40x128xf32, #tpu.memory_space<hbm>>
        tpu.wait_dma2 semaphore(%run_scoped3A : memref<!tpu.dma_semaphore, #tpu.memory_space<semaphore_mem>>) src(%arg18 : memref<40x128xf32, #tpu.memory_space<vmem>>) dst(%dma_wait3A_239 : memref<40x128xf32, #tpu.memory_space<hbm>>)
        tpu.yield
      }) : () -> ()
    } else {
    }
    %add3A_191 = arith.constant 208 : i32
    %add3A_192 = arith.addi %arg1, %add3A_191 : i32
    %lt3A_193 = arith.constant 250 : i32
    %lt3A_194 = arith.cmpi slt, %add3A_192, %lt3A_193 : i32
    %convert_element_type3A_195 = arith.extui %lt3A_194 : i1 to i32
    %cond3A_196 = arith.constant 0 : i32
    %cond3A_197 = arith.cmpi ne, %convert_element_type3A_195, %cond3A_196 : i32
    scf.if %cond3A_197 {
      %mul3A_212 = arith.constant 40 : i32
      %mul3A_213 = arith.muli %add3A_192, %mul3A_212 : i32
      "tpu.region"() ({
        %run_scoped3A = tpu.sem_alloc : memref<!tpu.dma_semaphore, #tpu.memory_space<semaphore_mem>>
        %dma_start3A_216 = arith.constant 0 : i32
        %dma_start3A_217 = tpu.memref_slice %arg8[%mul3A_213, %dma_start3A_216] : memref<10000x128xf32, #tpu.memory_space<vmem_shared>> -> memref<40x128xf32, #tpu.memory_space<vmem_shared>>
        %dma_start3A_218 = arith.constant 0 : i32
        %dma_start3A_219 = tpu.memref_slice %arg8[%mul3A_213, %dma_start3A_218] : memref<10000x128xf32, #tpu.memory_space<vmem_shared>> -> memref<40x128xf32, #tpu.memory_space<vmem_shared>>
        tpu.enqueue_dma source(%dma_start3A_219 : memref<40x128xf32, #tpu.memory_space<vmem_shared>>) target(%arg18 : memref<40x128xf32, #tpu.memory_space<vmem>>) target_semaphore(%run_scoped3A : memref<!tpu.dma_semaphore, #tpu.memory_space<semaphore_mem>>)
        %dma_wait3A_220 = arith.constant 0 : i32
        %dma_wait3A_221 = tpu.memref_slice %arg8[%mul3A_213, %dma_wait3A_220] : memref<10000x128xf32, #tpu.memory_space<vmem_shared>> -> memref<40x128xf32, #tpu.memory_space<vmem_shared>>
        %dma_wait3A_222 = arith.constant 0 : i32
        %dma_wait3A_223 = tpu.memref_slice %arg8[%mul3A_213, %dma_wait3A_222] : memref<10000x128xf32, #tpu.memory_space<vmem_shared>> -> memref<40x128xf32, #tpu.memory_space<vmem_shared>>
        tpu.wait_dma2 semaphore(%run_scoped3A : memref<!tpu.dma_semaphore, #tpu.memory_space<semaphore_mem>>) src(%dma_wait3A_223 : memref<40x128xf32, #tpu.memory_space<vmem_shared>>) dst(%arg18 : memref<40x128xf32, #tpu.memory_space<vmem>>)
        tpu.yield
      }) : () -> ()
      %mul3A_214 = arith.constant 40 : i32
      %mul3A_215 = arith.muli %add3A_192, %mul3A_214 : i32
      "tpu.region"() ({
        %run_scoped3A = tpu.sem_alloc : memref<!tpu.dma_semaphore, #tpu.memory_space<semaphore_mem>>
        %dma_start3A_216 = arith.constant 0 : i32
        %dma_start3A_217 = arith.constant 0 : i32
        %dma_start3A_218 = tpu.memref_slice %arg6[%arg0, %dma_start3A_216, %dma_start3A_217] : memref<2x10000x128xf32, #tpu.memory_space<hbm>> -> memref<1x10000x128xf32, #tpu.memory_space<hbm>>
        %dma_start3A_219 = tpu.memref_squeeze %dma_start3A_218 : memref<1x10000x128xf32, #tpu.memory_space<hbm>> -> memref<10000x128xf32, #tpu.memory_space<hbm>>
        %dma_start3A_220 = arith.constant 0 : i32
        %dma_start3A_221 = tpu.memref_slice %dma_start3A_219[%mul3A_215, %dma_start3A_220] : memref<10000x128xf32, #tpu.memory_space<hbm>> -> memref<40x128xf32, #tpu.memory_space<hbm>>
        %dma_start3A_222 = arith.constant 0 : i32
        %dma_start3A_223 = arith.constant 0 : i32
        %dma_start3A_224 = tpu.memref_slice %arg6[%arg0, %dma_start3A_222, %dma_start3A_223] : memref<2x10000x128xf32, #tpu.memory_space<hbm>> -> memref<1x10000x128xf32, #tpu.memory_space<hbm>>
        %dma_start3A_225 = tpu.memref_squeeze %dma_start3A_224 : memref<1x10000x128xf32, #tpu.memory_space<hbm>> -> memref<10000x128xf32, #tpu.memory_space<hbm>>
        %dma_start3A_226 = arith.constant 0 : i32
        %dma_start3A_227 = tpu.memref_slice %dma_start3A_225[%mul3A_215, %dma_start3A_226] : memref<10000x128xf32, #tpu.memory_space<hbm>> -> memref<40x128xf32, #tpu.memory_space<hbm>>
        tpu.enqueue_dma source(%arg18 : memref<40x128xf32, #tpu.memory_space<vmem>>) target(%dma_start3A_227 : memref<40x128xf32, #tpu.memory_space<hbm>>) target_semaphore(%run_scoped3A : memref<!tpu.dma_semaphore, #tpu.memory_space<semaphore_mem>>)
        %dma_wait3A_228 = arith.constant 0 : i32
        %dma_wait3A_229 = arith.constant 0 : i32
        %dma_wait3A_230 = tpu.memref_slice %arg6[%arg0, %dma_wait3A_228, %dma_wait3A_229] : memref<2x10000x128xf32, #tpu.memory_space<hbm>> -> memref<1x10000x128xf32, #tpu.memory_space<hbm>>
        %dma_wait3A_231 = tpu.memref_squeeze %dma_wait3A_230 : memref<1x10000x128xf32, #tpu.memory_space<hbm>> -> memref<10000x128xf32, #tpu.memory_space<hbm>>
        %dma_wait3A_232 = arith.constant 0 : i32
        %dma_wait3A_233 = tpu.memref_slice %dma_wait3A_231[%mul3A_215, %dma_wait3A_232] : memref<10000x128xf32, #tpu.memory_space<hbm>> -> memref<40x128xf32, #tpu.memory_space<hbm>>
        %dma_wait3A_234 = arith.constant 0 : i32
        %dma_wait3A_235 = arith.constant 0 : i32
        %dma_wait3A_236 = tpu.memref_slice %arg6[%arg0, %dma_wait3A_234, %dma_wait3A_235] : memref<2x10000x128xf32, #tpu.memory_space<hbm>> -> memref<1x10000x128xf32, #tpu.memory_space<hbm>>
        %dma_wait3A_237 = tpu.memref_squeeze %dma_wait3A_236 : memref<1x10000x128xf32, #tpu.memory_space<hbm>> -> memref<10000x128xf32, #tpu.memory_space<hbm>>
        %dma_wait3A_238 = arith.constant 0 : i32
        %dma_wait3A_239 = tpu.memref_slice %dma_wait3A_237[%mul3A_215, %dma_wait3A_238] : memref<10000x128xf32, #tpu.memory_space<hbm>> -> memref<40x128xf32, #tpu.memory_space<hbm>>
        tpu.wait_dma2 semaphore(%run_scoped3A : memref<!tpu.dma_semaphore, #tpu.memory_space<semaphore_mem>>) src(%arg18 : memref<40x128xf32, #tpu.memory_space<vmem>>) dst(%dma_wait3A_239 : memref<40x128xf32, #tpu.memory_space<hbm>>)
        tpu.yield
      }) : () -> ()
    } else {
    }
    %add3A_198 = arith.constant 224 : i32
    %add3A_199 = arith.addi %arg1, %add3A_198 : i32
    %lt3A_200 = arith.constant 250 : i32
    %lt3A_201 = arith.cmpi slt, %add3A_199, %lt3A_200 : i32
    %convert_element_type3A_202 = arith.extui %lt3A_201 : i1 to i32
    %cond3A_203 = arith.constant 0 : i32
    %cond3A_204 = arith.cmpi ne, %convert_element_type3A_202, %cond3A_203 : i32
    scf.if %cond3A_204 {
      %mul3A_212 = arith.constant 40 : i32
      %mul3A_213 = arith.muli %add3A_199, %mul3A_212 : i32
      "tpu.region"() ({
        %run_scoped3A = tpu.sem_alloc : memref<!tpu.dma_semaphore, #tpu.memory_space<semaphore_mem>>
        %dma_start3A_216 = arith.constant 0 : i32
        %dma_start3A_217 = tpu.memref_slice %arg8[%mul3A_213, %dma_start3A_216] : memref<10000x128xf32, #tpu.memory_space<vmem_shared>> -> memref<40x128xf32, #tpu.memory_space<vmem_shared>>
        %dma_start3A_218 = arith.constant 0 : i32
        %dma_start3A_219 = tpu.memref_slice %arg8[%mul3A_213, %dma_start3A_218] : memref<10000x128xf32, #tpu.memory_space<vmem_shared>> -> memref<40x128xf32, #tpu.memory_space<vmem_shared>>
        tpu.enqueue_dma source(%dma_start3A_219 : memref<40x128xf32, #tpu.memory_space<vmem_shared>>) target(%arg18 : memref<40x128xf32, #tpu.memory_space<vmem>>) target_semaphore(%run_scoped3A : memref<!tpu.dma_semaphore, #tpu.memory_space<semaphore_mem>>)
        %dma_wait3A_220 = arith.constant 0 : i32
        %dma_wait3A_221 = tpu.memref_slice %arg8[%mul3A_213, %dma_wait3A_220] : memref<10000x128xf32, #tpu.memory_space<vmem_shared>> -> memref<40x128xf32, #tpu.memory_space<vmem_shared>>
        %dma_wait3A_222 = arith.constant 0 : i32
        %dma_wait3A_223 = tpu.memref_slice %arg8[%mul3A_213, %dma_wait3A_222] : memref<10000x128xf32, #tpu.memory_space<vmem_shared>> -> memref<40x128xf32, #tpu.memory_space<vmem_shared>>
        tpu.wait_dma2 semaphore(%run_scoped3A : memref<!tpu.dma_semaphore, #tpu.memory_space<semaphore_mem>>) src(%dma_wait3A_223 : memref<40x128xf32, #tpu.memory_space<vmem_shared>>) dst(%arg18 : memref<40x128xf32, #tpu.memory_space<vmem>>)
        tpu.yield
      }) : () -> ()
      %mul3A_214 = arith.constant 40 : i32
      %mul3A_215 = arith.muli %add3A_199, %mul3A_214 : i32
      "tpu.region"() ({
        %run_scoped3A = tpu.sem_alloc : memref<!tpu.dma_semaphore, #tpu.memory_space<semaphore_mem>>
        %dma_start3A_216 = arith.constant 0 : i32
        %dma_start3A_217 = arith.constant 0 : i32
        %dma_start3A_218 = tpu.memref_slice %arg6[%arg0, %dma_start3A_216, %dma_start3A_217] : memref<2x10000x128xf32, #tpu.memory_space<hbm>> -> memref<1x10000x128xf32, #tpu.memory_space<hbm>>
        %dma_start3A_219 = tpu.memref_squeeze %dma_start3A_218 : memref<1x10000x128xf32, #tpu.memory_space<hbm>> -> memref<10000x128xf32, #tpu.memory_space<hbm>>
        %dma_start3A_220 = arith.constant 0 : i32
        %dma_start3A_221 = tpu.memref_slice %dma_start3A_219[%mul3A_215, %dma_start3A_220] : memref<10000x128xf32, #tpu.memory_space<hbm>> -> memref<40x128xf32, #tpu.memory_space<hbm>>
        %dma_start3A_222 = arith.constant 0 : i32
        %dma_start3A_223 = arith.constant 0 : i32
        %dma_start3A_224 = tpu.memref_slice %arg6[%arg0, %dma_start3A_222, %dma_start3A_223] : memref<2x10000x128xf32, #tpu.memory_space<hbm>> -> memref<1x10000x128xf32, #tpu.memory_space<hbm>>
        %dma_start3A_225 = tpu.memref_squeeze %dma_start3A_224 : memref<1x10000x128xf32, #tpu.memory_space<hbm>> -> memref<10000x128xf32, #tpu.memory_space<hbm>>
        %dma_start3A_226 = arith.constant 0 : i32
        %dma_start3A_227 = tpu.memref_slice %dma_start3A_225[%mul3A_215, %dma_start3A_226] : memref<10000x128xf32, #tpu.memory_space<hbm>> -> memref<40x128xf32, #tpu.memory_space<hbm>>
        tpu.enqueue_dma source(%arg18 : memref<40x128xf32, #tpu.memory_space<vmem>>) target(%dma_start3A_227 : memref<40x128xf32, #tpu.memory_space<hbm>>) target_semaphore(%run_scoped3A : memref<!tpu.dma_semaphore, #tpu.memory_space<semaphore_mem>>)
        %dma_wait3A_228 = arith.constant 0 : i32
        %dma_wait3A_229 = arith.constant 0 : i32
        %dma_wait3A_230 = tpu.memref_slice %arg6[%arg0, %dma_wait3A_228, %dma_wait3A_229] : memref<2x10000x128xf32, #tpu.memory_space<hbm>> -> memref<1x10000x128xf32, #tpu.memory_space<hbm>>
        %dma_wait3A_231 = tpu.memref_squeeze %dma_wait3A_230 : memref<1x10000x128xf32, #tpu.memory_space<hbm>> -> memref<10000x128xf32, #tpu.memory_space<hbm>>
        %dma_wait3A_232 = arith.constant 0 : i32
        %dma_wait3A_233 = tpu.memref_slice %dma_wait3A_231[%mul3A_215, %dma_wait3A_232] : memref<10000x128xf32, #tpu.memory_space<hbm>> -> memref<40x128xf32, #tpu.memory_space<hbm>>
        %dma_wait3A_234 = arith.constant 0 : i32
        %dma_wait3A_235 = arith.constant 0 : i32
        %dma_wait3A_236 = tpu.memref_slice %arg6[%arg0, %dma_wait3A_234, %dma_wait3A_235] : memref<2x10000x128xf32, #tpu.memory_space<hbm>> -> memref<1x10000x128xf32, #tpu.memory_space<hbm>>
        %dma_wait3A_237 = tpu.memref_squeeze %dma_wait3A_236 : memref<1x10000x128xf32, #tpu.memory_space<hbm>> -> memref<10000x128xf32, #tpu.memory_space<hbm>>
        %dma_wait3A_238 = arith.constant 0 : i32
        %dma_wait3A_239 = tpu.memref_slice %dma_wait3A_237[%mul3A_215, %dma_wait3A_238] : memref<10000x128xf32, #tpu.memory_space<hbm>> -> memref<40x128xf32, #tpu.memory_space<hbm>>
        tpu.wait_dma2 semaphore(%run_scoped3A : memref<!tpu.dma_semaphore, #tpu.memory_space<semaphore_mem>>) src(%arg18 : memref<40x128xf32, #tpu.memory_space<vmem>>) dst(%dma_wait3A_239 : memref<40x128xf32, #tpu.memory_space<hbm>>)
        tpu.yield
      }) : () -> ()
    } else {
    }
    %add3A_205 = arith.constant 240 : i32
    %add3A_206 = arith.addi %arg1, %add3A_205 : i32
    %lt3A_207 = arith.constant 250 : i32
    %lt3A_208 = arith.cmpi slt, %add3A_206, %lt3A_207 : i32
    %convert_element_type3A_209 = arith.extui %lt3A_208 : i1 to i32
    %cond3A_210 = arith.constant 0 : i32
    %cond3A_211 = arith.cmpi ne, %convert_element_type3A_209, %cond3A_210 : i32
    scf.if %cond3A_211 {
      %mul3A_212 = arith.constant 40 : i32
      %mul3A_213 = arith.muli %add3A_206, %mul3A_212 : i32
      "tpu.region"() ({
        %run_scoped3A = tpu.sem_alloc : memref<!tpu.dma_semaphore, #tpu.memory_space<semaphore_mem>>
        %dma_start3A_216 = arith.constant 0 : i32
        %dma_start3A_217 = tpu.memref_slice %arg8[%mul3A_213, %dma_start3A_216] : memref<10000x128xf32, #tpu.memory_space<vmem_shared>> -> memref<40x128xf32, #tpu.memory_space<vmem_shared>>
        %dma_start3A_218 = arith.constant 0 : i32
        %dma_start3A_219 = tpu.memref_slice %arg8[%mul3A_213, %dma_start3A_218] : memref<10000x128xf32, #tpu.memory_space<vmem_shared>> -> memref<40x128xf32, #tpu.memory_space<vmem_shared>>
        tpu.enqueue_dma source(%dma_start3A_219 : memref<40x128xf32, #tpu.memory_space<vmem_shared>>) target(%arg18 : memref<40x128xf32, #tpu.memory_space<vmem>>) target_semaphore(%run_scoped3A : memref<!tpu.dma_semaphore, #tpu.memory_space<semaphore_mem>>)
        %dma_wait3A_220 = arith.constant 0 : i32
        %dma_wait3A_221 = tpu.memref_slice %arg8[%mul3A_213, %dma_wait3A_220] : memref<10000x128xf32, #tpu.memory_space<vmem_shared>> -> memref<40x128xf32, #tpu.memory_space<vmem_shared>>
        %dma_wait3A_222 = arith.constant 0 : i32
        %dma_wait3A_223 = tpu.memref_slice %arg8[%mul3A_213, %dma_wait3A_222] : memref<10000x128xf32, #tpu.memory_space<vmem_shared>> -> memref<40x128xf32, #tpu.memory_space<vmem_shared>>
        tpu.wait_dma2 semaphore(%run_scoped3A : memref<!tpu.dma_semaphore, #tpu.memory_space<semaphore_mem>>) src(%dma_wait3A_223 : memref<40x128xf32, #tpu.memory_space<vmem_shared>>) dst(%arg18 : memref<40x128xf32, #tpu.memory_space<vmem>>)
        tpu.yield
      }) : () -> ()
      %mul3A_214 = arith.constant 40 : i32
      %mul3A_215 = arith.muli %add3A_206, %mul3A_214 : i32
      "tpu.region"() ({
        %run_scoped3A = tpu.sem_alloc : memref<!tpu.dma_semaphore, #tpu.memory_space<semaphore_mem>>
        %dma_start3A_216 = arith.constant 0 : i32
        %dma_start3A_217 = arith.constant 0 : i32
        %dma_start3A_218 = tpu.memref_slice %arg6[%arg0, %dma_start3A_216, %dma_start3A_217] : memref<2x10000x128xf32, #tpu.memory_space<hbm>> -> memref<1x10000x128xf32, #tpu.memory_space<hbm>>
        %dma_start3A_219 = tpu.memref_squeeze %dma_start3A_218 : memref<1x10000x128xf32, #tpu.memory_space<hbm>> -> memref<10000x128xf32, #tpu.memory_space<hbm>>
        %dma_start3A_220 = arith.constant 0 : i32
        %dma_start3A_221 = tpu.memref_slice %dma_start3A_219[%mul3A_215, %dma_start3A_220] : memref<10000x128xf32, #tpu.memory_space<hbm>> -> memref<40x128xf32, #tpu.memory_space<hbm>>
        %dma_start3A_222 = arith.constant 0 : i32
        %dma_start3A_223 = arith.constant 0 : i32
        %dma_start3A_224 = tpu.memref_slice %arg6[%arg0, %dma_start3A_222, %dma_start3A_223] : memref<2x10000x128xf32, #tpu.memory_space<hbm>> -> memref<1x10000x128xf32, #tpu.memory_space<hbm>>
        %dma_start3A_225 = tpu.memref_squeeze %dma_start3A_224 : memref<1x10000x128xf32, #tpu.memory_space<hbm>> -> memref<10000x128xf32, #tpu.memory_space<hbm>>
        %dma_start3A_226 = arith.constant 0 : i32
        %dma_start3A_227 = tpu.memref_slice %dma_start3A_225[%mul3A_215, %dma_start3A_226] : memref<10000x128xf32, #tpu.memory_space<hbm>> -> memref<40x128xf32, #tpu.memory_space<hbm>>
        tpu.enqueue_dma source(%arg18 : memref<40x128xf32, #tpu.memory_space<vmem>>) target(%dma_start3A_227 : memref<40x128xf32, #tpu.memory_space<hbm>>) target_semaphore(%run_scoped3A : memref<!tpu.dma_semaphore, #tpu.memory_space<semaphore_mem>>)
        %dma_wait3A_228 = arith.constant 0 : i32
        %dma_wait3A_229 = arith.constant 0 : i32
        %dma_wait3A_230 = tpu.memref_slice %arg6[%arg0, %dma_wait3A_228, %dma_wait3A_229] : memref<2x10000x128xf32, #tpu.memory_space<hbm>> -> memref<1x10000x128xf32, #tpu.memory_space<hbm>>
        %dma_wait3A_231 = tpu.memref_squeeze %dma_wait3A_230 : memref<1x10000x128xf32, #tpu.memory_space<hbm>> -> memref<10000x128xf32, #tpu.memory_space<hbm>>
        %dma_wait3A_232 = arith.constant 0 : i32
        %dma_wait3A_233 = tpu.memref_slice %dma_wait3A_231[%mul3A_215, %dma_wait3A_232] : memref<10000x128xf32, #tpu.memory_space<hbm>> -> memref<40x128xf32, #tpu.memory_space<hbm>>
        %dma_wait3A_234 = arith.constant 0 : i32
        %dma_wait3A_235 = arith.constant 0 : i32
        %dma_wait3A_236 = tpu.memref_slice %arg6[%arg0, %dma_wait3A_234, %dma_wait3A_235] : memref<2x10000x128xf32, #tpu.memory_space<hbm>> -> memref<1x10000x128xf32, #tpu.memory_space<hbm>>
        %dma_wait3A_237 = tpu.memref_squeeze %dma_wait3A_236 : memref<1x10000x128xf32, #tpu.memory_space<hbm>> -> memref<10000x128xf32, #tpu.memory_space<hbm>>
        %dma_wait3A_238 = arith.constant 0 : i32
        %dma_wait3A_239 = tpu.memref_slice %dma_wait3A_237[%mul3A_215, %dma_wait3A_238] : memref<10000x128xf32, #tpu.memory_space<hbm>> -> memref<40x128xf32, #tpu.memory_space<hbm>>
        tpu.wait_dma2 semaphore(%run_scoped3A : memref<!tpu.dma_semaphore, #tpu.memory_space<semaphore_mem>>) src(%arg18 : memref<40x128xf32, #tpu.memory_space<vmem>>) dst(%dma_wait3A_239 : memref<40x128xf32, #tpu.memory_space<hbm>>)
        tpu.yield
      }) : () -> ()
    } else {
    }
    return
  }
}

module attributes {stable_mosaic.version = 14 : i64} {
  func.func @_abc_body(%arg0: i32, %arg1: memref<3200x16xf32, #tpu.memory_space<vmem>>, %arg2: memref<16x128xf32, #tpu.memory_space<vmem>>, %arg3: memref<1x128xf32, #tpu.memory_space<vmem>>, %arg4: memref<2000x128xf32, #tpu.memory_space<vmem>>, %arg5: memref<256x128xf32, #tpu.memory_space<vmem>>, %arg6: memref<3200x128xf32, #tpu.memory_space<vmem>>, %arg7: memref<2000x128xf32, #tpu.memory_space<vmem>>, %arg8: memref<2000x128xf32, #tpu.memory_space<vmem>>) attributes {dimension_semantics = [#tpu.dimension_semantics<arbitrary>], iteration_bounds = array<i64: 100>, scalar_prefetch = 0 : i64, scratch_operands = 0 : i64, tpu.core_type = #tpu.core_type<tc>, window_params = [{transform_indices = @transform_0, window_bounds = array<i64: 3200, 16>}, {pipeline_mode = #tpu.pipeline_mode<synchronous>, transform_indices = @transform_1, window_bounds = array<i64: 16, 128>}, {pipeline_mode = #tpu.pipeline_mode<synchronous>, transform_indices = @transform_2, window_bounds = array<i64: 1, 128>}, {transform_indices = @transform_3, window_bounds = array<i64: 2000, 128>}, {pipeline_mode = #tpu.pipeline_mode<synchronous>, transform_indices = @transform_4, window_bounds = array<i64: 256, 128>}, {transform_indices = @transform_5, window_bounds = array<i64: 3200, 128>}, {transform_indices = @transform_6, window_bounds = array<i64: 2000, 128>}, {transform_indices = @transform_7, window_bounds = array<i64: 2000, 128>}]} {
    %get3A = arith.constant 0 : index
    %get3A_0 = arith.constant 0 : index
    %get3A_1 = vector.load %arg1[%get3A, %get3A_0] : memref<3200x16xf32, #tpu.memory_space<vmem>>, vector<3200x16xf32>
    %get3A_2 = arith.constant 0 : index
    %get3A_3 = arith.constant 0 : index
    %get3A_4 = vector.load %arg2[%get3A_2, %get3A_3] : memref<16x128xf32, #tpu.memory_space<vmem>>, vector<16x128xf32>
    %dot_general3A = arith.constant dense<0.000000e+00> : vector<3200x128xf32>
    %dot_general3A_5 = tpu.matmul %get3A_1, %get3A_4, %dot_general3A {dimension_numbers = #tpu.dot_dimension_numbers<[1], [0], [0], [1], [0, 0, 1, 1], [], []>, transpose_lhs_hint = false} : vector<3200x16xf32>, vector<16x128xf32>, vector<3200x128xf32> -> vector<3200x128xf32>
    %get3A_6 = arith.constant 0 : index
    %get3A_7 = arith.constant 0 : index
    %get3A_8 = vector.load %arg3[%get3A_6, %get3A_7] : memref<1x128xf32, #tpu.memory_space<vmem>>, vector<1x128xf32>
    %add3A = vector.broadcast %get3A_8 : vector<1x128xf32> to vector<3200x128xf32>
    %add3A_9 = arith.addf %dot_general3A_5, %add3A : vector<3200x128xf32>
    %swap3A = arith.constant 0 : index
    %swap3A_10 = arith.constant 0 : index
    %swap3A_11 = vector.load %arg6[%swap3A, %swap3A_10] : memref<3200x128xf32, #tpu.memory_space<vmem>>, vector<3200x128xf32>
    tpu.vector_store %arg6[%swap3A, %swap3A_10], %add3A_9 {strides = array<i32>} : memref<3200x128xf32, #tpu.memory_space<vmem>>, vector<3200x128xf32>,
    %lt3A = arith.constant 5 : i32
    %lt3A_12 = arith.cmpi slt, %arg0, %lt3A : i32
    %convert_element_type3A = arith.extui %lt3A_12 : i1 to i32
    %cond3A = arith.constant 0 : i32
    %cond3A_13 = arith.cmpi ne, %convert_element_type3A, %cond3A : i32
    scf.if %cond3A_13 {
      %get3A_14 = arith.constant 0 : index
      %get3A_15 = arith.constant 0 : index
      %get3A_16 = vector.load %arg4[%get3A_14, %get3A_15] : memref<2000x128xf32, #tpu.memory_space<vmem>>, vector<2000x128xf32>
      %get3A_17 = arith.constant 0 : index
      %get3A_18 = arith.constant 0 : index
      %get3A_19 = vector.load %arg5[%get3A_17, %get3A_18] : memref<256x128xf32, #tpu.memory_space<vmem>>, vector<128x128xf32>
      %dot_general3A_20 = arith.constant dense<0.000000e+00> : vector<2000x128xf32>
      %dot_general3A_21 = tpu.matmul %get3A_16, %get3A_19, %dot_general3A_20 {dimension_numbers = #tpu.dot_dimension_numbers<[1], [0], [0], [1], [0, 0, 1, 1], [], []>, transpose_lhs_hint = false} : vector<2000x128xf32>, vector<128x128xf32>, vector<2000x128xf32> -> vector<2000x128xf32>
      %swap3A_22 = arith.constant 0 : index
      %swap3A_23 = arith.constant 0 : index
      %swap3A_24 = vector.load %arg7[%swap3A_22, %swap3A_23] : memref<2000x128xf32, #tpu.memory_space<vmem>>, vector<2000x128xf32>
      tpu.vector_store %arg7[%swap3A_22, %swap3A_23], %dot_general3A_21 {strides = array<i32>} : memref<2000x128xf32, #tpu.memory_space<vmem>>, vector<2000x128xf32>,
      %get3A_25 = arith.constant 128 : index
      %get3A_26 = arith.constant 0 : index
      %get3A_27 = vector.load %arg5[%get3A_25, %get3A_26] : memref<256x128xf32, #tpu.memory_space<vmem>>, vector<128x128xf32>
      %dot_general3A_28 = arith.constant dense<0.000000e+00> : vector<2000x128xf32>
      %dot_general3A_29 = tpu.matmul %get3A_16, %get3A_27, %dot_general3A_28 {dimension_numbers = #tpu.dot_dimension_numbers<[1], [0], [0], [1], [0, 0, 1, 1], [], []>, transpose_lhs_hint = false} : vector<2000x128xf32>, vector<128x128xf32>, vector<2000x128xf32> -> vector<2000x128xf32>
      %swap3A_30 = arith.constant 0 : index
      %swap3A_31 = arith.constant 0 : index
      %swap3A_32 = vector.load %arg8[%swap3A_30, %swap3A_31] : memref<2000x128xf32, #tpu.memory_space<vmem>>, vector<2000x128xf32>
      tpu.vector_store %arg8[%swap3A_30, %swap3A_31], %dot_general3A_29 {strides = array<i32>} : memref<2000x128xf32, #tpu.memory_space<vmem>>, vector<2000x128xf32>,
    } else {
    }
    return
  }
  func.func @transform_0(%arg0: i32) -> (i32, i32) {
    %c0_i32 = arith.constant 0 : i32
    %c0_i32_0 = arith.constant 0 : i32
    return %arg0, %c0_i32 : i32, i32
  }
  func.func @transform_1(%arg0: i32) -> (i32, i32) {
    %c0_i32 = arith.constant 0 : i32
    %c0_i32_0 = arith.constant 0 : i32
    %c0_i32_1 = arith.constant 0 : i32
    return %c0_i32, %c0_i32_0 : i32, i32
  }
  func.func @transform_2(%arg0: i32) -> (i32, i32) {
    %c0_i32 = arith.constant 0 : i32
    %c0_i32_0 = arith.constant 0 : i32
    %c0_i32_1 = arith.constant 0 : i32
    return %c0_i32, %c0_i32_0 : i32, i32
  }
  func.func @transform_3(%arg0: i32) -> (i32, i32) {
    %min3A = arith.constant 4 : i32
    %min3A_0 = arith.minsi %arg0, %min3A : i32
    %c0_i32 = arith.constant 0 : i32
    %c0_i32_1 = arith.constant 0 : i32
    return %min3A_0, %c0_i32 : i32, i32
  }
  func.func @transform_4(%arg0: i32) -> (i32, i32) {
    %c0_i32 = arith.constant 0 : i32
    %c0_i32_0 = arith.constant 0 : i32
    %c0_i32_1 = arith.constant 0 : i32
    return %c0_i32, %c0_i32_0 : i32, i32
  }
  func.func @transform_5(%arg0: i32) -> (i32, i32) {
    %c0_i32 = arith.constant 0 : i32
    %c0_i32_0 = arith.constant 0 : i32
    return %arg0, %c0_i32 : i32, i32
  }
  func.func @transform_6(%arg0: i32) -> (i32, i32) {
    %min3A = arith.constant 4 : i32
    %min3A_0 = arith.minsi %arg0, %min3A : i32
    %c0_i32 = arith.constant 0 : i32
    %c0_i32_1 = arith.constant 0 : i32
    return %min3A_0, %c0_i32 : i32, i32
  }
  func.func @transform_7(%arg0: i32) -> (i32, i32) {
    %min3A = arith.constant 4 : i32
    %min3A_0 = arith.minsi %arg0, %min3A : i32
    %c0_i32 = arith.constant 0 : i32
    %c0_i32_1 = arith.constant 0 : i32
    return %min3A_0, %c0_i32 : i32, i32
  }
}

module attributes {stable_mosaic.version = 14 : i64} {
  func.func @_fin_body(%arg0: i32, %arg1: memref<2x2000x128xf32, #tpu.memory_space<vmem>>, %arg2: memref<2000x32xf32, #tpu.memory_space<vmem>>, %arg3: memref<128x128xf32, #tpu.memory_space<vmem>>, %arg4: memref<1x128xf32, #tpu.memory_space<vmem>>, %arg5: memref<2000x128xf32, #tpu.memory_space<vmem>>) attributes {dimension_semantics = [#tpu.dimension_semantics<arbitrary>], iteration_bounds = array<i64: 5>, scalar_prefetch = 0 : i64, scratch_operands = 0 : i64, tpu.core_type = #tpu.core_type<tc>, window_params = [{transform_indices = @transform_0, window_bounds = array<i64: 2, 2000, 128>}, {transform_indices = @transform_1, window_bounds = array<i64: 2000, 32>}, {pipeline_mode = #tpu.pipeline_mode<synchronous>, transform_indices = @transform_2, window_bounds = array<i64: 128, 128>}, {pipeline_mode = #tpu.pipeline_mode<synchronous>, transform_indices = @transform_3, window_bounds = array<i64: 1, 128>}, {transform_indices = @transform_4, window_bounds = array<i64: 2000, 128>}]} {
    %get3A = arith.constant 0 : index
    %get3A_0 = arith.constant 0 : index
    %get3A_1 = arith.constant 0 : index
    %get3A_2 = vector.load %arg1[%get3A, %get3A_0, %get3A_1] : memref<2x2000x128xf32, #tpu.memory_space<vmem>>, vector<1x2000x128xf32>
    %get3A_3 = vector.shape_cast %get3A_2 : vector<1x2000x128xf32> to vector<2000x128xf32>
    %get3A_4 = arith.constant 1 : index
    %get3A_5 = arith.constant 0 : index
    %get3A_6 = arith.constant 0 : index
    %get3A_7 = vector.load %arg1[%get3A_4, %get3A_5, %get3A_6] : memref<2x2000x128xf32, #tpu.memory_space<vmem>>, vector<1x2000x128xf32>
    %get3A_8 = vector.shape_cast %get3A_7 : vector<1x2000x128xf32> to vector<2000x128xf32>
    %add3A = arith.addf %get3A_3, %get3A_8 : vector<2000x128xf32>
    %get3A_9 = arith.constant 0 : index
    %get3A_10 = arith.constant 0 : index
    %get3A_11 = vector.load %arg2[%get3A_9, %get3A_10] : memref<2000x32xf32, #tpu.memory_space<vmem>>, vector<2000x32xf32>
    %reduce_sum3A = arith.constant dense<0.000000e+00> : vector<2000xf32>
    %reduce_sum3A_12 = vector.multi_reduction <add>, %get3A_11, %reduce_sum3A [1] : vector<2000x32xf32> to vector<2000xf32>
    %get3A_13 = arith.constant 0 : index
    %get3A_14 = arith.constant 0 : index
    %get3A_15 = vector.load %arg3[%get3A_13, %get3A_14] : memref<128x128xf32, #tpu.memory_space<vmem>>, vector<128x128xf32>
    %dot_general3A = arith.constant dense<0.000000e+00> : vector<2000x128xf32>
    %dot_general3A_16 = tpu.matmul %add3A, %get3A_15, %dot_general3A {dimension_numbers = #tpu.dot_dimension_numbers<[1], [0], [0], [1], [0, 0, 1, 1], [], []>, transpose_lhs_hint = false} : vector<2000x128xf32>, vector<128x128xf32>, vector<2000x128xf32> -> vector<2000x128xf32>
    %broadcast_in_dim3A = vector.shape_cast %reduce_sum3A_12 : vector<2000xf32> to vector<2000x1xf32>
    %get3A_17 = arith.constant 0 : index
    %get3A_18 = arith.constant 0 : index
    %get3A_19 = vector.load %arg4[%get3A_17, %get3A_18] : memref<1x128xf32, #tpu.memory_space<vmem>>, vector<1x128xf32>
    %mul3A = vector.broadcast %broadcast_in_dim3A : vector<2000x1xf32> to vector<2000x128xf32>
    %mul3A_20 = vector.broadcast %get3A_19 : vector<1x128xf32> to vector<2000x128xf32>
    %mul3A_21 = arith.mulf %mul3A, %mul3A_20 : vector<2000x128xf32>
    %add3A_22 = arith.addf %dot_general3A_16, %mul3A_21 : vector<2000x128xf32>
    %swap3A = arith.constant 0 : index
    %swap3A_23 = arith.constant 0 : index
    %swap3A_24 = vector.load %arg5[%swap3A, %swap3A_23] : memref<2000x128xf32, #tpu.memory_space<vmem>>, vector<2000x128xf32>
    tpu.vector_store %arg5[%swap3A, %swap3A_23], %add3A_22 {strides = array<i32>} : memref<2000x128xf32, #tpu.memory_space<vmem>>, vector<2000x128xf32>,
    return
  }
  func.func @transform_0(%arg0: i32) -> (i32, i32, i32) {
    %c0_i32 = arith.constant 0 : i32
    %c0_i32_0 = arith.constant 0 : i32
    %c0_i32_1 = arith.constant 0 : i32
    return %c0_i32, %arg0, %c0_i32_0 : i32, i32, i32
  }
  func.func @transform_1(%arg0: i32) -> (i32, i32) {
    %c0_i32 = arith.constant 0 : i32
    %c0_i32_0 = arith.constant 0 : i32
    return %arg0, %c0_i32 : i32, i32
  }
  func.func @transform_2(%arg0: i32) -> (i32, i32) {
    %c0_i32 = arith.constant 0 : i32
    %c0_i32_0 = arith.constant 0 : i32
    %c0_i32_1 = arith.constant 0 : i32
    return %c0_i32, %c0_i32_0 : i32, i32
  }
  func.func @transform_3(%arg0: i32) -> (i32, i32) {
    %c0_i32 = arith.constant 0 : i32
    %c0_i32_0 = arith.constant 0 : i32
    %c0_i32_1 = arith.constant 0 : i32
    return %c0_i32, %c0_i32_0 : i32, i32
  }
  func.func @transform_4(%arg0: i32) -> (i32, i32) {
    %c0_i32 = arith.constant 0 : i32
    %c0_i32_0 = arith.constant 0 : i32
    return %arg0, %c0_i32 : i32, i32
  }
}

</mosaic_0001>

<sc_bundles>
// kernel: kernel.5.cloned.1.call-start
scs
__scs_entry_jumppad:
0x0: {  	(pc) =	sbr.rel $0x88, $3  }
0x1: {  	(tag) =	ssettag $0x0;
	lr =	simm.s32 $0x1  }
0x2: {  	[smem:$0x3F9A] =	sst lr;
	_ =	strace $0xD0000000  }
0x3: {  	_ = 	snop  }
0x4: {  	_ = 	snop  }
0x5: {  	_ = 	snop  }
0x6: {  	_ = 	snop  }
0x7: {  	_ = 	snop  }
__scs_overlays_trampoline_lowered:
0x8: {  	[smem:$0x3FA9] =	sst s0  }
0x9: {  	[smem:$0x3FAA] =	sst s1  }
0xa: {  	[smem:$0x3FAB] =	sst s2  }
0xb: {  	[smem:$0x3FAC] =	sst s3  }
0xc: {  	[smem:$0x3FAD] =	sst s4  }
0xd: {  	[smem:$0x3FAE] =	sst s5  }
0xe: {  	[smem:$0x3FAF] =	sst s6  }
0xf: {  	[smem:$0x3FB0] =	sst s7  }
0x10: {  	[smem:$0x3FB1] =	sst s8  }
0x11: {  	[smem:$0x3FB2] =	sst s9;
	s0 =	simm.s32 @!p0 $0x0  }
0x12: {  	s1 =	sld [smem:$0x3F98];
	s0 =	simm.s32 @p0 $0x1  }
0x13: {  	[smem:$0x3FB3] =	sst s0;
	s0 =	simm.s32 @!p1 $0x0  }
0x14: {  	s2 =	sld [smem:$0x3F97];
	s0 =	simm.s32 @p1 $0x1  }
0x15: {  	[smem:$0x3FB4] =	sst s0;
	s0 =	simm.s32 @!p2 $0x0  }
0x16: {  	s3 =	sld [smem:$0x3FDB];
	s0 =	simm.s32 @p2 $0x1  }
0x17: {  	s4 =	simm.s32 $0x1BF5;
	[smem:$0x3FB6] =	sst s0  }
0x18: {  	s0 =	sld [smem:$0x3F99];
	_ =	swait.ge [sflag:s4], $0x0  }
0x19: {  	s7 =	sld [smem:$0x3F9A]  }
0x1a: {  	s8 =	sadd.s32 $0xFFFFE003, lr  }
0x1b: {  	s9 =	sadd.s32 $0xFFFFFEF7, lr;
	s5 =	simm.s32 $0xFFFFFFFF;
	p2 =	slt.u32 s8, $0xFFFFF086  }
0x1c: {  	p1 =	slt.u32 s9, $0xF7A;
	s5 =	simm.s32 @!p2 $0x0  }
0x1d: {  	s5 =	simm.s32 @p1 $0x1;
	p0 =	seq.s32 s7, s2  }
0x1e: {  	s7 =	smul.u32 @!p0 $0xF7A, s2;
	p2 =	seq.s32 @!p0 s5, $0x0  }
0x1f: {  	s9 =	smul.u32 $0xF7A, s1;
	s8 =	simm.s32 @!p0 $0x1BF5;
	p2 =	por !p2, p0  }
0x20: {  	[sflag:s8] =	ssyncset.s32 @!p0 $0xFFFFF086;
	s6 =	sadd.s32 @!p0 s3, s7;
	s7 =	simm.s32 @!p0 $0x108  }
0x21: {  	s3 =	sadd.s32 s3, s9;
	s6 =	sadd.s32 @!p0 $0x88, s6;
	s7 =	simm.s32 @p2 $0x1082  }
0x22: {  	[simem:s7], [sflag:s8] =	dma.local @!p0 [hbm:s6], $0xF7A  }
0x23: {  	s9 =	sor.u32 $0xD0000000, s2;
	s6 =	simm.s32 $0x108;
	_ =	swait.ge @!p0 [sflag:s8], $0x0  }
0x24: {  	s3 =	sadd.s32 $0x88, s3;
	s6 =	simm.s32 @!p1 $0x1082;
	[sflag:s4] =	ssyncset.s32 $0xFFFFF086  }
0x25: {  	[simem:s6], [sflag:s4] =	dma.local [hbm:s3], $0xF7A  }
0x26: {  	[smem:$0x3F9A] =	sst s1;
	(tag) =	ssettag s2;
	_ =	strace s9  }
0x27: {  	s1 =	sld [smem:$0x3FAA]  }
0x28: {  	s2 =	sld [smem:$0x3FAB]  }
0x29: {  	s4 =	sld [smem:$0x3FAD]  }
0x2a: {  	p0 =	seq.s32 s5, $0x0;
	s5 =	sld [smem:$0x3FAE]  }
0x2b: {  	s6 =	sld [smem:$0x3FAF]  }
0x2c: {  	s7 =	sld [smem:$0x3FB0]  }
0x2d: {  	s3 =	simm.s32 $0x108;
	s8 =	sld [smem:$0x3FB1]  }
0x2e: {  	s3 =	simm.s32 @!p0 $0x1082;
	s9 =	sld [smem:$0x3FB2]  }
0x2f: {  	lr =	sadd.s32 s0, s3;
	s0 =	sld [smem:$0x3FA9]  }
0x30: {  	s3 =	sld [smem:$0x3FAC]  }
0x31: {  	[smem:$0x3FB5] =	sst s10  }
0x32: {  	s10 =	sld [smem:$0x3FB3];
	_ =	sdelay $0x3  }
0x33: {  	p0 =	seq.s32 s10, $0x1;
	s10 =	sld [smem:$0x3FB5];
	_ =	sdelay $0x3  }
0x34: {  	[smem:$0x3FB5] =	sst s10  }
0x35: {  	s10 =	sld [smem:$0x3FB4];
	_ =	sdelay $0x3  }
0x36: {  	p1 =	seq.s32 s10, $0x1;
	s10 =	sld [smem:$0x3FB5];
	_ =	sdelay $0x3  }
0x37: {  	[smem:$0x3FB5] =	sst s10  }
0x38: {  	s10 =	sld [smem:$0x3FB6]  }
0x39: {  	_ = 	snop;
	(pc) =	sbr.ind lr, $3  }
0x3a: {  	_ = 	snop  }
0x3b: {  	_ = 	snop  }
0x3c: {  	p2 =	seq.s32 s10, $0x1;
	s10 =	sld [smem:$0x3FB5]  }
0x3d: {  	_ =	shalt  }
0x3e: {  	_ =	shalt  }
0x3f: {  	_ =	shalt  }
0x40: {  	_ =	shalt  }
0x41: {  	_ =	shalt  }
0x42: {  	_ =	shalt  }
0x43: {  	_ =	shalt  }
0x44: {  	_ =	shalt  }
0x45: {  	_ =	shalt  }
0x46: {  	_ =	shalt  }
0x47: {  	_ =	shalt  }
0x48: {  	_ =	shalt  }
0x49: {  	_ =	shalt  }
0x4a: {  	_ =	shalt  }
0x4b: {  	_ =	shalt  }
0x4c: {  	_ =	shalt  }
0x4d: {  	_ =	shalt  }
0x4e: {  	_ =	shalt  }
0x4f: {  	_ =	shalt  }
0x50: {  	_ =	shalt  }
0x51: {  	_ =	shalt  }
0x52: {  	_ =	shalt  }
0x53: {  	_ =	shalt  }
0x54: {  	_ =	shalt  }
0x55: {  	_ =	shalt  }
0x56: {  	_ =	shalt  }
0x57: {  	_ =	shalt  }
0x58: {  	_ =	shalt  }
0x59: {  	_ =	shalt  }
0x5a: {  	_ =	shalt  }
0x5b: {  	_ =	shalt  }
0x5c: {  	_ =	shalt  }
0x5d: {  	_ =	shalt  }
0x5e: {  	_ =	shalt  }
0x5f: {  	_ =	shalt  }
0x60: {  	_ =	shalt  }
0x61: {  	_ =	shalt  }
0x62: {  	_ =	shalt  }
0x63: {  	_ =	shalt  }
0x64: {  	_ =	shalt  }
0x65: {  	_ =	shalt  }
0x66: {  	_ =	shalt  }
0x67: {  	_ =	shalt  }
0x68: {  	_ =	shalt  }
0x69: {  	_ =	shalt  }
0x6a: {  	_ =	shalt  }
0x6b: {  	_ =	shalt  }
0x6c: {  	_ =	shalt  }
0x6d: {  	_ =	shalt  }
0x6e: {  	_ =	shalt  }
0x6f: {  	_ =	shalt  }
0x70: {  	_ =	shalt  }
0x71: {  	_ =	shalt  }
0x72: {  	_ =	shalt  }
0x73: {  	_ =	shalt  }
0x74: {  	_ =	shalt  }
0x75: {  	_ =	shalt  }
0x76: {  	_ =	shalt  }
0x77: {  	_ =	shalt  }
0x78: {  	_ =	shalt  }
0x79: {  	_ =	shalt  }
0x7a: {  	_ =	shalt  }
0x7b: {  	_ =	shalt  }
0x7c: {  	_ =	shalt  }
0x7d: {  	_ =	shalt  }
0x7e: {  	_ =	shalt  }
0x7f: {  	_ =	shalt  }
0x80: {  	_ =	shalt  }
0x81: {  	_ =	shalt  }
0x82: {  	_ =	shalt  }
0x83: {  	_ =	shalt  }
0x84: {  	_ =	shalt  }
0x85: {  	_ =	shalt  }
0x86: {  	_ =	shalt  }
0x87: {  	_ =	shalt  }
.Lfunc_end0:
.L_simem_size_0:
called_computation_lowered:
.L_overlay_start_0:
0x88: {  	s2 =	sld [smem:$0x3FD9]  }
0x89: {  	s3 =	sld [smem:$0x3FFE];
	_ =	sdelay $0x1  }
0x8a: {  	s1 =	srdreg.scid  }
0x8b: {  	s0 =	sand.u32 $0x1, s1  }
0x8c: {  	s17 =	sshll.u32 s0, $0xA;
	s2 =	sadd.s32 s3, s2  }
0x8d: {  	s2 =	sadd.s32 s2, s17  }
0x8e: {  	[smem:$0x3FC1] =	sst s2  }
0x8f: {  	_ = 	snop  }
0x90: {  	s2 =	sld [smem:$0x3FD0];
	(tm) =	ssettm $0x1  }
0x91: {  	s18 =	sld [smem:$0x3FFB];
	_ =	sdelay $0x3  }
0x92: {  	_ =	strace s18  }
0x93: {  	s3 =	sld [smem:$0x3FFC];
	_ =	sdelay $0x3  }
0x94: {  	_ =	strace s3  }
0x95: {  	s3 =	sld [smem:$0x3FFD];
	_ =	sdelay $0x3  }
0x96: {  	_ =	strace s3  }
0x97: {  	_ =	strace $0x8FFFFFFF  }
0x98: {  	s19 =	sld [smem:$0x3FDB];
	_ =	sdelay $0x1  }
0x99: {  	s4 =	simm.s32 $_scs_section_size  }
0x9a: {  	s5 =	simm.s32 $_size__tile_overlayer_lowered;
	s6 =	simm.s32 $_tile_overlayer_lowered  }
0x9b: {  	s22 =	simm.s32 $0x1BFF;
	s21 =	sshll.u32 s6, $0x1;
	s3 =	sadd.s32 s4, s19  }
0x9c: {  	s7 =	simm.s32 $0x0;
	s20 =	sshll.u32 s5, $0x1;
	s5 =	sadd.s32 s21, s3  }
0x9d: {  	[timem:s7], [sflag:s22] =	dma.local [hbm:s5], s20  }
0x9e: {  	_ =	swait.ge [sflag:s22], s20  }
0x9f: {  	s4 =	ssub.s32 $0x0, s20;
	[sflag:s22] =	ssyncset.done $0x0  }
0xa0: {  	[sflag:s22] =	ssyncadd.s32 s4;
	_ =	sdelay $0x1  }
0xa1: {  	s23 =	simm.s32 $0x1B8B  }
0xa2: {  	_ =	swait.ge [sflag:s23], $0x1  }
0xa3: {  	[sflag:s23] =	ssyncset.done $0x0  }
0xa4: {  	s25 =	simm.s32 $0x1B8E;
	s24 =	sld [smem:$0x3FFE];
	[sflag:s23] =	ssyncadd.s32 $0xFFFFFFFF  }
0xa5: {  	s26 =	simm.s32 $execute0_lowered;
	[smem:$0x3FD2] =	sst s25  }
0xa6: {  	s5 =	sshll.u32 s26, $0x1;
	_ =	strace $0x80000046;
	[dreg:$0x1] =	wrdreg $0xFFFFFFFF  }
0xa7: {  	s28 =	simm.s32 $_size_execute0_lowered;
	s3 =	sadd.s32 s3, s5;
	[dreg:$0x0] =	wrdreg $0x0  }
0xa8: {  	s5 =	sshll.u32 s28, $0x1;
	[dreg:$0x2] =	wrdreg s3  }
0xa9: {  	[dreg:$0x3] =	wrdreg s5  }
0xaa: {  	[dreg:$0x4] =	wrdreg $0xC0  }
0xab: {  	_ =	task [dreg:s7], $0x5FFFF  }
0xac: {  	[dreg:$0x1] =	wrdreg $0xFFFFFFFF  }
0xad: {  	[dreg:$0x0] =	wrdreg $0x60  }
0xae: {  	[dreg:$0x2] =	wrdreg s2  }
0xaf: {  	[dreg:$0x3] =	wrdreg s24  }
0xb0: {  	[dreg:$0x4] =	wrdreg $0x0  }
0xb1: {  	[dreg:$0x5] =	wrdreg $0x9  }
0xb2: {  	_ =	task.clear_ibuf [dreg:s7], $0x6FFFF;
	_ =	strace $0x90000046  }
0xb3: {  	s29 =	simm.s32 $0x9;
	_ =	strace $0x80000048  }
0xb4: {  	_ =	swait.ge [sflag:s29], $0x1  }
0xb5: {  	[sflag:s29] =	ssyncadd.s32 $0xFFFFFFFF  }
0xb6: {  	_ =	strace $0x90000048  }
0xb7: {  	_ =	sfence  }
0xb8: {  	s30 =	sld [smem:$0x0];
	_ =	sdelay $0x2  }
0xb9: {  	s31 =	sshll.u32 s1, $0xD;
	s1 =	sshrl.u32 s1, $0x2  }
0xba: {  	s3 =	sand.u32 $0x4000, s31;
	s1 =	sadd.s32 s1, s30  }
0xbb: {  	s0 =	sor.u32 s3, s0;
	s1 =	sshll.u32 s1, $0x11  }
0xbc: {  	s0 =	sor.u32 s1, s0  }
0xbd: {  	s0 =	sadd.s32 $0x8F2B, s0  }
0xbe: {  	[sflag:s0] =	ssyncadd.remote.s32 $0x1  }
0xbf: {  	_ =	sfence.sel $0xFFFF  }
0xc0: {  	[dreg:$0x0] =	wrdreg $0xFFFFFFFF;
	(pc) =	sbr.abs _section_cstart, $3  }
0xc1: {  	[dreg:$0x1] =	wrdreg $0xFFFFFFFF  }
0xc2: {  	_ =	task.clear_ibuf [dreg:s7], $0x2FFFF;
	_ =	strace $0x9FFFFFFF  }
0xc3: {  	(tm) =	ssettm $0x7FFFFFFF  }
tec
execute0_lowered:
.L_overlay_start_1:
0x0: {  	(tag) =	ssettag $0x1  }
0x1: {  	s0 =	srdreg.scid  }
0x2: {  	s4 =	rddreg [dreg:$0x1];
	s7 =	stileid.u32;
	s0 =	sand.u32 $0x1, s0  }
0x3: {  	s2 =	simm.s32 $0x0;
	s30 =	sor.u32 $0x10, s7;
	s1 =	smul.u32 $0x27100, s0  }
0x4: {  	[smem:$0x7FF] =	sst s2;
	s31 =	sshll.u32 s7, $0x1;
	s3 =	smul.u32 $0xA000, s30  }
0x5: {  	s21 =	sor.u32 $0x20, s7;
	s26 =	sor.u32 $0x30, s7;
	s2 =	smul.u32 $0x1400, s30  }
0x6: {  	s24 =	sor.u32 $0x40, s7;
	s18 =	sor.u32 $0x50, s7;
	s9 =	smul.u32 $0x1400, s26  }
0x7: {  	s16 =	sor.u32 $0x60, s7;
	s14 =	sor.u32 $0x70, s7;
	s6 =	smul.u32 $0x1400, s24  }
0x8: {  	p0 =	sgt.u32 s7, $0x9;
	s11 =	smul.u32 $0x1400, s18;
	[smem:$0x7E0] =	sst s3  }
0x9: {  	s8 =	sadd.s32 s1, s4;
	s3 =	sor.u32 s0, s31;
	[smem:$0x7E1] =	sst s2  }
0xa: {  	s0 =	ssub.s32 $0x2, s0;
	s1 =	smul.u32 $0x1400, s7;
	[smem:$0x7E5] =	sst s9  }
0xb: {  	[smem:$0x7E7] =	sst s6;
	s12 =	sshrl.u32 s2, $0x3;
	s15 =	sshrl.u32 s9, $0x3  }
0xc: {  	s17 =	sshrl.u32 s6, $0x3;
	s19 =	sshrl.u32 s11, $0x3;
	s5 =	sshrl.u32 s0, $0x1  }
0xd: {  	s9 =	smul.u32 $0x1400, s16;
	s22 =	sadd.s32 $0x32C00, s8;
	s0 =	ssub.s32 s0, s5  }
0xe: {  	s5 =	smul.u32 $0x1400, s21;
	s12 =	sadd.s32 s12, s22;
	[smem:$0x7F4] =	sst s0  }
0xf: {  	s10 =	sshrl.u32 s1, $0x3;
	s15 =	sadd.s32 s15, s22;
	[dreg:$0x5] =	wrdreg s12  }
0x10: {  	s17 =	sadd.s32 s17, s22;
	s19 =	sadd.s32 s19, s22;
	[dreg:$0x7] =	wrdreg s15  }
0x11: {  	s20 =	sshrl.u32 s9, $0x3;
	s10 =	sadd.s32 s10, s22;
	[dreg:$0x8] =	wrdreg s17  }
0x12: {  	[dreg:$0x9] =	wrdreg s19;
	s23 =	sadd.s32 s20, s22;
	s12 =	sor.u32 $0xA0000, s1  }
0x13: {  	s15 =	sadd.s32 $0xC8000, s1;
	s20 =	sadd.s32 $0xDC000, s1;
	[smem:$0x7E3] =	sst s5  }
0x14: {  	s13 =	sshrl.u32 s5, $0x3;
	[dreg:$0x4] =	wrdreg s10;
	s10 =	smul.u32 $0x1400, s14  }
0x15: {  	[dreg:$0xa] =	wrdreg s23;
	s30 =	sshrl.u32 s12, $0x3;
	s13 =	sadd.s32 s13, s22  }
0x16: {  	s5 =	sshrl.u32 s15, $0x3;
	s31 =	sadd.s32 s30, s22;
	[dreg:$0x6] =	wrdreg s13  }
0x17: {  	s8 =	sshrl.u32 s20, $0x3;
	s6 =	sadd.s32 s5, s22;
	[dreg:$0xc] =	wrdreg s31  }
0x18: {  	s24 =	smul.u32 $0xA000, s24;
	s17 =	sadd.s32 s8, s22;
	[dreg:$0xe] =	wrdreg s6  }
0x19: {  	s29 =	sadd.s32 $0x118000, s1;
	s25 =	sshrl.u32 s10, $0x3;
	[dreg:$0xf] =	wrdreg s17  }
0x1a: {  	s13 =	sadd.s32 $0xB4000, s1;
	s17 =	rddreg [dreg:$0x0];
	s6 =	smul.u32 $0xA000, s7  }
0x1b: {  	s28 =	sadd.s32 s25, s22;
	s0 =	sshrl.u32 s13, $0x3;
	s25 =	sadd.s32 $0xF0000, s1  }
0x1c: {  	[dreg:$0xb] =	wrdreg s28;
	s2 =	sadd.s32 s0, s22;
	s19 =	sshrl.u32 s25, $0x3  }
0x1d: {  	s28 =	sadd.s32 $0x104000, s1;
	[dreg:$0xd] =	wrdreg s2;
	s23 =	sadd.s32 s19, s22  }
0x1e: {  	s30 =	sshrl.u32 s28, $0x3;
	s2 =	sshrl.u32 s29, $0x3;
	s19 =	rddreg [dreg:$0x2]  }
0x1f: {  	[dreg:$0x10] =	wrdreg s23;
	s31 =	sadd.s32 s30, s22;
	s5 =	sadd.s32 s2, s22  }
0x20: {  	s30 =	sadd.s32 $0x12C000, s1;
	s23 =	smul.u32 $0x500, s3;
	s2 =	sshrl.u32 s24, $0x2  }
0x21: {  	s1 =	sadd.s32 s1, s19;
	[dreg:$0x11] =	wrdreg s31;
	s31 =	sshrl.u32 s30, $0x3  }
0x22: {  	[dreg:$0x12] =	wrdreg s5;
	s24 =	sadd.s32 s2, s19;
	s0 =	sadd.s32 @!p0 s31, s22  }
0x23: {  	s31 =	smul.u32 $0xA000, s21;
	s8 =	sadd.s32 s23, s4;
	s21 =	sadd.s32 $0x4F7400, s4  }
0x24: {  	s22 =	sadd.s32 $0x1A00, s4;
	[dreg:$0x13] =	wrdreg s0;
	s8 =	sadd.s32 $0x28C00, s8  }
0x25: {  	s23 =	sadd.s32 $0x4E3A00, s4;
	_ =	strace $0x80000047;
	[dreg:$0x1e] =	wrdreg s8  }
0x26: {  	s4 =	smul.u32 $0xA000, s26;
	s0 =	sshrl.u32 s6, $0x2;
	[dreg:$0x1f] =	wrdreg s1  }
0x27: {  	s6 =	sadd.s32 s0, s19;
	s0 =	smul.u32 $0xA000, s18;
	[dreg:$0x18] =	wrdreg s24  }
0x28: {  	s18 =	smul.u32 $0x2710, s3;
	s26 =	sld [smem:$0x7E0]  }
0x29: {  	s31 =	sshrl.u32 s31, $0x2;
	s3 =	smul.u32 $0x27100, s3;
	s8 =	sld [smem:$0x7E3]  }
0x2a: {  	s16 =	smul.u32 $0xA000, s16;
	s31 =	sadd.s32 s31, s19;
	[dreg:$0x14] =	wrdreg s6  }
0x2b: {  	s0 =	sshrl.u32 s0, $0x2;
	s3 =	sadd.s32 s21, s3;
	[dreg:$0x16] =	wrdreg s31  }
0x2c: {  	s16 =	sshrl.u32 s16, $0x2;
	s2 =	sadd.s32 s0, s19;
	[dreg:$0x1d] =	wrdreg s3  }
0x2d: {  	s4 =	sshrl.u32 s4, $0x2;
	s0 =	sadd.s32 s16, s19;
	[dreg:$0x19] =	wrdreg s2  }
0x2e: {  	s5 =	sshrl.u32 s26, $0x2;
	[dreg:$0x1a] =	wrdreg s0;
	s0 =	sadd.s32 $0x1400, s0  }
0x2f: {  	s26 =	sadd.s32 s5, s19;
	s5 =	sadd.s32 s4, s19;
	[smem:$0x7FC] =	sst s0  }
0x30: {  	s4 =	smul.u32 $0xA000, s14;
	s14 =	sshrl.u32 s18, $0x3;
	[dreg:$0x15] =	wrdreg s26  }
0x31: {  	s14 =	sadd.s32 s23, s14;
	[dreg:$0x17] =	wrdreg s5  }
0x32: {  	s3 =	sadd.s32 $0x28, s18;
	s4 =	sshrl.u32 s4, $0x2;
	[dreg:$0x1c] =	wrdreg s14  }
0x33: {  	s16 =	sadd.s32 s4, s19;
	s4 =	sadd.s32 $0x50, s18;
	s18 =	sld [smem:$0x7E1]  }
0x34: {  	s14 =	sld [smem:$0x7E5]  }
0x35: {  	[dreg:$0x1b] =	wrdreg s16  }
0x36: {  	s1 =	sadd.s32 s18, s19;
	s18 =	sld [smem:$0x7E7]  }
0x37: {  	[smem:$0x7E2] =	sst s1;
	s1 =	sadd.s32 s8, s19;
	s8 =	sadd.s32 s11, s19  }
0x38: {  	s11 =	sadd.s32 s9, s19;
	s9 =	sadd.s32 s15, s19;
	s15 =	sld [smem:$0x7F4]  }
0x39: {  	[smem:$0x7E4] =	sst s1  }
0x3a: {  	[smem:$0x7E9] =	sst s8  }
0x3b: {  	[smem:$0x7EA] =	sst s11  }
0x3c: {  	s1 =	sadd.s32 s14, s19;
	[smem:$0x7EE] =	sst s9  }
0x3d: {  	p1 =	sgt.u32 s7, $0xC;
	s14 =	sadd.s32 s10, s19;
	[smem:$0x7E6] =	sst s1  }
0x3e: {  	s7 =	simm.s32 $0x18970;
	s8 =	sadd.s32 s13, s19;
	[smem:$0x7EB] =	sst s14  }
0x3f: {  	s0 =	simm.s32 $0x28;
	s10 =	sadd.s32 s20, s19;
	[smem:$0x7ED] =	sst s8  }
0x40: {  	s11 =	sadd.s32 s25, s19;
	s13 =	sadd.s32 s29, s19;
	[smem:$0x7EF] =	sst s10  }
0x41: {  	s20 =	sadd.s32 $0x1400, s26;
	s25 =	sadd.s32 $0x1400, s31;
	[smem:$0x7F0] =	sst s11  }
0x42: {  	s26 =	sadd.s32 $0x1400, s5;
	s31 =	sadd.s32 $0x1400, s16;
	[smem:$0x7F2] =	sst s13  }
0x43: {  	s5 =	simm.s32 $0x17570;
	s9 =	simm.s32 $0x1;
	[smem:$0x7F7] =	sst s20  }
0x44: {  	s16 =	simm.s32 $0x6;
	s29 =	simm.s32 $0x0;
	[smem:$0x7F8] =	sst s25  }
0x45: {  	s1 =	sadd.s32 s18, s19;
	s18 =	sadd.s32 s12, s19;
	[smem:$0x7F9] =	sst s26  }
0x46: {  	s12 =	sadd.s32 s28, s19;
	s14 =	sadd.s32 s30, s19;
	[smem:$0x7FD] =	sst s31  }
0x47: {  	s28 =	sadd.s32 $0x1400, s24;
	s30 =	sadd.s32 $0x1400, s2;
	[smem:$0x7E8] =	sst s1  }
0x48: {  	s20 =	simm.s32 $0x9;
	s8 =	simm.s32 $0x19D70;
	[smem:$0x7EC] =	sst s18  }
0x49: {  	s10 =	simm.s32 $0x2;
	s11 =	simm.s32 $0x3;
	[smem:$0x7F1] =	sst s12  }
0x4a: {  	s13 =	simm.s32 $0x4;
	s24 =	simm.s32 $0x7;
	[smem:$0x7F3] =	sst s14  }
0x4b: {  	s25 =	simm.s32 $0x13948;
	s1 =	smax.u32 s15, $0x1;
	[smem:$0x7FA] =	sst s28  }
0x4c: {  	s18 =	sadd.s32 $0x1400, s6;
	[smem:$0x7FB] =	sst s30;
	s6 =	simm.s32 $0x138F8  }
0x4d: {  	s12 =	simm.s32 $0x13920;
	s14 =	simm.s32 $0x5;
	[smem:$0x7F5] =	sst s1  }
0x4e: {  	v0 =	vimm.f32 $0.0e+00;
	v1 =	vlaneseq.u32;
	s15 =	simm.s32 $0x0;
	[smem:$0x7F6] =	sst s18;
	s18 =	simm.s32 $0x1B170  }
.LBB2_1:
0x4f: {  	s1 =	simm.s32 $0x0;
	s2 =	simm.s32 $0x200  }
.LBB2_2:
0x50: {  	p2 =	sne.s32 s2, $0x4E00;
	[tilespmem:s1+$0x1B1E0] =	vst v0  }
0x51: {  	[tilespmem:s1+$0x1B170] =	vst v0  }
0x52: {  	[tilespmem:s1+$0x1B180] =	vst v0  }
.Ltmp0:
0x53: {  	[tilespmem:s1+$0x1B190] =	vst v0;
	(pc) =	sbr.rel @p2 .LBB2_2-.Ltmp0, $4  }
0x54: {  	[tilespmem:s1+$0x1B1A0] =	vst v0  }
0x55: {  	[tilespmem:s1+$0x1B1B0] =	vst v0  }
0x56: {  	[tilespmem:s1+$0x1B1C0] =	vst v0  }
0x57: {  	[tilespmem:s1+$0x1B1D0] =	vst v0;
	s1 =	sshra.s32 s2, $0x2;
	s2 =	sadd.s32 $0x200, s2  }
0x58: {  	[tilespmem:s1+$0x1B1E0] =	vst v0  }
0x59: {  	[tilespmem:s1+$0x1B170] =	vst v0  }
0x5a: {  	[tilespmem:s1+$0x1B180] =	vst v0  }
0x5b: {  	[tilespmem:s1+$0x1B190] =	vst v0  }
0x5c: {  	[tilespmem:s1+$0x1B1A0] =	vst v0  }
0x5d: {  	[tilespmem:s1+$0x1B1B0] =	vst v0  }
0x5e: {  	[tilespmem:s1+$0x1B1C0] =	vst v0  }
0x5f: {  	[smem:$0x7DF] =	sst s15;
	[tilespmem:s1+$0x1B1D0] =	vst v0;
	s1 =	simm.s32 $0x40;
	s2 =	simm.s32 $0x0  }
.LBB2_4:
0x60: {  	p2 =	sne.s32 s1, $0x9FC0;
	[tilespmem:s2+$0x1C570] =	vst v0;
	s2 =	smov.u32 s1;
	s1 =	sadd.s32 $0x40, s1  }
.Ltmp1:
0x61: {  	(pc) =	sbr.rel @p2 .LBB2_4-.Ltmp1, $2  }
0x62: {  	_ =	sdelay $0x2  }
0x63: {  	s2 =	sshra.s32 s2, $0x2  }
0x64: {  	[tilespmem:s2+$0x1C570] =	vst v0;
	s1 =	rddreg [dreg:$0x14]  }
0x65: {  	[spmem:s1] =	stream.linear.scatter [tilespmem:s18], [sflag:$0x9], $0x1400, $0x38;
	[tilespmem:$0x1ED70] =	vst v63  }
0x66: {  	_ =	swait.ge [sflag:s20], $0x1400  }
0x67: {  	s28 =	sld [smem:$0x7F6]  }
0x68: {  	[sflag:s20] =	ssyncset.done $0x0  }
0x69: {  	[sflag:s20] =	ssyncadd.s32 $0xFFFFEC00  }
0x6a: {  	[spmem:s28] =	stream.linear.scatter [tilespmem:s18], [sflag:$0x9], $0x1400, $0x38;
	[tilespmem:$0x1ED70] =	vst v63  }
0x6b: {  	_ =	swait.ge [sflag:s20], $0x1400  }
0x6c: {  	[sflag:s20] =	ssyncset.done $0x0  }
0x6d: {  	s31 =	rddreg [dreg:$0x15];
	[sflag:s20] =	ssyncadd.s32 $0xFFFFEC00  }
0x6e: {  	[spmem:s31] =	stream.linear.scatter [tilespmem:s18], [sflag:$0x9], $0x1400, $0x38;
	[tilespmem:$0x1ED70] =	vst v63  }
0x6f: {  	_ =	swait.ge [sflag:s20], $0x1400  }
0x70: {  	s2 =	sld [smem:$0x7F7]  }
0x71: {  	[sflag:s20] =	ssyncset.done $0x0  }
0x72: {  	[sflag:s20] =	ssyncadd.s32 $0xFFFFEC00  }
0x73: {  	[spmem:s2] =	stream.linear.scatter [tilespmem:s18], [sflag:$0x9], $0x1400, $0x38;
	[tilespmem:$0x1ED70] =	vst v63  }
0x74: {  	_ =	swait.ge [sflag:s20], $0x1400  }
0x75: {  	[sflag:s20] =	ssyncset.done $0x0  }
0x76: {  	s15 =	rddreg [dreg:$0x16];
	[sflag:s20] =	ssyncadd.s32 $0xFFFFEC00  }
0x77: {  	[spmem:s15] =	stream.linear.scatter [tilespmem:s18], [sflag:$0x9], $0x1400, $0x38;
	[tilespmem:$0x1ED70] =	vst v63  }
0x78: {  	_ =	swait.ge [sflag:s20], $0x1400  }
0x79: {  	s26 =	sld [smem:$0x7F8]  }
0x7a: {  	[sflag:s20] =	ssyncset.done $0x0  }
0x7b: {  	[sflag:s20] =	ssyncadd.s32 $0xFFFFEC00  }
0x7c: {  	[spmem:s26] =	stream.linear.scatter [tilespmem:s18], [sflag:$0x9], $0x1400, $0x38;
	[tilespmem:$0x1ED70] =	vst v63  }
0x7d: {  	_ =	swait.ge [sflag:s20], $0x1400  }
0x7e: {  	[sflag:s20] =	ssyncset.done $0x0  }
0x7f: {  	s28 =	rddreg [dreg:$0x17];
	[sflag:s20] =	ssyncadd.s32 $0xFFFFEC00  }
0x80: {  	[spmem:s28] =	stream.linear.scatter [tilespmem:s18], [sflag:$0x9], $0x1400, $0x38;
	[tilespmem:$0x1ED70] =	vst v63  }
0x81: {  	_ =	swait.ge [sflag:s20], $0x1400  }
0x82: {  	s31 =	sld [smem:$0x7F9]  }
0x83: {  	[sflag:s20] =	ssyncset.done $0x0  }
0x84: {  	[sflag:s20] =	ssyncadd.s32 $0xFFFFEC00  }
0x85: {  	[spmem:s31] =	stream.linear.scatter [tilespmem:s18], [sflag:$0x9], $0x1400, $0x38;
	[tilespmem:$0x1ED70] =	vst v63  }
0x86: {  	_ =	swait.ge [sflag:s20], $0x1400  }
0x87: {  	[sflag:s20] =	ssyncset.done $0x0  }
0x88: {  	s2 =	rddreg [dreg:$0x18];
	[sflag:s20] =	ssyncadd.s32 $0xFFFFEC00  }
0x89: {  	[spmem:s2] =	stream.linear.scatter [tilespmem:s18], [sflag:$0x9], $0x1400, $0x38;
	[tilespmem:$0x1ED70] =	vst v63  }
0x8a: {  	_ =	swait.ge [sflag:s20], $0x1400  }
0x8b: {  	s15 =	sld [smem:$0x7FA]  }
0x8c: {  	[sflag:s20] =	ssyncset.done $0x0  }
0x8d: {  	[sflag:s20] =	ssyncadd.s32 $0xFFFFEC00  }
0x8e: {  	[spmem:s15] =	stream.linear.scatter [tilespmem:s18], [sflag:$0x9], $0x1400, $0x38;
	[tilespmem:$0x1ED70] =	vst v63  }
0x8f: {  	_ =	swait.ge [sflag:s20], $0x1400  }
0x90: {  	[sflag:s20] =	ssyncset.done $0x0  }
0x91: {  	s26 =	rddreg [dreg:$0x19];
	[sflag:s20] =	ssyncadd.s32 $0xFFFFEC00  }
0x92: {  	[spmem:s26] =	stream.linear.scatter [tilespmem:s18], [sflag:$0x9], $0x1400, $0x38;
	[tilespmem:$0x1ED70] =	vst v63  }
0x93: {  	_ =	swait.ge [sflag:s20], $0x1400  }
0x94: {  	s28 =	sld [smem:$0x7FB]  }
0x95: {  	[sflag:s20] =	ssyncset.done $0x0  }
0x96: {  	[sflag:s20] =	ssyncadd.s32 $0xFFFFEC00  }
0x97: {  	[spmem:s28] =	stream.linear.scatter [tilespmem:s18], [sflag:$0x9], $0x1400, $0x38;
	[tilespmem:$0x1ED70] =	vst v63  }
0x98: {  	_ =	swait.ge [sflag:s20], $0x1400  }
0x99: {  	[sflag:s20] =	ssyncset.done $0x0  }
0x9a: {  	s31 =	rddreg [dreg:$0x1a];
	[sflag:s20] =	ssyncadd.s32 $0xFFFFEC00  }
0x9b: {  	[spmem:s31] =	stream.linear.scatter [tilespmem:s18], [sflag:$0x9], $0x1400, $0x38;
	[tilespmem:$0x1ED70] =	vst v63  }
0x9c: {  	_ =	swait.ge [sflag:s20], $0x1400  }
0x9d: {  	s2 =	sld [smem:$0x7FC]  }
0x9e: {  	[sflag:s20] =	ssyncset.done $0x0  }
0x9f: {  	[sflag:s20] =	ssyncadd.s32 $0xFFFFEC00  }
0xa0: {  	[spmem:s2] =	stream.linear.scatter [tilespmem:s18], [sflag:$0x9], $0x1400, $0x38;
	[tilespmem:$0x1ED70] =	vst v63  }
0xa1: {  	_ =	swait.ge [sflag:s20], $0x1400  }
0xa2: {  	[sflag:s20] =	ssyncset.done $0x0  }
0xa3: {  	s1 =	simm.s32 @!p1 $0x1B170;
	s2 =	rddreg [dreg:$0x1b];
	[sflag:s20] =	ssyncadd.s32 $0xFFFFEC00  }
0xa4: {  	[spmem:s2] =	stream.linear.scatter @!p1 [tilespmem:s1], [sflag:$0x9], $0x1400, $0x38;
	[tilespmem:$0x1ED70] =	vst v63  }
0xa5: {  	s2 =	simm.s32 @!p1 $0x9  }
0xa6: {  	_ =	swait.ge @!p1 [sflag:s2], $0x1400  }
0xa7: {  	s15 =	sld [smem:$0x7FD]  }
0xa8: {  	[sflag:s2] =	ssyncset.done @!p1 $0x0  }
0xa9: {  	[sflag:s2] =	ssyncadd.s32 @!p1 $0xFFFFEC00  }
0xaa: {  	[spmem:s15] =	stream.linear.scatter @!p1 [tilespmem:s1], [sflag:$0x9], $0x1400, $0x38;
	[tilespmem:$0x1ED70] =	vst v63  }
0xab: {  	_ =	swait.ge @!p1 [sflag:s2], $0x1400  }
0xac: {  	[sflag:s2] =	ssyncset.done @!p1 $0x0  }
0xad: {  	[sflag:s2] =	ssyncadd.s32 @!p1 $0xFFFFEC00  }
0xae: {  	s26 =	simm.s32 $0x13880;
	[bflag:$0x0] =	sbarrier.arrive $0xFFFF  }
0xaf: {  	s28 =	simm.s32 $0x50;
	s31 =	simm.s32 $0x4E200;
	s15 =	rddreg [dreg:$0x1c]  }
0xb0: {  	[tilespmem:s26], [sflag:$0x9] =	stream.strided.gather [hbm4b:s15+s28], $0xA0, s31, s28, $0x38;
	[tilespmem:$0x1ED70] =	vst v63  }
0xb1: {  	_ =	swait.ge [sflag:s20], $0xA0  }
0xb2: {  	[sflag:s20] =	ssyncset.done $0x0  }
0xb3: {  	s2 =	simm.s32 $0x13970;
	[sflag:s20] =	ssyncadd.s32 $0xFFFFFF60  }
0xb4: {  	[tilespmem:s2], [sflag:$0x1] =	stream.indirect.gather [hbm4b:s17+s0], $0x80, s26, s0, $0xb8;
	[tilespmem:$0x1ED70] =	vst v63  }
0xb5: {  	s15 =	simm.s32 $0x138D0;
	s26 =	simm.s32 $0x14D70  }
0xb6: {  	[tilespmem:s26], [sflag:$0x2] =	stream.indirect.gather [hbm4b:s22+s0], $0x80, s15, s0, $0xb8;
	[tilespmem:$0x1ED70] =	vst v63  }
0xb7: {  	s30 =	simm.s32 $0x0;
	s31 =	simm.s32 $0x16170;
	s28 =	rddreg [dreg:$0x1d]  }
0xb8: {  	[tilespmem:s31], [sflag:$0x3] =	stream.linear.gather [hbm4b:s28+s29], $0x1400, $0x38;
	[tilespmem:$0x1ED70] =	vst v63  }
.LBB2_6:
0xb9: {  	p2 =	seq.s32 s30, $0x0  }
0xba: {  	s31 =	smul.u32 $0x50, s30;
	s1 =	simm.s32 @!p2 $0x8  }
0xbb: {  	_ =	swait.ge @!p2 [sflag:s1], $0x1400  }
0xbc: {  	s15 =	sadd.s32 s31, s3;
	[sflag:s1] =	ssyncset.done @!p2 $0x0  }
0xbd: {  	s2 =	simm.s32 $0x138A8;
	[sflag:s1] =	ssyncadd.s32 @!p2 $0xFFFFEC00;
	s1 =	sshll.u32 s15, $0x4  }
0xbe: {  	[tilespmem:s5], [sflag:$0x4] =	stream.indirect.gather [hbm4b:s17+s0], $0x80, s2, s0, $0xb8;
	[tilespmem:$0x1ED70] =	vst v63  }
0xbf: {  	s1 =	sand.u32 $0x1FFFFF80, s1  }
0xc0: {  	[tilespmem:s7], [sflag:$0x5] =	stream.indirect.gather [hbm4b:s22+s0], $0x80, s6, s0, $0xb8;
	[tilespmem:$0x1ED70] =	vst v63  }
0xc1: {  	s1 =	sadd.s32 s21, s1  }
0xc2: {  	[tilespmem:s8], [sflag:$0x6] =	stream.linear.gather [hbm4b:s1+s29], $0x1400, $0x38;
	[tilespmem:$0x1ED70] =	vst v63  }
0xc3: {  	v2 =	vld [tilespmem:$0x13880];
	_ =	sdelay $0x4  }
0xc4: {  	(v2sf) =	vpush v2, $0x0;
	_ =	sdelay $0x7  }
0xc5: {  	(v2sf) =	vpush v2, $0x1;
	_ =	sdelay $0x6  }
0xc6: {  	s26 =	spop (v2sf)  }
0xc7: {  	(v2sf) =	vpush v2, $0x2;
	s2 =	sand.u32 $0xFFFFFFF0, s26  }
0xc8: {  	v3 =	vld [tilespmem:s2+$0x1C570]  }
0xc9: {  	s1 =	sand.u32 $0xF, s26  }
0xca: {  	v4 =	vmov s1  }
0xcb: {  	vm0 =	veq.s32 v4, v1  }
0xcc: {  	v4 =	vsel vm0, $0x3F800000, v0  }
0xcd: {  	v3 =	vadd.f32 v4, v3  }
0xce: {  	s15 =	spop (v2sf)  }
0xcf: {  	(v2sf) =	vpush v2, $0x3;
	s26 =	sand.u32 $0xFFFFFFF0, s15;
	[tilespmem:s2+$0x1C570] =	vst v3  }
0xd0: {  	v3 =	vld [tilespmem:s26+$0x1C570]  }
0xd1: {  	s1 =	sand.u32 $0xF, s15  }
0xd2: {  	v4 =	vmov s1  }
0xd3: {  	vm9 =	veq.s32 v4, v1  }
0xd4: {  	v4 =	vsel vm9, $0x3F800000, v0  }
0xd5: {  	v3 =	vadd.f32 v4, v3  }
0xd6: {  	s15 =	spop (v2sf)  }
0xd7: {  	(v2sf) =	vpush v2, $0x4;
	[tilespmem:s26+$0x1C570] =	vst v3;
	s26 =	sand.u32 $0xFFFFFFF0, s15  }
0xd8: {  	v3 =	vld [tilespmem:s26+$0x1C570]  }
0xd9: {  	s1 =	sand.u32 $0xF, s15  }
0xda: {  	v4 =	vmov s1  }
0xdb: {  	vm10 =	veq.s32 v4, v1  }
0xdc: {  	v4 =	vsel vm10, $0x3F800000, v0  }
0xdd: {  	v3 =	vadd.f32 v4, v3  }
0xde: {  	s15 =	spop (v2sf)  }
0xdf: {  	(v2sf) =	vpush v2, $0x5;
	[tilespmem:s26+$0x1C570] =	vst v3;
	s26 =	sand.u32 $0xFFFFFFF0, s15  }
0xe0: {  	v3 =	vld [tilespmem:s26+$0x1C570]  }
0xe1: {  	s1 =	sand.u32 $0xF, s15  }
0xe2: {  	v4 =	vmov s1  }
0xe3: {  	vm11 =	veq.s32 v4, v1  }
0xe4: {  	v4 =	vsel vm11, $0x3F800000, v0  }
0xe5: {  	v3 =	vadd.f32 v3, v4  }
0xe6: {  	s15 =	spop (v2sf)  }
0xe7: {  	(v2sf) =	vpush v2, $0x6;
	[tilespmem:s26+$0x1C570] =	vst v3;
	s26 =	sand.u32 $0xFFFFFFF0, s15  }
0xe8: {  	v3 =	vld [tilespmem:s26+$0x1C570]  }
0xe9: {  	s1 =	sand.u32 $0xF, s15  }
0xea: {  	v4 =	vmov s1  }
0xeb: {  	vm12 =	veq.s32 v4, v1  }
0xec: {  	v4 =	vsel vm12, $0x3F800000, v0  }
0xed: {  	v3 =	vadd.f32 v3, v4  }
0xee: {  	s15 =	spop (v2sf)  }
0xef: {  	(v2sf) =	vpush v2, $0x7;
	[tilespmem:s26+$0x1C570] =	vst v3;
	s26 =	sand.u32 $0xFFFFFFF0, s15  }
0xf0: {  	v3 =	vld [tilespmem:s26+$0x1C570]  }
0xf1: {  	s1 =	sand.u32 $0xF, s15  }
0xf2: {  	v4 =	vmov s1  }
0xf3: {  	vm13 =	veq.s32 v4, v1  }
0xf4: {  	v4 =	vsel vm13, $0x3F800000, v0  }
0xf5: {  	v3 =	vadd.f32 v3, v4  }
0xf6: {  	s15 =	spop (v2sf)  }
0xf7: {  	(v2sf) =	vpush v2, $0x8;
	[tilespmem:s26+$0x1C570] =	vst v3;
	s26 =	sand.u32 $0xFFFFFFF0, s15  }
0xf8: {  	v3 =	vld [tilespmem:s26+$0x1C570]  }
0xf9: {  	s1 =	sand.u32 $0xF, s15  }
0xfa: {  	v4 =	vmov s1  }
0xfb: {  	vm14 =	veq.s32 v4, v1  }
0xfc: {  	v4 =	vsel vm14, $0x3F800000, v0  }
0xfd: {  	v3 =	vadd.f32 v3, v4  }
0xfe: {  	s15 =	spop (v2sf)  }
0xff: {  	(v2sf) =	vpush v2, $0x9;
	[tilespmem:s26+$0x1C570] =	vst v3;
	s26 =	sand.u32 $0xFFFFFFF0, s15  }
0x100: {  	v3 =	vld [tilespmem:s26+$0x1C570]  }
0x101: {  	s1 =	sand.u32 $0xF, s15  }
0x102: {  	v4 =	vmov s1  }
0x103: {  	vm15 =	veq.s32 v4, v1  }
0x104: {  	v4 =	vsel vm15, $0x3F800000, v0  }
0x105: {  	v3 =	vadd.f32 v3, v4  }
0x106: {  	s15 =	spop (v2sf)  }
0x107: {  	(v2sf) =	vpush v2, $0xA;
	[tilespmem:s26+$0x1C570] =	vst v3;
	s26 =	sand.u32 $0xFFFFFFF0, s15  }
0x108: {  	v3 =	vld [tilespmem:s26+$0x1C570]  }
0x109: {  	s1 =	sand.u32 $0xF, s15  }
0x10a: {  	v4 =	vmov s1  }
0x10b: {  	vm4 =	veq.s32 v4, v1  }
0x10c: {  	v4 =	vsel vm4, $0x3F800000, v0  }
0x10d: {  	v3 =	vadd.f32 v3, v4  }
0x10e: {  	s15 =	spop (v2sf)  }
0x10f: {  	(v2sf) =	vpush v2, $0xB;
	[tilespmem:s26+$0x1C570] =	vst v3;
	s26 =	sand.u32 $0xFFFFFFF0, s15  }
0x110: {  	v3 =	vld [tilespmem:s26+$0x1C570]  }
0x111: {  	s1 =	sand.u32 $0xF, s15  }
0x112: {  	v4 =	vmov s1  }
0x113: {  	vm5 =	veq.s32 v4, v1  }
0x114: {  	v4 =	vsel vm5, $0x3F800000, v0  }
0x115: {  	v3 =	vadd.f32 v3, v4  }
0x116: {  	s15 =	spop (v2sf)  }
0x117: {  	(v2sf) =	vpush v2, $0xC;
	[tilespmem:s26+$0x1C570] =	vst v3;
	s26 =	sand.u32 $0xFFFFFFF0, s15  }
0x118: {  	v3 =	vld [tilespmem:s26+$0x1C570]  }
0x119: {  	s1 =	sand.u32 $0xF, s15  }
0x11a: {  	v4 =	vmov s1  }
0x11b: {  	vm6 =	veq.s32 v4, v1  }
0x11c: {  	v4 =	vsel vm6, $0x3F800000, v0  }
0x11d: {  	v3 =	vadd.f32 v3, v4  }
0x11e: {  	s15 =	spop (v2sf)  }
0x11f: {  	(v2sf) =	vpush v2, $0xD;
	[tilespmem:s26+$0x1C570] =	vst v3;
	s26 =	sand.u32 $0xFFFFFFF0, s15  }
0x120: {  	v3 =	vld [tilespmem:s26+$0x1C570]  }
0x121: {  	s1 =	sand.u32 $0xF, s15  }
0x122: {  	v4 =	vmov s1  }
0x123: {  	vm7 =	veq.s32 v4, v1  }
0x124: {  	v4 =	vsel vm7, $0x3F800000, v0  }
0x125: {  	v3 =	vadd.f32 v3, v4  }
0x126: {  	s15 =	spop (v2sf)  }
0x127: {  	(v2sf) =	vpush v2, $0xE;
	[tilespmem:s26+$0x1C570] =	vst v3;
	s26 =	sand.u32 $0xFFFFFFF0, s15  }
0x128: {  	v3 =	vld [tilespmem:s26+$0x1C570]  }
0x129: {  	s1 =	sand.u32 $0xF, s15  }
0x12a: {  	v4 =	vmov s1  }
0x12b: {  	vm8 =	veq.s32 v4, v1  }
0x12c: {  	v4 =	vsel vm8, $0x3F800000, v0  }
0x12d: {  	v3 =	vadd.f32 v3, v4  }
0x12e: {  	s15 =	spop (v2sf)  }
0x12f: {  	(v2sf) =	vpush v2, $0xF;
	[tilespmem:s26+$0x1C570] =	vst v3;
	s26 =	sand.u32 $0xFFFFFFF0, s15  }
0x130: {  	v2 =	vld [tilespmem:s26+$0x1C570]  }
0x131: {  	s1 =	sand.u32 $0xF, s15  }
0x132: {  	v3 =	vmov s1  }
0x133: {  	vm9 =	veq.s32 v3, v1  }
0x134: {  	v3 =	vsel vm9, $0x3F800000, v0  }
0x135: {  	v2 =	vadd.f32 v2, v3  }
0x136: {  	s15 =	spop (v2sf)  }
0x137: {  	[tilespmem:s26+$0x1C570] =	vst v2;
	s26 =	sand.u32 $0xFFFFFFF0, s15  }
0x138: {  	v2 =	vld [tilespmem:s26+$0x1C570]  }
0x139: {  	s1 =	sand.u32 $0xF, s15  }
0x13a: {  	v3 =	vmov s1  }
0x13b: {  	vm10 =	veq.s32 v3, v1  }
0x13c: {  	v3 =	vsel vm10, $0x3F800000, v0  }
0x13d: {  	v2 =	vadd.f32 v2, v3  }
0x13e: {  	s15 =	spop (v2sf)  }
0x13f: {  	[tilespmem:s26+$0x1C570] =	vst v2;
	s26 =	sand.u32 $0xFFFFFFF0, s15  }
0x140: {  	v2 =	vld [tilespmem:s26+$0x1C570]  }
0x141: {  	s1 =	sand.u32 $0xF, s15  }
0x142: {  	v3 =	vmov s1  }
0x143: {  	vm11 =	veq.s32 v3, v1  }
0x144: {  	v3 =	vsel vm11, $0x3F800000, v0  }
0x145: {  	v2 =	vadd.f32 v2, v3;
	_ =	sdelay $0x1  }
0x146: {  	[tilespmem:s26+$0x1C570] =	vst v2  }
0x147: {  	v2 =	vld [tilespmem:$0x13890];
	_ =	sdelay $0x4  }
0x148: {  	(v2sf) =	vpush v2, $0x0;
	_ =	sdelay $0x7  }
0x149: {  	(v2sf) =	vpush v2, $0x1;
	_ =	sdelay $0x6  }
0x14a: {  	s15 =	spop (v2sf)  }
0x14b: {  	(v2sf) =	vpush v2, $0x2;
	s26 =	sand.u32 $0xFFFFFFF0, s15  }
0x14c: {  	v3 =	vld [tilespmem:s26+$0x1C570]  }
0x14d: {  	s1 =	sand.u32 $0xF, s15  }
0x14e: {  	v4 =	vmov s1  }
0x14f: {  	vm12 =	veq.s32 v4, v1  }
0x150: {  	v4 =	vsel vm12, $0x3F800000, v0  }
0x151: {  	v3 =	vadd.f32 v4, v3  }
0x152: {  	s15 =	spop (v2sf)  }
0x153: {  	(v2sf) =	vpush v2, $0x3;
	[tilespmem:s26+$0x1C570] =	vst v3;
	s26 =	sand.u32 $0xFFFFFFF0, s15  }
0x154: {  	v3 =	vld [tilespmem:s26+$0x1C570]  }
0x155: {  	s1 =	sand.u32 $0xF, s15  }
0x156: {  	v4 =	vmov s1  }
0x157: {  	vm13 =	veq.s32 v4, v1  }
0x158: {  	v4 =	vsel vm13, $0x3F800000, v0  }
0x159: {  	v3 =	vadd.f32 v4, v3  }
0x15a: {  	s15 =	spop (v2sf)  }
0x15b: {  	(v2sf) =	vpush v2, $0x4;
	[tilespmem:s26+$0x1C570] =	vst v3;
	s26 =	sand.u32 $0xFFFFFFF0, s15  }
0x15c: {  	v3 =	vld [tilespmem:s26+$0x1C570]  }
0x15d: {  	s1 =	sand.u32 $0xF, s15  }
0x15e: {  	v4 =	vmov s1  }
0x15f: {  	vm14 =	veq.s32 v4, v1  }
0x160: {  	v4 =	vsel vm14, $0x3F800000, v0  }
0x161: {  	v3 =	vadd.f32 v4, v3  }
0x162: {  	s15 =	spop (v2sf)  }
0x163: {  	(v2sf) =	vpush v2, $0x5;
	[tilespmem:s26+$0x1C570] =	vst v3;
	s26 =	sand.u32 $0xFFFFFFF0, s15  }
0x164: {  	v3 =	vld [tilespmem:s26+$0x1C570]  }
0x165: {  	s1 =	sand.u32 $0xF, s15  }
0x166: {  	v4 =	vmov s1  }
0x167: {  	vm15 =	veq.s32 v4, v1  }
0x168: {  	v4 =	vsel vm15, $0x3F800000, v0  }
0x169: {  	v3 =	vadd.f32 v3, v4  }
0x16a: {  	s15 =	spop (v2sf)  }
0x16b: {  	(v2sf) =	vpush v2, $0x6;
	[tilespmem:s26+$0x1C570] =	vst v3;
	s26 =	sand.u32 $0xFFFFFFF0, s15  }
0x16c: {  	v3 =	vld [tilespmem:s26+$0x1C570]  }
0x16d: {  	s1 =	sand.u32 $0xF, s15  }
0x16e: {  	v4 =	vmov s1  }
0x16f: {  	vm4 =	veq.s32 v4, v1  }
0x170: {  	v4 =	vsel vm4, $0x3F800000, v0  }
0x171: {  	v3 =	vadd.f32 v3, v4  }
0x172: {  	s15 =	spop (v2sf)  }
0x173: {  	(v2sf) =	vpush v2, $0x7;
	[tilespmem:s26+$0x1C570] =	vst v3;
	s26 =	sand.u32 $0xFFFFFFF0, s15  }
0x174: {  	v3 =	vld [tilespmem:s26+$0x1C570]  }
0x175: {  	s1 =	sand.u32 $0xF, s15  }
0x176: {  	v4 =	vmov s1  }
0x177: {  	vm5 =	veq.s32 v4, v1  }
0x178: {  	v4 =	vsel vm5, $0x3F800000, v0  }
0x179: {  	v3 =	vadd.f32 v3, v4  }
0x17a: {  	s15 =	spop (v2sf)  }
0x17b: {  	(v2sf) =	vpush v2, $0x8;
	[tilespmem:s26+$0x1C570] =	vst v3;
	s26 =	sand.u32 $0xFFFFFFF0, s15  }
0x17c: {  	v3 =	vld [tilespmem:s26+$0x1C570]  }
0x17d: {  	s1 =	sand.u32 $0xF, s15  }
0x17e: {  	v4 =	vmov s1  }
0x17f: {  	vm6 =	veq.s32 v4, v1  }
0x180: {  	v4 =	vsel vm6, $0x3F800000, v0  }
0x181: {  	v3 =	vadd.f32 v3, v4  }
0x182: {  	s15 =	spop (v2sf)  }
0x183: {  	(v2sf) =	vpush v2, $0x9;
	[tilespmem:s26+$0x1C570] =	vst v3;
	s26 =	sand.u32 $0xFFFFFFF0, s15  }
0x184: {  	v3 =	vld [tilespmem:s26+$0x1C570]  }
0x185: {  	s1 =	sand.u32 $0xF, s15  }
0x186: {  	v4 =	vmov s1  }
0x187: {  	vm7 =	veq.s32 v4, v1  }
0x188: {  	v4 =	vsel vm7, $0x3F800000, v0  }
0x189: {  	v3 =	vadd.f32 v3, v4  }
0x18a: {  	s15 =	spop (v2sf)  }
0x18b: {  	(v2sf) =	vpush v2, $0xA;
	[tilespmem:s26+$0x1C570] =	vst v3;
	s26 =	sand.u32 $0xFFFFFFF0, s15  }
0x18c: {  	v3 =	vld [tilespmem:s26+$0x1C570]  }
0x18d: {  	s1 =	sand.u32 $0xF, s15  }
0x18e: {  	v4 =	vmov s1  }
0x18f: {  	vm8 =	veq.s32 v4, v1  }
0x190: {  	v4 =	vsel vm8, $0x3F800000, v0  }
0x191: {  	v3 =	vadd.f32 v3, v4  }
0x192: {  	s15 =	spop (v2sf)  }
0x193: {  	(v2sf) =	vpush v2, $0xB;
	[tilespmem:s26+$0x1C570] =	vst v3;
	s26 =	sand.u32 $0xFFFFFFF0, s15  }
0x194: {  	v3 =	vld [tilespmem:s26+$0x1C570]  }
0x195: {  	s1 =	sand.u32 $0xF, s15  }
0x196: {  	v4 =	vmov s1  }
0x197: {  	vm9 =	veq.s32 v4, v1  }
0x198: {  	v4 =	vsel vm9, $0x3F800000, v0  }
0x199: {  	v3 =	vadd.f32 v3, v4  }
0x19a: {  	s15 =	spop (v2sf)  }
0x19b: {  	(v2sf) =	vpush v2, $0xC;
	[tilespmem:s26+$0x1C570] =	vst v3;
	s26 =	sand.u32 $0xFFFFFFF0, s15  }
0x19c: {  	v3 =	vld [tilespmem:s26+$0x1C570]  }
0x19d: {  	s1 =	sand.u32 $0xF, s15  }
0x19e: {  	v4 =	vmov s1  }
0x19f: {  	vm10 =	veq.s32 v4, v1  }
0x1a0: {  	v4 =	vsel vm10, $0x3F800000, v0  }
0x1a1: {  	v3 =	vadd.f32 v3, v4  }
0x1a2: {  	s15 =	spop (v2sf)  }
0x1a3: {  	(v2sf) =	vpush v2, $0xD;
	[tilespmem:s26+$0x1C570] =	vst v3;
	s26 =	sand.u32 $0xFFFFFFF0, s15  }
0x1a4: {  	v3 =	vld [tilespmem:s26+$0x1C570]  }
0x1a5: {  	s1 =	sand.u32 $0xF, s15  }
0x1a6: {  	v4 =	vmov s1  }
0x1a7: {  	vm11 =	veq.s32 v4, v1  }
0x1a8: {  	v4 =	vsel vm11, $0x3F800000, v0  }
0x1a9: {  	v3 =	vadd.f32 v3, v4  }
0x1aa: {  	s15 =	spop (v2sf)  }
0x1ab: {  	(v2sf) =	vpush v2, $0xE;
	[tilespmem:s26+$0x1C570] =	vst v3;
	s26 =	sand.u32 $0xFFFFFFF0, s15  }
0x1ac: {  	v3 =	vld [tilespmem:s26+$0x1C570]  }
0x1ad: {  	s1 =	sand.u32 $0xF, s15  }
0x1ae: {  	v4 =	vmov s1  }
0x1af: {  	vm12 =	veq.s32 v4, v1  }
0x1b0: {  	v4 =	vsel vm12, $0x3F800000, v0  }
0x1b1: {  	v3 =	vadd.f32 v3, v4  }
0x1b2: {  	s15 =	spop (v2sf)  }
0x1b3: {  	(v2sf) =	vpush v2, $0xF;
	[tilespmem:s26+$0x1C570] =	vst v3;
	s26 =	sand.u32 $0xFFFFFFF0, s15  }
0x1b4: {  	v2 =	vld [tilespmem:s26+$0x1C570]  }
0x1b5: {  	s1 =	sand.u32 $0xF, s15  }
0x1b6: {  	v3 =	vmov s1  }
0x1b7: {  	vm13 =	veq.s32 v3, v1  }
0x1b8: {  	v3 =	vsel vm13, $0x3F800000, v0  }
0x1b9: {  	v2 =	vadd.f32 v2, v3  }
0x1ba: {  	s15 =	spop (v2sf)  }
0x1bb: {  	[tilespmem:s26+$0x1C570] =	vst v2;
	s26 =	sand.u32 $0xFFFFFFF0, s15  }
0x1bc: {  	v2 =	vld [tilespmem:s26+$0x1C570]  }
0x1bd: {  	s1 =	sand.u32 $0xF, s15  }
0x1be: {  	v3 =	vmov s1  }
0x1bf: {  	vm14 =	veq.s32 v3, v1  }
0x1c0: {  	v3 =	vsel vm14, $0x3F800000, v0  }
0x1c1: {  	v2 =	vadd.f32 v2, v3  }
0x1c2: {  	s15 =	spop (v2sf)  }
0x1c3: {  	[tilespmem:s26+$0x1C570] =	vst v2;
	s26 =	sand.u32 $0xFFFFFFF0, s15  }
0x1c4: {  	v2 =	vld [tilespmem:s26+$0x1C570]  }
0x1c5: {  	s1 =	sand.u32 $0xF, s15  }
0x1c6: {  	v3 =	vmov s1  }
0x1c7: {  	vm15 =	veq.s32 v3, v1  }
0x1c8: {  	v3 =	vsel vm15, $0x3F800000, v0  }
0x1c9: {  	v2 =	vadd.f32 v2, v3;
	_ =	sdelay $0x1  }
0x1ca: {  	[tilespmem:s26+$0x1C570] =	vst v2  }
0x1cb: {  	v2 =	vld [tilespmem:$0x13898];
	_ =	sdelay $0x4  }
0x1cc: {  	(v2sf) =	vpush v2, $0x8;
	_ =	sdelay $0x7  }
0x1cd: {  	(v2sf) =	vpush v2, $0x9;
	_ =	sdelay $0x6  }
0x1ce: {  	s15 =	spop (v2sf)  }
0x1cf: {  	(v2sf) =	vpush v2, $0xA;
	s26 =	sand.u32 $0xFFFFFFF0, s15  }
0x1d0: {  	v3 =	vld [tilespmem:s26+$0x1C570]  }
0x1d1: {  	s1 =	sand.u32 $0xF, s15  }
0x1d2: {  	v4 =	vmov s1  }
0x1d3: {  	vm4 =	veq.s32 v4, v1  }
0x1d4: {  	v4 =	vsel vm4, $0x3F800000, v0  }
0x1d5: {  	v3 =	vadd.f32 v4, v3  }
0x1d6: {  	s15 =	spop (v2sf)  }
0x1d7: {  	(v2sf) =	vpush v2, $0xB;
	[tilespmem:s26+$0x1C570] =	vst v3;
	s26 =	sand.u32 $0xFFFFFFF0, s15  }
0x1d8: {  	v3 =	vld [tilespmem:s26+$0x1C570]  }
0x1d9: {  	s1 =	sand.u32 $0xF, s15  }
0x1da: {  	v4 =	vmov s1  }
0x1db: {  	vm5 =	veq.s32 v4, v1  }
0x1dc: {  	v4 =	vsel vm5, $0x3F800000, v0  }
0x1dd: {  	v3 =	vadd.f32 v4, v3  }
0x1de: {  	s15 =	spop (v2sf)  }
0x1df: {  	(v2sf) =	vpush v2, $0xC;
	[tilespmem:s26+$0x1C570] =	vst v3;
	s26 =	sand.u32 $0xFFFFFFF0, s15  }
0x1e0: {  	v3 =	vld [tilespmem:s26+$0x1C570]  }
0x1e1: {  	s1 =	sand.u32 $0xF, s15  }
0x1e2: {  	v4 =	vmov s1  }
0x1e3: {  	vm6 =	veq.s32 v4, v1  }
0x1e4: {  	v4 =	vsel vm6, $0x3F800000, v0  }
0x1e5: {  	v3 =	vadd.f32 v4, v3  }
0x1e6: {  	s15 =	spop (v2sf)  }
0x1e7: {  	(v2sf) =	vpush v2, $0xD;
	[tilespmem:s26+$0x1C570] =	vst v3;
	s26 =	sand.u32 $0xFFFFFFF0, s15  }
0x1e8: {  	v3 =	vld [tilespmem:s26+$0x1C570]  }
0x1e9: {  	s1 =	sand.u32 $0xF, s15  }
0x1ea: {  	v4 =	vmov s1  }
0x1eb: {  	vm7 =	veq.s32 v4, v1  }
0x1ec: {  	v4 =	vsel vm7, $0x3F800000, v0  }
0x1ed: {  	v3 =	vadd.f32 v3, v4  }
0x1ee: {  	s15 =	spop (v2sf)  }
0x1ef: {  	(v2sf) =	vpush v2, $0xE;
	[tilespmem:s26+$0x1C570] =	vst v3;
	s26 =	sand.u32 $0xFFFFFFF0, s15  }
0x1f0: {  	v3 =	vld [tilespmem:s26+$0x1C570]  }
0x1f1: {  	s1 =	sand.u32 $0xF, s15  }
0x1f2: {  	v4 =	vmov s1  }
0x1f3: {  	vm8 =	veq.s32 v4, v1  }
0x1f4: {  	v4 =	vsel vm8, $0x3F800000, v0  }
0x1f5: {  	v3 =	vadd.f32 v3, v4  }
0x1f6: {  	s15 =	spop (v2sf)  }
0x1f7: {  	(v2sf) =	vpush v2, $0xF;
	[tilespmem:s26+$0x1C570] =	vst v3;
	s26 =	sand.u32 $0xFFFFFFF0, s15  }
0x1f8: {  	v2 =	vld [tilespmem:s26+$0x1C570]  }
0x1f9: {  	s1 =	sand.u32 $0xF, s15  }
0x1fa: {  	v3 =	vmov s1  }
0x1fb: {  	vm9 =	veq.s32 v3, v1  }
0x1fc: {  	v3 =	vsel vm9, $0x3F800000, v0  }
0x1fd: {  	v2 =	vadd.f32 v2, v3  }
0x1fe: {  	s15 =	spop (v2sf)  }
0x1ff: {  	[tilespmem:s26+$0x1C570] =	vst v2;
	s26 =	sand.u32 $0xFFFFFFF0, s15  }
0x200: {  	v2 =	vld [tilespmem:s26+$0x1C570]  }
0x201: {  	s1 =	sand.u32 $0xF, s15  }
0x202: {  	v3 =	vmov s1  }
0x203: {  	vm10 =	veq.s32 v3, v1  }
0x204: {  	v3 =	vsel vm10, $0x3F800000, v0  }
0x205: {  	v2 =	vadd.f32 v2, v3  }
0x206: {  	s15 =	spop (v2sf)  }
0x207: {  	[tilespmem:s26+$0x1C570] =	vst v2;
	s26 =	sand.u32 $0xFFFFFFF0, s15  }
0x208: {  	v2 =	vld [tilespmem:s26+$0x1C570]  }
0x209: {  	s1 =	sand.u32 $0xF, s15  }
0x20a: {  	v3 =	vmov s1  }
0x20b: {  	vm11 =	veq.s32 v3, v1  }
0x20c: {  	v3 =	vsel vm11, $0x3F800000, v0  }
0x20d: {  	v2 =	vadd.f32 v2, v3;
	_ =	sdelay $0x1  }
0x20e: {  	[tilespmem:s26+$0x1C570] =	vst v2  }
0x20f: {  	v2 =	vld [tilespmem:$0x138A8];
	_ =	sdelay $0x4  }
0x210: {  	(v2sf) =	vpush v2, $0x0;
	_ =	sdelay $0x7  }
0x211: {  	(v2sf) =	vpush v2, $0x1;
	_ =	sdelay $0x6  }
0x212: {  	s15 =	spop (v2sf)  }
0x213: {  	(v2sf) =	vpush v2, $0x2;
	s26 =	sand.u32 $0xFFFFFFF0, s15  }
0x214: {  	v3 =	vld [tilespmem:s26+$0x1C570]  }
0x215: {  	s1 =	sand.u32 $0xF, s15  }
0x216: {  	v4 =	vmov s1  }
0x217: {  	vm12 =	veq.s32 v4, v1  }
0x218: {  	v4 =	vsel vm12, $0x3F800000, v0  }
0x219: {  	v3 =	vadd.f32 v4, v3  }
0x21a: {  	s15 =	spop (v2sf)  }
0x21b: {  	(v2sf) =	vpush v2, $0x3;
	[tilespmem:s26+$0x1C570] =	vst v3;
	s26 =	sand.u32 $0xFFFFFFF0, s15  }
0x21c: {  	v3 =	vld [tilespmem:s26+$0x1C570]  }
0x21d: {  	s1 =	sand.u32 $0xF, s15  }
0x21e: {  	v4 =	vmov s1  }
0x21f: {  	vm13 =	veq.s32 v4, v1  }
0x220: {  	v4 =	vsel vm13, $0x3F800000, v0  }
0x221: {  	v3 =	vadd.f32 v4, v3  }
0x222: {  	s15 =	spop (v2sf)  }
0x223: {  	(v2sf) =	vpush v2, $0x4;
	[tilespmem:s26+$0x1C570] =	vst v3;
	s26 =	sand.u32 $0xFFFFFFF0, s15  }
0x224: {  	v3 =	vld [tilespmem:s26+$0x1C570]  }
0x225: {  	s1 =	sand.u32 $0xF, s15  }
0x226: {  	v4 =	vmov s1  }
0x227: {  	vm14 =	veq.s32 v4, v1  }
0x228: {  	v4 =	vsel vm14, $0x3F800000, v0  }
0x229: {  	v3 =	vadd.f32 v4, v3  }
0x22a: {  	s15 =	spop (v2sf)  }
0x22b: {  	(v2sf) =	vpush v2, $0x5;
	[tilespmem:s26+$0x1C570] =	vst v3;
	s26 =	sand.u32 $0xFFFFFFF0, s15  }
0x22c: {  	v3 =	vld [tilespmem:s26+$0x1C570]  }
0x22d: {  	s1 =	sand.u32 $0xF, s15  }
0x22e: {  	v4 =	vmov s1  }
0x22f: {  	vm15 =	veq.s32 v4, v1  }
0x230: {  	v4 =	vsel vm15, $0x3F800000, v0  }
0x231: {  	v3 =	vadd.f32 v3, v4  }
0x232: {  	s15 =	spop (v2sf)  }
0x233: {  	(v2sf) =	vpush v2, $0x6;
	[tilespmem:s26+$0x1C570] =	vst v3;
	s26 =	sand.u32 $0xFFFFFFF0, s15  }
0x234: {  	v3 =	vld [tilespmem:s26+$0x1C570]  }
0x235: {  	s1 =	sand.u32 $0xF, s15  }
0x236: {  	v4 =	vmov s1  }
0x237: {  	vm4 =	veq.s32 v4, v1  }
0x238: {  	v4 =	vsel vm4, $0x3F800000, v0  }
0x239: {  	v3 =	vadd.f32 v3, v4  }
0x23a: {  	s15 =	spop (v2sf)  }
0x23b: {  	(v2sf) =	vpush v2, $0x7;
	[tilespmem:s26+$0x1C570] =	vst v3;
	s26 =	sand.u32 $0xFFFFFFF0, s15  }
0x23c: {  	v3 =	vld [tilespmem:s26+$0x1C570]  }
0x23d: {  	s1 =	sand.u32 $0xF, s15  }
0x23e: {  	v4 =	vmov s1  }
0x23f: {  	vm5 =	veq.s32 v4, v1  }
0x240: {  	v4 =	vsel vm5, $0x3F800000, v0  }
0x241: {  	v3 =	vadd.f32 v3, v4  }
0x242: {  	s15 =	spop (v2sf)  }
0x243: {  	(v2sf) =	vpush v2, $0x8;
	[tilespmem:s26+$0x1C570] =	vst v3;
	s26 =	sand.u32 $0xFFFFFFF0, s15  }
0x244: {  	v3 =	vld [tilespmem:s26+$0x1C570]  }
0x245: {  	s1 =	sand.u32 $0xF, s15  }
0x246: {  	v4 =	vmov s1  }
0x247: {  	vm6 =	veq.s32 v4, v1  }
0x248: {  	v4 =	vsel vm6, $0x3F800000, v0  }
0x249: {  	v3 =	vadd.f32 v3, v4  }
0x24a: {  	s15 =	spop (v2sf)  }
0x24b: {  	(v2sf) =	vpush v2, $0x9;
	[tilespmem:s26+$0x1C570] =	vst v3;
	s26 =	sand.u32 $0xFFFFFFF0, s15  }
0x24c: {  	v3 =	vld [tilespmem:s26+$0x1C570]  }
0x24d: {  	s1 =	sand.u32 $0xF, s15  }
0x24e: {  	v4 =	vmov s1  }
0x24f: {  	vm7 =	veq.s32 v4, v1  }
0x250: {  	v4 =	vsel vm7, $0x3F800000, v0  }
0x251: {  	v3 =	vadd.f32 v3, v4  }
0x252: {  	s15 =	spop (v2sf)  }
0x253: {  	(v2sf) =	vpush v2, $0xA;
	[tilespmem:s26+$0x1C570] =	vst v3;
	s26 =	sand.u32 $0xFFFFFFF0, s15  }
0x254: {  	v3 =	vld [tilespmem:s26+$0x1C570]  }
0x255: {  	s1 =	sand.u32 $0xF, s15  }
0x256: {  	v4 =	vmov s1  }
0x257: {  	vm8 =	veq.s32 v4, v1  }
0x258: {  	v4 =	vsel vm8, $0x3F800000, v0  }
0x259: {  	v3 =	vadd.f32 v3, v4  }
0x25a: {  	s15 =	spop (v2sf)  }
0x25b: {  	(v2sf) =	vpush v2, $0xB;
	[tilespmem:s26+$0x1C570] =	vst v3;
	s26 =	sand.u32 $0xFFFFFFF0, s15  }
0x25c: {  	v3 =	vld [tilespmem:s26+$0x1C570]  }
0x25d: {  	s1 =	sand.u32 $0xF, s15  }
0x25e: {  	v4 =	vmov s1  }
0x25f: {  	vm9 =	veq.s32 v4, v1  }
0x260: {  	v4 =	vsel vm9, $0x3F800000, v0  }
0x261: {  	v3 =	vadd.f32 v3, v4  }
0x262: {  	s15 =	spop (v2sf)  }
0x263: {  	(v2sf) =	vpush v2, $0xC;
	[tilespmem:s26+$0x1C570] =	vst v3;
	s26 =	sand.u32 $0xFFFFFFF0, s15  }
0x264: {  	v3 =	vld [tilespmem:s26+$0x1C570]  }
0x265: {  	s1 =	sand.u32 $0xF, s15  }
0x266: {  	v4 =	vmov s1  }
0x267: {  	vm10 =	veq.s32 v4, v1  }
0x268: {  	v4 =	vsel vm10, $0x3F800000, v0  }
0x269: {  	v3 =	vadd.f32 v3, v4  }
0x26a: {  	s15 =	spop (v2sf)  }
0x26b: {  	(v2sf) =	vpush v2, $0xD;
	[tilespmem:s26+$0x1C570] =	vst v3;
	s26 =	sand.u32 $0xFFFFFFF0, s15  }
0x26c: {  	v3 =	vld [tilespmem:s26+$0x1C570]  }
0x26d: {  	s1 =	sand.u32 $0xF, s15  }
0x26e: {  	v4 =	vmov s1  }
0x26f: {  	vm11 =	veq.s32 v4, v1  }
0x270: {  	v4 =	vsel vm11, $0x3F800000, v0  }
0x271: {  	v3 =	vadd.f32 v3, v4  }
0x272: {  	s15 =	spop (v2sf)  }
0x273: {  	(v2sf) =	vpush v2, $0xE;
	[tilespmem:s26+$0x1C570] =	vst v3;
	s26 =	sand.u32 $0xFFFFFFF0, s15  }
0x274: {  	v3 =	vld [tilespmem:s26+$0x1C570]  }
0x275: {  	s1 =	sand.u32 $0xF, s15  }
0x276: {  	v4 =	vmov s1  }
0x277: {  	vm12 =	veq.s32 v4, v1  }
0x278: {  	v4 =	vsel vm12, $0x3F800000, v0  }
0x279: {  	v3 =	vadd.f32 v3, v4  }
0x27a: {  	s15 =	spop (v2sf)  }
0x27b: {  	(v2sf) =	vpush v2, $0xF;
	[tilespmem:s26+$0x1C570] =	vst v3;
	s26 =	sand.u32 $0xFFFFFFF0, s15  }
0x27c: {  	v2 =	vld [tilespmem:s26+$0x1C570]  }
0x27d: {  	s1 =	sand.u32 $0xF, s15  }
0x27e: {  	v3 =	vmov s1  }
0x27f: {  	vm13 =	veq.s32 v3, v1  }
0x280: {  	v3 =	vsel vm13, $0x3F800000, v0  }
0x281: {  	v2 =	vadd.f32 v2, v3  }
0x282: {  	s15 =	spop (v2sf)  }
0x283: {  	[tilespmem:s26+$0x1C570] =	vst v2;
	s26 =	sand.u32 $0xFFFFFFF0, s15  }
0x284: {  	v2 =	vld [tilespmem:s26+$0x1C570]  }
0x285: {  	s1 =	sand.u32 $0xF, s15  }
0x286: {  	v3 =	vmov s1  }
0x287: {  	vm14 =	veq.s32 v3, v1  }
0x288: {  	v3 =	vsel vm14, $0x3F800000, v0  }
0x289: {  	v2 =	vadd.f32 v2, v3  }
0x28a: {  	s15 =	spop (v2sf)  }
0x28b: {  	[tilespmem:s26+$0x1C570] =	vst v2;
	s26 =	sand.u32 $0xFFFFFFF0, s15  }
0x28c: {  	v2 =	vld [tilespmem:s26+$0x1C570]  }
0x28d: {  	s1 =	sand.u32 $0xF, s15  }
0x28e: {  	v3 =	vmov s1  }
0x28f: {  	vm15 =	veq.s32 v3, v1  }
0x290: {  	v3 =	vsel vm15, $0x3F800000, v0  }
0x291: {  	v2 =	vadd.f32 v2, v3;
	_ =	sdelay $0x1  }
0x292: {  	[tilespmem:s26+$0x1C570] =	vst v2  }
0x293: {  	v2 =	vld [tilespmem:$0x138B8];
	_ =	sdelay $0x4  }
0x294: {  	(v2sf) =	vpush v2, $0x0;
	_ =	sdelay $0x7  }
0x295: {  	(v2sf) =	vpush v2, $0x1;
	_ =	sdelay $0x6  }
0x296: {  	s15 =	spop (v2sf)  }
0x297: {  	(v2sf) =	vpush v2, $0x2;
	s26 =	sand.u32 $0xFFFFFFF0, s15  }
0x298: {  	v3 =	vld [tilespmem:s26+$0x1C570]  }
0x299: {  	s1 =	sand.u32 $0xF, s15  }
0x29a: {  	v4 =	vmov s1  }
0x29b: {  	vm4 =	veq.s32 v4, v1  }
0x29c: {  	v4 =	vsel vm4, $0x3F800000, v0  }
0x29d: {  	v3 =	vadd.f32 v4, v3  }
0x29e: {  	s15 =	spop (v2sf)  }
0x29f: {  	(v2sf) =	vpush v2, $0x3;
	[tilespmem:s26+$0x1C570] =	vst v3;
	s26 =	sand.u32 $0xFFFFFFF0, s15  }
0x2a0: {  	v3 =	vld [tilespmem:s26+$0x1C570]  }
0x2a1: {  	s1 =	sand.u32 $0xF, s15  }
0x2a2: {  	v4 =	vmov s1  }
0x2a3: {  	vm5 =	veq.s32 v4, v1  }
0x2a4: {  	v4 =	vsel vm5, $0x3F800000, v0  }
0x2a5: {  	v3 =	vadd.f32 v4, v3  }
0x2a6: {  	s15 =	spop (v2sf)  }
0x2a7: {  	(v2sf) =	vpush v2, $0x4;
	[tilespmem:s26+$0x1C570] =	vst v3;
	s26 =	sand.u32 $0xFFFFFFF0, s15  }
0x2a8: {  	v3 =	vld [tilespmem:s26+$0x1C570]  }
0x2a9: {  	s1 =	sand.u32 $0xF, s15  }
0x2aa: {  	v4 =	vmov s1  }
0x2ab: {  	vm6 =	veq.s32 v4, v1  }
0x2ac: {  	v4 =	vsel vm6, $0x3F800000, v0  }
0x2ad: {  	v3 =	vadd.f32 v4, v3  }
0x2ae: {  	s15 =	spop (v2sf)  }
0x2af: {  	(v2sf) =	vpush v2, $0x5;
	[tilespmem:s26+$0x1C570] =	vst v3;
	s26 =	sand.u32 $0xFFFFFFF0, s15  }
0x2b0: {  	v3 =	vld [tilespmem:s26+$0x1C570]  }
0x2b1: {  	s1 =	sand.u32 $0xF, s15  }
0x2b2: {  	v4 =	vmov s1  }
0x2b3: {  	vm7 =	veq.s32 v4, v1  }
0x2b4: {  	v4 =	vsel vm7, $0x3F800000, v0  }
0x2b5: {  	v3 =	vadd.f32 v3, v4  }
0x2b6: {  	s15 =	spop (v2sf)  }
0x2b7: {  	(v2sf) =	vpush v2, $0x6;
	[tilespmem:s26+$0x1C570] =	vst v3;
	s26 =	sand.u32 $0xFFFFFFF0, s15  }
0x2b8: {  	v3 =	vld [tilespmem:s26+$0x1C570]  }
0x2b9: {  	s1 =	sand.u32 $0xF, s15  }
0x2ba: {  	v4 =	vmov s1  }
0x2bb: {  	vm8 =	veq.s32 v4, v1  }
0x2bc: {  	v4 =	vsel vm8, $0x3F800000, v0  }
0x2bd: {  	v3 =	vadd.f32 v3, v4  }
0x2be: {  	s15 =	spop (v2sf)  }
0x2bf: {  	(v2sf) =	vpush v2, $0x7;
	[tilespmem:s26+$0x1C570] =	vst v3;
	s26 =	sand.u32 $0xFFFFFFF0, s15  }
0x2c0: {  	v3 =	vld [tilespmem:s26+$0x1C570]  }
0x2c1: {  	s1 =	sand.u32 $0xF, s15  }
0x2c2: {  	v4 =	vmov s1  }
0x2c3: {  	vm9 =	veq.s32 v4, v1  }
0x2c4: {  	v4 =	vsel vm9, $0x3F800000, v0  }
0x2c5: {  	v3 =	vadd.f32 v3, v4  }
0x2c6: {  	s15 =	spop (v2sf)  }
0x2c7: {  	(v2sf) =	vpush v2, $0x8;
	[tilespmem:s26+$0x1C570] =	vst v3;
	s26 =	sand.u32 $0xFFFFFFF0, s15  }
0x2c8: {  	v3 =	vld [tilespmem:s26+$0x1C570]  }
0x2c9: {  	s1 =	sand.u32 $0xF, s15  }
0x2ca: {  	v4 =	vmov s1  }
0x2cb: {  	vm10 =	veq.s32 v4, v1  }
0x2cc: {  	v4 =	vsel vm10, $0x3F800000, v0  }
0x2cd: {  	v3 =	vadd.f32 v3, v4  }
0x2ce: {  	s15 =	spop (v2sf)  }
0x2cf: {  	(v2sf) =	vpush v2, $0x9;
	[tilespmem:s26+$0x1C570] =	vst v3;
	s26 =	sand.u32 $0xFFFFFFF0, s15  }
0x2d0: {  	v3 =	vld [tilespmem:s26+$0x1C570]  }
0x2d1: {  	s1 =	sand.u32 $0xF, s15  }
0x2d2: {  	v4 =	vmov s1  }
0x2d3: {  	vm11 =	veq.s32 v4, v1  }
0x2d4: {  	v4 =	vsel vm11, $0x3F800000, v0  }
0x2d5: {  	v3 =	vadd.f32 v3, v4  }
0x2d6: {  	s15 =	spop (v2sf)  }
0x2d7: {  	(v2sf) =	vpush v2, $0xA;
	[tilespmem:s26+$0x1C570] =	vst v3;
	s26 =	sand.u32 $0xFFFFFFF0, s15  }
0x2d8: {  	v3 =	vld [tilespmem:s26+$0x1C570]  }
0x2d9: {  	s1 =	sand.u32 $0xF, s15  }
0x2da: {  	v4 =	vmov s1  }
0x2db: {  	vm12 =	veq.s32 v4, v1  }
0x2dc: {  	v4 =	vsel vm12, $0x3F800000, v0  }
0x2dd: {  	v3 =	vadd.f32 v3, v4  }
0x2de: {  	s15 =	spop (v2sf)  }
0x2df: {  	(v2sf) =	vpush v2, $0xB;
	[tilespmem:s26+$0x1C570] =	vst v3;
	s26 =	sand.u32 $0xFFFFFFF0, s15  }
0x2e0: {  	v3 =	vld [tilespmem:s26+$0x1C570]  }
0x2e1: {  	s1 =	sand.u32 $0xF, s15  }
0x2e2: {  	v4 =	vmov s1  }
0x2e3: {  	vm13 =	veq.s32 v4, v1  }
0x2e4: {  	v4 =	vsel vm13, $0x3F800000, v0  }
0x2e5: {  	v3 =	vadd.f32 v3, v4  }
0x2e6: {  	s15 =	spop (v2sf)  }
0x2e7: {  	(v2sf) =	vpush v2, $0xC;
	[tilespmem:s26+$0x1C570] =	vst v3;
	s26 =	sand.u32 $0xFFFFFFF0, s15  }
0x2e8: {  	v3 =	vld [tilespmem:s26+$0x1C570]  }
0x2e9: {  	s1 =	sand.u32 $0xF, s15  }
0x2ea: {  	v4 =	vmov s1  }
0x2eb: {  	vm14 =	veq.s32 v4, v1  }
0x2ec: {  	v4 =	vsel vm14, $0x3F800000, v0  }
0x2ed: {  	v3 =	vadd.f32 v3, v4  }
0x2ee: {  	s15 =	spop (v2sf)  }
0x2ef: {  	(v2sf) =	vpush v2, $0xD;
	[tilespmem:s26+$0x1C570] =	vst v3;
	s26 =	sand.u32 $0xFFFFFFF0, s15  }
0x2f0: {  	v3 =	vld [tilespmem:s26+$0x1C570]  }
0x2f1: {  	s1 =	sand.u32 $0xF, s15  }
0x2f2: {  	v4 =	vmov s1  }
0x2f3: {  	vm15 =	veq.s32 v4, v1  }
0x2f4: {  	v4 =	vsel vm15, $0x3F800000, v0  }
0x2f5: {  	v3 =	vadd.f32 v3, v4  }
0x2f6: {  	s15 =	spop (v2sf)  }
0x2f7: {  	(v2sf) =	vpush v2, $0xE;
	[tilespmem:s26+$0x1C570] =	vst v3;
	s26 =	sand.u32 $0xFFFFFFF0, s15  }
0x2f8: {  	v3 =	vld [tilespmem:s26+$0x1C570]  }
0x2f9: {  	s1 =	sand.u32 $0xF, s15  }
0x2fa: {  	v4 =	vmov s1  }
0x2fb: {  	vm4 =	veq.s32 v4, v1  }
0x2fc: {  	v4 =	vsel vm4, $0x3F800000, v0  }
0x2fd: {  	v3 =	vadd.f32 v3, v4  }
0x2fe: {  	s15 =	spop (v2sf)  }
0x2ff: {  	(v2sf) =	vpush v2, $0xF;
	[tilespmem:s26+$0x1C570] =	vst v3;
	s26 =	sand.u32 $0xFFFFFFF0, s15  }
0x300: {  	v2 =	vld [tilespmem:s26+$0x1C570]  }
0x301: {  	s1 =	sand.u32 $0xF, s15  }
0x302: {  	v3 =	vmov s1  }
0x303: {  	vm5 =	veq.s32 v3, v1  }
0x304: {  	v3 =	vsel vm5, $0x3F800000, v0  }
0x305: {  	v2 =	vadd.f32 v2, v3  }
0x306: {  	s15 =	spop (v2sf)  }
0x307: {  	[tilespmem:s26+$0x1C570] =	vst v2;
	s26 =	sand.u32 $0xFFFFFFF0, s15  }
0x308: {  	v2 =	vld [tilespmem:s26+$0x1C570]  }
0x309: {  	s1 =	sand.u32 $0xF, s15  }
0x30a: {  	v3 =	vmov s1  }
0x30b: {  	vm6 =	veq.s32 v3, v1  }
0x30c: {  	v3 =	vsel vm6, $0x3F800000, v0  }
0x30d: {  	v2 =	vadd.f32 v2, v3  }
0x30e: {  	s15 =	spop (v2sf)  }
0x30f: {  	[tilespmem:s26+$0x1C570] =	vst v2;
	s26 =	sand.u32 $0xFFFFFFF0, s15  }
0x310: {  	v2 =	vld [tilespmem:s26+$0x1C570]  }
0x311: {  	s1 =	sand.u32 $0xF, s15  }
0x312: {  	v3 =	vmov s1  }
0x313: {  	vm7 =	veq.s32 v3, v1  }
0x314: {  	v3 =	vsel vm7, $0x3F800000, v0  }
0x315: {  	v2 =	vadd.f32 v2, v3;
	_ =	sdelay $0x1  }
0x316: {  	[tilespmem:s26+$0x1C570] =	vst v2  }
0x317: {  	v2 =	vld [tilespmem:$0x138C0];
	_ =	sdelay $0x4  }
0x318: {  	(v2sf) =	vpush v2, $0x8;
	_ =	sdelay $0x7  }
0x319: {  	(v2sf) =	vpush v2, $0x9;
	_ =	sdelay $0x6  }
0x31a: {  	s15 =	spop (v2sf)  }
0x31b: {  	(v2sf) =	vpush v2, $0xA;
	s26 =	sand.u32 $0xFFFFFFF0, s15  }
0x31c: {  	v3 =	vld [tilespmem:s26+$0x1C570]  }
0x31d: {  	s1 =	sand.u32 $0xF, s15  }
0x31e: {  	v4 =	vmov s1  }
0x31f: {  	vm8 =	veq.s32 v4, v1  }
0x320: {  	v4 =	vsel vm8, $0x3F800000, v0  }
0x321: {  	v3 =	vadd.f32 v4, v3  }
0x322: {  	s15 =	spop (v2sf)  }
0x323: {  	(v2sf) =	vpush v2, $0xB;
	[tilespmem:s26+$0x1C570] =	vst v3;
	s26 =	sand.u32 $0xFFFFFFF0, s15  }
0x324: {  	v3 =	vld [tilespmem:s26+$0x1C570]  }
0x325: {  	s1 =	sand.u32 $0xF, s15  }
0x326: {  	v4 =	vmov s1  }
0x327: {  	vm9 =	veq.s32 v4, v1  }
0x328: {  	v4 =	vsel vm9, $0x3F800000, v0  }
0x329: {  	v3 =	vadd.f32 v4, v3  }
0x32a: {  	s15 =	spop (v2sf)  }
0x32b: {  	(v2sf) =	vpush v2, $0xC;
	[tilespmem:s26+$0x1C570] =	vst v3;
	s26 =	sand.u32 $0xFFFFFFF0, s15  }
0x32c: {  	v3 =	vld [tilespmem:s26+$0x1C570]  }
0x32d: {  	s1 =	sand.u32 $0xF, s15  }
0x32e: {  	v4 =	vmov s1  }
0x32f: {  	vm10 =	veq.s32 v4, v1  }
0x330: {  	v4 =	vsel vm10, $0x3F800000, v0  }
0x331: {  	v3 =	vadd.f32 v4, v3  }
0x332: {  	s15 =	spop (v2sf)  }
0x333: {  	(v2sf) =	vpush v2, $0xD;
	[tilespmem:s26+$0x1C570] =	vst v3;
	s26 =	sand.u32 $0xFFFFFFF0, s15  }
0x334: {  	v3 =	vld [tilespmem:s26+$0x1C570]  }
0x335: {  	s1 =	sand.u32 $0xF, s15  }
0x336: {  	v4 =	vmov s1  }
0x337: {  	vm11 =	veq.s32 v4, v1  }
0x338: {  	v4 =	vsel vm11, $0x3F800000, v0  }
0x339: {  	v3 =	vadd.f32 v3, v4  }
0x33a: {  	s15 =	spop (v2sf)  }
0x33b: {  	(v2sf) =	vpush v2, $0xE;
	[tilespmem:s26+$0x1C570] =	vst v3;
	s26 =	sand.u32 $0xFFFFFFF0, s15  }
0x33c: {  	v3 =	vld [tilespmem:s26+$0x1C570]  }
0x33d: {  	s1 =	sand.u32 $0xF, s15  }
0x33e: {  	v4 =	vmov s1  }
0x33f: {  	vm12 =	veq.s32 v4, v1  }
0x340: {  	v4 =	vsel vm12, $0x3F800000, v0  }
0x341: {  	v3 =	vadd.f32 v3, v4  }
0x342: {  	s15 =	spop (v2sf)  }
0x343: {  	(v2sf) =	vpush v2, $0xF;
	[tilespmem:s26+$0x1C570] =	vst v3;
	s26 =	sand.u32 $0xFFFFFFF0, s15  }
0x344: {  	v2 =	vld [tilespmem:s26+$0x1C570]  }
0x345: {  	s1 =	sand.u32 $0xF, s15  }
0x346: {  	v3 =	vmov s1  }
0x347: {  	vm13 =	veq.s32 v3, v1  }
0x348: {  	v3 =	vsel vm13, $0x3F800000, v0  }
0x349: {  	v2 =	vadd.f32 v2, v3  }
0x34a: {  	s15 =	spop (v2sf)  }
0x34b: {  	[tilespmem:s26+$0x1C570] =	vst v2;
	s26 =	sand.u32 $0xFFFFFFF0, s15  }
0x34c: {  	v2 =	vld [tilespmem:s26+$0x1C570]  }
0x34d: {  	s1 =	sand.u32 $0xF, s15  }
0x34e: {  	v3 =	vmov s1  }
0x34f: {  	vm14 =	veq.s32 v3, v1  }
0x350: {  	v3 =	vsel vm14, $0x3F800000, v0  }
0x351: {  	v2 =	vadd.f32 v2, v3  }
0x352: {  	s15 =	spop (v2sf)  }
0x353: {  	[tilespmem:s26+$0x1C570] =	vst v2;
	s26 =	sand.u32 $0xFFFFFFF0, s15  }
0x354: {  	v2 =	vld [tilespmem:s26+$0x1C570]  }
0x355: {  	s1 =	sand.u32 $0xF, s15  }
0x356: {  	v3 =	vmov s1  }
0x357: {  	vm15 =	veq.s32 v3, v1  }
0x358: {  	v3 =	vsel vm15, $0x3F800000, v0  }
0x359: {  	v2 =	vadd.f32 v2, v3;
	_ =	sdelay $0x1  }
0x35a: {  	[tilespmem:s26+$0x1C570] =	vst v2  }
0x35b: {  	v2 =	vld [tilespmem:$0x13880]  }
0x35c: {  	v3 =	vld [tilespmem:$0x13890]  }
0x35d: {  	v5 =	vld [tilespmem:$0x138A8]  }
0x35e: {  	v6 =	vld [tilespmem:$0x138B8]  }
0x35f: {  	v4 =	vld [tilespmem:$0x13898]  }
0x360: {  	[tilespmem:$0x13920] =	vst v2;
	v2 =	vld [tilespmem:$0x138C0]  }
0x361: {  	[tilespmem:$0x13930] =	vst v3  }
0x362: {  	[tilespmem:$0x13948] =	vst v5  }
0x363: {  	[tilespmem:$0x13958] =	vst v6  }
0x364: {  	[tilespmem:$0x13938] =	vst v4  }
0x365: {  	[tilespmem:$0x13960] =	vst v2  }
0x366: {  	_ =	swait.ge [sflag:s9], $0x1400  }
0x367: {  	[sflag:s9] =	ssyncset.done $0x0  }
0x368: {  	[sflag:s9] =	ssyncadd.s32 $0xFFFFEC00  }
0x369: {  	_ =	swait.ge [sflag:s10], $0x1400  }
0x36a: {  	[sflag:s10] =	ssyncset.done $0x0  }
0x36b: {  	[sflag:s10] =	ssyncadd.s32 $0xFFFFEC00  }
0x36c: {  	_ =	swait.ge [sflag:s11], $0x1400  }
0x36d: {  	[sflag:s11] =	ssyncset.done $0x0  }
0x36e: {  	s28 =	simm.s32 $0x0;
	[sflag:s11] =	ssyncadd.s32 $0xFFFFEC00  }
0x36f: {  	v2 =	vld [tilespmem:s28+$0x139E0]  }
0x370: {  	v3 =	vld [tilespmem:s28+$0x14DE0];
	_ =	sdelay $0x1  }
0x371: {  	v5 =	vld [tilespmem:s28+$0x161E0]  }
0x372: {  	v4 =	vld [tilespmem:s28+$0x13970]  }
0x373: {  	v6 =	vld [tilespmem:s28+$0x14D70]  }
0x374: {  	v7 =	vld [tilespmem:s28+$0x13980];
	v2 =	vadd.f32 v3, v2  }
0x375: {  	v8 =	vld [tilespmem:s28+$0x14D80]  }
0x376: {  	v9 =	vld [tilespmem:s28+$0x14D90];
	v2 =	vadd.f32 v5, v2  }
0x377: {  	v10 =	vld [tilespmem:s28+$0x14DA0]  }
0x378: {  	v12 =	vld [tilespmem:s28+$0x139B0];
	v11 =	vsub.f32 $0.0e+00, v2  }
0x379: {  	v13 =	vld [tilespmem:s28+$0x14DB0]  }
0x37a: {  	v14 =	vld [tilespmem:s28+$0x139C0];
	v11 =	vmul.f32 $1.442695020e+00, v11  }
0x37b: {  	v15 =	vld [tilespmem:s28+$0x14DC0]  }
0x37c: {  	v16 =	vld [tilespmem:s28+$0x139D0];
	(erf) = vpow2.f32 v11  }
0x37d: {  	v17 =	vld [tilespmem:s28+$0x14DD0]  }
0x37e: {  	v18 =	vld [tilespmem:s28+$0x16180]  }
0x37f: {  	v19 =	vld [tilespmem:s28+$0x16190]  }
0x380: {  	s15 =	simm.s32 $0x80;
	v20 =	vld [tilespmem:s28+$0x161A0]  }
0x381: {  	v25 =	vld [tilespmem:s15+$0x139E0]  }
0x382: {  	v26 =	vld [tilespmem:s15+$0x14DE0]  }
0x383: {  	v3 =	vld [tilespmem:s28+$0x13990]  }
0x384: {  	v11 =	vld [tilespmem:s28+$0x16170]  }
0x385: {  	v5 =	vld [tilespmem:s28+$0x139A0];
	v24 =	vpop (erf)  }
0x386: {  	v21 =	vld [tilespmem:s28+$0x161B0];
	v24 =	vadd.f32 $1.000000000e+00, v24  }
0x387: {  	v22 =	vld [tilespmem:s28+$0x161C0];
	v4 =	vadd.f32 v6, v4  }
0x388: {  	v23 =	vld [tilespmem:s28+$0x161D0];
	v7 =	vadd.f32 v8, v7;
	v25 =	vadd.f32 v26, v25;
	(erf) = vrcp.f32 v24  }
0x389: {  	v27 =	vld [tilespmem:s15+$0x13970];
	v3 =	vadd.f32 v9, v3;
	v24 =	vadd.f32 v11, v4  }
0x38a: {  	v6 =	vld [tilespmem:s15+$0x161E0];
	v5 =	vadd.f32 v10, v5;
	v4 =	vadd.f32 v13, v12  }
0x38b: {  	v29 =	vld [tilespmem:s15+$0x14DB0];
	v13 =	vadd.f32 v18, v7;
	v10 =	vsub.f32 $0.0e+00, v24  }
0x38c: {  	v30 =	vld [tilespmem:s15+$0x139C0];
	v3 =	vadd.f32 v19, v3;
	v11 =	vadd.f32 v20, v5  }
0x38d: {  	v8 =	vld [tilespmem:s15+$0x14D70];
	v5 =	vsub.f32 $0.0e+00, v13;
	v12 =	vadd.f32 v21, v4;
	v4 =	vmul.f32 $1.442695020e+00, v10  }
0x38e: {  	v26 =	vld [tilespmem:s15+$0x139A0];
	v20 =	vsub.f32 $0.0e+00, v3  }
0x38f: {  	v9 =	vld [tilespmem:s15+$0x13980];
	v25 =	vadd.f32 v6, v25;
	v10 =	vsub.f32 $0.0e+00, v11;
	v5 =	vmul.f32 $1.442695020e+00, v5  }
0x390: {  	v6 =	vld [tilespmem:s15+$0x139B0];
	v20 =	vmul.f32 $1.442695020e+00, v20;
	v28 =	vsub.f32 $0.0e+00, v12;
	(erf) = vpow2.f32 v4  }
0x391: {  	v19 =	vld [tilespmem:s15+$0x14D90];
	v10 =	vmul.f32 $1.442695020e+00, v10;
	(erf) = vpow2.f32 v5;
	v5 =	vsub.f32 $0.0e+00, v25;
	v4 =	vpop (erf)  }
0x392: {  	v7 =	vld [tilespmem:s15+$0x14D80];
	(erf) = vpow2.f32 v20;
	v2 =	vmul.f32 v4, v2;
	v4 =	vadd.f32 v15, v14  }
0x393: {  	v16 =	vadd.f32 v17, v16;
	v18 =	vld [tilespmem:s15+$0x13990];
	v14 =	vmul.f32 $1.442695020e+00, v28  }
0x394: {  	v21 =	vld [tilespmem:s15+$0x14DA0];
	(erf) = vpow2.f32 v10;
	v10 =	vmul.f32 $1.442695020e+00, v5;
	v4 =	vadd.f32 v22, v4  }
0x395: {  	v5 =	vadd.f32 v23, v16;
	v15 =	vld [tilespmem:s15+$0x14DC0];
	[tilespmem:s28+$0x1B1E0] =	vst v2;
	(erf) = vpow2.f32 v14  }
0x396: {  	v2 =	vld [tilespmem:s15+$0x139D0];
	(erf) = vpow2.f32 v10;
	v10 =	vsub.f32 $0.0e+00, v4  }
0x397: {  	v17 =	vsub.f32 $0.0e+00, v5;
	v14 =	vld [tilespmem:s15+$0x14DD0]  }
0x398: {  	v16 =	vld [tilespmem:s15+$0x16170];
	v10 =	vmul.f32 $1.442695020e+00, v10  }
0x399: {  	v20 =	vld [tilespmem:s15+$0x16180];
	v17 =	vmul.f32 $1.442695020e+00, v17;
	v23 =	vpop (erf)  }
0x39a: {  	v22 =	vld [tilespmem:s15+$0x16190];
	(erf) = vpow2.f32 v10;
	v10 =	vadd.f32 $1.000000000e+00, v23;
	v23 =	vpop (erf)  }
0x39b: {  	v51 =	vld [tilespmem:s15+$0x161A0];
	(erf) = vpow2.f32 v17;
	v17 =	vadd.f32 $1.000000000e+00, v23;
	v23 =	vpop (erf)  }
0x39c: {  	v31 =	vld [tilespmem:s15+$0x161B0];
	v23 =	vadd.f32 $1.000000000e+00, v23  }
0x39d: {  	v32 =	vld [tilespmem:s15+$0x161C0]  }
0x39e: {  	s26 =	simm.s32 $0x100;
	v33 =	vld [tilespmem:s15+$0x161D0];
	(erf) = vrcp.f32 v10;
	v10 =	vpop (erf)  }
0x39f: {  	v34 =	vld [tilespmem:s26+$0x139E0];
	(erf) = vrcp.f32 v17;
	v10 =	vadd.f32 $1.000000000e+00, v10;
	v17 =	vpop (erf)  }
0x3a0: {  	v8 =	vadd.f32 v8, v27;
	v35 =	vld [tilespmem:s26+$0x14DE0];
	(erf) = vrcp.f32 v23;
	v23 =	vpop (erf);
	v17 =	vadd.f32 $1.000000000e+00, v17  }
0x3a1: {  	v7 =	vadd.f32 v7, v9;
	v27 =	vld [tilespmem:s26+$0x14D70];
	(erf) = vrcp.f32 v10;
	v10 =	vadd.f32 $1.000000000e+00, v23  }
0x3a2: {  	v18 =	vadd.f32 v19, v18;
	v19 =	vadd.f32 v21, v26;
	v21 =	vld [tilespmem:s26+$0x13980];
	(erf) = vrcp.f32 v17  }
0x3a3: {  	v6 =	vadd.f32 v29, v6;
	v26 =	vld [tilespmem:s26+$0x14D80];
	(erf) = vrcp.f32 v10  }
0x3a4: {  	v36 =	vld [tilespmem:s26+$0x13990];
	v15 =	vadd.f32 v15, v30;
	v9 =	vadd.f32 v20, v7  }
0x3a5: {  	v37 =	vld [tilespmem:s26+$0x14DA0];
	v52 =	vadd.f32 v14, v2;
	v10 =	vadd.f32 v16, v8;
	v16 =	vpop (erf)  }
0x3a6: {  	v17 =	vld [tilespmem:s26+$0x161E0];
	v8 =	vadd.f32 v22, v18;
	v22 =	vsub.f32 $0.0e+00, v9;
	v53 =	vpop (erf)  }
0x3a7: {  	v58 =	vld [tilespmem:s26+$0x14DB0];
	v7 =	vadd.f32 v51, v19;
	v2 =	vsub.f32 $0.0e+00, v10;
	v14 =	vpop (erf)  }
0x3a8: {  	v20 =	vld [tilespmem:s26+$0x14D90];
	v6 =	vadd.f32 v31, v6;
	v38 =	vsub.f32 $0.0e+00, v8;
	v22 =	vmul.f32 $1.442695020e+00, v22;
	v18 =	vpop (erf)  }
0x3a9: {  	v19 =	vld [tilespmem:s26+$0x139A0];
	v56 =	vadd.f32 v35, v34;
	v14 =	vmul.f32 v14, v24;
	v54 =	vmul.f32 $1.442695020e+00, v2;
	v55 =	vpop (erf)  }
0x3aa: {  	v23 =	vld [tilespmem:s26+$0x13970];
	v2 =	vadd.f32 v32, v15;
	v59 =	vmul.f32 $1.442695020e+00, v38;
	v13 =	vmul.f32 v18, v13;
	v15 =	vpop (erf)  }
0x3ab: {  	v24 =	vld [tilespmem:s26+$0x139B0];
	v18 =	vsub.f32 $0.0e+00, v7;
	[tilespmem:s28+$0x1B170] =	vst v14;
	v14 =	vadd.f32 v17, v56;
	(erf) = vpow2.f32 v54;
	v57 =	vpop (erf)  }
0x3ac: {  	v31 =	vmul.f32 v55, v3;
	(erf) = vpow2.f32 v22;
	v22 =	vld [tilespmem:s26+$0x139C0];
	[tilespmem:s28+$0x1B180] =	vst v13;
	v13 =	vsub.f32 $0.0e+00, v2;
	v60 =	vpop (erf)  }
0x3ad: {  	v18 =	vmul.f32 $1.442695020e+00, v18;
	v17 =	vmul.f32 v60, v25;
	v25 =	vsub.f32 $0.0e+00, v6  }
0x3ae: {  	v32 =	vsub.f32 $0.0e+00, v14;
	(erf) = vpow2.f32 v59;
	v11 =	vmul.f32 v15, v11  }
0x3af: {  	v3 =	vadd.f32 v33, v52;
	v13 =	vmul.f32 $1.442695020e+00, v13;
	v25 =	vmul.f32 $1.442695020e+00, v25  }
0x3b0: {  	v61 =	vld [tilespmem:s26+$0x14DC0];
	(erf) = vpow2.f32 v18;
	[tilespmem:s15+$0x1B1E0] =	vst v17;
	v17 =	vmul.f32 $1.442695020e+00, v32  }
0x3b1: {  	v15 =	vsub.f32 $0.0e+00, v3;
	v12 =	vmul.f32 v57, v12;
	(erf) = vpow2.f32 v25  }
0x3b2: {  	(erf) = vpow2.f32 v17  }
0x3b3: {  	v62 =	vld [tilespmem:s26+$0x139D0];
	[tilespmem:s28+$0x1B190] =	vst v31;
	(erf) = vpow2.f32 v13;
	v13 =	vmul.f32 $1.442695020e+00, v15  }
0x3b4: {  	v17 =	vld [tilespmem:s26+$0x14DD0];
	[tilespmem:s28+$0x1B1A0] =	vst v11;
	v11 =	vadd.f32 $1.000000000e+00, v16  }
0x3b5: {  	v25 =	vadd.f32 v27, v23;
	v27 =	vld [tilespmem:s26+$0x16170];
	[tilespmem:s28+$0x1B1B0] =	vst v12;
	v12 =	vpop (erf);
	(erf) = vpow2.f32 v13  }
0x3b6: {  	v16 =	vadd.f32 $1.000000000e+00, v53;
	(erf) = vrcp.f32 v11;
	v11 =	vadd.f32 $1.000000000e+00, v12;
	_ =	sdelay $0x1  }
0x3b7: {  	v26 =	vadd.f32 v26, v21;
	v63 =	vadd.f32 v20, v36;
	v13 =	vld [tilespmem:s26+$0x16180];
	v12 =	vpop (erf);
	(erf) = vrcp.f32 v16  }
0x3b8: {  	v15 =	vadd.f32 v37, v19;
	v19 =	vld [tilespmem:s26+$0x16190];
	v12 =	vadd.f32 $1.000000000e+00, v12;
	v20 =	vpop (erf)  }
0x3b9: {  	v18 =	vadd.f32 v58, v24;
	v23 =	vld [tilespmem:s26+$0x161A0];
	v20 =	vadd.f32 $1.000000000e+00, v20;
	(erf) = vrcp.f32 v11;
	v11 =	vpop (erf)  }
0x3ba: {  	v16 =	vadd.f32 v61, v22;
	v22 =	vld [tilespmem:s26+$0x161B0];
	(erf) = vrcp.f32 v12;
	v24 =	vadd.f32 $1.000000000e+00, v11  }
0x3bb: {  	v21 =	vld [tilespmem:s26+$0x161C0];
	v17 =	vadd.f32 v17, v62;
	v11 =	vadd.f32 v27, v25;
	v25 =	vpop (erf);
	(erf) = vrcp.f32 v20  }
0x3bc: {  	s1 =	simm.s32 $0x180;
	v12 =	vadd.f32 v13, v26;
	v20 =	vld [tilespmem:s26+$0x161D0];
	v26 =	vpop (erf);
	v25 =	vadd.f32 $1.000000000e+00, v25;
	(erf) = vrcp.f32 v24  }
0x3bd: {  	s2 =	simm.s32 $0x800;
	v13 =	vadd.f32 v19, v63;
	v24 =	vld [tilespmem:s1+$0x139E0];
	v26 =	vadd.f32 $1.000000000e+00, v26;
	v19 =	vpop (erf)  }
.LBB2_7:
0x3be: {  	p2 =	sne.s32 s2, $0x4E00;
	v27 =	vld [tilespmem:s1+$0x14DE0];
	v28 =	vsub.f32 $0.0e+00, v11;
	v15 =	vadd.f32 v23, v15;
	(erf) = vrcp.f32 v25;
	v23 =	vpop (erf)  }
0x3bf: {  	v29 =	vsub.f32 $0.0e+00, v12;
	v25 =	vld [tilespmem:s1+$0x13970];
	v18 =	vadd.f32 v22, v18;
	(erf) = vrcp.f32 v26;
	v22 =	vpop (erf)  }
0x3c0: {  	v30 =	vsub.f32 $0.0e+00, v13;
	v26 =	vld [tilespmem:s1+$0x161E0];
	v28 =	vmul.f32 $1.442695020e+00, v28;
	v16 =	vadd.f32 v21, v16;
	v21 =	vpop (erf)  }
0x3c1: {  	v29 =	vmul.f32 $1.442695020e+00, v29;
	v32 =	vsub.f32 $0.0e+00, v15;
	v31 =	vld [tilespmem:s1+$0x14D70];
	v17 =	vadd.f32 v20, v17  }
0x3c2: {  	v30 =	vmul.f32 $1.442695020e+00, v30;
	v33 =	vsub.f32 $0.0e+00, v18;
	v20 =	vld [tilespmem:s1+$0x13980];
	v34 =	vsub.f32 $0.0e+00, v16;
	v35 =	vpop (erf)  }
0x3c3: {  	v36 =	vld [tilespmem:s1+$0x14D80];
	v24 =	vadd.f32 v27, v24;
	v27 =	vmul.f32 $1.442695020e+00, v32;
	v32 =	vsub.f32 $0.0e+00, v17;
	v37 =	vpop (erf)  }
0x3c4: {  	v19 =	vadd.f32 $1.000000000e+00, v19;
	v33 =	vmul.f32 $1.442695020e+00, v33;
	v38 =	vld [tilespmem:s1+$0x13990];
	v34 =	vmul.f32 $1.442695020e+00, v34;
	v39 =	vpop (erf)  }
0x3c5: {  	v40 =	vld [tilespmem:s1+$0x14D90];
	v24 =	vadd.f32 v26, v24;
	v26 =	vmul.f32 $1.442695020e+00, v32;
	(erf) = vpow2.f32 v28;
	v28 =	vpop (erf)  }
0x3c6: {  	v23 =	vadd.f32 $1.000000000e+00, v23;
	v25 =	vadd.f32 v31, v25;
	v31 =	vld [tilespmem:s1+$0x139A0];
	(erf) = vpow2.f32 v29  }
0x3c7: {  	v41 =	vmul.f32 v35, v10;
	v29 =	vld [tilespmem:s1+$0x14DA0];
	v32 =	vsub.f32 $0.0e+00, v24;
	(erf) = vpow2.f32 v30;
	v30 =	vpop (erf)  }
0x3c8: {  	v20 =	vadd.f32 v36, v20;
	v35 =	vld [tilespmem:s1+$0x139B0];
	(erf) = vpow2.f32 v27;
	v27 =	vpop (erf);
	v36 =	vmul.f32 v37, v9  }
0x3c9: {  	v10 =	vmovc v11;
	v9 =	vmovc v12;
	v37 =	vld [tilespmem:s1+$0x14DB0];
	v32 =	vmul.f32 $1.442695020e+00, v32;
	v27 =	vmul.f32 v27, v14;
	[tilespmem:s15+$0x1B170] =	vst v41;
	v14 =	vmov v24  }
0x3ca: {  	v12 =	vmul.f32 v39, v8;
	v8 =	vmovc v13;
	v38 =	vadd.f32 v40, v38;
	v11 =	vld [tilespmem:s1+$0x139C0];
	(erf) = vpow2.f32 v33;
	[tilespmem:s15+$0x1B180] =	vst v36  }
0x3cb: {  	v24 =	vmul.f32 v28, v7;
	v7 =	vmov v15;
	v13 =	vld [tilespmem:s1+$0x14DC0];
	(erf) = vpow2.f32 v32;
	[tilespmem:s26+$0x1B1E0] =	vst v27  }
0x3cc: {  	v15 =	vadd.f32 v29, v31;
	v27 =	vld [tilespmem:s1+$0x139D0];
	(erf) = vpow2.f32 v34;
	[tilespmem:s15+$0x1B190] =	vst v12;
	v12 =	vmul.f32 v30, v6;
	v6 =	vmovc v18  }
0x3cd: {  	v22 =	vmul.f32 v22, v4;
	v4 =	vmovc v2;
	v2 =	vmov v16;
	v28 =	vld [tilespmem:s1+$0x14DD0];
	(erf) = vpow2.f32 v26;
	[tilespmem:s15+$0x1B1A0] =	vst v24  }
0x3ce: {  	v24 =	vld [tilespmem:s1+$0x16170];
	v18 =	vadd.f32 v37, v35;
	v16 =	vpop (erf);
	[tilespmem:s15+$0x1B1B0] =	vst v12;
	(erf) = vrcp.f32 v19;
	v12 =	vmul.f32 v21, v5  }
0x3cf: {  	v5 =	vmov v3;
	v19 =	vld [tilespmem:s1+$0x16180];
	v21 =	vadd.f32 $1.000000000e+00, v16;
	v26 =	vpop (erf);
	(erf) = vrcp.f32 v23;
	[tilespmem:s28+$0x1B1C0] =	vst v22  }
0x3d0: {  	v3 =	vmov v17;
	v29 =	vld [tilespmem:s1+$0x16190];
	v16 =	vadd.f32 v13, v11;
	v11 =	vadd.f32 $1.000000000e+00, v26;
	v13 =	vpop (erf);
	[tilespmem:s28+$0x1B1D0] =	vst v12;
	s28 =	smov.u32 s15;
	s15 =	smov.u32 s26;
	s26 =	smov.u32 s1  }
.Ltmp2:
0x3d1: {  	v23 =	vld [tilespmem:s26+$0x161A0];
	v12 =	vadd.f32 $1.000000000e+00, v13;
	(erf) = vrcp.f32 v21;
	v13 =	vpop (erf);
	(pc) =	sbr.rel @p2 .LBB2_7-.Ltmp2, $4  }
0x3d2: {  	v22 =	vld [tilespmem:s26+$0x161B0];
	v17 =	vadd.f32 v28, v27;
	v13 =	vadd.f32 $1.000000000e+00, v13;
	(erf) = vrcp.f32 v11  }
0x3d3: {  	v11 =	vadd.f32 v24, v25;
	v21 =	vld [tilespmem:s26+$0x161C0];
	(erf) = vrcp.f32 v12;
	v24 =	vpop (erf)  }
0x3d4: {  	s1 =	sshra.s32 s2, $0x2;
	v12 =	vadd.f32 v19, v20;
	v20 =	vld [tilespmem:s26+$0x161D0];
	v19 =	vpop (erf);
	v25 =	vadd.f32 $1.000000000e+00, v24;
	(erf) = vrcp.f32 v13  }
0x3d5: {  	s2 =	sadd.s32 $0x200, s2;
	v24 =	vld [tilespmem:s1+$0x139E0];
	v13 =	vadd.f32 v29, v38;
	v26 =	vadd.f32 $1.000000000e+00, v19;
	v19 =	vpop (erf)  }
0x3d6: {  	(erf) = vrcp.f32 v25  }
0x3d7: {  	v27 =	vld [tilespmem:s1+$0x14DE0];
	(erf) = vrcp.f32 v26  }
0x3d8: {  	v28 =	vld [tilespmem:s1+$0x13970];
	v29 =	vpop (erf)  }
0x3d9: {  	v25 =	vld [tilespmem:s1+$0x161E0];
	v31 =	vpop (erf)  }
0x3da: {  	v30 =	vld [tilespmem:s1+$0x13980];
	v15 =	vadd.f32 v23, v15;
	v33 =	vpop (erf)  }
0x3db: {  	v32 =	vld [tilespmem:s1+$0x14D80];
	v35 =	vpop (erf)  }
0x3dc: {  	v34 =	vld [tilespmem:s1+$0x13990];
	v41 =	vsub.f32 $0.0e+00, v11;
	v50 =	vsub.f32 $0.0e+00, v15;
	v37 =	vpop (erf)  }
0x3dd: {  	v36 =	vld [tilespmem:s1+$0x14D90];
	v39 =	vpop (erf)  }
0x3de: {  	v38 =	vld [tilespmem:s1+$0x139A0];
	v43 =	vsub.f32 $0.0e+00, v12;
	v49 =	vmul.f32 $1.442695020e+00, v41;
	v41 =	vmul.f32 $1.442695020e+00, v50;
	v23 =	vpop (erf)  }
0x3df: {  	v40 =	vld [tilespmem:s1+$0x14DA0];
	v35 =	vmul.f32 v35, v10;
	v10 =	vadd.f32 v22, v18;
	v24 =	vadd.f32 v27, v24;
	v18 =	vpop (erf)  }
0x3e0: {  	v42 =	vld [tilespmem:s1+$0x139B0];
	(erf) = vpow2.f32 v49;
	v27 =	vsub.f32 $0.0e+00, v13;
	v9 =	vmul.f32 v37, v9;
	v48 =	vpop (erf)  }
0x3e1: {  	v26 =	vld [tilespmem:s1+$0x14D70];
	v37 =	vmul.f32 v48, v14;
	v14 =	vadd.f32 v25, v24;
	v24 =	vmul.f32 $1.442695020e+00, v43  }
0x3e2: {  	v22 =	vld [tilespmem:s1+$0x14DB0];
	[tilespmem:s15+$0x1B170] =	vst v35;
	v8 =	vmul.f32 v39, v8;
	v25 =	vmul.f32 $1.442695020e+00, v27;
	v27 =	vsub.f32 $0.0e+00, v10  }
0x3e3: {  	v44 =	vld [tilespmem:s1+$0x139C0];
	[tilespmem:s15+$0x1B180] =	vst v9;
	v9 =	vadd.f32 v21, v16;
	v23 =	vmul.f32 v23, v7;
	(erf) = vpow2.f32 v24  }
0x3e4: {  	v7 =	vadd.f32 v20, v17;
	v51 =	vld [tilespmem:s1+$0x14DC0];
	[tilespmem:s26+$0x1B1E0] =	vst v37;
	v16 =	vmul.f32 $1.442695020e+00, v27;
	(erf) = vpow2.f32 v25  }
0x3e5: {  	v21 =	vsub.f32 $0.0e+00, v14;
	v24 =	vld [tilespmem:s1+$0x139D0];
	[tilespmem:s15+$0x1B190] =	vst v8;
	v8 =	vsub.f32 $0.0e+00, v9;
	(erf) = vpow2.f32 v41  }
0x3e6: {  	v6 =	vmul.f32 v18, v6;
	(erf) = vpow2.f32 v16  }
0x3e7: {  	v17 =	vmul.f32 $1.442695020e+00, v21;
	v16 =	vsub.f32 $0.0e+00, v7;
	v8 =	vmul.f32 $1.442695020e+00, v8  }
0x3e8: {  	v4 =	vmul.f32 v31, v4;
	v5 =	vmul.f32 v33, v5;
	v20 =	vld [tilespmem:s1+$0x14DD0];
	[tilespmem:s15+$0x1B1A0] =	vst v23  }
0x3e9: {  	v18 =	vadd.f32 $1.000000000e+00, v19;
	(erf) = vpow2.f32 v17;
	v17 =	vld [tilespmem:s1+$0x16170];
	[tilespmem:s15+$0x1B1B0] =	vst v6;
	v6 =	vmul.f32 $1.442695020e+00, v16  }
0x3ea: {  	v19 =	vadd.f32 v26, v28;
	v25 =	vadd.f32 v36, v34;
	(erf) = vpow2.f32 v8  }
0x3eb: {  	v21 =	vadd.f32 v32, v30;
	v16 =	vadd.f32 $1.000000000e+00, v29;
	v23 =	vld [tilespmem:s1+$0x16180];
	[tilespmem:s28+$0x1B1C0] =	vst v4;
	v8 =	vpop (erf);
	(erf) = vpow2.f32 v6  }
0x3ec: {  	v26 =	vld [tilespmem:s1+$0x16190];
	[tilespmem:s28+$0x1B1D0] =	vst v5;
	v6 =	vadd.f32 v22, v42;
	(erf) = vrcp.f32 v18;
	v8 =	vadd.f32 $1.000000000e+00, v8;
	v22 =	vpop (erf)  }
0x3ed: {  	v4 =	vadd.f32 v40, v38;
	(erf) = vrcp.f32 v16;
	v16 =	vld [tilespmem:s1+$0x161A0];
	v27 =	vpop (erf);
	v5 =	vadd.f32 $1.000000000e+00, v22  }
0x3ee: {  	v20 =	vadd.f32 v20, v24;
	(erf) = vrcp.f32 v8;
	v8 =	vld [tilespmem:s1+$0x161B0];
	v22 =	vadd.f32 $1.000000000e+00, v27;
	v27 =	vpop (erf)  }
0x3ef: {  	v24 =	vadd.f32 $1.000000000e+00, v27;
	(erf) = vrcp.f32 v5;
	v5 =	vadd.f32 v17, v19;
	v17 =	vpop (erf)  }
0x3f0: {  	v19 =	vadd.f32 v23, v21;
	(erf) = vrcp.f32 v22;
	v17 =	vadd.f32 $1.000000000e+00, v17  }
0x3f1: {  	v22 =	vadd.f32 v26, v25;
	(erf) = vrcp.f32 v24;
	v24 =	vsub.f32 $0.0e+00, v5  }
0x3f2: {  	v23 =	vld [tilespmem:s1+$0x161C0];
	v21 =	vpop (erf);
	v4 =	vadd.f32 v16, v4;
	v16 =	vsub.f32 $0.0e+00, v19  }
0x3f3: {  	v21 =	vadd.f32 $1.000000000e+00, v21;
	v6 =	vadd.f32 v8, v6;
	v8 =	vmul.f32 $1.442695020e+00, v24  }
0x3f4: {  	v18 =	vadd.f32 v51, v44;
	v25 =	vld [tilespmem:s1+$0x161D0];
	(erf) = vrcp.f32 v17;
	v16 =	vmul.f32 $1.442695020e+00, v16  }
0x3f5: {  	v17 =	vsub.f32 $0.0e+00, v22;
	v27 =	vsub.f32 $0.0e+00, v6;
	v24 =	vpop (erf);
	(erf) = vrcp.f32 v21  }
0x3f6: {  	v21 =	vsub.f32 $0.0e+00, v4;
	v26 =	vpop (erf);
	(erf) = vpow2.f32 v8  }
0x3f7: {  	v17 =	vmul.f32 $1.442695020e+00, v17;
	v18 =	vadd.f32 v23, v18;
	v23 =	vmul.f32 $1.442695020e+00, v27;
	v8 =	vpop (erf)  }
0x3f8: {  	v21 =	vmul.f32 $1.442695020e+00, v21;
	(erf) = vpow2.f32 v16;
	v16 =	vpop (erf)  }
0x3f9: {  	v20 =	vadd.f32 v25, v20;
	(erf) = vpow2.f32 v17;
	v25 =	vpop (erf)  }
0x3fa: {  	v17 =	vsub.f32 $0.0e+00, v18;
	(erf) = vpow2.f32 v21;
	v27 =	vpop (erf)  }
0x3fb: {  	v21 =	vsub.f32 $0.0e+00, v20;
	(erf) = vpow2.f32 v23;
	v23 =	vpop (erf)  }
0x3fc: {  	v17 =	vmul.f32 $1.442695020e+00, v17;
	v52 =	vpop (erf)  }
0x3fd: {  	v21 =	vmul.f32 $1.442695020e+00, v21;
	v53 =	vpop (erf)  }
0x3fe: {  	(erf) = vpow2.f32 v17;
	v17 =	vadd.f32 $1.000000000e+00, v24;
	v24 =	vpop (erf)  }
0x3ff: {  	(erf) = vpow2.f32 v21;
	v21 =	vadd.f32 $1.000000000e+00, v26;
	v26 =	vpop (erf)  }
0x400: {  	(erf) = vrcp.f32 v17;
	v17 =	vadd.f32 $1.000000000e+00, v26;
	_ =	sdelay $0x1  }
0x401: {  	v26 =	vpop (erf)  }
0x402: {  	(erf) = vrcp.f32 v21;
	v21 =	vadd.f32 $1.000000000e+00, v26;
	v26 =	vpop (erf)  }
0x403: {  	v11 =	vmul.f32 v25, v11;
	v26 =	vadd.f32 $1.000000000e+00, v26;
	(erf) = vrcp.f32 v17;
	v17 =	vpop (erf)  }
0x404: {  	v12 =	vmul.f32 v27, v12;
	(erf) = vrcp.f32 v21;
	v17 =	vadd.f32 $1.000000000e+00, v17  }
0x405: {  	(erf) = vrcp.f32 v26  }
0x406: {  	[tilespmem:s26+$0x1B180] =	vst v12;
	v12 =	vmul.f32 v23, v13;
	v21 =	vpop (erf);
	(erf) = vrcp.f32 v17  }
0x407: {  	v14 =	vmul.f32 v24, v14;
	v21 =	vadd.f32 $1.000000000e+00, v21  }
0x408: {  	[tilespmem:s26+$0x1B170] =	vst v11;
	v10 =	vmul.f32 v53, v10;
	v11 =	vpop (erf)  }
0x409: {  	v2 =	vmul.f32 v8, v2;
	[tilespmem:s1+$0x1B1E0] =	vst v14;
	v13 =	vpop (erf);
	(erf) = vrcp.f32 v21  }
0x40a: {  	v3 =	vmul.f32 v16, v3;
	v14 =	vmul.f32 v52, v15;
	[tilespmem:s26+$0x1B190] =	vst v12;
	v11 =	vadd.f32 $1.000000000e+00, v11;
	v12 =	vpop (erf)  }
0x40b: {  	[tilespmem:s26+$0x1B1B0] =	vst v10;
	v13 =	vadd.f32 $1.000000000e+00, v13;
	v8 =	vpop (erf)  }
0x40c: {  	[tilespmem:s26+$0x1B1A0] =	vst v14;
	(erf) = vrcp.f32 v11;
	v10 =	vpop (erf)  }
0x40d: {  	[tilespmem:s15+$0x1B1C0] =	vst v2;
	(erf) = vrcp.f32 v13;
	v2 =	vpop (erf)  }
0x40e: {  	[tilespmem:s15+$0x1B1D0] =	vst v3;
	v5 =	vmul.f32 v10, v5;
	v3 =	vpop (erf);
	v2 =	vmul.f32 v2, v19  }
0x40f: {  	v10 =	vpop (erf)  }
0x410: {  	[tilespmem:s1+$0x1B180] =	vst v2;
	v2 =	vmul.f32 v10, v4  }
0x411: {  	[tilespmem:s1+$0x1B170] =	vst v5;
	v3 =	vmul.f32 v3, v22  }
0x412: {  	v5 =	vpop (erf);
	[tilespmem:s1+$0x1B1A0] =	vst v2;
	v2 =	vmul.f32 v12, v9  }
0x413: {  	[tilespmem:s1+$0x1B190] =	vst v3;
	v3 =	vmul.f32 v5, v6;
	_ =	sdelay $0x1  }
0x414: {  	v4 =	vpop (erf);
	[tilespmem:s1+$0x1B1B0] =	vst v3;
	v3 =	vmul.f32 v8, v7  }
0x415: {  	v4 =	vmul.f32 v4, v18;
	[tilespmem:s26+$0x1B1C0] =	vst v2;
	v2 =	vpop (erf)  }
0x416: {  	[tilespmem:s26+$0x1B1D0] =	vst v3;
	v2 =	vmul.f32 v2, v20  }
0x417: {  	[tilespmem:s1+$0x1B1C0] =	vst v4  }
0x418: {  	[tilespmem:s1+$0x1B1D0] =	vst v2  }
0x419: {  	[spmem:s19] =	stream.indirect.scatter.add.f32 [tilespmem:s18], [sflag:$0x7], $0x80, s12, s0, $0xb8;
	[tilespmem:$0x1ED70] =	vst v63  }
0x41a: {  	_ =	swait.ge [sflag:s13], $0x1400  }
0x41b: {  	[sflag:s13] =	ssyncset.done $0x0  }
0x41c: {  	[sflag:s13] =	ssyncadd.s32 $0xFFFFEC00  }
0x41d: {  	_ =	swait.ge [sflag:s14], $0x1400  }
0x41e: {  	[sflag:s14] =	ssyncset.done $0x0  }
0x41f: {  	p2 =	seq.s32 s30, $0x7C;
	[sflag:s14] =	ssyncadd.s32 $0xFFFFEC00  }
0x420: {  	s28 =	simm.s32 @!p2 $0x13880;
	s1 =	sadd.s32 @!p2 s31, s4;
	_ =	swait.ge [sflag:s16], $0x1400  }
0x421: {  	s15 =	simm.s32 @!p2 $0x50;
	s2 =	sshrl.u32 @!p2 s1, $0x3;
	[sflag:s16] =	ssyncset.done $0x0  }
0x422: {  	s26 =	simm.s32 @!p2 $0x4E200;
	s2 =	sadd.s32 @!p2 s23, s2;
	[sflag:s16] =	ssyncadd.s32 $0xFFFFEC00  }
0x423: {  	[tilespmem:s28], [sflag:$0x9] =	stream.strided.gather @!p2 [hbm4b:s2+s15], $0xA0, s26, s15, $0x38;
	[tilespmem:$0x1ED70] =	vst v63  }
0x424: {  	s2 =	simm.s32 @!p2 $0x9  }
0x425: {  	_ =	swait.ge @!p2 [sflag:s2], $0xA0  }
0x426: {  	s1 =	sshll.u32 @!p2 s1, $0x4;
	[sflag:s2] =	ssyncset.done @!p2 $0x0  }
0x427: {  	s15 =	simm.s32 @!p2 $0x13970;
	[sflag:s2] =	ssyncadd.s32 @!p2 $0xFFFFFF60;
	s2 =	simm.s32 @!p2 $0x28  }
0x428: {  	[tilespmem:s15], [sflag:$0x1] =	stream.indirect.gather @!p2 [hbm4b:s17+s2], $0x80, s28, s2, $0xb8;
	[tilespmem:$0x1ED70] =	vst v63  }
0x429: {  	s1 =	sand.u32 @!p2 $0x1FFFFF00, s1;
	s26 =	simm.s32 @!p2 $0x14D70;
	s15 =	simm.s32 @!p2 $0x138D0  }
0x42a: {  	[tilespmem:s26], [sflag:$0x2] =	stream.indirect.gather @!p2 [hbm4b:s22+s2], $0x80, s15, s2, $0xb8;
	[tilespmem:$0x1ED70] =	vst v63  }
0x42b: {  	s1 =	sadd.s32 @!p2 s21, s1;
	s2 =	simm.s32 @!p2 $0x0;
	s15 =	simm.s32 @!p2 $0x16170  }
0x42c: {  	[tilespmem:s15], [sflag:$0x3] =	stream.linear.gather @!p2 [hbm4b:s1+s2], $0x1400, $0x38;
	[tilespmem:$0x1ED70] =	vst v63  }
0x42d: {  	_ =	swait.ge [sflag:s24], $0x1400  }
0x42e: {  	[sflag:s24] =	ssyncset.done $0x0  }
0x42f: {  	s26 =	simm.s32 $0x0;
	[sflag:s24] =	ssyncadd.s32 $0xFFFFEC00  }
0x430: {  	v2 =	vld [tilespmem:s26+$0x175E0]  }
0x431: {  	v3 =	vld [tilespmem:s26+$0x189E0]  }
0x432: {  	v4 =	vld [tilespmem:s26+$0x17570]  }
0x433: {  	v5 =	vld [tilespmem:s26+$0x19DE0]  }
0x434: {  	v6 =	vld [tilespmem:s26+$0x18970]  }
0x435: {  	v7 =	vld [tilespmem:s26+$0x17580]  }
0x436: {  	v8 =	vld [tilespmem:s26+$0x18980];
	v2 =	vadd.f32 v3, v2  }
0x437: {  	v9 =	vld [tilespmem:s26+$0x18990]  }
0x438: {  	v10 =	vld [tilespmem:s26+$0x189A0];
	v2 =	vadd.f32 v5, v2  }
0x439: {  	v12 =	vld [tilespmem:s26+$0x175B0]  }
0x43a: {  	v13 =	vld [tilespmem:s26+$0x189B0];
	v11 =	vsub.f32 $0.0e+00, v2  }
0x43b: {  	v14 =	vld [tilespmem:s26+$0x175C0]  }
0x43c: {  	v15 =	vld [tilespmem:s26+$0x189C0];
	v11 =	vmul.f32 $1.442695020e+00, v11  }
0x43d: {  	v16 =	vld [tilespmem:s26+$0x189D0]  }
0x43e: {  	v17 =	vld [tilespmem:s26+$0x19D70];
	(erf) = vpow2.f32 v11  }
0x43f: {  	v18 =	vld [tilespmem:s26+$0x19D80]  }
0x440: {  	v19 =	vld [tilespmem:s26+$0x19D90]  }
0x441: {  	v20 =	vld [tilespmem:s26+$0x19DA0]  }
0x442: {  	v21 =	vld [tilespmem:s26+$0x19DB0]  }
0x443: {  	v22 =	vld [tilespmem:s26+$0x19DC0]  }
0x444: {  	s15 =	simm.s32 $0x80;
	v23 =	vld [tilespmem:s26+$0x19DD0]  }
0x445: {  	v25 =	vld [tilespmem:s15+$0x175E0]  }
0x446: {  	v26 =	vld [tilespmem:s15+$0x189E0]  }
0x447: {  	v27 =	vld [tilespmem:s15+$0x17570];
	v24 =	vpop (erf)  }
0x448: {  	v3 =	vld [tilespmem:s26+$0x17590];
	v24 =	vadd.f32 $1.000000000e+00, v24  }
0x449: {  	v5 =	vld [tilespmem:s26+$0x175A0]  }
0x44a: {  	v55 =	vld [tilespmem:s15+$0x189B0];
	v4 =	vadd.f32 v6, v4;
	(erf) = vrcp.f32 v24  }
0x44b: {  	v6 =	vld [tilespmem:s15+$0x18970];
	v7 =	vadd.f32 v8, v7  }
0x44c: {  	v8 =	vld [tilespmem:s15+$0x17580];
	v25 =	vadd.f32 v26, v25;
	v17 =	vadd.f32 v17, v4  }
0x44d: {  	v26 =	vld [tilespmem:s15+$0x189A0];
	v4 =	vadd.f32 v13, v12;
	v3 =	vadd.f32 v9, v3  }
0x44e: {  	v13 =	vadd.f32 v18, v7;
	v5 =	vadd.f32 v10, v5;
	v24 =	vld [tilespmem:s15+$0x19DE0]  }
0x44f: {  	v7 =	vld [tilespmem:s15+$0x17590];
	v18 =	vsub.f32 $0.0e+00, v17;
	v3 =	vadd.f32 v19, v3  }
0x450: {  	v9 =	vld [tilespmem:s15+$0x18980];
	v10 =	vadd.f32 v20, v5;
	v5 =	vsub.f32 $0.0e+00, v13  }
0x451: {  	v12 =	vadd.f32 v21, v4;
	v4 =	vmul.f32 $1.442695020e+00, v18;
	v11 =	vld [tilespmem:s26+$0x175D0];
	v54 =	vsub.f32 $0.0e+00, v3  }
0x452: {  	v18 =	vld [tilespmem:s15+$0x175B0];
	v5 =	vmul.f32 $1.442695020e+00, v5;
	v21 =	vsub.f32 $0.0e+00, v10  }
0x453: {  	v19 =	vld [tilespmem:s15+$0x18990];
	v28 =	vmul.f32 $1.442695020e+00, v54;
	(erf) = vpow2.f32 v4;
	v24 =	vadd.f32 v24, v25;
	v25 =	vpop (erf)  }
0x454: {  	v56 =	vsub.f32 $0.0e+00, v12;
	v20 =	vld [tilespmem:s15+$0x175A0];
	(erf) = vpow2.f32 v5;
	v2 =	vmul.f32 v25, v2  }
0x455: {  	v14 =	vadd.f32 v15, v14;
	v4 =	vmul.f32 $1.442695020e+00, v21;
	v21 =	vld [tilespmem:s15+$0x189C0];
	v5 =	vsub.f32 $0.0e+00, v24  }
0x456: {  	v15 =	vmul.f32 $1.442695020e+00, v56;
	(erf) = vpow2.f32 v28;
	v25 =	vld [tilespmem:s15+$0x175C0];
	[tilespmem:s26+$0x1B1E0] =	vst v2;
	v2 =	vadd.f32 v16, v11  }
0x457: {  	(erf) = vpow2.f32 v4;
	v4 =	vadd.f32 v22, v14;
	v11 =	vmul.f32 $1.442695020e+00, v5  }
0x458: {  	(erf) = vpow2.f32 v15;
	v5 =	vadd.f32 v23, v2  }
0x459: {  	(erf) = vpow2.f32 v11;
	v11 =	vsub.f32 $0.0e+00, v4  }
0x45a: {  	v16 =	vld [tilespmem:s15+$0x175D0];
	v22 =	vsub.f32 $0.0e+00, v5  }
0x45b: {  	v14 =	vld [tilespmem:s15+$0x189D0];
	v11 =	vmul.f32 $1.442695020e+00, v11  }
0x45c: {  	v58 =	vpop (erf);
	v15 =	vld [tilespmem:s15+$0x19D80];
	v22 =	vmul.f32 $1.442695020e+00, v22  }
0x45d: {  	v60 =	vpop (erf);
	v57 =	vld [tilespmem:s15+$0x19DA0];
	(erf) = vpow2.f32 v11;
	v11 =	vadd.f32 $1.000000000e+00, v58  }
0x45e: {  	s31 =	simm.s32 $0x100;
	v59 =	vld [tilespmem:s15+$0x19DB0];
	(erf) = vpow2.f32 v22;
	v22 =	vadd.f32 $1.000000000e+00, v60  }
0x45f: {  	v42 =	vld [tilespmem:s31+$0x175E0]  }
0x460: {  	v62 =	vpop (erf);
	v43 =	vld [tilespmem:s31+$0x189E0]  }
0x461: {  	v6 =	vadd.f32 v6, v27;
	v30 =	vadd.f32 $1.000000000e+00, v62;
	v2 =	vld [tilespmem:s15+$0x19D70];
	(erf) = vrcp.f32 v11;
	v11 =	vpop (erf)  }
0x462: {  	v8 =	vadd.f32 v9, v8;
	v23 =	vld [tilespmem:s15+$0x19D90];
	(erf) = vrcp.f32 v22;
	v11 =	vadd.f32 $1.000000000e+00, v11;
	v22 =	vpop (erf)  }
0x463: {  	v18 =	vadd.f32 v55, v18;
	v61 =	vld [tilespmem:s15+$0x19DC0];
	(erf) = vrcp.f32 v30;
	v44 =	vpop (erf);
	v22 =	vadd.f32 $1.000000000e+00, v22  }
0x464: {  	v7 =	vadd.f32 v19, v7;
	v63 =	vld [tilespmem:s15+$0x19DD0];
	(erf) = vrcp.f32 v11;
	v11 =	vadd.f32 $1.000000000e+00, v44  }
0x465: {  	v19 =	vadd.f32 v26, v20;
	v45 =	vld [tilespmem:s31+$0x17570];
	v9 =	vadd.f32 v15, v8;
	(erf) = vrcp.f32 v22  }
0x466: {  	v46 =	vld [tilespmem:s31+$0x19DE0];
	v34 =	vadd.f32 v43, v42;
	v14 =	vadd.f32 v14, v16;
	(erf) = vrcp.f32 v11  }
0x467: {  	v20 =	vld [tilespmem:s31+$0x17580];
	v8 =	vadd.f32 v23, v7;
	v11 =	vadd.f32 v2, v6  }
0x468: {  	v26 =	vld [tilespmem:s31+$0x18980];
	v7 =	vadd.f32 v57, v19;
	v19 =	vsub.f32 $0.0e+00, v9;
	v15 =	vpop (erf)  }
0x469: {  	v27 =	vld [tilespmem:s31+$0x18990];
	v2 =	vadd.f32 v21, v25;
	v25 =	vpop (erf);
	v23 =	vsub.f32 $0.0e+00, v11  }
0x46a: {  	v48 =	vld [tilespmem:s31+$0x175A0];
	v51 =	vsub.f32 $0.0e+00, v7;
	v19 =	vmul.f32 $1.442695020e+00, v19;
	v6 =	vadd.f32 v59, v18;
	v47 =	vpop (erf)  }
0x46b: {  	v50 =	vld [tilespmem:s31+$0x189A0];
	v2 =	vadd.f32 v61, v2;
	v49 =	vpop (erf);
	v18 =	vmul.f32 $1.442695020e+00, v23;
	v23 =	vsub.f32 $0.0e+00, v8  }
0x46c: {  	v53 =	vld [tilespmem:s31+$0x175B0];
	v54 =	vsub.f32 $0.0e+00, v6;
	v17 =	vmul.f32 v47, v17;
	v52 =	vpop (erf);
	v31 =	vmul.f32 v49, v13  }
0x46d: {  	v56 =	vld [tilespmem:s31+$0x189B0];
	v13 =	vadd.f32 v46, v34;
	v55 =	vpop (erf);
	v23 =	vmul.f32 $1.442695020e+00, v23;
	(erf) = vpow2.f32 v18  }
0x46e: {  	v22 =	vld [tilespmem:s31+$0x18970];
	v57 =	vsub.f32 $0.0e+00, v2;
	v59 =	vmul.f32 $1.442695020e+00, v54;
	(erf) = vpow2.f32 v19;
	v58 =	vpop (erf)  }
0x46f: {  	v21 =	vld [tilespmem:s31+$0x17590];
	[tilespmem:s26+$0x1B170] =	vst v17;
	v17 =	vmul.f32 $1.442695020e+00, v51;
	v19 =	vsub.f32 $0.0e+00, v13;
	(erf) = vpow2.f32 v23;
	v60 =	vpop (erf)  }
0x470: {  	v23 =	vmul.f32 v52, v3;
	v3 =	vadd.f32 v63, v14;
	v16 =	vmul.f32 v60, v24  }
0x471: {  	v61 =	vld [tilespmem:s31+$0x175C0];
	[tilespmem:s26+$0x1B180] =	vst v31;
	v18 =	vmul.f32 $1.442695020e+00, v57;
	(erf) = vpow2.f32 v17  }
0x472: {  	v14 =	vmul.f32 $1.442695020e+00, v19;
	v12 =	vmul.f32 v58, v12;
	v24 =	vld [tilespmem:s31+$0x189C0];
	[tilespmem:s15+$0x1B1E0] =	vst v16;
	v16 =	vsub.f32 $0.0e+00, v3  }
0x473: {  	v10 =	vmul.f32 v55, v10;
	(erf) = vpow2.f32 v59  }
0x474: {  	(erf) = vpow2.f32 v14;
	v19 =	vld [tilespmem:s31+$0x175D0];
	[tilespmem:s26+$0x1B190] =	vst v23;
	v16 =	vmul.f32 $1.442695020e+00, v16  }
0x475: {  	(erf) = vpow2.f32 v18;
	v14 =	vld [tilespmem:s31+$0x189D0];
	[tilespmem:s26+$0x1B1A0] =	vst v10;
	v10 =	vadd.f32 $1.000000000e+00, v15  }
0x476: {  	v18 =	vadd.f32 $1.000000000e+00, v25;
	v31 =	vld [tilespmem:s31+$0x19D70];
	[tilespmem:s26+$0x1B1B0] =	vst v12;
	v12 =	vpop (erf);
	(erf) = vpow2.f32 v16  }
0x477: {  	(erf) = vrcp.f32 v10;
	v10 =	vadd.f32 $1.000000000e+00, v12  }
0x478: {  	v20 =	vadd.f32 v26, v20;
	v25 =	vld [tilespmem:s31+$0x19D80]  }
0x479: {  	v62 =	vadd.f32 v22, v45;
	v26 =	vadd.f32 v27, v21;
	v12 =	vpop (erf);
	(erf) = vrcp.f32 v18  }
0x47a: {  	v17 =	vadd.f32 v56, v53;
	v27 =	vld [tilespmem:s31+$0x19D90];
	v12 =	vadd.f32 $1.000000000e+00, v12;
	v18 =	vpop (erf)  }
0x47b: {  	v16 =	vadd.f32 v24, v61;
	v23 =	vld [tilespmem:s31+$0x19DA0];
	v24 =	vadd.f32 $1.000000000e+00, v18;
	(erf) = vrcp.f32 v10;
	v10 =	vpop (erf)  }
0x47c: {  	v22 =	vld [tilespmem:s31+$0x19DB0];
	v18 =	vadd.f32 v14, v19;
	(erf) = vrcp.f32 v12;
	v14 =	vadd.f32 $1.000000000e+00, v10  }
0x47d: {  	v15 =	vadd.f32 v50, v48;
	v21 =	vld [tilespmem:s31+$0x19DC0];
	v12 =	vadd.f32 v25, v20;
	v19 =	vpop (erf);
	(erf) = vrcp.f32 v24  }
0x47e: {  	s1 =	simm.s32 $0x180;
	v20 =	vld [tilespmem:s31+$0x19DD0];
	v10 =	vadd.f32 v31, v62;
	v63 =	vpop (erf);
	v25 =	vadd.f32 $1.000000000e+00, v19;
	(erf) = vrcp.f32 v14  }
0x47f: {  	s2 =	simm.s32 $0x800;
	v24 =	vld [tilespmem:s1+$0x175E0];
	v14 =	vadd.f32 v27, v26;
	v26 =	vadd.f32 $1.000000000e+00, v63;
	v19 =	vpop (erf)  }
.LBB2_9:
0x480: {  	p2 =	sne.s32 s2, $0x4E00;
	v27 =	vld [tilespmem:s1+$0x189E0];
	v28 =	vsub.f32 $0.0e+00, v10;
	v15 =	vadd.f32 v23, v15;
	(erf) = vrcp.f32 v25;
	v23 =	vpop (erf)  }
0x481: {  	v29 =	vsub.f32 $0.0e+00, v12;
	v25 =	vld [tilespmem:s1+$0x17570];
	v17 =	vadd.f32 v22, v17;
	(erf) = vrcp.f32 v26;
	v22 =	vpop (erf)  }
0x482: {  	v30 =	vsub.f32 $0.0e+00, v14;
	v26 =	vld [tilespmem:s1+$0x19DE0];
	v28 =	vmul.f32 $1.442695020e+00, v28;
	v16 =	vadd.f32 v21, v16;
	v21 =	vpop (erf)  }
0x483: {  	v29 =	vmul.f32 $1.442695020e+00, v29;
	v32 =	vsub.f32 $0.0e+00, v15;
	v31 =	vld [tilespmem:s1+$0x18970];
	v18 =	vadd.f32 v20, v18  }
0x484: {  	v30 =	vmul.f32 $1.442695020e+00, v30;
	v33 =	vsub.f32 $0.0e+00, v17;
	v20 =	vld [tilespmem:s1+$0x17580];
	v34 =	vsub.f32 $0.0e+00, v16;
	v35 =	vpop (erf)  }
0x485: {  	v36 =	vld [tilespmem:s1+$0x18980];
	v24 =	vadd.f32 v27, v24;
	v27 =	vmul.f32 $1.442695020e+00, v32;
	v32 =	vsub.f32 $0.0e+00, v18;
	v37 =	vpop (erf)  }
0x486: {  	v19 =	vadd.f32 $1.000000000e+00, v19;
	v33 =	vmul.f32 $1.442695020e+00, v33;
	v38 =	vld [tilespmem:s1+$0x17590];
	v34 =	vmul.f32 $1.442695020e+00, v34;
	v39 =	vpop (erf)  }
0x487: {  	v40 =	vld [tilespmem:s1+$0x18990];
	v24 =	vadd.f32 v26, v24;
	v26 =	vmul.f32 $1.442695020e+00, v32;
	(erf) = vpow2.f32 v28;
	v28 =	vpop (erf)  }
0x488: {  	v23 =	vadd.f32 $1.000000000e+00, v23;
	v25 =	vadd.f32 v31, v25;
	v31 =	vld [tilespmem:s1+$0x175A0];
	(erf) = vpow2.f32 v29  }
0x489: {  	v41 =	vmul.f32 v35, v11;
	v29 =	vld [tilespmem:s1+$0x189A0];
	v32 =	vsub.f32 $0.0e+00, v24;
	(erf) = vpow2.f32 v30;
	v30 =	vpop (erf)  }
0x48a: {  	v20 =	vadd.f32 v36, v20;
	v35 =	vld [tilespmem:s1+$0x175B0];
	(erf) = vpow2.f32 v27;
	v27 =	vpop (erf);
	v36 =	vmul.f32 v37, v9  }
0x48b: {  	v11 =	vmovc v10;
	v9 =	vmovc v12;
	v37 =	vld [tilespmem:s1+$0x189B0];
	v32 =	vmul.f32 $1.442695020e+00, v32;
	v27 =	vmul.f32 v27, v13;
	[tilespmem:s15+$0x1B170] =	vst v41;
	v13 =	vmov v24  }
0x48c: {  	v12 =	vmul.f32 v39, v8;
	v8 =	vmovc v14;
	v38 =	vadd.f32 v40, v38;
	v10 =	vld [tilespmem:s1+$0x175C0];
	(erf) = vpow2.f32 v33;
	[tilespmem:s15+$0x1B180] =	vst v36  }
0x48d: {  	v24 =	vmul.f32 v28, v7;
	v7 =	vmov v15;
	v14 =	vld [tilespmem:s1+$0x189C0];
	(erf) = vpow2.f32 v32;
	[tilespmem:s31+$0x1B1E0] =	vst v27  }
0x48e: {  	v15 =	vadd.f32 v29, v31;
	v27 =	vld [tilespmem:s1+$0x175D0];
	(erf) = vpow2.f32 v34;
	[tilespmem:s15+$0x1B190] =	vst v12;
	v12 =	vmul.f32 v30, v6;
	v6 =	vmovc v17  }
0x48f: {  	v22 =	vmul.f32 v22, v4;
	v4 =	vmovc v2;
	v2 =	vmov v16;
	v28 =	vld [tilespmem:s1+$0x189D0];
	(erf) = vpow2.f32 v26;
	[tilespmem:s15+$0x1B1A0] =	vst v24  }
0x490: {  	v24 =	vld [tilespmem:s1+$0x19D70];
	v17 =	vadd.f32 v37, v35;
	v16 =	vpop (erf);
	[tilespmem:s15+$0x1B1B0] =	vst v12;
	(erf) = vrcp.f32 v19;
	v12 =	vmul.f32 v21, v5  }
0x491: {  	v5 =	vmov v3;
	v19 =	vld [tilespmem:s1+$0x19D80];
	v21 =	vadd.f32 $1.000000000e+00, v16;
	v26 =	vpop (erf);
	(erf) = vrcp.f32 v23;
	[tilespmem:s26+$0x1B1C0] =	vst v22  }
0x492: {  	v3 =	vmov v18;
	v29 =	vld [tilespmem:s1+$0x19D90];
	v16 =	vadd.f32 v14, v10;
	v10 =	vadd.f32 $1.000000000e+00, v26;
	v14 =	vpop (erf);
	[tilespmem:s26+$0x1B1D0] =	vst v12;
	s26 =	smov.u32 s15;
	s15 =	smov.u32 s31;
	s31 =	smov.u32 s1  }
.Ltmp3:
0x493: {  	v23 =	vld [tilespmem:s31+$0x19DA0];
	v12 =	vadd.f32 $1.000000000e+00, v14;
	(erf) = vrcp.f32 v21;
	v14 =	vpop (erf);
	(pc) =	sbr.rel @p2 .LBB2_9-.Ltmp3, $4  }
0x494: {  	v22 =	vld [tilespmem:s31+$0x19DB0];
	v18 =	vadd.f32 v28, v27;
	v14 =	vadd.f32 $1.000000000e+00, v14;
	(erf) = vrcp.f32 v10  }
0x495: {  	v10 =	vadd.f32 v24, v25;
	v21 =	vld [tilespmem:s31+$0x19DC0];
	(erf) = vrcp.f32 v12;
	v24 =	vpop (erf)  }
0x496: {  	s1 =	sshra.s32 s2, $0x2;
	v12 =	vadd.f32 v19, v20;
	v20 =	vld [tilespmem:s31+$0x19DD0];
	v19 =	vpop (erf);
	v25 =	vadd.f32 $1.000000000e+00, v24;
	(erf) = vrcp.f32 v14  }
0x497: {  	s2 =	sadd.s32 $0x200, s2;
	v24 =	vld [tilespmem:s1+$0x175E0];
	v14 =	vadd.f32 v29, v38;
	v26 =	vadd.f32 $1.000000000e+00, v19;
	v19 =	vpop (erf)  }
0x498: {  	v27 =	vld [tilespmem:s1+$0x189E0];
	(erf) = vrcp.f32 v25  }
0x499: {  	v28 =	vld [tilespmem:s1+$0x17570];
	v30 =	vpop (erf);
	(erf) = vrcp.f32 v26  }
0x49a: {  	v29 =	vld [tilespmem:s1+$0x19DE0];
	v38 =	vsub.f32 $0.0e+00, v10;
	v32 =	vpop (erf)  }
0x49b: {  	v25 =	vld [tilespmem:s1+$0x18970];
	v34 =	vpop (erf)  }
0x49c: {  	v31 =	vld [tilespmem:s1+$0x18980];
	v63 =	vsub.f32 $0.0e+00, v12;
	v38 =	vmul.f32 $1.442695020e+00, v38;
	v36 =	vpop (erf)  }
0x49d: {  	v33 =	vld [tilespmem:s1+$0x17590];
	v47 =	vsub.f32 $0.0e+00, v14;
	v36 =	vmul.f32 v36, v11;
	v11 =	vadd.f32 v23, v15  }
0x49e: {  	v35 =	vld [tilespmem:s1+$0x18990];
	(erf) = vpow2.f32 v38;
	v39 =	vpop (erf);
	v15 =	vadd.f32 v22, v17;
	v24 =	vadd.f32 v27, v24  }
0x49f: {  	v37 =	vld [tilespmem:s1+$0x175A0];
	v23 =	vmul.f32 $1.442695020e+00, v63;
	v17 =	vmul.f32 $1.442695020e+00, v47;
	v41 =	vpop (erf);
	v50 =	vsub.f32 $0.0e+00, v11  }
0x4a0: {  	v40 =	vld [tilespmem:s1+$0x189A0];
	v9 =	vmul.f32 v39, v9;
	v43 =	vpop (erf);
	v24 =	vadd.f32 v29, v24;
	v51 =	vsub.f32 $0.0e+00, v15  }
0x4a1: {  	v42 =	vld [tilespmem:s1+$0x175B0];
	(erf) = vpow2.f32 v23;
	v48 =	vpop (erf);
	v53 =	vmul.f32 $1.442695020e+00, v50  }
0x4a2: {  	v44 =	vld [tilespmem:s1+$0x189B0];
	(erf) = vpow2.f32 v17;
	v54 =	vmul.f32 $1.442695020e+00, v51;
	v55 =	vsub.f32 $0.0e+00, v24;
	v49 =	vpop (erf)  }
0x4a3: {  	v62 =	vadd.f32 $1.000000000e+00, v19;
	v26 =	vld [tilespmem:s1+$0x17580];
	[tilespmem:s15+$0x1B170] =	vst v36;
	v13 =	vmul.f32 v49, v13;
	(erf) = vpow2.f32 v53  }
0x4a4: {  	v8 =	vmul.f32 v41, v8;
	v36 =	vld [tilespmem:s1+$0x175C0];
	[tilespmem:s15+$0x1B180] =	vst v9;
	v9 =	vadd.f32 v21, v16;
	v59 =	vmul.f32 $1.442695020e+00, v55  }
0x4a5: {  	v57 =	vmul.f32 v43, v7;
	v7 =	vadd.f32 v20, v18;
	v52 =	vld [tilespmem:s1+$0x189C0];
	(erf) = vpow2.f32 v54;
	[tilespmem:s31+$0x1B1E0] =	vst v13  }
0x4a6: {  	v58 =	vsub.f32 $0.0e+00, v9;
	v6 =	vmul.f32 v48, v6;
	(erf) = vpow2.f32 v59;
	v56 =	vld [tilespmem:s1+$0x175D0];
	[tilespmem:s15+$0x1B190] =	vst v8  }
0x4a7: {  	v30 =	vadd.f32 $1.000000000e+00, v30;
	v4 =	vmul.f32 v32, v4;
	v61 =	vsub.f32 $0.0e+00, v7;
	v60 =	vld [tilespmem:s1+$0x189D0];
	[tilespmem:s15+$0x1B1A0] =	vst v57  }
0x4a8: {  	v5 =	vmul.f32 v34, v5;
	v63 =	vadd.f32 v25, v28;
	v8 =	vmul.f32 $1.442695020e+00, v58;
	v16 =	vld [tilespmem:s1+$0x19D70];
	[tilespmem:s15+$0x1B1B0] =	vst v6  }
0x4a9: {  	v35 =	vadd.f32 v35, v33;
	v31 =	vadd.f32 v31, v26;
	v29 =	vmul.f32 $1.442695020e+00, v61;
	v38 =	vpop (erf);
	v32 =	vld [tilespmem:s1+$0x19D80];
	[tilespmem:s26+$0x1B1C0] =	vst v4  }
0x4aa: {  	v39 =	vadd.f32 v40, v37;
	v40 =	vadd.f32 v44, v42;
	(erf) = vpow2.f32 v8;
	v41 =	vpop (erf);
	v42 =	vld [tilespmem:s1+$0x19D90]  }
0x4ab: {  	v43 =	vadd.f32 v52, v36;
	v8 =	vadd.f32 $1.000000000e+00, v38;
	(erf) = vpow2.f32 v29;
	v44 =	vpop (erf);
	[tilespmem:s26+$0x1B1D0] =	vst v5  }
0x4ac: {  	v45 =	vadd.f32 $1.000000000e+00, v41;
	(erf) = vrcp.f32 v62;
	v23 =	vadd.f32 $1.000000000e+00, v44;
	v46 =	vld [tilespmem:s1+$0x19DA0];
	v47 =	vpop (erf)  }
0x4ad: {  	(erf) = vrcp.f32 v30;
	v17 =	vadd.f32 v60, v56;
	v49 =	vadd.f32 $1.000000000e+00, v47  }
0x4ae: {  	(erf) = vrcp.f32 v8;
	v5 =	vadd.f32 v16, v63;
	v50 =	vpop (erf);
	v19 =	vadd.f32 v32, v31  }
0x4af: {  	v48 =	vld [tilespmem:s1+$0x19DB0];
	(erf) = vrcp.f32 v45;
	v51 =	vpop (erf);
	v16 =	vadd.f32 $1.000000000e+00, v50;
	v22 =	vadd.f32 v42, v35  }
0x4b0: {  	(erf) = vrcp.f32 v23;
	v53 =	vadd.f32 $1.000000000e+00, v51;
	v54 =	vsub.f32 $0.0e+00, v5  }
0x4b1: {  	v52 =	vld [tilespmem:s1+$0x19DC0];
	(erf) = vrcp.f32 v49;
	v4 =	vadd.f32 v46, v39;
	v56 =	vsub.f32 $0.0e+00, v19  }
0x4b2: {  	v55 =	vld [tilespmem:s1+$0x19DD0];
	(erf) = vrcp.f32 v16;
	v57 =	vmul.f32 $1.442695020e+00, v54;
	v58 =	vsub.f32 $0.0e+00, v22  }
0x4b3: {  	v59 =	vpop (erf);
	(erf) = vrcp.f32 v53;
	v13 =	vmul.f32 $1.442695020e+00, v56;
	v60 =	vsub.f32 $0.0e+00, v4  }
0x4b4: {  	v6 =	vadd.f32 v48, v40;
	v61 =	vpop (erf);
	v16 =	vmul.f32 $1.442695020e+00, v58;
	(erf) = vpow2.f32 v57  }
0x4b5: {  	v63 =	vpop (erf);
	v20 =	vmul.f32 $1.442695020e+00, v60;
	(erf) = vpow2.f32 v13  }
0x4b6: {  	v18 =	vadd.f32 v52, v43;
	v62 =	vsub.f32 $0.0e+00, v6;
	v32 =	vpop (erf);
	(erf) = vpow2.f32 v16  }
0x4b7: {  	v17 =	vadd.f32 v55, v17;
	v35 =	vpop (erf);
	(erf) = vpow2.f32 v20  }
0x4b8: {  	v34 =	vsub.f32 $0.0e+00, v18;
	v33 =	vmul.f32 $1.442695020e+00, v62;
	v37 =	vpop (erf)  }
0x4b9: {  	v36 =	vsub.f32 $0.0e+00, v17;
	v38 =	vpop (erf)  }
0x4ba: {  	v16 =	vmul.f32 $1.442695020e+00, v34;
	(erf) = vpow2.f32 v33;
	v39 =	vpop (erf)  }
0x4bb: {  	v20 =	vmul.f32 $1.442695020e+00, v36;
	v40 =	vpop (erf)  }
0x4bc: {  	v41 =	vadd.f32 $1.000000000e+00, v59;
	(erf) = vpow2.f32 v16;
	v42 =	vpop (erf)  }
0x4bd: {  	v43 =	vadd.f32 $1.000000000e+00, v61;
	(erf) = vpow2.f32 v20;
	v44 =	vpop (erf)  }
0x4be: {  	(erf) = vrcp.f32 v41;
	v45 =	vadd.f32 $1.000000000e+00, v44;
	v46 =	vpop (erf)  }
0x4bf: {  	(erf) = vrcp.f32 v43;
	v47 =	vadd.f32 $1.000000000e+00, v46;
	v48 =	vpop (erf)  }
0x4c0: {  	v26 =	vadd.f32 $1.000000000e+00, v48;
	(erf) = vrcp.f32 v45;
	v49 =	vpop (erf)  }
0x4c1: {  	v16 =	vadd.f32 $1.000000000e+00, v49;
	(erf) = vrcp.f32 v47  }
0x4c2: {  	v51 =	vmul.f32 v35, v10;
	(erf) = vrcp.f32 v26  }
0x4c3: {  	v52 =	vmul.f32 v37, v12;
	v50 =	vpop (erf);
	(erf) = vrcp.f32 v16  }
0x4c4: {  	[tilespmem:s31+$0x1B170] =	vst v51;
	v53 =	vmul.f32 v42, v24;
	v20 =	vadd.f32 $1.000000000e+00, v50  }
0x4c5: {  	v2 =	vmul.f32 v63, v2;
	v55 =	vmul.f32 v38, v14;
	[tilespmem:s31+$0x1B180] =	vst v52;
	v54 =	vpop (erf)  }
0x4c6: {  	v11 =	vmul.f32 v39, v11;
	[tilespmem:s1+$0x1B1E0] =	vst v53;
	v56 =	vpop (erf);
	(erf) = vrcp.f32 v20  }
0x4c7: {  	v3 =	vmul.f32 v32, v3;
	v57 =	vmul.f32 v40, v15;
	[tilespmem:s31+$0x1B190] =	vst v55;
	v10 =	vadd.f32 $1.000000000e+00, v54;
	v58 =	vpop (erf)  }
0x4c8: {  	[tilespmem:s31+$0x1B1A0] =	vst v11;
	v14 =	vadd.f32 $1.000000000e+00, v56;
	v59 =	vpop (erf)  }
0x4c9: {  	[tilespmem:s31+$0x1B1B0] =	vst v57;
	(erf) = vrcp.f32 v10;
	v60 =	vpop (erf)  }
0x4ca: {  	[tilespmem:s15+$0x1B1C0] =	vst v2;
	(erf) = vrcp.f32 v14;
	v2 =	vpop (erf)  }
0x4cb: {  	[tilespmem:s15+$0x1B1D0] =	vst v3;
	v3 =	vpop (erf);
	v2 =	vmul.f32 v2, v19  }
0x4cc: {  	v61 =	vpop (erf)  }
0x4cd: {  	[tilespmem:s1+$0x1B180] =	vst v2;
	v2 =	vmul.f32 v61, v4  }
0x4ce: {  	v3 =	vmul.f32 v3, v22  }
0x4cf: {  	v5 =	vmul.f32 v60, v5;
	v62 =	vpop (erf);
	[tilespmem:s1+$0x1B1A0] =	vst v2;
	v2 =	vmul.f32 v58, v9  }
0x4d0: {  	[tilespmem:s1+$0x1B190] =	vst v3;
	v3 =	vmul.f32 v62, v6  }
0x4d1: {  	s30 =	sadd.s32 $0x1, s30;
	[tilespmem:s1+$0x1B170] =	vst v5  }
0x4d2: {  	p2 =	sne.s32 s30, $0x7D;
	v63 =	vpop (erf);
	[tilespmem:s1+$0x1B1B0] =	vst v3;
	v3 =	vmul.f32 v59, v7  }
.Ltmp4:
0x4d3: {  	v4 =	vmul.f32 v63, v18;
	[tilespmem:s31+$0x1B1C0] =	vst v2;
	v2 =	vpop (erf);
	(pc) =	sbr.rel @p2 .LBB2_6-.Ltmp4, $4  }
0x4d4: {  	[tilespmem:s31+$0x1B1D0] =	vst v3;
	v2 =	vmul.f32 v2, v17  }
0x4d5: {  	[tilespmem:s1+$0x1B1C0] =	vst v4  }
0x4d6: {  	[tilespmem:s1+$0x1B1D0] =	vst v2  }
0x4d7: {  	[spmem:s19] =	stream.indirect.scatter.add.f32 [tilespmem:s18], [sflag:$0x8], $0x80, s25, s0, $0xb8;
	[tilespmem:$0x1ED70] =	vst v63  }
0x4d8: {  	s1 =	simm.s32 $0x8  }
0x4d9: {  	_ =	swait.ge [sflag:s1], $0x1400  }
0x4da: {  	s15 =	simm.s32 $0x1C570;
	[sflag:s1] =	ssyncset.done $0x0  }
0x4db: {  	s2 =	rddreg [dreg:$0x1e];
	[sflag:s1] =	ssyncadd.s32 $0xFFFFEC00;
	s1 =	simm.s32 $0x0  }
0x4dc: {  	[hbm4b:s2+s1] =	stream.linear.scatter [tilespmem:s15], [sflag:$0x9], $0x2800, $0x38;
	[tilespmem:$0x1ED70] =	vst v63  }
0x4dd: {  	_ =	swait.ge [sflag:s20], $0x2800  }
0x4de: {  	[sflag:s20] =	ssyncset.done $0x0  }
0x4df: {  	[sflag:s20] =	ssyncadd.s32 $0xFFFFD800  }
0x4e0: {  	[bflag:$0x0] =	sbarrier.arrive $0xFFFF  }
0x4e1: {  	s30 =	rddreg [dreg:$0x1f]  }
0x4e2: {  	[tilespmem:s18], [sflag:$0x9] =	stream.linear.gather [spmem:s30], $0x1400, $0x38;
	[tilespmem:$0x1ED70] =	vst v63  }
0x4e3: {  	_ =	swait.ge [sflag:s20], $0x1400  }
0x4e4: {  	[sflag:s20] =	ssyncset.done $0x0  }
0x4e5: {  	s31 =	rddreg [dreg:$0x4];
	[sflag:s20] =	ssyncadd.s32 $0xFFFFEC00  }
0x4e6: {  	[hbm4b:s31+s1] =	stream.linear.scatter [tilespmem:s18], [sflag:$0x9], $0x1400, $0x38;
	[tilespmem:$0x1ED70] =	vst v63  }
0x4e7: {  	_ =	swait.ge [sflag:s20], $0x1400  }
0x4e8: {  	s15 =	sld [smem:$0x7E2]  }
0x4e9: {  	[sflag:s20] =	ssyncset.done $0x0  }
0x4ea: {  	[sflag:s20] =	ssyncadd.s32 $0xFFFFEC00  }
0x4eb: {  	[tilespmem:s18], [sflag:$0x9] =	stream.linear.gather [spmem:s15], $0x1400, $0x38;
	[tilespmem:$0x1ED70] =	vst v63  }
0x4ec: {  	_ =	swait.ge [sflag:s20], $0x1400  }
0x4ed: {  	[sflag:s20] =	ssyncset.done $0x0  }
0x4ee: {  	s26 =	rddreg [dreg:$0x5];
	[sflag:s20] =	ssyncadd.s32 $0xFFFFEC00  }
0x4ef: {  	[hbm4b:s26+s1] =	stream.linear.scatter [tilespmem:s18], [sflag:$0x9], $0x1400, $0x38;
	[tilespmem:$0x1ED70] =	vst v63  }
0x4f0: {  	_ =	swait.ge [sflag:s20], $0x1400  }
0x4f1: {  	s28 =	sld [smem:$0x7E4]  }
0x4f2: {  	[sflag:s20] =	ssyncset.done $0x0  }
0x4f3: {  	[sflag:s20] =	ssyncadd.s32 $0xFFFFEC00  }
0x4f4: {  	[tilespmem:s18], [sflag:$0x9] =	stream.linear.gather [spmem:s28], $0x1400, $0x38;
	[tilespmem:$0x1ED70] =	vst v63  }
0x4f5: {  	_ =	swait.ge [sflag:s20], $0x1400  }
0x4f6: {  	[sflag:s20] =	ssyncset.done $0x0  }
0x4f7: {  	s30 =	rddreg [dreg:$0x6];
	[sflag:s20] =	ssyncadd.s32 $0xFFFFEC00  }
0x4f8: {  	[hbm4b:s30+s1] =	stream.linear.scatter [tilespmem:s18], [sflag:$0x9], $0x1400, $0x38;
	[tilespmem:$0x1ED70] =	vst v63  }
0x4f9: {  	_ =	swait.ge [sflag:s20], $0x1400  }
0x4fa: {  	s31 =	sld [smem:$0x7E6]  }
0x4fb: {  	[sflag:s20] =	ssyncset.done $0x0  }
0x4fc: {  	[sflag:s20] =	ssyncadd.s32 $0xFFFFEC00  }
0x4fd: {  	[tilespmem:s18], [sflag:$0x9] =	stream.linear.gather [spmem:s31], $0x1400, $0x38;
	[tilespmem:$0x1ED70] =	vst v63  }
0x4fe: {  	_ =	swait.ge [sflag:s20], $0x1400  }
0x4ff: {  	[sflag:s20] =	ssyncset.done $0x0  }
0x500: {  	s15 =	rddreg [dreg:$0x7];
	[sflag:s20] =	ssyncadd.s32 $0xFFFFEC00  }
0x501: {  	[hbm4b:s15+s1] =	stream.linear.scatter [tilespmem:s18], [sflag:$0x9], $0x1400, $0x38;
	[tilespmem:$0x1ED70] =	vst v63  }
0x502: {  	_ =	swait.ge [sflag:s20], $0x1400  }
0x503: {  	s26 =	sld [smem:$0x7E8]  }
0x504: {  	[sflag:s20] =	ssyncset.done $0x0  }
0x505: {  	[sflag:s20] =	ssyncadd.s32 $0xFFFFEC00  }
0x506: {  	[tilespmem:s18], [sflag:$0x9] =	stream.linear.gather [spmem:s26], $0x1400, $0x38;
	[tilespmem:$0x1ED70] =	vst v63  }
0x507: {  	_ =	swait.ge [sflag:s20], $0x1400  }
0x508: {  	[sflag:s20] =	ssyncset.done $0x0  }
0x509: {  	s28 =	rddreg [dreg:$0x8];
	[sflag:s20] =	ssyncadd.s32 $0xFFFFEC00  }
0x50a: {  	[hbm4b:s28+s1] =	stream.linear.scatter [tilespmem:s18], [sflag:$0x9], $0x1400, $0x38;
	[tilespmem:$0x1ED70] =	vst v63  }
0x50b: {  	_ =	swait.ge [sflag:s20], $0x1400  }
0x50c: {  	s30 =	sld [smem:$0x7E9]  }
0x50d: {  	[sflag:s20] =	ssyncset.done $0x0  }
0x50e: {  	[sflag:s20] =	ssyncadd.s32 $0xFFFFEC00  }
0x50f: {  	[tilespmem:s18], [sflag:$0x9] =	stream.linear.gather [spmem:s30], $0x1400, $0x38;
	[tilespmem:$0x1ED70] =	vst v63  }
0x510: {  	_ =	swait.ge [sflag:s20], $0x1400  }
0x511: {  	[sflag:s20] =	ssyncset.done $0x0  }
0x512: {  	s31 =	rddreg [dreg:$0x9];
	[sflag:s20] =	ssyncadd.s32 $0xFFFFEC00  }
0x513: {  	[hbm4b:s31+s1] =	stream.linear.scatter [tilespmem:s18], [sflag:$0x9], $0x1400, $0x38;
	[tilespmem:$0x1ED70] =	vst v63  }
0x514: {  	_ =	swait.ge [sflag:s20], $0x1400  }
0x515: {  	s15 =	sld [smem:$0x7EA]  }
0x516: {  	[sflag:s20] =	ssyncset.done $0x0  }
0x517: {  	[sflag:s20] =	ssyncadd.s32 $0xFFFFEC00  }
0x518: {  	[tilespmem:s18], [sflag:$0x9] =	stream.linear.gather [spmem:s15], $0x1400, $0x38;
	[tilespmem:$0x1ED70] =	vst v63  }
0x519: {  	_ =	swait.ge [sflag:s20], $0x1400  }
0x51a: {  	[sflag:s20] =	ssyncset.done $0x0  }
0x51b: {  	s26 =	rddreg [dreg:$0xa];
	[sflag:s20] =	ssyncadd.s32 $0xFFFFEC00  }
0x51c: {  	[hbm4b:s26+s1] =	stream.linear.scatter [tilespmem:s18], [sflag:$0x9], $0x1400, $0x38;
	[tilespmem:$0x1ED70] =	vst v63  }
0x51d: {  	_ =	swait.ge [sflag:s20], $0x1400  }
0x51e: {  	s28 =	sld [smem:$0x7EB]  }
0x51f: {  	[sflag:s20] =	ssyncset.done $0x0  }
0x520: {  	[sflag:s20] =	ssyncadd.s32 $0xFFFFEC00  }
0x521: {  	[tilespmem:s18], [sflag:$0x9] =	stream.linear.gather [spmem:s28], $0x1400, $0x38;
	[tilespmem:$0x1ED70] =	vst v63  }
0x522: {  	_ =	swait.ge [sflag:s20], $0x1400  }
0x523: {  	[sflag:s20] =	ssyncset.done $0x0  }
0x524: {  	s30 =	rddreg [dreg:$0xb];
	[sflag:s20] =	ssyncadd.s32 $0xFFFFEC00  }
0x525: {  	[hbm4b:s30+s1] =	stream.linear.scatter [tilespmem:s18], [sflag:$0x9], $0x1400, $0x38;
	[tilespmem:$0x1ED70] =	vst v63  }
0x526: {  	_ =	swait.ge [sflag:s20], $0x1400  }
0x527: {  	s31 =	sld [smem:$0x7EC]  }
0x528: {  	[sflag:s20] =	ssyncset.done $0x0  }
0x529: {  	[sflag:s20] =	ssyncadd.s32 $0xFFFFEC00  }
0x52a: {  	[tilespmem:s18], [sflag:$0x9] =	stream.linear.gather [spmem:s31], $0x1400, $0x38;
	[tilespmem:$0x1ED70] =	vst v63  }
0x52b: {  	_ =	swait.ge [sflag:s20], $0x1400  }
0x52c: {  	[sflag:s20] =	ssyncset.done $0x0  }
0x52d: {  	s15 =	rddreg [dreg:$0xc];
	[sflag:s20] =	ssyncadd.s32 $0xFFFFEC00  }
0x52e: {  	[hbm4b:s15+s1] =	stream.linear.scatter [tilespmem:s18], [sflag:$0x9], $0x1400, $0x38;
	[tilespmem:$0x1ED70] =	vst v63  }
0x52f: {  	_ =	swait.ge [sflag:s20], $0x1400  }
0x530: {  	s26 =	sld [smem:$0x7ED]  }
0x531: {  	[sflag:s20] =	ssyncset.done $0x0  }
0x532: {  	[sflag:s20] =	ssyncadd.s32 $0xFFFFEC00  }
0x533: {  	[tilespmem:s18], [sflag:$0x9] =	stream.linear.gather [spmem:s26], $0x1400, $0x38;
	[tilespmem:$0x1ED70] =	vst v63  }
0x534: {  	_ =	swait.ge [sflag:s20], $0x1400  }
0x535: {  	[sflag:s20] =	ssyncset.done $0x0  }
0x536: {  	s28 =	rddreg [dreg:$0xd];
	[sflag:s20] =	ssyncadd.s32 $0xFFFFEC00  }
0x537: {  	[hbm4b:s28+s1] =	stream.linear.scatter [tilespmem:s18], [sflag:$0x9], $0x1400, $0x38;
	[tilespmem:$0x1ED70] =	vst v63  }
0x538: {  	_ =	swait.ge [sflag:s20], $0x1400  }
0x539: {  	s30 =	sld [smem:$0x7EE]  }
0x53a: {  	[sflag:s20] =	ssyncset.done $0x0  }
0x53b: {  	[sflag:s20] =	ssyncadd.s32 $0xFFFFEC00  }
0x53c: {  	[tilespmem:s18], [sflag:$0x9] =	stream.linear.gather [spmem:s30], $0x1400, $0x38;
	[tilespmem:$0x1ED70] =	vst v63  }
0x53d: {  	_ =	swait.ge [sflag:s20], $0x1400  }
0x53e: {  	[sflag:s20] =	ssyncset.done $0x0  }
0x53f: {  	s31 =	rddreg [dreg:$0xe];
	[sflag:s20] =	ssyncadd.s32 $0xFFFFEC00  }
0x540: {  	[hbm4b:s31+s1] =	stream.linear.scatter [tilespmem:s18], [sflag:$0x9], $0x1400, $0x38;
	[tilespmem:$0x1ED70] =	vst v63  }
0x541: {  	_ =	swait.ge [sflag:s20], $0x1400  }
0x542: {  	s15 =	sld [smem:$0x7EF]  }
0x543: {  	[sflag:s20] =	ssyncset.done $0x0  }
0x544: {  	[sflag:s20] =	ssyncadd.s32 $0xFFFFEC00  }
0x545: {  	[tilespmem:s18], [sflag:$0x9] =	stream.linear.gather [spmem:s15], $0x1400, $0x38;
	[tilespmem:$0x1ED70] =	vst v63  }
0x546: {  	_ =	swait.ge [sflag:s20], $0x1400  }
0x547: {  	[sflag:s20] =	ssyncset.done $0x0  }
0x548: {  	s26 =	rddreg [dreg:$0xf];
	[sflag:s20] =	ssyncadd.s32 $0xFFFFEC00  }
0x549: {  	[hbm4b:s26+s1] =	stream.linear.scatter [tilespmem:s18], [sflag:$0x9], $0x1400, $0x38;
	[tilespmem:$0x1ED70] =	vst v63  }
0x54a: {  	_ =	swait.ge [sflag:s20], $0x1400  }
0x54b: {  	s28 =	sld [smem:$0x7F0]  }
0x54c: {  	[sflag:s20] =	ssyncset.done $0x0  }
0x54d: {  	[sflag:s20] =	ssyncadd.s32 $0xFFFFEC00  }
0x54e: {  	[tilespmem:s18], [sflag:$0x9] =	stream.linear.gather [spmem:s28], $0x1400, $0x38;
	[tilespmem:$0x1ED70] =	vst v63  }
0x54f: {  	_ =	swait.ge [sflag:s20], $0x1400  }
0x550: {  	[sflag:s20] =	ssyncset.done $0x0  }
0x551: {  	s30 =	rddreg [dreg:$0x10];
	[sflag:s20] =	ssyncadd.s32 $0xFFFFEC00  }
0x552: {  	[hbm4b:s30+s1] =	stream.linear.scatter [tilespmem:s18], [sflag:$0x9], $0x1400, $0x38;
	[tilespmem:$0x1ED70] =	vst v63  }
0x553: {  	_ =	swait.ge [sflag:s20], $0x1400  }
0x554: {  	s31 =	sld [smem:$0x7F1]  }
0x555: {  	[sflag:s20] =	ssyncset.done $0x0  }
0x556: {  	[sflag:s20] =	ssyncadd.s32 $0xFFFFEC00  }
0x557: {  	[tilespmem:s18], [sflag:$0x9] =	stream.linear.gather [spmem:s31], $0x1400, $0x38;
	[tilespmem:$0x1ED70] =	vst v63  }
0x558: {  	_ =	swait.ge [sflag:s20], $0x1400  }
0x559: {  	[sflag:s20] =	ssyncset.done $0x0  }
0x55a: {  	s15 =	rddreg [dreg:$0x11];
	[sflag:s20] =	ssyncadd.s32 $0xFFFFEC00  }
0x55b: {  	[hbm4b:s15+s1] =	stream.linear.scatter [tilespmem:s18], [sflag:$0x9], $0x1400, $0x38;
	[tilespmem:$0x1ED70] =	vst v63  }
0x55c: {  	_ =	swait.ge [sflag:s20], $0x1400  }
0x55d: {  	s26 =	sld [smem:$0x7F2]  }
0x55e: {  	[sflag:s20] =	ssyncset.done $0x0  }
0x55f: {  	[sflag:s20] =	ssyncadd.s32 $0xFFFFEC00  }
0x560: {  	[tilespmem:s18], [sflag:$0x9] =	stream.linear.gather [spmem:s26], $0x1400, $0x38;
	[tilespmem:$0x1ED70] =	vst v63  }
0x561: {  	_ =	swait.ge [sflag:s20], $0x1400  }
0x562: {  	[sflag:s20] =	ssyncset.done $0x0  }
0x563: {  	s28 =	rddreg [dreg:$0x12];
	[sflag:s20] =	ssyncadd.s32 $0xFFFFEC00  }
0x564: {  	[hbm4b:s28+s1] =	stream.linear.scatter [tilespmem:s18], [sflag:$0x9], $0x1400, $0x38;
	[tilespmem:$0x1ED70] =	vst v63  }
0x565: {  	_ =	swait.ge [sflag:s20], $0x1400  }
0x566: {  	s2 =	sld [smem:$0x7F3]  }
0x567: {  	[sflag:s20] =	ssyncset.done $0x0  }
0x568: {  	s1 =	simm.s32 @!p0 $0x1B170;
	[sflag:s20] =	ssyncadd.s32 $0xFFFFEC00  }
0x569: {  	[tilespmem:s1], [sflag:$0x9] =	stream.linear.gather @!p0 [spmem:s2], $0x1400, $0x38;
	[tilespmem:$0x1ED70] =	vst v63  }
0x56a: {  	s2 =	simm.s32 @!p0 $0x9  }
0x56b: {  	_ =	swait.ge @!p0 [sflag:s2], $0x1400  }
0x56c: {  	[sflag:s2] =	ssyncset.done @!p0 $0x0  }
0x56d: {  	s15 =	simm.s32 @!p0 $0x0;
	s26 =	rddreg [dreg:$0x13];
	[sflag:s2] =	ssyncadd.s32 @!p0 $0xFFFFEC00  }
0x56e: {  	[hbm4b:s26+s15] =	stream.linear.scatter @!p0 [tilespmem:s1], [sflag:$0x9], $0x1400, $0x38;
	[tilespmem:$0x1ED70] =	vst v63  }
0x56f: {  	_ =	swait.ge @!p0 [sflag:s2], $0x1400  }
0x570: {  	s30 =	sld [smem:$0x7DF]  }
0x571: {  	s31 =	sld [smem:$0x7F5];
	_ =	sdelay $0x1  }
0x572: {  	s15 =	sadd.s32 $0x1, s30  }
0x573: {  	p2 =	sne.s32 s15, s31  }
.Ltmp5:
0x574: {  	_ = 	snop;
	(pc) =	sbr.rel @p2 .LBB2_1-.Ltmp5, $3  }
0x575: {  	_ =	sdelay $0x1  }
0x576: {  	[sflag:s2] =	ssyncset.done @!p0 $0x0  }
0x577: {  	[sflag:s2] =	ssyncadd.s32 @!p0 $0xFFFFEC00  }
0x578: {  	_ =	sfence.sel $0x180000  }
0x579: {  	[bflag:$0x0] =	sbarrier.arrive $0xFFFF  }
0x57a: {  	_ =	strace $0x90000047  }
0x57b: {  	s0 =	stileid.u32;
	[bflag:$0x2] =	sbarrier.arrive $0xFFFF  }
0x57c: {  	p0 =	sne.s32 s0, $0x0;
	s0 =	rddreg [dreg:$0x3]  }
0x57d: {  	s0 =	sadd.s32 @!p0 $0x100000, s0  }
0x57e: {  	[sflag:s0] =	ssyncadd.tile.s32 @!p0 $0x1;
	_ =	shalt  }
.Lfunc_end2:
_tile_overlayer_lowered:
.L_overlay_start_2:
0x57f: {  	(tag) =	ssettag $0x2  }
0x580: {  	s0 =	rddreg [dreg:$0x0];
	s2 =	stileid.u32  }
0x581: {  	s1 =	rddreg [dreg:$0x1];
	p0 =	sne.s32 s2, $0x0  }
0x582: {  	s3 =	rddreg [dreg:$0x2];
	[bflag:$0x3] =	sbarrier.arrive $0xFFFF;
	s2 =	simm.s32 @!p0 $0x1C09  }
0x583: {  	[timem:s3], [sflag:s2] =	dma.local @!p0 [hbm:s0], s1  }
0x584: {  	s0 =	simm.s32 @!p0 $0x9  }
0x585: {  	_ =	swait.ge @!p0 [sflag:s0], s1  }
0x586: {  	s1 =	ssub.s32 @!p0 $0x0, s1;
	[sflag:s0] =	ssyncset.done @!p0 $0x0  }
0x587: {  	[sflag:s0] =	ssyncadd.s32 @!p0 s1  }
0x588: {  	[bflag:$0x3] =	sbarrier.arrive $0xFFFF  }
0x589: {  	_ =	shalt  }

</sc_bundles>
